<compile_context>
chip_gen: v7x
topology: tpu7x:2x2x1
jax: 0.10.2.dev20260603
libtpu: 0.0.44.dev20260713+nightly
codegen_flags: <defaults>
</compile_context>

<pallas_src>
import functools

import jax
import jax.numpy as jnp
from jax import lax
from jax.experimental import pallas as pl
from jax.experimental.pallas import tpu as pltpu
from jax.experimental.pallas import tpu_sc as plsc

B, C, N, E = 4, 128, 10000, 160000
H = 16
NCLS = 10
BN = B * N
TRASH = BN
LACC = 20480
LTRASH = 2 * N
DEG_TRASH = N
DEGP = 10240
EP = 163840
EPR = EP // 128
NSC, NTEC = 2, 16
NW = NSC * NTEC
W_CH = EPR // NW
W_EXP = EPR // 8
DEG_T = DEGP // NTEC
LACC_T = LACC // NTEC
OUT_T = (2 * N) // NTEC
RING = 8

NPR = N // 8
BLK = 400
NBLK = BN // BLK
BPG = N // BLK

@functools.cache
def _build_sc_pre():
  mesh = plsc.VectorSubcoreMesh(
      core_axis_name="c", subcore_axis_name="s",
      num_cores=NSC, num_subcores=NTEC)

  @functools.partial(
      pl.kernel,
      out_type=(
          jax.ShapeDtypeStruct((NSC, 1, DEGP), jnp.float32),
          jax.ShapeDtypeStruct((B, EPR, 128), jnp.int32),
          jax.ShapeDtypeStruct((B, EPR, 128), jnp.int32),
      ),
      mesh=mesh,
      compiler_params=pltpu.CompilerParams(use_tc_tiling_on_sc=False),
      scratch_types=[
          pltpu.VMEM((W_EXP, 128), jnp.int32),
          pltpu.VMEM((W_EXP, 128), jnp.int32),
          pltpu.VMEM((W_EXP, 128), jnp.int32),
          pltpu.VMEM((W_EXP, 128), jnp.int32),
          pltpu.VMEM((W_CH, 128), jnp.int32),
          pltpu.VMEM((128,), jnp.float32),
          pltpu.VMEM((DEG_T,), jnp.float32),
          pltpu.VMEM_SHARED((DEGP,), jnp.float32),
          pltpu.SemaphoreType.DMA,
      ],
  )
  def _sc_pre(row_hbm, col_hbm, deg_out, rg_out, cg_out,
              rbuf, cbuf, rgbuf, cgbuf, dix, ones_v, zeros_v, deg_acc, dsem):
    c = lax.axis_index("c")
    s = lax.axis_index("s")
    gwid = c * NTEC + s

    def _fill(i, _):
      ones_v[pl.ds(i * 16, 16)] = jnp.full((16,), 1.0, jnp.float32)
      return 0
    lax.fori_loop(0, 8, _fill, 0)

    def _zfill(i, _):
      zeros_v[pl.ds(i * 16, 16)] = jnp.zeros((16,), jnp.float32)
      return 0
    lax.fori_loop(0, DEG_T // 16, _zfill, 0)

    pltpu.sync_copy(zeros_v, deg_acc.at[pl.ds(s * DEG_T, DEG_T)])
    plsc.subcore_barrier()

    pltpu.sync_copy(row_hbm.at[pl.ds(gwid * W_CH, W_CH)], rbuf.at[pl.ds(0, W_CH)])
    pltpu.sync_copy(col_hbm.at[pl.ds(gwid * W_CH, W_CH)], cbuf.at[pl.ds(0, W_CH)])

    def _deg_chunk(j, _):
      for l in range(8):
        rv = rbuf[j, pl.ds(l * 16, 16)]
        cv = cbuf[j, pl.ds(l * 16, 16)]
        dix[j, pl.ds(l * 16, 16)] = jnp.where(
            rv == cv, jnp.full((16,), DEG_TRASH, jnp.int32), rv)
      pltpu.async_copy(ones_v, deg_acc.at[dix.at[j]], dsem, add=True)
      return 0
    lax.fori_loop(0, W_CH, _deg_chunk, 0)

    def _deg_drain(j, _):
      pltpu.make_async_copy(ones_v, deg_acc.at[dix.at[j]], dsem).wait()
      return 0
    lax.fori_loop(0, W_CH, _deg_drain, 0)

    plsc.subcore_barrier()
    pltpu.sync_copy(deg_acc.at[pl.ds(s * DEG_T, DEG_T)],
                    deg_out.at[c, 0, pl.ds(s * DEG_T, DEG_T)])

    b = gwid // 8
    w8 = gwid % 8
    lofs = (b % 2) * N
    pltpu.sync_copy(row_hbm.at[pl.ds(w8 * W_EXP, W_EXP)], rbuf)
    pltpu.sync_copy(col_hbm.at[pl.ds(w8 * W_EXP, W_EXP)], cbuf)

    def _exp_chunk(j, _):
      for l in range(8):
        rv = rbuf[j, pl.ds(l * 16, 16)]
        cv = cbuf[j, pl.ds(l * 16, 16)]
        rgbuf[j, pl.ds(l * 16, 16)] = rv + lofs
        cgbuf[j, pl.ds(l * 16, 16)] = jnp.where(
            rv == cv, jnp.full((16,), LTRASH, jnp.int32), cv + lofs)
      return 0
    lax.fori_loop(0, W_EXP, _exp_chunk, 0)

    pltpu.sync_copy(rgbuf, rg_out.at[b, pl.ds(w8 * W_EXP, W_EXP)])
    pltpu.sync_copy(cgbuf, cg_out.at[b, pl.ds(w8 * W_EXP, W_EXP)])

  return _sc_pre


@functools.cache
def _build_sc_prop():
  mesh = plsc.VectorSubcoreMesh(
      core_axis_name="c", subcore_axis_name="s",
      num_cores=NSC, num_subcores=NTEC)

  @functools.partial(
      pl.kernel,
      out_type=jax.ShapeDtypeStruct((BN, H), jnp.float32),
      mesh=mesh,
      compiler_params=pltpu.CompilerParams(use_tc_tiling_on_sc=False),
      scratch_types=[
          pltpu.VMEM((W_EXP, 128), jnp.int32),
          pltpu.VMEM((W_EXP, 128), jnp.int32),
          pltpu.VMEM((RING * 128, H), jnp.float32),
          pltpu.VMEM((128, H), jnp.float32),
          pltpu.VMEM_SHARED((LACC, H), jnp.float32),
          pltpu.VMEM_SHARED((2 * N, H), jnp.float32),
          [pltpu.SemaphoreType.DMA] * RING,
          [pltpu.SemaphoreType.DMA] * RING,
      ],
  )
  def _sc_prop(u_hbm, rg_hbm, cg_hbm, out_hbm,
               rix, cix, rows_v, zeros_v, acc, u_s, gsem, ssem):
    c = lax.axis_index("c")
    s = lax.axis_index("s")
    gwid = c * NTEC + s
    b = gwid // 8
    w8 = gwid % 8

    ixd = [
        pltpu.async_copy(rg_hbm.at[b, pl.ds(w8 * W_EXP, W_EXP)], rix, gsem[0]),
        pltpu.async_copy(cg_hbm.at[b, pl.ds(w8 * W_EXP, W_EXP)], cix, gsem[1]),
        pltpu.async_copy(u_hbm.at[pl.ds(c * 2 * N + s * OUT_T, OUT_T)],
                         u_s.at[pl.ds(s * OUT_T, OUT_T)], gsem[2]),
    ]

    def _zfill(i, _):
      zeros_v[i, :] = jnp.zeros((H,), jnp.float32)
      return 0
    lax.fori_loop(0, 128, _zfill, 0)

    def _zacc(k, _):
      pltpu.async_copy(zeros_v, acc.at[pl.ds(s * LACC_T + k * 128, 128)], ssem[0])
      return 0
    lax.fori_loop(0, LACC_T // 128, _zacc, 0)

    def _zdrain(k, _):
      pltpu.make_async_copy(zeros_v, acc.at[pl.ds(s * LACC_T + k * 128, 128)],
                            ssem[0]).wait()
      return 0
    lax.fori_loop(0, LACC_T // 128, _zdrain, 0)
    for d in ixd:
      d.wait()
    plsc.subcore_barrier()

    def _slot(r):
      return rows_v.at[pl.ds(r * 128, 128)]

    for r in range(RING):
      pltpu.async_copy(u_s.at[rix.at[r]], _slot(r), gsem[r])

    def _round(k, _):
      js = [k * RING + r for r in range(RING)]
      for r in range(RING):
        pltpu.make_async_copy(u_s.at[rix.at[js[r]]], _slot(r), gsem[r]).wait()
        pltpu.async_copy(_slot(r), acc.at[cix.at[js[r]]], ssem[r], add=True)
      for r in range(RING):
        pltpu.make_async_copy(_slot(r), acc.at[cix.at[js[r]]], ssem[r]).wait()

        @pl.when(k < W_EXP // RING - 1)
        def _():
          pltpu.async_copy(u_s.at[rix.at[js[r] + RING]], _slot(r), gsem[r])
      return 0
    lax.fori_loop(0, W_EXP // RING, _round, 0)

    plsc.subcore_barrier()
    pltpu.sync_copy(acc.at[pl.ds(s * OUT_T, OUT_T)],
                    out_hbm.at[pl.ds(c * 2 * N + s * OUT_T, OUT_T)])

  return _sc_prop


def _elu(v):
    return jnp.where(v > 0, v, jnp.exp(jnp.minimum(v, 0.0)) - 1.0)


def _dinv8_of(deg_ref, e_ref):
    d = deg_ref[0] + deg_ref[1]
    dv = jnp.where(d > 0, lax.rsqrt(jnp.where(d > 0, d, 1.0)), 0.0)
    return jnp.dot(dv[:NPR], e_ref[...],
                   preferred_element_type=jnp.float32)


def _tc1_body(x_ref, w0_ref, w1_ref, deg_ref, e_ref, a_ref, up_ref):
    xpk = x_ref[0]
    dpk = _dinv8_of(deg_ref, e_ref)
    a_ref[0] = jnp.dot(xpk, w0_ref[...], preferred_element_type=jnp.float32)
    up_ref[0] = dpk * jnp.dot(xpk, w1_ref[...],
                              preferred_element_type=jnp.float32)


def _tc_mid_body(a_ref, s_ref, deg_ref, e_ref, w0_ref, w1_ref, b_ref,
                 a_out, up_out):
    dpk = _dinv8_of(deg_ref, e_ref)
    h = _elu(a_ref[0] - dpk * s_ref[0] + b_ref[...])
    a_out[0] = jnp.dot(h, w0_ref[...], preferred_element_type=jnp.float32)
    up_out[0] = jnp.dot(dpk * h, w1_ref[...],
                        preferred_element_type=jnp.float32)


def _tc4_body(a_ref, s_ref, deg_ref, e_ref, f_ref, b_ref, wl_ref, bl_ref,
              o_ref):
    i = pl.program_id(0)
    dpk = _dinv8_of(deg_ref, e_ref)
    h = _elu(a_ref[0] - dpk * s_ref[0] + b_ref[...])
    v = jnp.sum(h, axis=0, keepdims=True)
    pooled = jnp.dot(v, f_ref[...],
                     preferred_element_type=jnp.float32) / float(N)
    out = jnp.dot(pooled, wl_ref[...],
                  preferred_element_type=jnp.float32) + bl_ref[...]
    m = jnp.max(out, axis=1, keepdims=True)
    z = out - m
    lse = jnp.log(jnp.sum(jnp.exp(z), axis=1, keepdims=True))
    o_ref[pl.ds(i, 1), :] = z - lse


_deg8_spec = pl.BlockSpec((NSC, DEGP // 8, 8), lambda i: (0, 0, 0))
_pk_spec = pl.BlockSpec((1, NPR, 128), lambda i: (i, 0, 0))
_nf_spec = pl.BlockSpec((1, N, H), lambda i: (i, 0, 0))
_bpk_spec = pl.BlockSpec((1, 128), lambda i: (0, 0))
_e_spec = pl.BlockSpec((8, 128), lambda i: (0, 0))

_tc1 = pl.pallas_call(
    _tc1_body,
    grid=(B,),
    in_specs=[
        pl.BlockSpec((1, NPR, 8 * C), lambda i: (i, 0, 0)),
        pl.BlockSpec((8 * C, 128), lambda i: (0, 0)),
        pl.BlockSpec((8 * C, 128), lambda i: (0, 0)),
        _deg8_spec,
        _e_spec,
    ],
    out_specs=[_pk_spec, _pk_spec],
    out_shape=[
        jax.ShapeDtypeStruct((B, NPR, 128), jnp.float32),
        jax.ShapeDtypeStruct((B, NPR, 128), jnp.float32),
    ],
)

_tc_mid = pl.pallas_call(
    _tc_mid_body,
    grid=(B,),
    in_specs=[
        _pk_spec,
        _pk_spec,
        _deg8_spec,
        _e_spec,
        pl.BlockSpec((128, 128), lambda i: (0, 0)),
        pl.BlockSpec((128, 128), lambda i: (0, 0)),
        _bpk_spec,
    ],
    out_specs=[_pk_spec, _pk_spec],
    out_shape=[
        jax.ShapeDtypeStruct((B, NPR, 128), jnp.float32),
        jax.ShapeDtypeStruct((B, NPR, 128), jnp.float32),
    ],
)

_tc4 = pl.pallas_call(
    _tc4_body,
    grid=(B,),
    in_specs=[
        _pk_spec,
        _pk_spec,
        _deg8_spec,
        _e_spec,
        pl.BlockSpec((128, H), lambda i: (0, 0)),
        _bpk_spec,
        pl.BlockSpec((H, NCLS), lambda i: (0, 0)),
        pl.BlockSpec((1, NCLS), lambda i: (0, 0)),
    ],
    out_specs=pl.BlockSpec((B, NCLS), lambda i: (0, 0)),
    out_shape=jax.ShapeDtypeStruct((B, NCLS), jnp.float32),
)


def kernel(x, dummy, edge_index, W1_0, W1_1, b1, W2_0, W2_1, b2,
           W3_0, W3_1, b3, Wl, bl):
    row = jnp.pad(edge_index[0], (0, EP - E)).reshape(EPR, 128)
    col = jnp.pad(edge_index[1], (0, EP - E)).reshape(EPR, 128)

    deg, rg, cg = _build_sc_pre()(row, col)
    _sc_prop = _build_sc_prop()
    f32 = jnp.float32

    deg8 = deg.reshape(NSC, DEGP // 8, 8)
    e16 = jnp.repeat(jnp.eye(8, dtype=f32), H, axis=1)
    f16 = jnp.tile(jnp.eye(H, dtype=f32), (8, 1))
    i8 = jnp.eye(8, dtype=f32)
    w1_0 = jnp.kron(i8, W1_0)
    w1_1 = jnp.kron(i8, W1_1)
    w2_0 = jnp.kron(i8, W2_0)
    w2_1 = jnp.kron(i8, W2_1)
    w3_0 = jnp.kron(i8, W3_0)
    w3_1 = jnp.kron(i8, W3_1)
    b1pk = jnp.tile(b1, 8).reshape(1, 128)
    b2pk = jnp.tile(b2, 8).reshape(1, 128)
    b3pk = jnp.tile(b3, 8).reshape(1, 128)

    xpk = jnp.moveaxis(x, 1, 2).reshape(B, NPR, 8 * C)
    a1, u1 = _tc1(xpk, w1_0, w1_1, deg8, e16)
    s1 = _sc_prop(u1.reshape(BN, H), rg, cg)
    a2, u2 = _tc_mid(a1, s1.reshape(B, NPR, 128),
                     deg8, e16, w2_0, w2_1, b1pk)
    s2 = _sc_prop(u2.reshape(BN, H), rg, cg)
    a3, u3 = _tc_mid(a2, s2.reshape(B, NPR, 128), deg8, e16, w3_0, w3_1, b2pk)
    s3 = _sc_prop(u3.reshape(BN, H), rg, cg)
    return _tc4(a3, s3.reshape(B, NPR, 128), deg8, e16, f16, b3pk,
                Wl, bl.reshape(1, NCLS))

# --- scband reference (transcript-rebuilt; emitter-appended) ---
"""Pipeline reference for scband-gcn-90692529423019 (READ-ONLY COPY).

The authoritative reference and input builder live on the scoring server;
editing this copy changes nothing except your own understanding.
"""

import jax, jax.numpy as jnp
import numpy as np


def setup_inputs(seed: int = 0) -> dict:
    key = jax.random.key(seed)
    ks = jax.random.split(key, 16)
    B, C, N, E = 4, 128, 10000, 160000
    H1 = H2 = H3 = 16
    NC = 10
    inp = {}
    inp["x"] = jax.random.normal(ks[0], (B, C, N), dtype=jnp.float32)
    inp["dummy"] = jnp.zeros((1,), dtype=jnp.int32)
    inp["edge_index"] = jax.random.randint(ks[1], (2, E), 0, N, dtype=jnp.int32)
    # ChebConv layer 1 (K=2): two weight mats [C,H1] + bias
    inp["W1_0"] = jax.random.normal(ks[2], (C, H1), dtype=jnp.float32) * 0.08
    inp["W1_1"] = jax.random.normal(ks[3], (C, H1), dtype=jnp.float32) * 0.08
    inp["b1"] = jnp.zeros((H1,), dtype=jnp.float32)
    # ChebConv layer 2 (K=2)
    inp["W2_0"] = jax.random.normal(ks[4], (H1, H2), dtype=jnp.float32) * 0.25
    inp["W2_1"] = jax.random.normal(ks[5], (H1, H2), dtype=jnp.float32) * 0.25
    inp["b2"] = jnp.zeros((H2,), dtype=jnp.float32)
    # ChebConv layer 3 (K=2)
    inp["W3_0"] = jax.random.normal(ks[6], (H2, H3), dtype=jnp.float32) * 0.25
    inp["W3_1"] = jax.random.normal(ks[7], (H2, H3), dtype=jnp.float32) * 0.25
    inp["b3"] = jnp.zeros((H3,), dtype=jnp.float32)
    # final Linear
    inp["Wl"] = jax.random.normal(ks[8], (H3, NC), dtype=jnp.float32) * 0.25
    inp["bl"] = jnp.zeros((NC,), dtype=jnp.float32)
    return inp


def reference(x, dummy, edge_index, W1_0, W1_1, b1, W2_0, W2_1, b2, W3_0, W3_1, b3, Wl, bl):
    B, C, N = x.shape
    E = edge_index.shape[1]
    # x.movedim(-1, -2): [B, C, N] -> [B, N, C]; Batch.from_data_list flattens nodes
    xb = jnp.moveaxis(x, -1, -2).reshape(B * N, C)
    # replicate shared edge_index with per-graph node offsets (PyG Batch semantics)
    offs = jnp.arange(B, dtype=edge_index.dtype) * N
    row = (edge_index[0][None, :] + offs[:, None]).reshape(-1)
    col = (edge_index[1][None, :] + offs[:, None]).reshape(-1)
    BN = B * N
    # ChebConv normalization (sym, lambda_max=2): Lhat = -D^{-1/2} A D^{-1/2}
    # (the +I from the Laplacian and the -I self-loops cancel); self-loops removed
    mask = (row != col).astype(jnp.float32)
    deg = jnp.zeros((BN,), dtype=jnp.float32).at[row].add(mask)
    dinv = jnp.where(deg > 0, 1.0 / jnp.sqrt(jnp.where(deg > 0, deg, 1.0)), 0.0)
    w = -dinv[row] * dinv[col] * mask

    def cheb(h, W0, W1, b):
        # Tx_0 = h ; Tx_1 = Lhat h (K=2)
        msg = w[:, None] * h[row]
        Lh = jnp.zeros_like(h).at[col].add(msg)
        return h @ W0 + Lh @ W1 + b

    h = jax.nn.elu(cheb(xb, W1_0, W1_1, b1))
    h = jax.nn.elu(cheb(h, W2_0, W2_1, b2))
    h = jax.nn.elu(cheb(h, W3_0, W3_1, b3))
    # global_mean_pool over the batch vector (each graph has exactly N nodes)
    batch_vec = jnp.repeat(jnp.arange(B), N)
    pooled = jnp.zeros((B, h.shape[1]), dtype=h.dtype).at[batch_vec].add(h) / float(N)
    # dropout p=0 in eval -> identity
    out = pooled @ Wl + bl
    return jax.nn.log_softmax(out, axis=1)

if __name__ == "__main__":
    import jax
    _d = setup_inputs()
    print(jax.jit(kernel)(*tuple(_d.values())))

</pallas_src>

<mosaic_0001>
#map = affine_map<(d0, d1) -> (0, 0)>
#map1 = affine_map<(d0, d1) -> (0, 0, 0)>
module attributes {stable_mosaic.version = 14 : i64} {
  func.func @_sc_prop(%arg0: i32, %arg1: i32, %arg2: memref<40000x16xf32, #tpu.memory_space<hbm>>, %arg3: memref<4x1280x128xi32, #tpu.memory_space<hbm>>, %arg4: memref<4x1280x128xi32, #tpu.memory_space<hbm>>, %arg5: memref<40000x16xf32, #tpu.memory_space<hbm>>, %arg6: memref<160x128xi32, #tpu.memory_space<vmem>>, %arg7: memref<160x128xi32, #tpu.memory_space<vmem>>, %arg8: memref<1024x16xf32, #tpu.memory_space<vmem>>, %arg9: memref<128x16xf32, #tpu.memory_space<vmem>>, %arg10: memref<20480x16xf32, #tpu.memory_space<vmem_shared>>, %arg11: memref<20000x16xf32, #tpu.memory_space<vmem_shared>>, %arg12: memref<!tpu.dma_semaphore, #tpu.memory_space<semaphore_mem>>, %arg13: memref<!tpu.dma_semaphore, #tpu.memory_space<semaphore_mem>>, %arg14: memref<!tpu.dma_semaphore, #tpu.memory_space<semaphore_mem>>, %arg15: memref<!tpu.dma_semaphore, #tpu.memory_space<semaphore_mem>>, %arg16: memref<!tpu.dma_semaphore, #tpu.memory_space<semaphore_mem>>, %arg17: memref<!tpu.dma_semaphore, #tpu.memory_space<semaphore_mem>>, %arg18: memref<!tpu.dma_semaphore, #tpu.memory_space<semaphore_mem>>, %arg19: memref<!tpu.dma_semaphore, #tpu.memory_space<semaphore_mem>>, %arg20: memref<!tpu.dma_semaphore, #tpu.memory_space<semaphore_mem>>, %arg21: memref<!tpu.dma_semaphore, #tpu.memory_space<semaphore_mem>>, %arg22: memref<!tpu.dma_semaphore, #tpu.memory_space<semaphore_mem>>, %arg23: memref<!tpu.dma_semaphore, #tpu.memory_space<semaphore_mem>>, %arg24: memref<!tpu.dma_semaphore, #tpu.memory_space<semaphore_mem>>, %arg25: memref<!tpu.dma_semaphore, #tpu.memory_space<semaphore_mem>>, %arg26: memref<!tpu.dma_semaphore, #tpu.memory_space<semaphore_mem>>, %arg27: memref<!tpu.dma_semaphore, #tpu.memory_space<semaphore_mem>>) attributes {dimension_semantics = [#tpu.dimension_semantics<core_parallel>, #tpu.dimension_semantics<subcore_parallel>], iteration_bounds = array<i64: 2, 16>, scalar_prefetch = 0 : i64, scratch_operands = 22 : i64, tpu.core_type = #tpu.core_type<sc_vector_subcore>, window_params = [{transform_indices = #map}, {transform_indices = #map1}, {transform_indices = #map1}, {transform_indices = #map}]} {
    %mul3A = arith.constant 16 : i32
    %mul3A_0 = arith.muli %arg0, %mul3A : i32
    %add3A = arith.addi %mul3A_0, %arg1 : i32
    %jit3A = arith.constant 8 : i32
    %div3A = arith.divsi %add3A, %jit3A : i32
    %sign3A = arith.constant 0 : i32
    %sign3A_1 = arith.cmpi sgt, %add3A, %sign3A : i32
    %sign3A_2 = arith.extui %sign3A_1 : i1 to i32
    %sign3A_3 = arith.constant 0 : i32
    %sign3A_4 = arith.cmpi slt, %add3A, %sign3A_3 : i32
    %sign3A_5 = arith.extui %sign3A_4 : i1 to i32
    %sign3A_6 = arith.subi %sign3A_2, %sign3A_5 : i32
    %sign3A_7 = arith.constant 0 : i32
    %sign3A_8 = arith.cmpi sgt, %jit3A, %sign3A_7 : i32
    %sign3A_9 = arith.extui %sign3A_8 : i1 to i32
    %sign3A_10 = arith.constant 0 : i32
    %sign3A_11 = arith.cmpi slt, %jit3A, %sign3A_10 : i32
    %sign3A_12 = arith.extui %sign3A_11 : i1 to i32
    %sign3A_13 = arith.subi %sign3A_9, %sign3A_12 : i32
    %ne3A = arith.cmpi ne, %sign3A_6, %sign3A_13 : i32
    %rem3A = arith.remsi %add3A, %jit3A : i32
    %ne3A_14 = arith.constant 0 : i32
    %ne3A_15 = arith.cmpi ne, %rem3A, %ne3A_14 : i32
    %and3A = arith.andi %ne3A, %ne3A_15 : i1
    %sub3A = arith.constant 1 : i32
    %sub3A_16 = arith.subi %div3A, %sub3A : i32
    %select_n3A = arith.select %and3A, %sub3A_16, %div3A : i32
    %jit3A_17 = arith.constant 8 : i32
    %eq3A = arith.constant 0 : i32
    %eq3A_18 = arith.cmpi eq, %jit3A_17, %eq3A : i32
    %jit3A_19 = arith.constant 1 : i32
    %select_n3A_20 = arith.select %eq3A_18, %jit3A_19, %jit3A_17 : i32
    %rem3A_21 = arith.remsi %add3A, %select_n3A_20 : i32
    %ne3A_22 = arith.constant 0 : i32
    %ne3A_23 = arith.cmpi ne, %rem3A_21, %ne3A_22 : i32
    %lt3A = arith.constant 0 : i32
    %lt3A_24 = arith.cmpi slt, %rem3A_21, %lt3A : i32
    %lt3A_25 = arith.constant 0 : i32
    %lt3A_26 = arith.cmpi slt, %select_n3A_20, %lt3A_25 : i32
    %ne3A_27 = arith.xori %lt3A_24, %lt3A_26 : i1
    %and3A_28 = arith.andi %ne3A_27, %ne3A_23 : i1
    %add3A_29 = arith.addi %rem3A_21, %select_n3A_20 : i32
    %select_n3A_30 = arith.select %and3A_28, %add3A_29, %rem3A_21 : i32
    %mul3A_31 = arith.constant 160 : i32
    %mul3A_32 = arith.muli %select_n3A_30, %mul3A_31 : i32
    %dma_start3A = arith.constant 0 : i32
    %dma_start3A_33 = tpu.memref_slice %arg3[%select_n3A, %mul3A_32, %dma_start3A] : memref<4x1280x128xi32, #tpu.memory_space<hbm>> -> memref<1x160x128xi32, #tpu.memory_space<hbm>>
    %dma_start3A_34 = tpu.memref_squeeze %dma_start3A_33 : memref<1x160x128xi32, #tpu.memory_space<hbm>> -> memref<160x128xi32, #tpu.memory_space<hbm>>
    %dma_start3A_35 = arith.constant 0 : i32
    %dma_start3A_36 = tpu.memref_slice %arg3[%select_n3A, %mul3A_32, %dma_start3A_35] : memref<4x1280x128xi32, #tpu.memory_space<hbm>> -> memref<1x160x128xi32, #tpu.memory_space<hbm>>
    %dma_start3A_37 = tpu.memref_squeeze %dma_start3A_36 : memref<1x160x128xi32, #tpu.memory_space<hbm>> -> memref<160x128xi32, #tpu.memory_space<hbm>>
    tpu.enqueue_dma source(%dma_start3A_37 : memref<160x128xi32, #tpu.memory_space<hbm>>) target(%arg6 : memref<160x128xi32, #tpu.memory_space<vmem>>) target_semaphore(%arg12 : memref<!tpu.dma_semaphore, #tpu.memory_space<semaphore_mem>>)
    %mul3A_38 = arith.constant 160 : i32
    %mul3A_39 = arith.muli %select_n3A_30, %mul3A_38 : i32
    %dma_start3A_40 = arith.constant 0 : i32
    %dma_start3A_41 = tpu.memref_slice %arg4[%select_n3A, %mul3A_39, %dma_start3A_40] : memref<4x1280x128xi32, #tpu.memory_space<hbm>> -> memref<1x160x128xi32, #tpu.memory_space<hbm>>
    %dma_start3A_42 = tpu.memref_squeeze %dma_start3A_41 : memref<1x160x128xi32, #tpu.memory_space<hbm>> -> memref<160x128xi32, #tpu.memory_space<hbm>>
    %dma_start3A_43 = arith.constant 0 : i32
    %dma_start3A_44 = tpu.memref_slice %arg4[%select_n3A, %mul3A_39, %dma_start3A_43] : memref<4x1280x128xi32, #tpu.memory_space<hbm>> -> memref<1x160x128xi32, #tpu.memory_space<hbm>>
    %dma_start3A_45 = tpu.memref_squeeze %dma_start3A_44 : memref<1x160x128xi32, #tpu.memory_space<hbm>> -> memref<160x128xi32, #tpu.memory_space<hbm>>
    tpu.enqueue_dma source(%dma_start3A_45 : memref<160x128xi32, #tpu.memory_space<hbm>>) target(%arg7 : memref<160x128xi32, #tpu.memory_space<vmem>>) target_semaphore(%arg13 : memref<!tpu.dma_semaphore, #tpu.memory_space<semaphore_mem>>)
    %mul3A_46 = arith.constant 2 : i32
    %mul3A_47 = arith.muli %arg0, %mul3A_46 : i32
    %mul3A_48 = arith.constant 10000 : i32
    %mul3A_49 = arith.muli %mul3A_47, %mul3A_48 : i32
    %mul3A_50 = arith.constant 1250 : i32
    %mul3A_51 = arith.muli %arg1, %mul3A_50 : i32
    %add3A_52 = arith.addi %mul3A_49, %mul3A_51 : i32
    %mul3A_53 = arith.constant 1250 : i32
    %mul3A_54 = arith.muli %arg1, %mul3A_53 : i32
    %dma_start3A_55 = arith.constant 0 : i32
    %dma_start3A_56 = tpu.memref_slice %arg11[%mul3A_54, %dma_start3A_55] : memref<20000x16xf32, #tpu.memory_space<vmem_shared>> -> memref<1250x16xf32, #tpu.memory_space<vmem_shared>>
    %dma_start3A_57 = arith.constant 0 : i32
    %dma_start3A_58 = tpu.memref_slice %arg2[%add3A_52, %dma_start3A_57] : memref<40000x16xf32, #tpu.memory_space<hbm>> -> memref<1250x16xf32, #tpu.memory_space<hbm>>
    tpu.enqueue_dma source(%dma_start3A_58 : memref<1250x16xf32, #tpu.memory_space<hbm>>) target(%dma_start3A_56 : memref<1250x16xf32, #tpu.memory_space<vmem_shared>>) target_semaphore(%arg14 : memref<!tpu.dma_semaphore, #tpu.memory_space<semaphore_mem>>)
    %scan3A = arith.constant 0 : i32
    %scan3A_59 = arith.constant 0 : i32
    %scan3A_60 = arith.constant 128 : i32
    %scan3A_61 = arith.addi %scan3A_59, %scan3A_60 : i32
    %scan3A_62 = arith.constant 1 : i32
    %scan3A_63 = scf.for %scan3A_191 = %scan3A_59 to %scan3A_61 step %scan3A_62 iter_args(%scan3A_192 = %scan3A) -> (i32)  : i32 {
      %broadcast_in_dim3A = arith.constant 0.000000e+00 : f32
      %broadcast_in_dim3A_193 = vector.broadcast %broadcast_in_dim3A : f32 to vector<16xf32>
      %swap3A = arith.index_cast %scan3A_191 : i32 to index
      %swap3A_194 = arith.constant 0 : index
      %swap3A_195 = tpu.vector_load %arg9[%swap3A, %swap3A_194] {strides = array<i32>} : memref<128x16xf32, #tpu.memory_space<vmem>>, vector<1x16xf32>,
      %swap3A_196 = vector.shape_cast %swap3A_195 : vector<1x16xf32> to vector<16xf32>
      %swap3A_197 = vector.shape_cast %broadcast_in_dim3A_193 : vector<16xf32> to vector<1x16xf32>
      tpu.vector_store %arg9[%swap3A, %swap3A_194], %swap3A_197 {strides = array<i32>} : memref<128x16xf32, #tpu.memory_space<vmem>>, vector<1x16xf32>,
      %scan3A_198 = arith.constant 0 : i32
      scf.yield %scan3A_198 : i32
    }
    %scan3A_64 = arith.constant 128 : i32
    %scan3A_65 = arith.constant 0 : i32
    %scan3A_66 = arith.constant 0 : i32
    %scan3A_67 = arith.constant 10 : i32
    %scan3A_68 = arith.addi %scan3A_66, %scan3A_67 : i32
    %scan3A_69 = arith.constant 1 : i32
    %scan3A_70 = scf.for %scan3A_191 = %scan3A_66 to %scan3A_68 step %scan3A_69 iter_args(%scan3A_192 = %scan3A_65) -> (i32)  : i32 {
      %mul3A_193 = arith.constant 1280 : i32
      %mul3A_194 = arith.muli %arg1, %mul3A_193 : i32
      %mul3A_195 = arith.constant 128 : i32
      %mul3A_196 = arith.muli %scan3A_191, %mul3A_195 : i32
      %add3A_197 = arith.addi %mul3A_194, %mul3A_196 : i32
      %dma_start3A_198 = arith.constant 0 : i32
      %dma_start3A_199 = tpu.memref_slice %arg10[%add3A_197, %dma_start3A_198] : memref<20480x16xf32, #tpu.memory_space<vmem_shared>> -> memref<128x16xf32, #tpu.memory_space<vmem_shared>>
      %dma_start3A_200 = arith.constant 0 : i32
      %dma_start3A_201 = tpu.memref_slice %arg10[%add3A_197, %dma_start3A_200] : memref<20480x16xf32, #tpu.memory_space<vmem_shared>> -> memref<128x16xf32, #tpu.memory_space<vmem_shared>>
      tpu.enqueue_dma source(%arg9 : memref<128x16xf32, #tpu.memory_space<vmem>>) target(%dma_start3A_201 : memref<128x16xf32, #tpu.memory_space<vmem_shared>>) target_semaphore(%arg20 : memref<!tpu.dma_semaphore, #tpu.memory_space<semaphore_mem>>)
      %scan3A_202 = arith.constant 0 : i32
      scf.yield %scan3A_202 : i32
    }
    %scan3A_71 = arith.constant 10 : i32
    %scan3A_72 = arith.constant 0 : i32
    %scan3A_73 = arith.constant 0 : i32
    %scan3A_74 = arith.constant 10 : i32
    %scan3A_75 = arith.addi %scan3A_73, %scan3A_74 : i32
    %scan3A_76 = arith.constant 1 : i32
    %scan3A_77 = scf.for %scan3A_191 = %scan3A_73 to %scan3A_75 step %scan3A_76 iter_args(%scan3A_192 = %scan3A_72) -> (i32)  : i32 {
      %mul3A_193 = arith.constant 1280 : i32
      %mul3A_194 = arith.muli %arg1, %mul3A_193 : i32
      %mul3A_195 = arith.constant 128 : i32
      %mul3A_196 = arith.muli %scan3A_191, %mul3A_195 : i32
      %add3A_197 = arith.addi %mul3A_194, %mul3A_196 : i32
      %dma_wait3A_198 = arith.constant 0 : i32
      %dma_wait3A_199 = tpu.memref_slice %arg10[%add3A_197, %dma_wait3A_198] : memref<20480x16xf32, #tpu.memory_space<vmem_shared>> -> memref<128x16xf32, #tpu.memory_space<vmem_shared>>
      %dma_wait3A_200 = arith.constant 0 : i32
      %dma_wait3A_201 = tpu.memref_slice %arg10[%add3A_197, %dma_wait3A_200] : memref<20480x16xf32, #tpu.memory_space<vmem_shared>> -> memref<128x16xf32, #tpu.memory_space<vmem_shared>>
      tpu.wait_dma2 semaphore(%arg20 : memref<!tpu.dma_semaphore, #tpu.memory_space<semaphore_mem>>) src(%arg9 : memref<128x16xf32, #tpu.memory_space<vmem>>) dst(%dma_wait3A_201 : memref<128x16xf32, #tpu.memory_space<vmem_shared>>)
      %scan3A_202 = arith.constant 0 : i32
      scf.yield %scan3A_202 : i32
    }
    %scan3A_78 = arith.constant 10 : i32
    %dma_wait3A = arith.constant 0 : i32
    %dma_wait3A_79 = tpu.memref_slice %arg3[%select_n3A, %mul3A_32, %dma_wait3A] : memref<4x1280x128xi32, #tpu.memory_space<hbm>> -> memref<1x160x128xi32, #tpu.memory_space<hbm>>
    %dma_wait3A_80 = tpu.memref_squeeze %dma_wait3A_79 : memref<1x160x128xi32, #tpu.memory_space<hbm>> -> memref<160x128xi32, #tpu.memory_space<hbm>>
    %dma_wait3A_81 = arith.constant 0 : i32
    %dma_wait3A_82 = tpu.memref_slice %arg3[%select_n3A, %mul3A_32, %dma_wait3A_81] : memref<4x1280x128xi32, #tpu.memory_space<hbm>> -> memref<1x160x128xi32, #tpu.memory_space<hbm>>
    %dma_wait3A_83 = tpu.memref_squeeze %dma_wait3A_82 : memref<1x160x128xi32, #tpu.memory_space<hbm>> -> memref<160x128xi32, #tpu.memory_space<hbm>>
    tpu.wait_dma2 semaphore(%arg12 : memref<!tpu.dma_semaphore, #tpu.memory_space<semaphore_mem>>) src(%dma_wait3A_83 : memref<160x128xi32, #tpu.memory_space<hbm>>) dst(%arg6 : memref<160x128xi32, #tpu.memory_space<vmem>>)
    %dma_wait3A_84 = arith.constant 0 : i32
    %dma_wait3A_85 = tpu.memref_slice %arg4[%select_n3A, %mul3A_39, %dma_wait3A_84] : memref<4x1280x128xi32, #tpu.memory_space<hbm>> -> memref<1x160x128xi32, #tpu.memory_space<hbm>>
    %dma_wait3A_86 = tpu.memref_squeeze %dma_wait3A_85 : memref<1x160x128xi32, #tpu.memory_space<hbm>> -> memref<160x128xi32, #tpu.memory_space<hbm>>
    %dma_wait3A_87 = arith.constant 0 : i32
    %dma_wait3A_88 = tpu.memref_slice %arg4[%select_n3A, %mul3A_39, %dma_wait3A_87] : memref<4x1280x128xi32, #tpu.memory_space<hbm>> -> memref<1x160x128xi32, #tpu.memory_space<hbm>>
    %dma_wait3A_89 = tpu.memref_squeeze %dma_wait3A_88 : memref<1x160x128xi32, #tpu.memory_space<hbm>> -> memref<160x128xi32, #tpu.memory_space<hbm>>
    tpu.wait_dma2 semaphore(%arg13 : memref<!tpu.dma_semaphore, #tpu.memory_space<semaphore_mem>>) src(%dma_wait3A_89 : memref<160x128xi32, #tpu.memory_space<hbm>>) dst(%arg7 : memref<160x128xi32, #tpu.memory_space<vmem>>)
    %dma_wait3A_90 = arith.constant 0 : i32
    %dma_wait3A_91 = tpu.memref_slice %arg11[%mul3A_54, %dma_wait3A_90] : memref<20000x16xf32, #tpu.memory_space<vmem_shared>> -> memref<1250x16xf32, #tpu.memory_space<vmem_shared>>
    %dma_wait3A_92 = arith.constant 0 : i32
    %dma_wait3A_93 = tpu.memref_slice %arg2[%add3A_52, %dma_wait3A_92] : memref<40000x16xf32, #tpu.memory_space<hbm>> -> memref<1250x16xf32, #tpu.memory_space<hbm>>
    tpu.wait_dma2 semaphore(%arg14 : memref<!tpu.dma_semaphore, #tpu.memory_space<semaphore_mem>>) src(%dma_wait3A_93 : memref<1250x16xf32, #tpu.memory_space<hbm>>) dst(%dma_wait3A_91 : memref<1250x16xf32, #tpu.memory_space<vmem_shared>>)
    %barrier3A = arith.constant 0 : index
    tpu.barrier barrier_id(%barrier3A)
    %dma_start3A_94 = arith.constant 0 : i32
    %dma_start3A_95 = arith.constant 0 : i32
    %dma_start3A_96 = arith.constant 0 : i32
    %dma_start3A_97 = tpu.memref_slice %arg8[%dma_start3A_95, %dma_start3A_96] : memref<1024x16xf32, #tpu.memory_space<vmem>> -> memref<128x16xf32, #tpu.memory_space<vmem>>
    %dma_start3A_98 = arith.constant 0 : i32
    %dma_start3A_99 = tpu.memref_slice %arg6[%dma_start3A_94, %dma_start3A_98] : memref<160x128xi32, #tpu.memory_space<vmem>> -> memref<1x128xi32, #tpu.memory_space<vmem>>
    %dma_start3A_100 = tpu.memref_squeeze %dma_start3A_99 : memref<1x128xi32, #tpu.memory_space<vmem>> -> memref<128xi32, #tpu.memory_space<vmem>>
    %dma_start3A_101 = arith.constant 0 : i32
    %dma_start3A_102 = arith.constant 0 : i32
    %dma_start3A_103 = tpu.memref_slice %arg11[%dma_start3A_101, %dma_start3A_102] : memref<20000x16xf32, #tpu.memory_space<vmem_shared>> -> memref<20000x16xf32, #tpu.memory_space<vmem_shared>>
    tpu.enqueue_indirect_dma source(%dma_start3A_103 : memref<20000x16xf32, #tpu.memory_space<vmem_shared>>) target(%dma_start3A_97 : memref<128x16xf32, #tpu.memory_space<vmem>>) offsets(%dma_start3A_100 : memref<128xi32, #tpu.memory_space<vmem>>) semaphore(%arg12 : memref<!tpu.dma_semaphore, #tpu.memory_space<semaphore_mem>>)
    %dma_start3A_104 = arith.constant 1 : i32
    %dma_start3A_105 = arith.constant 128 : i32
    %dma_start3A_106 = arith.constant 0 : i32
    %dma_start3A_107 = tpu.memref_slice %arg8[%dma_start3A_105, %dma_start3A_106] : memref<1024x16xf32, #tpu.memory_space<vmem>> -> memref<128x16xf32, #tpu.memory_space<vmem>>
    %dma_start3A_108 = arith.constant 0 : i32
    %dma_start3A_109 = tpu.memref_slice %arg6[%dma_start3A_104, %dma_start3A_108] : memref<160x128xi32, #tpu.memory_space<vmem>> -> memref<1x128xi32, #tpu.memory_space<vmem>>
    %dma_start3A_110 = tpu.memref_squeeze %dma_start3A_109 : memref<1x128xi32, #tpu.memory_space<vmem>> -> memref<128xi32, #tpu.memory_space<vmem>>
    %dma_start3A_111 = arith.constant 0 : i32
    %dma_start3A_112 = arith.constant 0 : i32
    %dma_start3A_113 = tpu.memref_slice %arg11[%dma_start3A_111, %dma_start3A_112] : memref<20000x16xf32, #tpu.memory_space<vmem_shared>> -> memref<20000x16xf32, #tpu.memory_space<vmem_shared>>
    tpu.enqueue_indirect_dma source(%dma_start3A_113 : memref<20000x16xf32, #tpu.memory_space<vmem_shared>>) target(%dma_start3A_107 : memref<128x16xf32, #tpu.memory_space<vmem>>) offsets(%dma_start3A_110 : memref<128xi32, #tpu.memory_space<vmem>>) semaphore(%arg13 : memref<!tpu.dma_semaphore, #tpu.memory_space<semaphore_mem>>)
    %dma_start3A_114 = arith.constant 2 : i32
    %dma_start3A_115 = arith.constant 256 : i32
    %dma_start3A_116 = arith.constant 0 : i32
    %dma_start3A_117 = tpu.memref_slice %arg8[%dma_start3A_115, %dma_start3A_116] : memref<1024x16xf32, #tpu.memory_space<vmem>> -> memref<128x16xf32, #tpu.memory_space<vmem>>
    %dma_start3A_118 = arith.constant 0 : i32
    %dma_start3A_119 = tpu.memref_slice %arg6[%dma_start3A_114, %dma_start3A_118] : memref<160x128xi32, #tpu.memory_space<vmem>> -> memref<1x128xi32, #tpu.memory_space<vmem>>
    %dma_start3A_120 = tpu.memref_squeeze %dma_start3A_119 : memref<1x128xi32, #tpu.memory_space<vmem>> -> memref<128xi32, #tpu.memory_space<vmem>>
    %dma_start3A_121 = arith.constant 0 : i32
    %dma_start3A_122 = arith.constant 0 : i32
    %dma_start3A_123 = tpu.memref_slice %arg11[%dma_start3A_121, %dma_start3A_122] : memref<20000x16xf32, #tpu.memory_space<vmem_shared>> -> memref<20000x16xf32, #tpu.memory_space<vmem_shared>>
    tpu.enqueue_indirect_dma source(%dma_start3A_123 : memref<20000x16xf32, #tpu.memory_space<vmem_shared>>) target(%dma_start3A_117 : memref<128x16xf32, #tpu.memory_space<vmem>>) offsets(%dma_start3A_120 : memref<128xi32, #tpu.memory_space<vmem>>) semaphore(%arg14 : memref<!tpu.dma_semaphore, #tpu.memory_space<semaphore_mem>>)
    %dma_start3A_124 = arith.constant 3 : i32
    %dma_start3A_125 = arith.constant 384 : i32
    %dma_start3A_126 = arith.constant 0 : i32
    %dma_start3A_127 = tpu.memref_slice %arg8[%dma_start3A_125, %dma_start3A_126] : memref<1024x16xf32, #tpu.memory_space<vmem>> -> memref<128x16xf32, #tpu.memory_space<vmem>>
    %dma_start3A_128 = arith.constant 0 : i32
    %dma_start3A_129 = tpu.memref_slice %arg6[%dma_start3A_124, %dma_start3A_128] : memref<160x128xi32, #tpu.memory_space<vmem>> -> memref<1x128xi32, #tpu.memory_space<vmem>>
    %dma_start3A_130 = tpu.memref_squeeze %dma_start3A_129 : memref<1x128xi32, #tpu.memory_space<vmem>> -> memref<128xi32, #tpu.memory_space<vmem>>
    %dma_start3A_131 = arith.constant 0 : i32
    %dma_start3A_132 = arith.constant 0 : i32
    %dma_start3A_133 = tpu.memref_slice %arg11[%dma_start3A_131, %dma_start3A_132] : memref<20000x16xf32, #tpu.memory_space<vmem_shared>> -> memref<20000x16xf32, #tpu.memory_space<vmem_shared>>
    tpu.enqueue_indirect_dma source(%dma_start3A_133 : memref<20000x16xf32, #tpu.memory_space<vmem_shared>>) target(%dma_start3A_127 : memref<128x16xf32, #tpu.memory_space<vmem>>) offsets(%dma_start3A_130 : memref<128xi32, #tpu.memory_space<vmem>>) semaphore(%arg15 : memref<!tpu.dma_semaphore, #tpu.memory_space<semaphore_mem>>)
    %dma_start3A_134 = arith.constant 4 : i32
    %dma_start3A_135 = arith.constant 512 : i32
    %dma_start3A_136 = arith.constant 0 : i32
    %dma_start3A_137 = tpu.memref_slice %arg8[%dma_start3A_135, %dma_start3A_136] : memref<1024x16xf32, #tpu.memory_space<vmem>> -> memref<128x16xf32, #tpu.memory_space<vmem>>
    %dma_start3A_138 = arith.constant 0 : i32
    %dma_start3A_139 = tpu.memref_slice %arg6[%dma_start3A_134, %dma_start3A_138] : memref<160x128xi32, #tpu.memory_space<vmem>> -> memref<1x128xi32, #tpu.memory_space<vmem>>
    %dma_start3A_140 = tpu.memref_squeeze %dma_start3A_139 : memref<1x128xi32, #tpu.memory_space<vmem>> -> memref<128xi32, #tpu.memory_space<vmem>>
    %dma_start3A_141 = arith.constant 0 : i32
    %dma_start3A_142 = arith.constant 0 : i32
    %dma_start3A_143 = tpu.memref_slice %arg11[%dma_start3A_141, %dma_start3A_142] : memref<20000x16xf32, #tpu.memory_space<vmem_shared>> -> memref<20000x16xf32, #tpu.memory_space<vmem_shared>>
    tpu.enqueue_indirect_dma source(%dma_start3A_143 : memref<20000x16xf32, #tpu.memory_space<vmem_shared>>) target(%dma_start3A_137 : memref<128x16xf32, #tpu.memory_space<vmem>>) offsets(%dma_start3A_140 : memref<128xi32, #tpu.memory_space<vmem>>) semaphore(%arg16 : memref<!tpu.dma_semaphore, #tpu.memory_space<semaphore_mem>>)
    %dma_start3A_144 = arith.constant 5 : i32
    %dma_start3A_145 = arith.constant 640 : i32
    %dma_start3A_146 = arith.constant 0 : i32
    %dma_start3A_147 = tpu.memref_slice %arg8[%dma_start3A_145, %dma_start3A_146] : memref<1024x16xf32, #tpu.memory_space<vmem>> -> memref<128x16xf32, #tpu.memory_space<vmem>>
    %dma_start3A_148 = arith.constant 0 : i32
    %dma_start3A_149 = tpu.memref_slice %arg6[%dma_start3A_144, %dma_start3A_148] : memref<160x128xi32, #tpu.memory_space<vmem>> -> memref<1x128xi32, #tpu.memory_space<vmem>>
    %dma_start3A_150 = tpu.memref_squeeze %dma_start3A_149 : memref<1x128xi32, #tpu.memory_space<vmem>> -> memref<128xi32, #tpu.memory_space<vmem>>
    %dma_start3A_151 = arith.constant 0 : i32
    %dma_start3A_152 = arith.constant 0 : i32
    %dma_start3A_153 = tpu.memref_slice %arg11[%dma_start3A_151, %dma_start3A_152] : memref<20000x16xf32, #tpu.memory_space<vmem_shared>> -> memref<20000x16xf32, #tpu.memory_space<vmem_shared>>
    tpu.enqueue_indirect_dma source(%dma_start3A_153 : memref<20000x16xf32, #tpu.memory_space<vmem_shared>>) target(%dma_start3A_147 : memref<128x16xf32, #tpu.memory_space<vmem>>) offsets(%dma_start3A_150 : memref<128xi32, #tpu.memory_space<vmem>>) semaphore(%arg17 : memref<!tpu.dma_semaphore, #tpu.memory_space<semaphore_mem>>)
    %dma_start3A_154 = arith.constant 6 : i32
    %dma_start3A_155 = arith.constant 768 : i32
    %dma_start3A_156 = arith.constant 0 : i32
    %dma_start3A_157 = tpu.memref_slice %arg8[%dma_start3A_155, %dma_start3A_156] : memref<1024x16xf32, #tpu.memory_space<vmem>> -> memref<128x16xf32, #tpu.memory_space<vmem>>
    %dma_start3A_158 = arith.constant 0 : i32
    %dma_start3A_159 = tpu.memref_slice %arg6[%dma_start3A_154, %dma_start3A_158] : memref<160x128xi32, #tpu.memory_space<vmem>> -> memref<1x128xi32, #tpu.memory_space<vmem>>
    %dma_start3A_160 = tpu.memref_squeeze %dma_start3A_159 : memref<1x128xi32, #tpu.memory_space<vmem>> -> memref<128xi32, #tpu.memory_space<vmem>>
    %dma_start3A_161 = arith.constant 0 : i32
    %dma_start3A_162 = arith.constant 0 : i32
    %dma_start3A_163 = tpu.memref_slice %arg11[%dma_start3A_161, %dma_start3A_162] : memref<20000x16xf32, #tpu.memory_space<vmem_shared>> -> memref<20000x16xf32, #tpu.memory_space<vmem_shared>>
    tpu.enqueue_indirect_dma source(%dma_start3A_163 : memref<20000x16xf32, #tpu.memory_space<vmem_shared>>) target(%dma_start3A_157 : memref<128x16xf32, #tpu.memory_space<vmem>>) offsets(%dma_start3A_160 : memref<128xi32, #tpu.memory_space<vmem>>) semaphore(%arg18 : memref<!tpu.dma_semaphore, #tpu.memory_space<semaphore_mem>>)
    %dma_start3A_164 = arith.constant 7 : i32
    %dma_start3A_165 = arith.constant 896 : i32
    %dma_start3A_166 = arith.constant 0 : i32
    %dma_start3A_167 = tpu.memref_slice %arg8[%dma_start3A_165, %dma_start3A_166] : memref<1024x16xf32, #tpu.memory_space<vmem>> -> memref<128x16xf32, #tpu.memory_space<vmem>>
    %dma_start3A_168 = arith.constant 0 : i32
    %dma_start3A_169 = tpu.memref_slice %arg6[%dma_start3A_164, %dma_start3A_168] : memref<160x128xi32, #tpu.memory_space<vmem>> -> memref<1x128xi32, #tpu.memory_space<vmem>>
    %dma_start3A_170 = tpu.memref_squeeze %dma_start3A_169 : memref<1x128xi32, #tpu.memory_space<vmem>> -> memref<128xi32, #tpu.memory_space<vmem>>
    %dma_start3A_171 = arith.constant 0 : i32
    %dma_start3A_172 = arith.constant 0 : i32
    %dma_start3A_173 = tpu.memref_slice %arg11[%dma_start3A_171, %dma_start3A_172] : memref<20000x16xf32, #tpu.memory_space<vmem_shared>> -> memref<20000x16xf32, #tpu.memory_space<vmem_shared>>
    tpu.enqueue_indirect_dma source(%dma_start3A_173 : memref<20000x16xf32, #tpu.memory_space<vmem_shared>>) target(%dma_start3A_167 : memref<128x16xf32, #tpu.memory_space<vmem>>) offsets(%dma_start3A_170 : memref<128xi32, #tpu.memory_space<vmem>>) semaphore(%arg19 : memref<!tpu.dma_semaphore, #tpu.memory_space<semaphore_mem>>)
    %scan3A_174 = arith.constant 0 : i32
    %scan3A_175 = arith.constant 0 : i32
    %scan3A_176 = arith.constant 20 : i32
    %scan3A_177 = arith.addi %scan3A_175, %scan3A_176 : i32
    %scan3A_178 = arith.constant 1 : i32
    %scan3A_179 = scf.for %scan3A_191 = %scan3A_175 to %scan3A_177 step %scan3A_178 iter_args(%scan3A_192 = %scan3A_174) -> (i32)  : i32 {
      %mul3A_193 = arith.constant 8 : i32
      %mul3A_194 = arith.muli %scan3A_191, %mul3A_193 : i32
      %add3A_195 = arith.constant 0 : i32
      %add3A_196 = arith.addi %mul3A_194, %add3A_195 : i32
      %mul3A_197 = arith.constant 8 : i32
      %mul3A_198 = arith.muli %scan3A_191, %mul3A_197 : i32
      %add3A_199 = arith.constant 1 : i32
      %add3A_200 = arith.addi %mul3A_198, %add3A_199 : i32
      %mul3A_201 = arith.constant 8 : i32
      %mul3A_202 = arith.muli %scan3A_191, %mul3A_201 : i32
      %add3A_203 = arith.constant 2 : i32
      %add3A_204 = arith.addi %mul3A_202, %add3A_203 : i32
      %mul3A_205 = arith.constant 8 : i32
      %mul3A_206 = arith.muli %scan3A_191, %mul3A_205 : i32
      %add3A_207 = arith.constant 3 : i32
      %add3A_208 = arith.addi %mul3A_206, %add3A_207 : i32
      %mul3A_209 = arith.constant 8 : i32
      %mul3A_210 = arith.muli %scan3A_191, %mul3A_209 : i32
      %add3A_211 = arith.constant 4 : i32
      %add3A_212 = arith.addi %mul3A_210, %add3A_211 : i32
      %mul3A_213 = arith.constant 8 : i32
      %mul3A_214 = arith.muli %scan3A_191, %mul3A_213 : i32
      %add3A_215 = arith.constant 5 : i32
      %add3A_216 = arith.addi %mul3A_214, %add3A_215 : i32
      %mul3A_217 = arith.constant 8 : i32
      %mul3A_218 = arith.muli %scan3A_191, %mul3A_217 : i32
      %add3A_219 = arith.constant 6 : i32
      %add3A_220 = arith.addi %mul3A_218, %add3A_219 : i32
      %mul3A_221 = arith.constant 8 : i32
      %mul3A_222 = arith.muli %scan3A_191, %mul3A_221 : i32
      %add3A_223 = arith.constant 7 : i32
      %add3A_224 = arith.addi %mul3A_222, %add3A_223 : i32
      %dma_wait3A_225 = arith.constant 0 : i32
      %dma_wait3A_226 = arith.constant 0 : i32
      %dma_wait3A_227 = tpu.memref_slice %arg8[%dma_wait3A_225, %dma_wait3A_226] : memref<1024x16xf32, #tpu.memory_space<vmem>> -> memref<128x16xf32, #tpu.memory_space<vmem>>
      %dma_wait3A_228 = arith.constant 0 : i32
      %dma_wait3A_229 = tpu.memref_slice %arg6[%add3A_196, %dma_wait3A_228] : memref<160x128xi32, #tpu.memory_space<vmem>> -> memref<1x128xi32, #tpu.memory_space<vmem>>
      %dma_wait3A_230 = tpu.memref_squeeze %dma_wait3A_229 : memref<1x128xi32, #tpu.memory_space<vmem>> -> memref<128xi32, #tpu.memory_space<vmem>>
      %dma_wait3A_231 = arith.constant 0 : i32
      %dma_wait3A_232 = arith.constant 0 : i32
      %dma_wait3A_233 = tpu.memref_slice %arg11[%dma_wait3A_231, %dma_wait3A_232] : memref<20000x16xf32, #tpu.memory_space<vmem_shared>> -> memref<20000x16xf32, #tpu.memory_space<vmem_shared>>
      tpu.wait_indirect_dma semaphore(%arg12 : memref<!tpu.dma_semaphore, #tpu.memory_space<semaphore_mem>>) src(%dma_wait3A_233 : memref<20000x16xf32, #tpu.memory_space<vmem_shared>>) dst(%dma_wait3A_227 : memref<128x16xf32, #tpu.memory_space<vmem>>)
      %dma_start3A_234 = arith.constant 0 : i32
      %dma_start3A_235 = arith.constant 0 : i32
      %dma_start3A_236 = tpu.memref_slice %arg8[%dma_start3A_234, %dma_start3A_235] : memref<1024x16xf32, #tpu.memory_space<vmem>> -> memref<128x16xf32, #tpu.memory_space<vmem>>
      %dma_start3A_237 = arith.constant 0 : i32
      %dma_start3A_238 = tpu.memref_slice %arg7[%add3A_196, %dma_start3A_237] : memref<160x128xi32, #tpu.memory_space<vmem>> -> memref<1x128xi32, #tpu.memory_space<vmem>>
      %dma_start3A_239 = tpu.memref_squeeze %dma_start3A_238 : memref<1x128xi32, #tpu.memory_space<vmem>> -> memref<128xi32, #tpu.memory_space<vmem>>
      %dma_start3A_240 = arith.constant 0 : i32
      %dma_start3A_241 = arith.constant 0 : i32
      %dma_start3A_242 = tpu.memref_slice %arg10[%dma_start3A_240, %dma_start3A_241] : memref<20480x16xf32, #tpu.memory_space<vmem_shared>> -> memref<20480x16xf32, #tpu.memory_space<vmem_shared>>
      tpu.enqueue_indirect_dma source(%dma_start3A_236 : memref<128x16xf32, #tpu.memory_space<vmem>>) target(%dma_start3A_242 : memref<20480x16xf32, #tpu.memory_space<vmem_shared>>) offsets(%dma_start3A_239 : memref<128xi32, #tpu.memory_space<vmem>>) semaphore(%arg20 : memref<!tpu.dma_semaphore, #tpu.memory_space<semaphore_mem>>) {add = true}
      %dma_wait3A_243 = arith.constant 128 : i32
      %dma_wait3A_244 = arith.constant 0 : i32
      %dma_wait3A_245 = tpu.memref_slice %arg8[%dma_wait3A_243, %dma_wait3A_244] : memref<1024x16xf32, #tpu.memory_space<vmem>> -> memref<128x16xf32, #tpu.memory_space<vmem>>
      %dma_wait3A_246 = arith.constant 0 : i32
      %dma_wait3A_247 = tpu.memref_slice %arg6[%add3A_200, %dma_wait3A_246] : memref<160x128xi32, #tpu.memory_space<vmem>> -> memref<1x128xi32, #tpu.memory_space<vmem>>
      %dma_wait3A_248 = tpu.memref_squeeze %dma_wait3A_247 : memref<1x128xi32, #tpu.memory_space<vmem>> -> memref<128xi32, #tpu.memory_space<vmem>>
      %dma_wait3A_249 = arith.constant 0 : i32
      %dma_wait3A_250 = arith.constant 0 : i32
      %dma_wait3A_251 = tpu.memref_slice %arg11[%dma_wait3A_249, %dma_wait3A_250] : memref<20000x16xf32, #tpu.memory_space<vmem_shared>> -> memref<20000x16xf32, #tpu.memory_space<vmem_shared>>
      tpu.wait_indirect_dma semaphore(%arg13 : memref<!tpu.dma_semaphore, #tpu.memory_space<semaphore_mem>>) src(%dma_wait3A_251 : memref<20000x16xf32, #tpu.memory_space<vmem_shared>>) dst(%dma_wait3A_245 : memref<128x16xf32, #tpu.memory_space<vmem>>)
      %dma_start3A_252 = arith.constant 128 : i32
      %dma_start3A_253 = arith.constant 0 : i32
      %dma_start3A_254 = tpu.memref_slice %arg8[%dma_start3A_252, %dma_start3A_253] : memref<1024x16xf32, #tpu.memory_space<vmem>> -> memref<128x16xf32, #tpu.memory_space<vmem>>
      %dma_start3A_255 = arith.constant 0 : i32
      %dma_start3A_256 = tpu.memref_slice %arg7[%add3A_200, %dma_start3A_255] : memref<160x128xi32, #tpu.memory_space<vmem>> -> memref<1x128xi32, #tpu.memory_space<vmem>>
      %dma_start3A_257 = tpu.memref_squeeze %dma_start3A_256 : memref<1x128xi32, #tpu.memory_space<vmem>> -> memref<128xi32, #tpu.memory_space<vmem>>
      %dma_start3A_258 = arith.constant 0 : i32
      %dma_start3A_259 = arith.constant 0 : i32
      %dma_start3A_260 = tpu.memref_slice %arg10[%dma_start3A_258, %dma_start3A_259] : memref<20480x16xf32, #tpu.memory_space<vmem_shared>> -> memref<20480x16xf32, #tpu.memory_space<vmem_shared>>
      tpu.enqueue_indirect_dma source(%dma_start3A_254 : memref<128x16xf32, #tpu.memory_space<vmem>>) target(%dma_start3A_260 : memref<20480x16xf32, #tpu.memory_space<vmem_shared>>) offsets(%dma_start3A_257 : memref<128xi32, #tpu.memory_space<vmem>>) semaphore(%arg21 : memref<!tpu.dma_semaphore, #tpu.memory_space<semaphore_mem>>) {add = true}
      %dma_wait3A_261 = arith.constant 256 : i32
      %dma_wait3A_262 = arith.constant 0 : i32
      %dma_wait3A_263 = tpu.memref_slice %arg8[%dma_wait3A_261, %dma_wait3A_262] : memref<1024x16xf32, #tpu.memory_space<vmem>> -> memref<128x16xf32, #tpu.memory_space<vmem>>
      %dma_wait3A_264 = arith.constant 0 : i32
      %dma_wait3A_265 = tpu.memref_slice %arg6[%add3A_204, %dma_wait3A_264] : memref<160x128xi32, #tpu.memory_space<vmem>> -> memref<1x128xi32, #tpu.memory_space<vmem>>
      %dma_wait3A_266 = tpu.memref_squeeze %dma_wait3A_265 : memref<1x128xi32, #tpu.memory_space<vmem>> -> memref<128xi32, #tpu.memory_space<vmem>>
      %dma_wait3A_267 = arith.constant 0 : i32
      %dma_wait3A_268 = arith.constant 0 : i32
      %dma_wait3A_269 = tpu.memref_slice %arg11[%dma_wait3A_267, %dma_wait3A_268] : memref<20000x16xf32, #tpu.memory_space<vmem_shared>> -> memref<20000x16xf32, #tpu.memory_space<vmem_shared>>
      tpu.wait_indirect_dma semaphore(%arg14 : memref<!tpu.dma_semaphore, #tpu.memory_space<semaphore_mem>>) src(%dma_wait3A_269 : memref<20000x16xf32, #tpu.memory_space<vmem_shared>>) dst(%dma_wait3A_263 : memref<128x16xf32, #tpu.memory_space<vmem>>)
      %dma_start3A_270 = arith.constant 256 : i32
      %dma_start3A_271 = arith.constant 0 : i32
      %dma_start3A_272 = tpu.memref_slice %arg8[%dma_start3A_270, %dma_start3A_271] : memref<1024x16xf32, #tpu.memory_space<vmem>> -> memref<128x16xf32, #tpu.memory_space<vmem>>
      %dma_start3A_273 = arith.constant 0 : i32
      %dma_start3A_274 = tpu.memref_slice %arg7[%add3A_204, %dma_start3A_273] : memref<160x128xi32, #tpu.memory_space<vmem>> -> memref<1x128xi32, #tpu.memory_space<vmem>>
      %dma_start3A_275 = tpu.memref_squeeze %dma_start3A_274 : memref<1x128xi32, #tpu.memory_space<vmem>> -> memref<128xi32, #tpu.memory_space<vmem>>
      %dma_start3A_276 = arith.constant 0 : i32
      %dma_start3A_277 = arith.constant 0 : i32
      %dma_start3A_278 = tpu.memref_slice %arg10[%dma_start3A_276, %dma_start3A_277] : memref<20480x16xf32, #tpu.memory_space<vmem_shared>> -> memref<20480x16xf32, #tpu.memory_space<vmem_shared>>
      tpu.enqueue_indirect_dma source(%dma_start3A_272 : memref<128x16xf32, #tpu.memory_space<vmem>>) target(%dma_start3A_278 : memref<20480x16xf32, #tpu.memory_space<vmem_shared>>) offsets(%dma_start3A_275 : memref<128xi32, #tpu.memory_space<vmem>>) semaphore(%arg22 : memref<!tpu.dma_semaphore, #tpu.memory_space<semaphore_mem>>) {add = true}
      %dma_wait3A_279 = arith.constant 384 : i32
      %dma_wait3A_280 = arith.constant 0 : i32
      %dma_wait3A_281 = tpu.memref_slice %arg8[%dma_wait3A_279, %dma_wait3A_280] : memref<1024x16xf32, #tpu.memory_space<vmem>> -> memref<128x16xf32, #tpu.memory_space<vmem>>
      %dma_wait3A_282 = arith.constant 0 : i32
      %dma_wait3A_283 = tpu.memref_slice %arg6[%add3A_208, %dma_wait3A_282] : memref<160x128xi32, #tpu.memory_space<vmem>> -> memref<1x128xi32, #tpu.memory_space<vmem>>
      %dma_wait3A_284 = tpu.memref_squeeze %dma_wait3A_283 : memref<1x128xi32, #tpu.memory_space<vmem>> -> memref<128xi32, #tpu.memory_space<vmem>>
      %dma_wait3A_285 = arith.constant 0 : i32
      %dma_wait3A_286 = arith.constant 0 : i32
      %dma_wait3A_287 = tpu.memref_slice %arg11[%dma_wait3A_285, %dma_wait3A_286] : memref<20000x16xf32, #tpu.memory_space<vmem_shared>> -> memref<20000x16xf32, #tpu.memory_space<vmem_shared>>
      tpu.wait_indirect_dma semaphore(%arg15 : memref<!tpu.dma_semaphore, #tpu.memory_space<semaphore_mem>>) src(%dma_wait3A_287 : memref<20000x16xf32, #tpu.memory_space<vmem_shared>>) dst(%dma_wait3A_281 : memref<128x16xf32, #tpu.memory_space<vmem>>)
      %dma_start3A_288 = arith.constant 384 : i32
      %dma_start3A_289 = arith.constant 0 : i32
      %dma_start3A_290 = tpu.memref_slice %arg8[%dma_start3A_288, %dma_start3A_289] : memref<1024x16xf32, #tpu.memory_space<vmem>> -> memref<128x16xf32, #tpu.memory_space<vmem>>
      %dma_start3A_291 = arith.constant 0 : i32
      %dma_start3A_292 = tpu.memref_slice %arg7[%add3A_208, %dma_start3A_291] : memref<160x128xi32, #tpu.memory_space<vmem>> -> memref<1x128xi32, #tpu.memory_space<vmem>>
      %dma_start3A_293 = tpu.memref_squeeze %dma_start3A_292 : memref<1x128xi32, #tpu.memory_space<vmem>> -> memref<128xi32, #tpu.memory_space<vmem>>
      %dma_start3A_294 = arith.constant 0 : i32
      %dma_start3A_295 = arith.constant 0 : i32
      %dma_start3A_296 = tpu.memref_slice %arg10[%dma_start3A_294, %dma_start3A_295] : memref<20480x16xf32, #tpu.memory_space<vmem_shared>> -> memref<20480x16xf32, #tpu.memory_space<vmem_shared>>
      tpu.enqueue_indirect_dma source(%dma_start3A_290 : memref<128x16xf32, #tpu.memory_space<vmem>>) target(%dma_start3A_296 : memref<20480x16xf32, #tpu.memory_space<vmem_shared>>) offsets(%dma_start3A_293 : memref<128xi32, #tpu.memory_space<vmem>>) semaphore(%arg23 : memref<!tpu.dma_semaphore, #tpu.memory_space<semaphore_mem>>) {add = true}
      %dma_wait3A_297 = arith.constant 512 : i32
      %dma_wait3A_298 = arith.constant 0 : i32
      %dma_wait3A_299 = tpu.memref_slice %arg8[%dma_wait3A_297, %dma_wait3A_298] : memref<1024x16xf32, #tpu.memory_space<vmem>> -> memref<128x16xf32, #tpu.memory_space<vmem>>
      %dma_wait3A_300 = arith.constant 0 : i32
      %dma_wait3A_301 = tpu.memref_slice %arg6[%add3A_212, %dma_wait3A_300] : memref<160x128xi32, #tpu.memory_space<vmem>> -> memref<1x128xi32, #tpu.memory_space<vmem>>
      %dma_wait3A_302 = tpu.memref_squeeze %dma_wait3A_301 : memref<1x128xi32, #tpu.memory_space<vmem>> -> memref<128xi32, #tpu.memory_space<vmem>>
      %dma_wait3A_303 = arith.constant 0 : i32
      %dma_wait3A_304 = arith.constant 0 : i32
      %dma_wait3A_305 = tpu.memref_slice %arg11[%dma_wait3A_303, %dma_wait3A_304] : memref<20000x16xf32, #tpu.memory_space<vmem_shared>> -> memref<20000x16xf32, #tpu.memory_space<vmem_shared>>
      tpu.wait_indirect_dma semaphore(%arg16 : memref<!tpu.dma_semaphore, #tpu.memory_space<semaphore_mem>>) src(%dma_wait3A_305 : memref<20000x16xf32, #tpu.memory_space<vmem_shared>>) dst(%dma_wait3A_299 : memref<128x16xf32, #tpu.memory_space<vmem>>)
      %dma_start3A_306 = arith.constant 512 : i32
      %dma_start3A_307 = arith.constant 0 : i32
      %dma_start3A_308 = tpu.memref_slice %arg8[%dma_start3A_306, %dma_start3A_307] : memref<1024x16xf32, #tpu.memory_space<vmem>> -> memref<128x16xf32, #tpu.memory_space<vmem>>
      %dma_start3A_309 = arith.constant 0 : i32
      %dma_start3A_310 = tpu.memref_slice %arg7[%add3A_212, %dma_start3A_309] : memref<160x128xi32, #tpu.memory_space<vmem>> -> memref<1x128xi32, #tpu.memory_space<vmem>>
      %dma_start3A_311 = tpu.memref_squeeze %dma_start3A_310 : memref<1x128xi32, #tpu.memory_space<vmem>> -> memref<128xi32, #tpu.memory_space<vmem>>
      %dma_start3A_312 = arith.constant 0 : i32
      %dma_start3A_313 = arith.constant 0 : i32
      %dma_start3A_314 = tpu.memref_slice %arg10[%dma_start3A_312, %dma_start3A_313] : memref<20480x16xf32, #tpu.memory_space<vmem_shared>> -> memref<20480x16xf32, #tpu.memory_space<vmem_shared>>
      tpu.enqueue_indirect_dma source(%dma_start3A_308 : memref<128x16xf32, #tpu.memory_space<vmem>>) target(%dma_start3A_314 : memref<20480x16xf32, #tpu.memory_space<vmem_shared>>) offsets(%dma_start3A_311 : memref<128xi32, #tpu.memory_space<vmem>>) semaphore(%arg24 : memref<!tpu.dma_semaphore, #tpu.memory_space<semaphore_mem>>) {add = true}
      %dma_wait3A_315 = arith.constant 640 : i32
      %dma_wait3A_316 = arith.constant 0 : i32
      %dma_wait3A_317 = tpu.memref_slice %arg8[%dma_wait3A_315, %dma_wait3A_316] : memref<1024x16xf32, #tpu.memory_space<vmem>> -> memref<128x16xf32, #tpu.memory_space<vmem>>
      %dma_wait3A_318 = arith.constant 0 : i32
      %dma_wait3A_319 = tpu.memref_slice %arg6[%add3A_216, %dma_wait3A_318] : memref<160x128xi32, #tpu.memory_space<vmem>> -> memref<1x128xi32, #tpu.memory_space<vmem>>
      %dma_wait3A_320 = tpu.memref_squeeze %dma_wait3A_319 : memref<1x128xi32, #tpu.memory_space<vmem>> -> memref<128xi32, #tpu.memory_space<vmem>>
      %dma_wait3A_321 = arith.constant 0 : i32
      %dma_wait3A_322 = arith.constant 0 : i32
      %dma_wait3A_323 = tpu.memref_slice %arg11[%dma_wait3A_321, %dma_wait3A_322] : memref<20000x16xf32, #tpu.memory_space<vmem_shared>> -> memref<20000x16xf32, #tpu.memory_space<vmem_shared>>
      tpu.wait_indirect_dma semaphore(%arg17 : memref<!tpu.dma_semaphore, #tpu.memory_space<semaphore_mem>>) src(%dma_wait3A_323 : memref<20000x16xf32, #tpu.memory_space<vmem_shared>>) dst(%dma_wait3A_317 : memref<128x16xf32, #tpu.memory_space<vmem>>)
      %dma_start3A_324 = arith.constant 640 : i32
      %dma_start3A_325 = arith.constant 0 : i32
      %dma_start3A_326 = tpu.memref_slice %arg8[%dma_start3A_324, %dma_start3A_325] : memref<1024x16xf32, #tpu.memory_space<vmem>> -> memref<128x16xf32, #tpu.memory_space<vmem>>
      %dma_start3A_327 = arith.constant 0 : i32
      %dma_start3A_328 = tpu.memref_slice %arg7[%add3A_216, %dma_start3A_327] : memref<160x128xi32, #tpu.memory_space<vmem>> -> memref<1x128xi32, #tpu.memory_space<vmem>>
      %dma_start3A_329 = tpu.memref_squeeze %dma_start3A_328 : memref<1x128xi32, #tpu.memory_space<vmem>> -> memref<128xi32, #tpu.memory_space<vmem>>
      %dma_start3A_330 = arith.constant 0 : i32
      %dma_start3A_331 = arith.constant 0 : i32
      %dma_start3A_332 = tpu.memref_slice %arg10[%dma_start3A_330, %dma_start3A_331] : memref<20480x16xf32, #tpu.memory_space<vmem_shared>> -> memref<20480x16xf32, #tpu.memory_space<vmem_shared>>
      tpu.enqueue_indirect_dma source(%dma_start3A_326 : memref<128x16xf32, #tpu.memory_space<vmem>>) target(%dma_start3A_332 : memref<20480x16xf32, #tpu.memory_space<vmem_shared>>) offsets(%dma_start3A_329 : memref<128xi32, #tpu.memory_space<vmem>>) semaphore(%arg25 : memref<!tpu.dma_semaphore, #tpu.memory_space<semaphore_mem>>) {add = true}
      %dma_wait3A_333 = arith.constant 768 : i32
      %dma_wait3A_334 = arith.constant 0 : i32
      %dma_wait3A_335 = tpu.memref_slice %arg8[%dma_wait3A_333, %dma_wait3A_334] : memref<1024x16xf32, #tpu.memory_space<vmem>> -> memref<128x16xf32, #tpu.memory_space<vmem>>
      %dma_wait3A_336 = arith.constant 0 : i32
      %dma_wait3A_337 = tpu.memref_slice %arg6[%add3A_220, %dma_wait3A_336] : memref<160x128xi32, #tpu.memory_space<vmem>> -> memref<1x128xi32, #tpu.memory_space<vmem>>
      %dma_wait3A_338 = tpu.memref_squeeze %dma_wait3A_337 : memref<1x128xi32, #tpu.memory_space<vmem>> -> memref<128xi32, #tpu.memory_space<vmem>>
      %dma_wait3A_339 = arith.constant 0 : i32
      %dma_wait3A_340 = arith.constant 0 : i32
      %dma_wait3A_341 = tpu.memref_slice %arg11[%dma_wait3A_339, %dma_wait3A_340] : memref<20000x16xf32, #tpu.memory_space<vmem_shared>> -> memref<20000x16xf32, #tpu.memory_space<vmem_shared>>
      tpu.wait_indirect_dma semaphore(%arg18 : memref<!tpu.dma_semaphore, #tpu.memory_space<semaphore_mem>>) src(%dma_wait3A_341 : memref<20000x16xf32, #tpu.memory_space<vmem_shared>>) dst(%dma_wait3A_335 : memref<128x16xf32, #tpu.memory_space<vmem>>)
      %dma_start3A_342 = arith.constant 768 : i32
      %dma_start3A_343 = arith.constant 0 : i32
      %dma_start3A_344 = tpu.memref_slice %arg8[%dma_start3A_342, %dma_start3A_343] : memref<1024x16xf32, #tpu.memory_space<vmem>> -> memref<128x16xf32, #tpu.memory_space<vmem>>
      %dma_start3A_345 = arith.constant 0 : i32
      %dma_start3A_346 = tpu.memref_slice %arg7[%add3A_220, %dma_start3A_345] : memref<160x128xi32, #tpu.memory_space<vmem>> -> memref<1x128xi32, #tpu.memory_space<vmem>>
      %dma_start3A_347 = tpu.memref_squeeze %dma_start3A_346 : memref<1x128xi32, #tpu.memory_space<vmem>> -> memref<128xi32, #tpu.memory_space<vmem>>
      %dma_start3A_348 = arith.constant 0 : i32
      %dma_start3A_349 = arith.constant 0 : i32
      %dma_start3A_350 = tpu.memref_slice %arg10[%dma_start3A_348, %dma_start3A_349] : memref<20480x16xf32, #tpu.memory_space<vmem_shared>> -> memref<20480x16xf32, #tpu.memory_space<vmem_shared>>
      tpu.enqueue_indirect_dma source(%dma_start3A_344 : memref<128x16xf32, #tpu.memory_space<vmem>>) target(%dma_start3A_350 : memref<20480x16xf32, #tpu.memory_space<vmem_shared>>) offsets(%dma_start3A_347 : memref<128xi32, #tpu.memory_space<vmem>>) semaphore(%arg26 : memref<!tpu.dma_semaphore, #tpu.memory_space<semaphore_mem>>) {add = true}
      %dma_wait3A_351 = arith.constant 896 : i32
      %dma_wait3A_352 = arith.constant 0 : i32
      %dma_wait3A_353 = tpu.memref_slice %arg8[%dma_wait3A_351, %dma_wait3A_352] : memref<1024x16xf32, #tpu.memory_space<vmem>> -> memref<128x16xf32, #tpu.memory_space<vmem>>
      %dma_wait3A_354 = arith.constant 0 : i32
      %dma_wait3A_355 = tpu.memref_slice %arg6[%add3A_224, %dma_wait3A_354] : memref<160x128xi32, #tpu.memory_space<vmem>> -> memref<1x128xi32, #tpu.memory_space<vmem>>
      %dma_wait3A_356 = tpu.memref_squeeze %dma_wait3A_355 : memref<1x128xi32, #tpu.memory_space<vmem>> -> memref<128xi32, #tpu.memory_space<vmem>>
      %dma_wait3A_357 = arith.constant 0 : i32
      %dma_wait3A_358 = arith.constant 0 : i32
      %dma_wait3A_359 = tpu.memref_slice %arg11[%dma_wait3A_357, %dma_wait3A_358] : memref<20000x16xf32, #tpu.memory_space<vmem_shared>> -> memref<20000x16xf32, #tpu.memory_space<vmem_shared>>
      tpu.wait_indirect_dma semaphore(%arg19 : memref<!tpu.dma_semaphore, #tpu.memory_space<semaphore_mem>>) src(%dma_wait3A_359 : memref<20000x16xf32, #tpu.memory_space<vmem_shared>>) dst(%dma_wait3A_353 : memref<128x16xf32, #tpu.memory_space<vmem>>)
      %dma_start3A_360 = arith.constant 896 : i32
      %dma_start3A_361 = arith.constant 0 : i32
      %dma_start3A_362 = tpu.memref_slice %arg8[%dma_start3A_360, %dma_start3A_361] : memref<1024x16xf32, #tpu.memory_space<vmem>> -> memref<128x16xf32, #tpu.memory_space<vmem>>
      %dma_start3A_363 = arith.constant 0 : i32
      %dma_start3A_364 = tpu.memref_slice %arg7[%add3A_224, %dma_start3A_363] : memref<160x128xi32, #tpu.memory_space<vmem>> -> memref<1x128xi32, #tpu.memory_space<vmem>>
      %dma_start3A_365 = tpu.memref_squeeze %dma_start3A_364 : memref<1x128xi32, #tpu.memory_space<vmem>> -> memref<128xi32, #tpu.memory_space<vmem>>
      %dma_start3A_366 = arith.constant 0 : i32
      %dma_start3A_367 = arith.constant 0 : i32
      %dma_start3A_368 = tpu.memref_slice %arg10[%dma_start3A_366, %dma_start3A_367] : memref<20480x16xf32, #tpu.memory_space<vmem_shared>> -> memref<20480x16xf32, #tpu.memory_space<vmem_shared>>
      tpu.enqueue_indirect_dma source(%dma_start3A_362 : memref<128x16xf32, #tpu.memory_space<vmem>>) target(%dma_start3A_368 : memref<20480x16xf32, #tpu.memory_space<vmem_shared>>) offsets(%dma_start3A_365 : memref<128xi32, #tpu.memory_space<vmem>>) semaphore(%arg27 : memref<!tpu.dma_semaphore, #tpu.memory_space<semaphore_mem>>) {add = true}
      %dma_wait3A_369 = arith.constant 0 : i32
      %dma_wait3A_370 = arith.constant 0 : i32
      %dma_wait3A_371 = tpu.memref_slice %arg8[%dma_wait3A_369, %dma_wait3A_370] : memref<1024x16xf32, #tpu.memory_space<vmem>> -> memref<128x16xf32, #tpu.memory_space<vmem>>
      %dma_wait3A_372 = arith.constant 0 : i32
      %dma_wait3A_373 = tpu.memref_slice %arg7[%add3A_196, %dma_wait3A_372] : memref<160x128xi32, #tpu.memory_space<vmem>> -> memref<1x128xi32, #tpu.memory_space<vmem>>
      %dma_wait3A_374 = tpu.memref_squeeze %dma_wait3A_373 : memref<1x128xi32, #tpu.memory_space<vmem>> -> memref<128xi32, #tpu.memory_space<vmem>>
      %dma_wait3A_375 = arith.constant 0 : i32
      %dma_wait3A_376 = arith.constant 0 : i32
      %dma_wait3A_377 = tpu.memref_slice %arg10[%dma_wait3A_375, %dma_wait3A_376] : memref<20480x16xf32, #tpu.memory_space<vmem_shared>> -> memref<20480x16xf32, #tpu.memory_space<vmem_shared>>
      tpu.wait_indirect_dma semaphore(%arg20 : memref<!tpu.dma_semaphore, #tpu.memory_space<semaphore_mem>>) src(%dma_wait3A_371 : memref<128x16xf32, #tpu.memory_space<vmem>>) dst(%dma_wait3A_377 : memref<20480x16xf32, #tpu.memory_space<vmem_shared>>)
      %lt3A_378 = arith.constant 19 : i32
      %lt3A_379 = arith.cmpi slt, %scan3A_191, %lt3A_378 : i32
      %convert_element_type3A = arith.extui %lt3A_379 : i1 to i32
      %cond3A = arith.constant 0 : i32
      %cond3A_380 = arith.cmpi ne, %convert_element_type3A, %cond3A : i32
      scf.if %cond3A_380 {
        %add3A_480 = arith.constant 8 : i32
        %add3A_481 = arith.addi %add3A_196, %add3A_480 : i32
        %dma_start3A_482 = arith.constant 0 : i32
        %dma_start3A_483 = arith.constant 0 : i32
        %dma_start3A_484 = tpu.memref_slice %arg8[%dma_start3A_482, %dma_start3A_483] : memref<1024x16xf32, #tpu.memory_space<vmem>> -> memref<128x16xf32, #tpu.memory_space<vmem>>
        %dma_start3A_485 = arith.constant 0 : i32
        %dma_start3A_486 = tpu.memref_slice %arg6[%add3A_481, %dma_start3A_485] : memref<160x128xi32, #tpu.memory_space<vmem>> -> memref<1x128xi32, #tpu.memory_space<vmem>>
        %dma_start3A_487 = tpu.memref_squeeze %dma_start3A_486 : memref<1x128xi32, #tpu.memory_space<vmem>> -> memref<128xi32, #tpu.memory_space<vmem>>
        %dma_start3A_488 = arith.constant 0 : i32
        %dma_start3A_489 = arith.constant 0 : i32
        %dma_start3A_490 = tpu.memref_slice %arg11[%dma_start3A_488, %dma_start3A_489] : memref<20000x16xf32, #tpu.memory_space<vmem_shared>> -> memref<20000x16xf32, #tpu.memory_space<vmem_shared>>
        tpu.enqueue_indirect_dma source(%dma_start3A_490 : memref<20000x16xf32, #tpu.memory_space<vmem_shared>>) target(%dma_start3A_484 : memref<128x16xf32, #tpu.memory_space<vmem>>) offsets(%dma_start3A_487 : memref<128xi32, #tpu.memory_space<vmem>>) semaphore(%arg12 : memref<!tpu.dma_semaphore, #tpu.memory_space<semaphore_mem>>)
      } else {
      }
      %dma_wait3A_381 = arith.constant 128 : i32
      %dma_wait3A_382 = arith.constant 0 : i32
      %dma_wait3A_383 = tpu.memref_slice %arg8[%dma_wait3A_381, %dma_wait3A_382] : memref<1024x16xf32, #tpu.memory_space<vmem>> -> memref<128x16xf32, #tpu.memory_space<vmem>>
      %dma_wait3A_384 = arith.constant 0 : i32
      %dma_wait3A_385 = tpu.memref_slice %arg7[%add3A_200, %dma_wait3A_384] : memref<160x128xi32, #tpu.memory_space<vmem>> -> memref<1x128xi32, #tpu.memory_space<vmem>>
      %dma_wait3A_386 = tpu.memref_squeeze %dma_wait3A_385 : memref<1x128xi32, #tpu.memory_space<vmem>> -> memref<128xi32, #tpu.memory_space<vmem>>
      %dma_wait3A_387 = arith.constant 0 : i32
      %dma_wait3A_388 = arith.constant 0 : i32
      %dma_wait3A_389 = tpu.memref_slice %arg10[%dma_wait3A_387, %dma_wait3A_388] : memref<20480x16xf32, #tpu.memory_space<vmem_shared>> -> memref<20480x16xf32, #tpu.memory_space<vmem_shared>>
      tpu.wait_indirect_dma semaphore(%arg21 : memref<!tpu.dma_semaphore, #tpu.memory_space<semaphore_mem>>) src(%dma_wait3A_383 : memref<128x16xf32, #tpu.memory_space<vmem>>) dst(%dma_wait3A_389 : memref<20480x16xf32, #tpu.memory_space<vmem_shared>>)
      %lt3A_390 = arith.constant 19 : i32
      %lt3A_391 = arith.cmpi slt, %scan3A_191, %lt3A_390 : i32
      %convert_element_type3A_392 = arith.extui %lt3A_391 : i1 to i32
      %cond3A_393 = arith.constant 0 : i32
      %cond3A_394 = arith.cmpi ne, %convert_element_type3A_392, %cond3A_393 : i32
      scf.if %cond3A_394 {
        %add3A_480 = arith.constant 8 : i32
        %add3A_481 = arith.addi %add3A_200, %add3A_480 : i32
        %dma_start3A_482 = arith.constant 128 : i32
        %dma_start3A_483 = arith.constant 0 : i32
        %dma_start3A_484 = tpu.memref_slice %arg8[%dma_start3A_482, %dma_start3A_483] : memref<1024x16xf32, #tpu.memory_space<vmem>> -> memref<128x16xf32, #tpu.memory_space<vmem>>
        %dma_start3A_485 = arith.constant 0 : i32
        %dma_start3A_486 = tpu.memref_slice %arg6[%add3A_481, %dma_start3A_485] : memref<160x128xi32, #tpu.memory_space<vmem>> -> memref<1x128xi32, #tpu.memory_space<vmem>>
        %dma_start3A_487 = tpu.memref_squeeze %dma_start3A_486 : memref<1x128xi32, #tpu.memory_space<vmem>> -> memref<128xi32, #tpu.memory_space<vmem>>
        %dma_start3A_488 = arith.constant 0 : i32
        %dma_start3A_489 = arith.constant 0 : i32
        %dma_start3A_490 = tpu.memref_slice %arg11[%dma_start3A_488, %dma_start3A_489] : memref<20000x16xf32, #tpu.memory_space<vmem_shared>> -> memref<20000x16xf32, #tpu.memory_space<vmem_shared>>
        tpu.enqueue_indirect_dma source(%dma_start3A_490 : memref<20000x16xf32, #tpu.memory_space<vmem_shared>>) target(%dma_start3A_484 : memref<128x16xf32, #tpu.memory_space<vmem>>) offsets(%dma_start3A_487 : memref<128xi32, #tpu.memory_space<vmem>>) semaphore(%arg13 : memref<!tpu.dma_semaphore, #tpu.memory_space<semaphore_mem>>)
      } else {
      }
      %dma_wait3A_395 = arith.constant 256 : i32
      %dma_wait3A_396 = arith.constant 0 : i32
      %dma_wait3A_397 = tpu.memref_slice %arg8[%dma_wait3A_395, %dma_wait3A_396] : memref<1024x16xf32, #tpu.memory_space<vmem>> -> memref<128x16xf32, #tpu.memory_space<vmem>>
      %dma_wait3A_398 = arith.constant 0 : i32
      %dma_wait3A_399 = tpu.memref_slice %arg7[%add3A_204, %dma_wait3A_398] : memref<160x128xi32, #tpu.memory_space<vmem>> -> memref<1x128xi32, #tpu.memory_space<vmem>>
      %dma_wait3A_400 = tpu.memref_squeeze %dma_wait3A_399 : memref<1x128xi32, #tpu.memory_space<vmem>> -> memref<128xi32, #tpu.memory_space<vmem>>
      %dma_wait3A_401 = arith.constant 0 : i32
      %dma_wait3A_402 = arith.constant 0 : i32
      %dma_wait3A_403 = tpu.memref_slice %arg10[%dma_wait3A_401, %dma_wait3A_402] : memref<20480x16xf32, #tpu.memory_space<vmem_shared>> -> memref<20480x16xf32, #tpu.memory_space<vmem_shared>>
      tpu.wait_indirect_dma semaphore(%arg22 : memref<!tpu.dma_semaphore, #tpu.memory_space<semaphore_mem>>) src(%dma_wait3A_397 : memref<128x16xf32, #tpu.memory_space<vmem>>) dst(%dma_wait3A_403 : memref<20480x16xf32, #tpu.memory_space<vmem_shared>>)
      %lt3A_404 = arith.constant 19 : i32
      %lt3A_405 = arith.cmpi slt, %scan3A_191, %lt3A_404 : i32
      %convert_element_type3A_406 = arith.extui %lt3A_405 : i1 to i32
      %cond3A_407 = arith.constant 0 : i32
      %cond3A_408 = arith.cmpi ne, %convert_element_type3A_406, %cond3A_407 : i32
      scf.if %cond3A_408 {
        %add3A_480 = arith.constant 8 : i32
        %add3A_481 = arith.addi %add3A_204, %add3A_480 : i32
        %dma_start3A_482 = arith.constant 256 : i32
        %dma_start3A_483 = arith.constant 0 : i32
        %dma_start3A_484 = tpu.memref_slice %arg8[%dma_start3A_482, %dma_start3A_483] : memref<1024x16xf32, #tpu.memory_space<vmem>> -> memref<128x16xf32, #tpu.memory_space<vmem>>
        %dma_start3A_485 = arith.constant 0 : i32
        %dma_start3A_486 = tpu.memref_slice %arg6[%add3A_481, %dma_start3A_485] : memref<160x128xi32, #tpu.memory_space<vmem>> -> memref<1x128xi32, #tpu.memory_space<vmem>>
        %dma_start3A_487 = tpu.memref_squeeze %dma_start3A_486 : memref<1x128xi32, #tpu.memory_space<vmem>> -> memref<128xi32, #tpu.memory_space<vmem>>
        %dma_start3A_488 = arith.constant 0 : i32
        %dma_start3A_489 = arith.constant 0 : i32
        %dma_start3A_490 = tpu.memref_slice %arg11[%dma_start3A_488, %dma_start3A_489] : memref<20000x16xf32, #tpu.memory_space<vmem_shared>> -> memref<20000x16xf32, #tpu.memory_space<vmem_shared>>
        tpu.enqueue_indirect_dma source(%dma_start3A_490 : memref<20000x16xf32, #tpu.memory_space<vmem_shared>>) target(%dma_start3A_484 : memref<128x16xf32, #tpu.memory_space<vmem>>) offsets(%dma_start3A_487 : memref<128xi32, #tpu.memory_space<vmem>>) semaphore(%arg14 : memref<!tpu.dma_semaphore, #tpu.memory_space<semaphore_mem>>)
      } else {
      }
      %dma_wait3A_409 = arith.constant 384 : i32
      %dma_wait3A_410 = arith.constant 0 : i32
      %dma_wait3A_411 = tpu.memref_slice %arg8[%dma_wait3A_409, %dma_wait3A_410] : memref<1024x16xf32, #tpu.memory_space<vmem>> -> memref<128x16xf32, #tpu.memory_space<vmem>>
      %dma_wait3A_412 = arith.constant 0 : i32
      %dma_wait3A_413 = tpu.memref_slice %arg7[%add3A_208, %dma_wait3A_412] : memref<160x128xi32, #tpu.memory_space<vmem>> -> memref<1x128xi32, #tpu.memory_space<vmem>>
      %dma_wait3A_414 = tpu.memref_squeeze %dma_wait3A_413 : memref<1x128xi32, #tpu.memory_space<vmem>> -> memref<128xi32, #tpu.memory_space<vmem>>
      %dma_wait3A_415 = arith.constant 0 : i32
      %dma_wait3A_416 = arith.constant 0 : i32
      %dma_wait3A_417 = tpu.memref_slice %arg10[%dma_wait3A_415, %dma_wait3A_416] : memref<20480x16xf32, #tpu.memory_space<vmem_shared>> -> memref<20480x16xf32, #tpu.memory_space<vmem_shared>>
      tpu.wait_indirect_dma semaphore(%arg23 : memref<!tpu.dma_semaphore, #tpu.memory_space<semaphore_mem>>) src(%dma_wait3A_411 : memref<128x16xf32, #tpu.memory_space<vmem>>) dst(%dma_wait3A_417 : memref<20480x16xf32, #tpu.memory_space<vmem_shared>>)
      %lt3A_418 = arith.constant 19 : i32
      %lt3A_419 = arith.cmpi slt, %scan3A_191, %lt3A_418 : i32
      %convert_element_type3A_420 = arith.extui %lt3A_419 : i1 to i32
      %cond3A_421 = arith.constant 0 : i32
      %cond3A_422 = arith.cmpi ne, %convert_element_type3A_420, %cond3A_421 : i32
      scf.if %cond3A_422 {
        %add3A_480 = arith.constant 8 : i32
        %add3A_481 = arith.addi %add3A_208, %add3A_480 : i32
        %dma_start3A_482 = arith.constant 384 : i32
        %dma_start3A_483 = arith.constant 0 : i32
        %dma_start3A_484 = tpu.memref_slice %arg8[%dma_start3A_482, %dma_start3A_483] : memref<1024x16xf32, #tpu.memory_space<vmem>> -> memref<128x16xf32, #tpu.memory_space<vmem>>
        %dma_start3A_485 = arith.constant 0 : i32
        %dma_start3A_486 = tpu.memref_slice %arg6[%add3A_481, %dma_start3A_485] : memref<160x128xi32, #tpu.memory_space<vmem>> -> memref<1x128xi32, #tpu.memory_space<vmem>>
        %dma_start3A_487 = tpu.memref_squeeze %dma_start3A_486 : memref<1x128xi32, #tpu.memory_space<vmem>> -> memref<128xi32, #tpu.memory_space<vmem>>
        %dma_start3A_488 = arith.constant 0 : i32
        %dma_start3A_489 = arith.constant 0 : i32
        %dma_start3A_490 = tpu.memref_slice %arg11[%dma_start3A_488, %dma_start3A_489] : memref<20000x16xf32, #tpu.memory_space<vmem_shared>> -> memref<20000x16xf32, #tpu.memory_space<vmem_shared>>
        tpu.enqueue_indirect_dma source(%dma_start3A_490 : memref<20000x16xf32, #tpu.memory_space<vmem_shared>>) target(%dma_start3A_484 : memref<128x16xf32, #tpu.memory_space<vmem>>) offsets(%dma_start3A_487 : memref<128xi32, #tpu.memory_space<vmem>>) semaphore(%arg15 : memref<!tpu.dma_semaphore, #tpu.memory_space<semaphore_mem>>)
      } else {
      }
      %dma_wait3A_423 = arith.constant 512 : i32
      %dma_wait3A_424 = arith.constant 0 : i32
      %dma_wait3A_425 = tpu.memref_slice %arg8[%dma_wait3A_423, %dma_wait3A_424] : memref<1024x16xf32, #tpu.memory_space<vmem>> -> memref<128x16xf32, #tpu.memory_space<vmem>>
      %dma_wait3A_426 = arith.constant 0 : i32
      %dma_wait3A_427 = tpu.memref_slice %arg7[%add3A_212, %dma_wait3A_426] : memref<160x128xi32, #tpu.memory_space<vmem>> -> memref<1x128xi32, #tpu.memory_space<vmem>>
      %dma_wait3A_428 = tpu.memref_squeeze %dma_wait3A_427 : memref<1x128xi32, #tpu.memory_space<vmem>> -> memref<128xi32, #tpu.memory_space<vmem>>
      %dma_wait3A_429 = arith.constant 0 : i32
      %dma_wait3A_430 = arith.constant 0 : i32
      %dma_wait3A_431 = tpu.memref_slice %arg10[%dma_wait3A_429, %dma_wait3A_430] : memref<20480x16xf32, #tpu.memory_space<vmem_shared>> -> memref<20480x16xf32, #tpu.memory_space<vmem_shared>>
      tpu.wait_indirect_dma semaphore(%arg24 : memref<!tpu.dma_semaphore, #tpu.memory_space<semaphore_mem>>) src(%dma_wait3A_425 : memref<128x16xf32, #tpu.memory_space<vmem>>) dst(%dma_wait3A_431 : memref<20480x16xf32, #tpu.memory_space<vmem_shared>>)
      %lt3A_432 = arith.constant 19 : i32
      %lt3A_433 = arith.cmpi slt, %scan3A_191, %lt3A_432 : i32
      %convert_element_type3A_434 = arith.extui %lt3A_433 : i1 to i32
      %cond3A_435 = arith.constant 0 : i32
      %cond3A_436 = arith.cmpi ne, %convert_element_type3A_434, %cond3A_435 : i32
      scf.if %cond3A_436 {
        %add3A_480 = arith.constant 8 : i32
        %add3A_481 = arith.addi %add3A_212, %add3A_480 : i32
        %dma_start3A_482 = arith.constant 512 : i32
        %dma_start3A_483 = arith.constant 0 : i32
        %dma_start3A_484 = tpu.memref_slice %arg8[%dma_start3A_482, %dma_start3A_483] : memref<1024x16xf32, #tpu.memory_space<vmem>> -> memref<128x16xf32, #tpu.memory_space<vmem>>
        %dma_start3A_485 = arith.constant 0 : i32
        %dma_start3A_486 = tpu.memref_slice %arg6[%add3A_481, %dma_start3A_485] : memref<160x128xi32, #tpu.memory_space<vmem>> -> memref<1x128xi32, #tpu.memory_space<vmem>>
        %dma_start3A_487 = tpu.memref_squeeze %dma_start3A_486 : memref<1x128xi32, #tpu.memory_space<vmem>> -> memref<128xi32, #tpu.memory_space<vmem>>
        %dma_start3A_488 = arith.constant 0 : i32
        %dma_start3A_489 = arith.constant 0 : i32
        %dma_start3A_490 = tpu.memref_slice %arg11[%dma_start3A_488, %dma_start3A_489] : memref<20000x16xf32, #tpu.memory_space<vmem_shared>> -> memref<20000x16xf32, #tpu.memory_space<vmem_shared>>
        tpu.enqueue_indirect_dma source(%dma_start3A_490 : memref<20000x16xf32, #tpu.memory_space<vmem_shared>>) target(%dma_start3A_484 : memref<128x16xf32, #tpu.memory_space<vmem>>) offsets(%dma_start3A_487 : memref<128xi32, #tpu.memory_space<vmem>>) semaphore(%arg16 : memref<!tpu.dma_semaphore, #tpu.memory_space<semaphore_mem>>)
      } else {
      }
      %dma_wait3A_437 = arith.constant 640 : i32
      %dma_wait3A_438 = arith.constant 0 : i32
      %dma_wait3A_439 = tpu.memref_slice %arg8[%dma_wait3A_437, %dma_wait3A_438] : memref<1024x16xf32, #tpu.memory_space<vmem>> -> memref<128x16xf32, #tpu.memory_space<vmem>>
      %dma_wait3A_440 = arith.constant 0 : i32
      %dma_wait3A_441 = tpu.memref_slice %arg7[%add3A_216, %dma_wait3A_440] : memref<160x128xi32, #tpu.memory_space<vmem>> -> memref<1x128xi32, #tpu.memory_space<vmem>>
      %dma_wait3A_442 = tpu.memref_squeeze %dma_wait3A_441 : memref<1x128xi32, #tpu.memory_space<vmem>> -> memref<128xi32, #tpu.memory_space<vmem>>
      %dma_wait3A_443 = arith.constant 0 : i32
      %dma_wait3A_444 = arith.constant 0 : i32
      %dma_wait3A_445 = tpu.memref_slice %arg10[%dma_wait3A_443, %dma_wait3A_444] : memref<20480x16xf32, #tpu.memory_space<vmem_shared>> -> memref<20480x16xf32, #tpu.memory_space<vmem_shared>>
      tpu.wait_indirect_dma semaphore(%arg25 : memref<!tpu.dma_semaphore, #tpu.memory_space<semaphore_mem>>) src(%dma_wait3A_439 : memref<128x16xf32, #tpu.memory_space<vmem>>) dst(%dma_wait3A_445 : memref<20480x16xf32, #tpu.memory_space<vmem_shared>>)
      %lt3A_446 = arith.constant 19 : i32
      %lt3A_447 = arith.cmpi slt, %scan3A_191, %lt3A_446 : i32
      %convert_element_type3A_448 = arith.extui %lt3A_447 : i1 to i32
      %cond3A_449 = arith.constant 0 : i32
      %cond3A_450 = arith.cmpi ne, %convert_element_type3A_448, %cond3A_449 : i32
      scf.if %cond3A_450 {
        %add3A_480 = arith.constant 8 : i32
        %add3A_481 = arith.addi %add3A_216, %add3A_480 : i32
        %dma_start3A_482 = arith.constant 640 : i32
        %dma_start3A_483 = arith.constant 0 : i32
        %dma_start3A_484 = tpu.memref_slice %arg8[%dma_start3A_482, %dma_start3A_483] : memref<1024x16xf32, #tpu.memory_space<vmem>> -> memref<128x16xf32, #tpu.memory_space<vmem>>
        %dma_start3A_485 = arith.constant 0 : i32
        %dma_start3A_486 = tpu.memref_slice %arg6[%add3A_481, %dma_start3A_485] : memref<160x128xi32, #tpu.memory_space<vmem>> -> memref<1x128xi32, #tpu.memory_space<vmem>>
        %dma_start3A_487 = tpu.memref_squeeze %dma_start3A_486 : memref<1x128xi32, #tpu.memory_space<vmem>> -> memref<128xi32, #tpu.memory_space<vmem>>
        %dma_start3A_488 = arith.constant 0 : i32
        %dma_start3A_489 = arith.constant 0 : i32
        %dma_start3A_490 = tpu.memref_slice %arg11[%dma_start3A_488, %dma_start3A_489] : memref<20000x16xf32, #tpu.memory_space<vmem_shared>> -> memref<20000x16xf32, #tpu.memory_space<vmem_shared>>
        tpu.enqueue_indirect_dma source(%dma_start3A_490 : memref<20000x16xf32, #tpu.memory_space<vmem_shared>>) target(%dma_start3A_484 : memref<128x16xf32, #tpu.memory_space<vmem>>) offsets(%dma_start3A_487 : memref<128xi32, #tpu.memory_space<vmem>>) semaphore(%arg17 : memref<!tpu.dma_semaphore, #tpu.memory_space<semaphore_mem>>)
      } else {
      }
      %dma_wait3A_451 = arith.constant 768 : i32
      %dma_wait3A_452 = arith.constant 0 : i32
      %dma_wait3A_453 = tpu.memref_slice %arg8[%dma_wait3A_451, %dma_wait3A_452] : memref<1024x16xf32, #tpu.memory_space<vmem>> -> memref<128x16xf32, #tpu.memory_space<vmem>>
      %dma_wait3A_454 = arith.constant 0 : i32
      %dma_wait3A_455 = tpu.memref_slice %arg7[%add3A_220, %dma_wait3A_454] : memref<160x128xi32, #tpu.memory_space<vmem>> -> memref<1x128xi32, #tpu.memory_space<vmem>>
      %dma_wait3A_456 = tpu.memref_squeeze %dma_wait3A_455 : memref<1x128xi32, #tpu.memory_space<vmem>> -> memref<128xi32, #tpu.memory_space<vmem>>
      %dma_wait3A_457 = arith.constant 0 : i32
      %dma_wait3A_458 = arith.constant 0 : i32
      %dma_wait3A_459 = tpu.memref_slice %arg10[%dma_wait3A_457, %dma_wait3A_458] : memref<20480x16xf32, #tpu.memory_space<vmem_shared>> -> memref<20480x16xf32, #tpu.memory_space<vmem_shared>>
      tpu.wait_indirect_dma semaphore(%arg26 : memref<!tpu.dma_semaphore, #tpu.memory_space<semaphore_mem>>) src(%dma_wait3A_453 : memref<128x16xf32, #tpu.memory_space<vmem>>) dst(%dma_wait3A_459 : memref<20480x16xf32, #tpu.memory_space<vmem_shared>>)
      %lt3A_460 = arith.constant 19 : i32
      %lt3A_461 = arith.cmpi slt, %scan3A_191, %lt3A_460 : i32
      %convert_element_type3A_462 = arith.extui %lt3A_461 : i1 to i32
      %cond3A_463 = arith.constant 0 : i32
      %cond3A_464 = arith.cmpi ne, %convert_element_type3A_462, %cond3A_463 : i32
      scf.if %cond3A_464 {
        %add3A_480 = arith.constant 8 : i32
        %add3A_481 = arith.addi %add3A_220, %add3A_480 : i32
        %dma_start3A_482 = arith.constant 768 : i32
        %dma_start3A_483 = arith.constant 0 : i32
        %dma_start3A_484 = tpu.memref_slice %arg8[%dma_start3A_482, %dma_start3A_483] : memref<1024x16xf32, #tpu.memory_space<vmem>> -> memref<128x16xf32, #tpu.memory_space<vmem>>
        %dma_start3A_485 = arith.constant 0 : i32
        %dma_start3A_486 = tpu.memref_slice %arg6[%add3A_481, %dma_start3A_485] : memref<160x128xi32, #tpu.memory_space<vmem>> -> memref<1x128xi32, #tpu.memory_space<vmem>>
        %dma_start3A_487 = tpu.memref_squeeze %dma_start3A_486 : memref<1x128xi32, #tpu.memory_space<vmem>> -> memref<128xi32, #tpu.memory_space<vmem>>
        %dma_start3A_488 = arith.constant 0 : i32
        %dma_start3A_489 = arith.constant 0 : i32
        %dma_start3A_490 = tpu.memref_slice %arg11[%dma_start3A_488, %dma_start3A_489] : memref<20000x16xf32, #tpu.memory_space<vmem_shared>> -> memref<20000x16xf32, #tpu.memory_space<vmem_shared>>
        tpu.enqueue_indirect_dma source(%dma_start3A_490 : memref<20000x16xf32, #tpu.memory_space<vmem_shared>>) target(%dma_start3A_484 : memref<128x16xf32, #tpu.memory_space<vmem>>) offsets(%dma_start3A_487 : memref<128xi32, #tpu.memory_space<vmem>>) semaphore(%arg18 : memref<!tpu.dma_semaphore, #tpu.memory_space<semaphore_mem>>)
      } else {
      }
      %dma_wait3A_465 = arith.constant 896 : i32
      %dma_wait3A_466 = arith.constant 0 : i32
      %dma_wait3A_467 = tpu.memref_slice %arg8[%dma_wait3A_465, %dma_wait3A_466] : memref<1024x16xf32, #tpu.memory_space<vmem>> -> memref<128x16xf32, #tpu.memory_space<vmem>>
      %dma_wait3A_468 = arith.constant 0 : i32
      %dma_wait3A_469 = tpu.memref_slice %arg7[%add3A_224, %dma_wait3A_468] : memref<160x128xi32, #tpu.memory_space<vmem>> -> memref<1x128xi32, #tpu.memory_space<vmem>>
      %dma_wait3A_470 = tpu.memref_squeeze %dma_wait3A_469 : memref<1x128xi32, #tpu.memory_space<vmem>> -> memref<128xi32, #tpu.memory_space<vmem>>
      %dma_wait3A_471 = arith.constant 0 : i32
      %dma_wait3A_472 = arith.constant 0 : i32
      %dma_wait3A_473 = tpu.memref_slice %arg10[%dma_wait3A_471, %dma_wait3A_472] : memref<20480x16xf32, #tpu.memory_space<vmem_shared>> -> memref<20480x16xf32, #tpu.memory_space<vmem_shared>>
      tpu.wait_indirect_dma semaphore(%arg27 : memref<!tpu.dma_semaphore, #tpu.memory_space<semaphore_mem>>) src(%dma_wait3A_467 : memref<128x16xf32, #tpu.memory_space<vmem>>) dst(%dma_wait3A_473 : memref<20480x16xf32, #tpu.memory_space<vmem_shared>>)
      %lt3A_474 = arith.constant 19 : i32
      %lt3A_475 = arith.cmpi slt, %scan3A_191, %lt3A_474 : i32
      %convert_element_type3A_476 = arith.extui %lt3A_475 : i1 to i32
      %cond3A_477 = arith.constant 0 : i32
      %cond3A_478 = arith.cmpi ne, %convert_element_type3A_476, %cond3A_477 : i32
      scf.if %cond3A_478 {
        %add3A_480 = arith.constant 8 : i32
        %add3A_481 = arith.addi %add3A_224, %add3A_480 : i32
        %dma_start3A_482 = arith.constant 896 : i32
        %dma_start3A_483 = arith.constant 0 : i32
        %dma_start3A_484 = tpu.memref_slice %arg8[%dma_start3A_482, %dma_start3A_483] : memref<1024x16xf32, #tpu.memory_space<vmem>> -> memref<128x16xf32, #tpu.memory_space<vmem>>
        %dma_start3A_485 = arith.constant 0 : i32
        %dma_start3A_486 = tpu.memref_slice %arg6[%add3A_481, %dma_start3A_485] : memref<160x128xi32, #tpu.memory_space<vmem>> -> memref<1x128xi32, #tpu.memory_space<vmem>>
        %dma_start3A_487 = tpu.memref_squeeze %dma_start3A_486 : memref<1x128xi32, #tpu.memory_space<vmem>> -> memref<128xi32, #tpu.memory_space<vmem>>
        %dma_start3A_488 = arith.constant 0 : i32
        %dma_start3A_489 = arith.constant 0 : i32
        %dma_start3A_490 = tpu.memref_slice %arg11[%dma_start3A_488, %dma_start3A_489] : memref<20000x16xf32, #tpu.memory_space<vmem_shared>> -> memref<20000x16xf32, #tpu.memory_space<vmem_shared>>
        tpu.enqueue_indirect_dma source(%dma_start3A_490 : memref<20000x16xf32, #tpu.memory_space<vmem_shared>>) target(%dma_start3A_484 : memref<128x16xf32, #tpu.memory_space<vmem>>) offsets(%dma_start3A_487 : memref<128xi32, #tpu.memory_space<vmem>>) semaphore(%arg19 : memref<!tpu.dma_semaphore, #tpu.memory_space<semaphore_mem>>)
      } else {
      }
      %scan3A_479 = arith.constant 0 : i32
      scf.yield %scan3A_479 : i32
    }
    %scan3A_180 = arith.constant 20 : i32
    %barrier3A_181 = arith.constant 0 : index
    tpu.barrier barrier_id(%barrier3A_181)
    %mul3A_182 = arith.constant 1250 : i32
    %mul3A_183 = arith.muli %arg1, %mul3A_182 : i32
    %mul3A_184 = arith.constant 2 : i32
    %mul3A_185 = arith.muli %arg0, %mul3A_184 : i32
    %mul3A_186 = arith.constant 10000 : i32
    %mul3A_187 = arith.muli %mul3A_185, %mul3A_186 : i32
    %mul3A_188 = arith.constant 1250 : i32
    %mul3A_189 = arith.muli %arg1, %mul3A_188 : i32
    %add3A_190 = arith.addi %mul3A_187, %mul3A_189 : i32
    "tpu.region"() ({
      %run_scoped3A = tpu.sem_alloc : memref<!tpu.dma_semaphore, #tpu.memory_space<semaphore_mem>>
      %dma_start3A_191 = arith.constant 0 : i32
      %dma_start3A_192 = tpu.memref_slice %arg5[%add3A_190, %dma_start3A_191] : memref<40000x16xf32, #tpu.memory_space<hbm>> -> memref<1250x16xf32, #tpu.memory_space<hbm>>
      %dma_start3A_193 = arith.constant 0 : i32
      %dma_start3A_194 = tpu.memref_slice %arg10[%mul3A_183, %dma_start3A_193] : memref<20480x16xf32, #tpu.memory_space<vmem_shared>> -> memref<1250x16xf32, #tpu.memory_space<vmem_shared>>
      tpu.enqueue_dma source(%dma_start3A_194 : memref<1250x16xf32, #tpu.memory_space<vmem_shared>>) target(%dma_start3A_192 : memref<1250x16xf32, #tpu.memory_space<hbm>>) target_semaphore(%run_scoped3A : memref<!tpu.dma_semaphore, #tpu.memory_space<semaphore_mem>>)
      %dma_wait3A_195 = arith.constant 0 : i32
      %dma_wait3A_196 = tpu.memref_slice %arg5[%add3A_190, %dma_wait3A_195] : memref<40000x16xf32, #tpu.memory_space<hbm>> -> memref<1250x16xf32, #tpu.memory_space<hbm>>
      %dma_wait3A_197 = arith.constant 0 : i32
      %dma_wait3A_198 = tpu.memref_slice %arg10[%mul3A_183, %dma_wait3A_197] : memref<20480x16xf32, #tpu.memory_space<vmem_shared>> -> memref<1250x16xf32, #tpu.memory_space<vmem_shared>>
      tpu.wait_dma2 semaphore(%run_scoped3A : memref<!tpu.dma_semaphore, #tpu.memory_space<semaphore_mem>>) src(%dma_wait3A_198 : memref<1250x16xf32, #tpu.memory_space<vmem_shared>>) dst(%dma_wait3A_196 : memref<1250x16xf32, #tpu.memory_space<hbm>>)
      tpu.yield
    }) : () -> ()
    return
  }
}

#map = affine_map<(d0, d1) -> (0, 0)>
#map1 = affine_map<(d0, d1) -> (0, 0, 0)>
module attributes {stable_mosaic.version = 14 : i64} {
  func.func @_sc_pre(%arg0: i32, %arg1: i32, %arg2: memref<1280x128xi32, #tpu.memory_space<hbm>>, %arg3: memref<1280x128xi32, #tpu.memory_space<hbm>>, %arg4: memref<2x1x10240xf32, #tpu.memory_space<hbm>>, %arg5: memref<4x1280x128xi32, #tpu.memory_space<hbm>>, %arg6: memref<4x1280x128xi32, #tpu.memory_space<hbm>>, %arg7: memref<160x128xi32, #tpu.memory_space<vmem>>, %arg8: memref<160x128xi32, #tpu.memory_space<vmem>>, %arg9: memref<160x128xi32, #tpu.memory_space<vmem>>, %arg10: memref<160x128xi32, #tpu.memory_space<vmem>>, %arg11: memref<40x128xi32, #tpu.memory_space<vmem>>, %arg12: memref<128xf32, #tpu.memory_space<vmem>>, %arg13: memref<640xf32, #tpu.memory_space<vmem>>, %arg14: memref<10240xf32, #tpu.memory_space<vmem_shared>>, %arg15: memref<!tpu.dma_semaphore, #tpu.memory_space<semaphore_mem>>) attributes {dimension_semantics = [#tpu.dimension_semantics<core_parallel>, #tpu.dimension_semantics<subcore_parallel>], iteration_bounds = array<i64: 2, 16>, scalar_prefetch = 0 : i64, scratch_operands = 9 : i64, tpu.core_type = #tpu.core_type<sc_vector_subcore>, window_params = [{transform_indices = #map}, {transform_indices = #map}, {transform_indices = #map1}, {transform_indices = #map1}, {transform_indices = #map1}]} {
    %mul3A = arith.constant 16 : i32
    %mul3A_0 = arith.muli %arg0, %mul3A : i32
    %add3A = arith.addi %mul3A_0, %arg1 : i32
    %scan3A = arith.constant 0 : i32
    %scan3A_1 = arith.constant 0 : i32
    %scan3A_2 = arith.constant 8 : i32
    %scan3A_3 = arith.addi %scan3A_1, %scan3A_2 : i32
    %scan3A_4 = arith.constant 1 : i32
    %scan3A_5 = scf.for %scan3A_102 = %scan3A_1 to %scan3A_3 step %scan3A_4 iter_args(%scan3A_103 = %scan3A) -> (i32)  : i32 {
      %broadcast_in_dim3A = arith.constant 1.000000e+00 : f32
      %broadcast_in_dim3A_104 = vector.broadcast %broadcast_in_dim3A : f32 to vector<16xf32>
      %mul3A_105 = arith.constant 16 : i32
      %mul3A_106 = arith.muli %scan3A_102, %mul3A_105 : i32
      %swap3A = arith.index_cast %mul3A_106 : i32 to index
      %swap3A_107 = tpu.vector_load %arg12[%swap3A] {strides = array<i32>} : memref<128xf32, #tpu.memory_space<vmem>>, vector<16xf32>,
      %swap3A_108 = vector.shape_cast %swap3A_107 : vector<16xf32> to vector<16xf32>
      %swap3A_109 = vector.shape_cast %broadcast_in_dim3A_104 : vector<16xf32> to vector<16xf32>
      tpu.vector_store %arg12[%swap3A], %swap3A_109 {strides = array<i32>} : memref<128xf32, #tpu.memory_space<vmem>>, vector<16xf32>,
      %scan3A_110 = arith.constant 0 : i32
      scf.yield %scan3A_110 : i32
    }
    %scan3A_6 = arith.constant 8 : i32
    %scan3A_7 = arith.constant 0 : i32
    %scan3A_8 = arith.constant 0 : i32
    %scan3A_9 = arith.constant 40 : i32
    %scan3A_10 = arith.addi %scan3A_8, %scan3A_9 : i32
    %scan3A_11 = arith.constant 1 : i32
    %scan3A_12 = scf.for %scan3A_102 = %scan3A_8 to %scan3A_10 step %scan3A_11 iter_args(%scan3A_103 = %scan3A_7) -> (i32)  : i32 {
      %broadcast_in_dim3A = arith.constant 0.000000e+00 : f32
      %broadcast_in_dim3A_104 = vector.broadcast %broadcast_in_dim3A : f32 to vector<16xf32>
      %mul3A_105 = arith.constant 16 : i32
      %mul3A_106 = arith.muli %scan3A_102, %mul3A_105 : i32
      %swap3A = arith.index_cast %mul3A_106 : i32 to index
      %swap3A_107 = tpu.vector_load %arg13[%swap3A] {strides = array<i32>} : memref<640xf32, #tpu.memory_space<vmem>>, vector<16xf32>,
      %swap3A_108 = vector.shape_cast %swap3A_107 : vector<16xf32> to vector<16xf32>
      %swap3A_109 = vector.shape_cast %broadcast_in_dim3A_104 : vector<16xf32> to vector<16xf32>
      tpu.vector_store %arg13[%swap3A], %swap3A_109 {strides = array<i32>} : memref<640xf32, #tpu.memory_space<vmem>>, vector<16xf32>,
      %scan3A_110 = arith.constant 0 : i32
      scf.yield %scan3A_110 : i32
    }
    %scan3A_13 = arith.constant 40 : i32
    %mul3A_14 = arith.constant 640 : i32
    %mul3A_15 = arith.muli %arg1, %mul3A_14 : i32
    "tpu.region"() ({
      %run_scoped3A_102 = tpu.sem_alloc : memref<!tpu.dma_semaphore, #tpu.memory_space<semaphore_mem>>
      %dma_start3A = tpu.memref_slice %arg14[%mul3A_15] : memref<10240xf32, #tpu.memory_space<vmem_shared>> -> memref<640xf32, #tpu.memory_space<vmem_shared>>
      %dma_start3A_103 = tpu.memref_slice %arg14[%mul3A_15] : memref<10240xf32, #tpu.memory_space<vmem_shared>> -> memref<640xf32, #tpu.memory_space<vmem_shared>>
      tpu.enqueue_dma source(%arg13 : memref<640xf32, #tpu.memory_space<vmem>>) target(%dma_start3A_103 : memref<640xf32, #tpu.memory_space<vmem_shared>>) target_semaphore(%run_scoped3A_102 : memref<!tpu.dma_semaphore, #tpu.memory_space<semaphore_mem>>)
      %dma_wait3A = tpu.memref_slice %arg14[%mul3A_15] : memref<10240xf32, #tpu.memory_space<vmem_shared>> -> memref<640xf32, #tpu.memory_space<vmem_shared>>
      %dma_wait3A_104 = tpu.memref_slice %arg14[%mul3A_15] : memref<10240xf32, #tpu.memory_space<vmem_shared>> -> memref<640xf32, #tpu.memory_space<vmem_shared>>
      tpu.wait_dma2 semaphore(%run_scoped3A_102 : memref<!tpu.dma_semaphore, #tpu.memory_space<semaphore_mem>>) src(%arg13 : memref<640xf32, #tpu.memory_space<vmem>>) dst(%dma_wait3A_104 : memref<640xf32, #tpu.memory_space<vmem_shared>>)
      tpu.yield
    }) : () -> ()
    %barrier3A = arith.constant 0 : index
    tpu.barrier barrier_id(%barrier3A)
    %mul3A_16 = arith.constant 40 : i32
    %mul3A_17 = arith.muli %add3A, %mul3A_16 : i32
    "tpu.region"() ({
      %run_scoped3A_102 = tpu.sem_alloc : memref<!tpu.dma_semaphore, #tpu.memory_space<semaphore_mem>>
      %dma_start3A = arith.constant 0 : i32
      %dma_start3A_103 = arith.constant 0 : i32
      %dma_start3A_104 = tpu.memref_slice %arg7[%dma_start3A, %dma_start3A_103] : memref<160x128xi32, #tpu.memory_space<vmem>> -> memref<40x128xi32, #tpu.memory_space<vmem>>
      %dma_start3A_105 = arith.constant 0 : i32
      %dma_start3A_106 = tpu.memref_slice %arg2[%mul3A_17, %dma_start3A_105] : memref<1280x128xi32, #tpu.memory_space<hbm>> -> memref<40x128xi32, #tpu.memory_space<hbm>>
      %dma_start3A_107 = arith.constant 0 : i32
      %dma_start3A_108 = arith.constant 0 : i32
      %dma_start3A_109 = tpu.memref_slice %arg7[%dma_start3A_107, %dma_start3A_108] : memref<160x128xi32, #tpu.memory_space<vmem>> -> memref<40x128xi32, #tpu.memory_space<vmem>>
      %dma_start3A_110 = arith.constant 0 : i32
      %dma_start3A_111 = tpu.memref_slice %arg2[%mul3A_17, %dma_start3A_110] : memref<1280x128xi32, #tpu.memory_space<hbm>> -> memref<40x128xi32, #tpu.memory_space<hbm>>
      tpu.enqueue_dma source(%dma_start3A_111 : memref<40x128xi32, #tpu.memory_space<hbm>>) target(%dma_start3A_109 : memref<40x128xi32, #tpu.memory_space<vmem>>) target_semaphore(%run_scoped3A_102 : memref<!tpu.dma_semaphore, #tpu.memory_space<semaphore_mem>>)
      %dma_wait3A = arith.constant 0 : i32
      %dma_wait3A_112 = arith.constant 0 : i32
      %dma_wait3A_113 = tpu.memref_slice %arg7[%dma_wait3A, %dma_wait3A_112] : memref<160x128xi32, #tpu.memory_space<vmem>> -> memref<40x128xi32, #tpu.memory_space<vmem>>
      %dma_wait3A_114 = arith.constant 0 : i32
      %dma_wait3A_115 = tpu.memref_slice %arg2[%mul3A_17, %dma_wait3A_114] : memref<1280x128xi32, #tpu.memory_space<hbm>> -> memref<40x128xi32, #tpu.memory_space<hbm>>
      %dma_wait3A_116 = arith.constant 0 : i32
      %dma_wait3A_117 = arith.constant 0 : i32
      %dma_wait3A_118 = tpu.memref_slice %arg7[%dma_wait3A_116, %dma_wait3A_117] : memref<160x128xi32, #tpu.memory_space<vmem>> -> memref<40x128xi32, #tpu.memory_space<vmem>>
      %dma_wait3A_119 = arith.constant 0 : i32
      %dma_wait3A_120 = tpu.memref_slice %arg2[%mul3A_17, %dma_wait3A_119] : memref<1280x128xi32, #tpu.memory_space<hbm>> -> memref<40x128xi32, #tpu.memory_space<hbm>>
      tpu.wait_dma2 semaphore(%run_scoped3A_102 : memref<!tpu.dma_semaphore, #tpu.memory_space<semaphore_mem>>) src(%dma_wait3A_120 : memref<40x128xi32, #tpu.memory_space<hbm>>) dst(%dma_wait3A_118 : memref<40x128xi32, #tpu.memory_space<vmem>>)
      tpu.yield
    }) : () -> ()
    %mul3A_18 = arith.constant 40 : i32
    %mul3A_19 = arith.muli %add3A, %mul3A_18 : i32
    "tpu.region"() ({
      %run_scoped3A_102 = tpu.sem_alloc : memref<!tpu.dma_semaphore, #tpu.memory_space<semaphore_mem>>
      %dma_start3A = arith.constant 0 : i32
      %dma_start3A_103 = arith.constant 0 : i32
      %dma_start3A_104 = tpu.memref_slice %arg8[%dma_start3A, %dma_start3A_103] : memref<160x128xi32, #tpu.memory_space<vmem>> -> memref<40x128xi32, #tpu.memory_space<vmem>>
      %dma_start3A_105 = arith.constant 0 : i32
      %dma_start3A_106 = tpu.memref_slice %arg3[%mul3A_19, %dma_start3A_105] : memref<1280x128xi32, #tpu.memory_space<hbm>> -> memref<40x128xi32, #tpu.memory_space<hbm>>
      %dma_start3A_107 = arith.constant 0 : i32
      %dma_start3A_108 = arith.constant 0 : i32
      %dma_start3A_109 = tpu.memref_slice %arg8[%dma_start3A_107, %dma_start3A_108] : memref<160x128xi32, #tpu.memory_space<vmem>> -> memref<40x128xi32, #tpu.memory_space<vmem>>
      %dma_start3A_110 = arith.constant 0 : i32
      %dma_start3A_111 = tpu.memref_slice %arg3[%mul3A_19, %dma_start3A_110] : memref<1280x128xi32, #tpu.memory_space<hbm>> -> memref<40x128xi32, #tpu.memory_space<hbm>>
      tpu.enqueue_dma source(%dma_start3A_111 : memref<40x128xi32, #tpu.memory_space<hbm>>) target(%dma_start3A_109 : memref<40x128xi32, #tpu.memory_space<vmem>>) target_semaphore(%run_scoped3A_102 : memref<!tpu.dma_semaphore, #tpu.memory_space<semaphore_mem>>)
      %dma_wait3A = arith.constant 0 : i32
      %dma_wait3A_112 = arith.constant 0 : i32
      %dma_wait3A_113 = tpu.memref_slice %arg8[%dma_wait3A, %dma_wait3A_112] : memref<160x128xi32, #tpu.memory_space<vmem>> -> memref<40x128xi32, #tpu.memory_space<vmem>>
      %dma_wait3A_114 = arith.constant 0 : i32
      %dma_wait3A_115 = tpu.memref_slice %arg3[%mul3A_19, %dma_wait3A_114] : memref<1280x128xi32, #tpu.memory_space<hbm>> -> memref<40x128xi32, #tpu.memory_space<hbm>>
      %dma_wait3A_116 = arith.constant 0 : i32
      %dma_wait3A_117 = arith.constant 0 : i32
      %dma_wait3A_118 = tpu.memref_slice %arg8[%dma_wait3A_116, %dma_wait3A_117] : memref<160x128xi32, #tpu.memory_space<vmem>> -> memref<40x128xi32, #tpu.memory_space<vmem>>
      %dma_wait3A_119 = arith.constant 0 : i32
      %dma_wait3A_120 = tpu.memref_slice %arg3[%mul3A_19, %dma_wait3A_119] : memref<1280x128xi32, #tpu.memory_space<hbm>> -> memref<40x128xi32, #tpu.memory_space<hbm>>
      tpu.wait_dma2 semaphore(%run_scoped3A_102 : memref<!tpu.dma_semaphore, #tpu.memory_space<semaphore_mem>>) src(%dma_wait3A_120 : memref<40x128xi32, #tpu.memory_space<hbm>>) dst(%dma_wait3A_118 : memref<40x128xi32, #tpu.memory_space<vmem>>)
      tpu.yield
    }) : () -> ()
    %scan3A_20 = arith.constant 0 : i32
    %scan3A_21 = arith.constant 0 : i32
    %scan3A_22 = arith.constant 40 : i32
    %scan3A_23 = arith.addi %scan3A_21, %scan3A_22 : i32
    %scan3A_24 = arith.constant 1 : i32
    %scan3A_25 = scf.for %scan3A_102 = %scan3A_21 to %scan3A_23 step %scan3A_24 iter_args(%scan3A_103 = %scan3A_20) -> (i32)  : i32 {
      %get3A = arith.index_cast %scan3A_102 : i32 to index
      %get3A_104 = arith.constant 0 : index
      %get3A_105 = tpu.vector_load %arg7[%get3A, %get3A_104] {strides = array<i32>} : memref<160x128xi32, #tpu.memory_space<vmem>>, vector<1x16xi32>,
      %get3A_106 = vector.shape_cast %get3A_105 : vector<1x16xi32> to vector<16xi32>
      %get3A_107 = arith.index_cast %scan3A_102 : i32 to index
      %get3A_108 = arith.constant 0 : index
      %get3A_109 = tpu.vector_load %arg8[%get3A_107, %get3A_108] {strides = array<i32>} : memref<160x128xi32, #tpu.memory_space<vmem>>, vector<1x16xi32>,
      %get3A_110 = vector.shape_cast %get3A_109 : vector<1x16xi32> to vector<16xi32>
      %eq3A_111 = arith.cmpi eq, %get3A_106, %get3A_110 : vector<16xi32>
      %broadcast_in_dim3A = arith.constant 10000 : i32
      %broadcast_in_dim3A_112 = vector.broadcast %broadcast_in_dim3A : i32 to vector<16xi32>
      %select_n3A_113 = arith.select %eq3A_111, %broadcast_in_dim3A_112, %get3A_106 : vector<16xi1>, vector<16xi32>
      %swap3A = arith.index_cast %scan3A_102 : i32 to index
      %swap3A_114 = arith.constant 0 : index
      %swap3A_115 = tpu.vector_load %arg11[%swap3A, %swap3A_114] {strides = array<i32>} : memref<40x128xi32, #tpu.memory_space<vmem>>, vector<1x16xi32>,
      %swap3A_116 = vector.shape_cast %swap3A_115 : vector<1x16xi32> to vector<16xi32>
      %swap3A_117 = vector.shape_cast %select_n3A_113 : vector<16xi32> to vector<1x16xi32>
      tpu.vector_store %arg11[%swap3A, %swap3A_114], %swap3A_117 {strides = array<i32>} : memref<40x128xi32, #tpu.memory_space<vmem>>, vector<1x16xi32>,
      %get3A_118 = arith.index_cast %scan3A_102 : i32 to index
      %get3A_119 = arith.constant 16 : index
      %get3A_120 = tpu.vector_load %arg7[%get3A_118, %get3A_119] {strides = array<i32>} : memref<160x128xi32, #tpu.memory_space<vmem>>, vector<1x16xi32>,
      %get3A_121 = vector.shape_cast %get3A_120 : vector<1x16xi32> to vector<16xi32>
      %get3A_122 = arith.index_cast %scan3A_102 : i32 to index
      %get3A_123 = arith.constant 16 : index
      %get3A_124 = tpu.vector_load %arg8[%get3A_122, %get3A_123] {strides = array<i32>} : memref<160x128xi32, #tpu.memory_space<vmem>>, vector<1x16xi32>,
      %get3A_125 = vector.shape_cast %get3A_124 : vector<1x16xi32> to vector<16xi32>
      %eq3A_126 = arith.cmpi eq, %get3A_121, %get3A_125 : vector<16xi32>
      %broadcast_in_dim3A_127 = arith.constant 10000 : i32
      %broadcast_in_dim3A_128 = vector.broadcast %broadcast_in_dim3A_127 : i32 to vector<16xi32>
      %select_n3A_129 = arith.select %eq3A_126, %broadcast_in_dim3A_128, %get3A_121 : vector<16xi1>, vector<16xi32>
      %swap3A_130 = arith.index_cast %scan3A_102 : i32 to index
      %swap3A_131 = arith.constant 16 : index
      %swap3A_132 = tpu.vector_load %arg11[%swap3A_130, %swap3A_131] {strides = array<i32>} : memref<40x128xi32, #tpu.memory_space<vmem>>, vector<1x16xi32>,
      %swap3A_133 = vector.shape_cast %swap3A_132 : vector<1x16xi32> to vector<16xi32>
      %swap3A_134 = vector.shape_cast %select_n3A_129 : vector<16xi32> to vector<1x16xi32>
      tpu.vector_store %arg11[%swap3A_130, %swap3A_131], %swap3A_134 {strides = array<i32>} : memref<40x128xi32, #tpu.memory_space<vmem>>, vector<1x16xi32>,
      %get3A_135 = arith.index_cast %scan3A_102 : i32 to index
      %get3A_136 = arith.constant 32 : index
      %get3A_137 = tpu.vector_load %arg7[%get3A_135, %get3A_136] {strides = array<i32>} : memref<160x128xi32, #tpu.memory_space<vmem>>, vector<1x16xi32>,
      %get3A_138 = vector.shape_cast %get3A_137 : vector<1x16xi32> to vector<16xi32>
      %get3A_139 = arith.index_cast %scan3A_102 : i32 to index
      %get3A_140 = arith.constant 32 : index
      %get3A_141 = tpu.vector_load %arg8[%get3A_139, %get3A_140] {strides = array<i32>} : memref<160x128xi32, #tpu.memory_space<vmem>>, vector<1x16xi32>,
      %get3A_142 = vector.shape_cast %get3A_141 : vector<1x16xi32> to vector<16xi32>
      %eq3A_143 = arith.cmpi eq, %get3A_138, %get3A_142 : vector<16xi32>
      %broadcast_in_dim3A_144 = arith.constant 10000 : i32
      %broadcast_in_dim3A_145 = vector.broadcast %broadcast_in_dim3A_144 : i32 to vector<16xi32>
      %select_n3A_146 = arith.select %eq3A_143, %broadcast_in_dim3A_145, %get3A_138 : vector<16xi1>, vector<16xi32>
      %swap3A_147 = arith.index_cast %scan3A_102 : i32 to index
      %swap3A_148 = arith.constant 32 : index
      %swap3A_149 = tpu.vector_load %arg11[%swap3A_147, %swap3A_148] {strides = array<i32>} : memref<40x128xi32, #tpu.memory_space<vmem>>, vector<1x16xi32>,
      %swap3A_150 = vector.shape_cast %swap3A_149 : vector<1x16xi32> to vector<16xi32>
      %swap3A_151 = vector.shape_cast %select_n3A_146 : vector<16xi32> to vector<1x16xi32>
      tpu.vector_store %arg11[%swap3A_147, %swap3A_148], %swap3A_151 {strides = array<i32>} : memref<40x128xi32, #tpu.memory_space<vmem>>, vector<1x16xi32>,
      %get3A_152 = arith.index_cast %scan3A_102 : i32 to index
      %get3A_153 = arith.constant 48 : index
      %get3A_154 = tpu.vector_load %arg7[%get3A_152, %get3A_153] {strides = array<i32>} : memref<160x128xi32, #tpu.memory_space<vmem>>, vector<1x16xi32>,
      %get3A_155 = vector.shape_cast %get3A_154 : vector<1x16xi32> to vector<16xi32>
      %get3A_156 = arith.index_cast %scan3A_102 : i32 to index
      %get3A_157 = arith.constant 48 : index
      %get3A_158 = tpu.vector_load %arg8[%get3A_156, %get3A_157] {strides = array<i32>} : memref<160x128xi32, #tpu.memory_space<vmem>>, vector<1x16xi32>,
      %get3A_159 = vector.shape_cast %get3A_158 : vector<1x16xi32> to vector<16xi32>
      %eq3A_160 = arith.cmpi eq, %get3A_155, %get3A_159 : vector<16xi32>
      %broadcast_in_dim3A_161 = arith.constant 10000 : i32
      %broadcast_in_dim3A_162 = vector.broadcast %broadcast_in_dim3A_161 : i32 to vector<16xi32>
      %select_n3A_163 = arith.select %eq3A_160, %broadcast_in_dim3A_162, %get3A_155 : vector<16xi1>, vector<16xi32>
      %swap3A_164 = arith.index_cast %scan3A_102 : i32 to index
      %swap3A_165 = arith.constant 48 : index
      %swap3A_166 = tpu.vector_load %arg11[%swap3A_164, %swap3A_165] {strides = array<i32>} : memref<40x128xi32, #tpu.memory_space<vmem>>, vector<1x16xi32>,
      %swap3A_167 = vector.shape_cast %swap3A_166 : vector<1x16xi32> to vector<16xi32>
      %swap3A_168 = vector.shape_cast %select_n3A_163 : vector<16xi32> to vector<1x16xi32>
      tpu.vector_store %arg11[%swap3A_164, %swap3A_165], %swap3A_168 {strides = array<i32>} : memref<40x128xi32, #tpu.memory_space<vmem>>, vector<1x16xi32>,
      %get3A_169 = arith.index_cast %scan3A_102 : i32 to index
      %get3A_170 = arith.constant 64 : index
      %get3A_171 = tpu.vector_load %arg7[%get3A_169, %get3A_170] {strides = array<i32>} : memref<160x128xi32, #tpu.memory_space<vmem>>, vector<1x16xi32>,
      %get3A_172 = vector.shape_cast %get3A_171 : vector<1x16xi32> to vector<16xi32>
      %get3A_173 = arith.index_cast %scan3A_102 : i32 to index
      %get3A_174 = arith.constant 64 : index
      %get3A_175 = tpu.vector_load %arg8[%get3A_173, %get3A_174] {strides = array<i32>} : memref<160x128xi32, #tpu.memory_space<vmem>>, vector<1x16xi32>,
      %get3A_176 = vector.shape_cast %get3A_175 : vector<1x16xi32> to vector<16xi32>
      %eq3A_177 = arith.cmpi eq, %get3A_172, %get3A_176 : vector<16xi32>
      %broadcast_in_dim3A_178 = arith.constant 10000 : i32
      %broadcast_in_dim3A_179 = vector.broadcast %broadcast_in_dim3A_178 : i32 to vector<16xi32>
      %select_n3A_180 = arith.select %eq3A_177, %broadcast_in_dim3A_179, %get3A_172 : vector<16xi1>, vector<16xi32>
      %swap3A_181 = arith.index_cast %scan3A_102 : i32 to index
      %swap3A_182 = arith.constant 64 : index
      %swap3A_183 = tpu.vector_load %arg11[%swap3A_181, %swap3A_182] {strides = array<i32>} : memref<40x128xi32, #tpu.memory_space<vmem>>, vector<1x16xi32>,
      %swap3A_184 = vector.shape_cast %swap3A_183 : vector<1x16xi32> to vector<16xi32>
      %swap3A_185 = vector.shape_cast %select_n3A_180 : vector<16xi32> to vector<1x16xi32>
      tpu.vector_store %arg11[%swap3A_181, %swap3A_182], %swap3A_185 {strides = array<i32>} : memref<40x128xi32, #tpu.memory_space<vmem>>, vector<1x16xi32>,
      %get3A_186 = arith.index_cast %scan3A_102 : i32 to index
      %get3A_187 = arith.constant 80 : index
      %get3A_188 = tpu.vector_load %arg7[%get3A_186, %get3A_187] {strides = array<i32>} : memref<160x128xi32, #tpu.memory_space<vmem>>, vector<1x16xi32>,
      %get3A_189 = vector.shape_cast %get3A_188 : vector<1x16xi32> to vector<16xi32>
      %get3A_190 = arith.index_cast %scan3A_102 : i32 to index
      %get3A_191 = arith.constant 80 : index
      %get3A_192 = tpu.vector_load %arg8[%get3A_190, %get3A_191] {strides = array<i32>} : memref<160x128xi32, #tpu.memory_space<vmem>>, vector<1x16xi32>,
      %get3A_193 = vector.shape_cast %get3A_192 : vector<1x16xi32> to vector<16xi32>
      %eq3A_194 = arith.cmpi eq, %get3A_189, %get3A_193 : vector<16xi32>
      %broadcast_in_dim3A_195 = arith.constant 10000 : i32
      %broadcast_in_dim3A_196 = vector.broadcast %broadcast_in_dim3A_195 : i32 to vector<16xi32>
      %select_n3A_197 = arith.select %eq3A_194, %broadcast_in_dim3A_196, %get3A_189 : vector<16xi1>, vector<16xi32>
      %swap3A_198 = arith.index_cast %scan3A_102 : i32 to index
      %swap3A_199 = arith.constant 80 : index
      %swap3A_200 = tpu.vector_load %arg11[%swap3A_198, %swap3A_199] {strides = array<i32>} : memref<40x128xi32, #tpu.memory_space<vmem>>, vector<1x16xi32>,
      %swap3A_201 = vector.shape_cast %swap3A_200 : vector<1x16xi32> to vector<16xi32>
      %swap3A_202 = vector.shape_cast %select_n3A_197 : vector<16xi32> to vector<1x16xi32>
      tpu.vector_store %arg11[%swap3A_198, %swap3A_199], %swap3A_202 {strides = array<i32>} : memref<40x128xi32, #tpu.memory_space<vmem>>, vector<1x16xi32>,
      %get3A_203 = arith.index_cast %scan3A_102 : i32 to index
      %get3A_204 = arith.constant 96 : index
      %get3A_205 = tpu.vector_load %arg7[%get3A_203, %get3A_204] {strides = array<i32>} : memref<160x128xi32, #tpu.memory_space<vmem>>, vector<1x16xi32>,
      %get3A_206 = vector.shape_cast %get3A_205 : vector<1x16xi32> to vector<16xi32>
      %get3A_207 = arith.index_cast %scan3A_102 : i32 to index
      %get3A_208 = arith.constant 96 : index
      %get3A_209 = tpu.vector_load %arg8[%get3A_207, %get3A_208] {strides = array<i32>} : memref<160x128xi32, #tpu.memory_space<vmem>>, vector<1x16xi32>,
      %get3A_210 = vector.shape_cast %get3A_209 : vector<1x16xi32> to vector<16xi32>
      %eq3A_211 = arith.cmpi eq, %get3A_206, %get3A_210 : vector<16xi32>
      %broadcast_in_dim3A_212 = arith.constant 10000 : i32
      %broadcast_in_dim3A_213 = vector.broadcast %broadcast_in_dim3A_212 : i32 to vector<16xi32>
      %select_n3A_214 = arith.select %eq3A_211, %broadcast_in_dim3A_213, %get3A_206 : vector<16xi1>, vector<16xi32>
      %swap3A_215 = arith.index_cast %scan3A_102 : i32 to index
      %swap3A_216 = arith.constant 96 : index
      %swap3A_217 = tpu.vector_load %arg11[%swap3A_215, %swap3A_216] {strides = array<i32>} : memref<40x128xi32, #tpu.memory_space<vmem>>, vector<1x16xi32>,
      %swap3A_218 = vector.shape_cast %swap3A_217 : vector<1x16xi32> to vector<16xi32>
      %swap3A_219 = vector.shape_cast %select_n3A_214 : vector<16xi32> to vector<1x16xi32>
      tpu.vector_store %arg11[%swap3A_215, %swap3A_216], %swap3A_219 {strides = array<i32>} : memref<40x128xi32, #tpu.memory_space<vmem>>, vector<1x16xi32>,
      %get3A_220 = arith.index_cast %scan3A_102 : i32 to index
      %get3A_221 = arith.constant 112 : index
      %get3A_222 = tpu.vector_load %arg7[%get3A_220, %get3A_221] {strides = array<i32>} : memref<160x128xi32, #tpu.memory_space<vmem>>, vector<1x16xi32>,
      %get3A_223 = vector.shape_cast %get3A_222 : vector<1x16xi32> to vector<16xi32>
      %get3A_224 = arith.index_cast %scan3A_102 : i32 to index
      %get3A_225 = arith.constant 112 : index
      %get3A_226 = tpu.vector_load %arg8[%get3A_224, %get3A_225] {strides = array<i32>} : memref<160x128xi32, #tpu.memory_space<vmem>>, vector<1x16xi32>,
      %get3A_227 = vector.shape_cast %get3A_226 : vector<1x16xi32> to vector<16xi32>
      %eq3A_228 = arith.cmpi eq, %get3A_223, %get3A_227 : vector<16xi32>
      %broadcast_in_dim3A_229 = arith.constant 10000 : i32
      %broadcast_in_dim3A_230 = vector.broadcast %broadcast_in_dim3A_229 : i32 to vector<16xi32>
      %select_n3A_231 = arith.select %eq3A_228, %broadcast_in_dim3A_230, %get3A_223 : vector<16xi1>, vector<16xi32>
      %swap3A_232 = arith.index_cast %scan3A_102 : i32 to index
      %swap3A_233 = arith.constant 112 : index
      %swap3A_234 = tpu.vector_load %arg11[%swap3A_232, %swap3A_233] {strides = array<i32>} : memref<40x128xi32, #tpu.memory_space<vmem>>, vector<1x16xi32>,
      %swap3A_235 = vector.shape_cast %swap3A_234 : vector<1x16xi32> to vector<16xi32>
      %swap3A_236 = vector.shape_cast %select_n3A_231 : vector<16xi32> to vector<1x16xi32>
      tpu.vector_store %arg11[%swap3A_232, %swap3A_233], %swap3A_236 {strides = array<i32>} : memref<40x128xi32, #tpu.memory_space<vmem>>, vector<1x16xi32>,
      %dma_start3A = arith.constant 0 : i32
      %dma_start3A_237 = tpu.memref_slice %arg11[%scan3A_102, %dma_start3A] : memref<40x128xi32, #tpu.memory_space<vmem>> -> memref<1x128xi32, #tpu.memory_space<vmem>>
      %dma_start3A_238 = tpu.memref_squeeze %dma_start3A_237 : memref<1x128xi32, #tpu.memory_space<vmem>> -> memref<128xi32, #tpu.memory_space<vmem>>
      %dma_start3A_239 = arith.constant 0 : i32
      %dma_start3A_240 = tpu.memref_slice %arg14[%dma_start3A_239] : memref<10240xf32, #tpu.memory_space<vmem_shared>> -> memref<10240xf32, #tpu.memory_space<vmem_shared>>
      tpu.enqueue_indirect_dma source(%arg12 : memref<128xf32, #tpu.memory_space<vmem>>) target(%dma_start3A_240 : memref<10240xf32, #tpu.memory_space<vmem_shared>>) offsets(%dma_start3A_238 : memref<128xi32, #tpu.memory_space<vmem>>) semaphore(%arg15 : memref<!tpu.dma_semaphore, #tpu.memory_space<semaphore_mem>>) {add = true}
      %scan3A_241 = arith.constant 0 : i32
      scf.yield %scan3A_241 : i32
    }
    %scan3A_26 = arith.constant 40 : i32
    %scan3A_27 = arith.constant 0 : i32
    %scan3A_28 = arith.constant 0 : i32
    %scan3A_29 = arith.constant 40 : i32
    %scan3A_30 = arith.addi %scan3A_28, %scan3A_29 : i32
    %scan3A_31 = arith.constant 1 : i32
    %scan3A_32 = scf.for %scan3A_102 = %scan3A_28 to %scan3A_30 step %scan3A_31 iter_args(%scan3A_103 = %scan3A_27) -> (i32)  : i32 {
      %dma_wait3A = arith.constant 0 : i32
      %dma_wait3A_104 = tpu.memref_slice %arg11[%scan3A_102, %dma_wait3A] : memref<40x128xi32, #tpu.memory_space<vmem>> -> memref<1x128xi32, #tpu.memory_space<vmem>>
      %dma_wait3A_105 = tpu.memref_squeeze %dma_wait3A_104 : memref<1x128xi32, #tpu.memory_space<vmem>> -> memref<128xi32, #tpu.memory_space<vmem>>
      %dma_wait3A_106 = arith.constant 0 : i32
      %dma_wait3A_107 = tpu.memref_slice %arg14[%dma_wait3A_106] : memref<10240xf32, #tpu.memory_space<vmem_shared>> -> memref<10240xf32, #tpu.memory_space<vmem_shared>>
      tpu.wait_indirect_dma semaphore(%arg15 : memref<!tpu.dma_semaphore, #tpu.memory_space<semaphore_mem>>) src(%arg12 : memref<128xf32, #tpu.memory_space<vmem>>) dst(%dma_wait3A_107 : memref<10240xf32, #tpu.memory_space<vmem_shared>>)
      %scan3A_108 = arith.constant 0 : i32
      scf.yield %scan3A_108 : i32
    }
    %scan3A_33 = arith.constant 40 : i32
    %barrier3A_34 = arith.constant 0 : index
    tpu.barrier barrier_id(%barrier3A_34)
    %mul3A_35 = arith.constant 640 : i32
    %mul3A_36 = arith.muli %arg1, %mul3A_35 : i32
    %mul3A_37 = arith.constant 640 : i32
    %mul3A_38 = arith.muli %arg1, %mul3A_37 : i32
    %run_scoped3A = arith.constant 0 : i32
    "tpu.region"() ({
      %run_scoped3A_102 = tpu.sem_alloc : memref<!tpu.dma_semaphore, #tpu.memory_space<semaphore_mem>>
      %dma_start3A = tpu.memref_slice %arg4[%arg0, %run_scoped3A, %mul3A_38] : memref<2x1x10240xf32, #tpu.memory_space<hbm>> -> memref<1x1x640xf32, #tpu.memory_space<hbm>>
      %dma_start3A_103 = tpu.memref_squeeze %dma_start3A : memref<1x1x640xf32, #tpu.memory_space<hbm>> -> memref<640xf32, #tpu.memory_space<hbm>>
      %dma_start3A_104 = tpu.memref_slice %arg14[%mul3A_36] : memref<10240xf32, #tpu.memory_space<vmem_shared>> -> memref<640xf32, #tpu.memory_space<vmem_shared>>
      tpu.enqueue_dma source(%dma_start3A_104 : memref<640xf32, #tpu.memory_space<vmem_shared>>) target(%dma_start3A_103 : memref<640xf32, #tpu.memory_space<hbm>>) target_semaphore(%run_scoped3A_102 : memref<!tpu.dma_semaphore, #tpu.memory_space<semaphore_mem>>)
      %dma_wait3A = tpu.memref_slice %arg4[%arg0, %run_scoped3A, %mul3A_38] : memref<2x1x10240xf32, #tpu.memory_space<hbm>> -> memref<1x1x640xf32, #tpu.memory_space<hbm>>
      %dma_wait3A_105 = tpu.memref_squeeze %dma_wait3A : memref<1x1x640xf32, #tpu.memory_space<hbm>> -> memref<640xf32, #tpu.memory_space<hbm>>
      %dma_wait3A_106 = tpu.memref_slice %arg14[%mul3A_36] : memref<10240xf32, #tpu.memory_space<vmem_shared>> -> memref<640xf32, #tpu.memory_space<vmem_shared>>
      tpu.wait_dma2 semaphore(%run_scoped3A_102 : memref<!tpu.dma_semaphore, #tpu.memory_space<semaphore_mem>>) src(%dma_wait3A_106 : memref<640xf32, #tpu.memory_space<vmem_shared>>) dst(%dma_wait3A_105 : memref<640xf32, #tpu.memory_space<hbm>>)
      tpu.yield
    }) : () -> ()
    %jit3A = arith.constant 8 : i32
    %div3A = arith.divsi %add3A, %jit3A : i32
    %sign3A = arith.constant 0 : i32
    %sign3A_39 = arith.cmpi sgt, %add3A, %sign3A : i32
    %sign3A_40 = arith.extui %sign3A_39 : i1 to i32
    %sign3A_41 = arith.constant 0 : i32
    %sign3A_42 = arith.cmpi slt, %add3A, %sign3A_41 : i32
    %sign3A_43 = arith.extui %sign3A_42 : i1 to i32
    %sign3A_44 = arith.subi %sign3A_40, %sign3A_43 : i32
    %sign3A_45 = arith.constant 0 : i32
    %sign3A_46 = arith.cmpi sgt, %jit3A, %sign3A_45 : i32
    %sign3A_47 = arith.extui %sign3A_46 : i1 to i32
    %sign3A_48 = arith.constant 0 : i32
    %sign3A_49 = arith.cmpi slt, %jit3A, %sign3A_48 : i32
    %sign3A_50 = arith.extui %sign3A_49 : i1 to i32
    %sign3A_51 = arith.subi %sign3A_47, %sign3A_50 : i32
    %ne3A = arith.cmpi ne, %sign3A_44, %sign3A_51 : i32
    %rem3A = arith.remsi %add3A, %jit3A : i32
    %ne3A_52 = arith.constant 0 : i32
    %ne3A_53 = arith.cmpi ne, %rem3A, %ne3A_52 : i32
    %and3A = arith.andi %ne3A, %ne3A_53 : i1
    %sub3A = arith.constant 1 : i32
    %sub3A_54 = arith.subi %div3A, %sub3A : i32
    %select_n3A = arith.select %and3A, %sub3A_54, %div3A : i32
    %jit3A_55 = arith.constant 8 : i32
    %eq3A = arith.constant 0 : i32
    %eq3A_56 = arith.cmpi eq, %jit3A_55, %eq3A : i32
    %jit3A_57 = arith.constant 1 : i32
    %select_n3A_58 = arith.select %eq3A_56, %jit3A_57, %jit3A_55 : i32
    %rem3A_59 = arith.remsi %add3A, %select_n3A_58 : i32
    %ne3A_60 = arith.constant 0 : i32
    %ne3A_61 = arith.cmpi ne, %rem3A_59, %ne3A_60 : i32
    %lt3A = arith.constant 0 : i32
    %lt3A_62 = arith.cmpi slt, %rem3A_59, %lt3A : i32
    %lt3A_63 = arith.constant 0 : i32
    %lt3A_64 = arith.cmpi slt, %select_n3A_58, %lt3A_63 : i32
    %ne3A_65 = arith.xori %lt3A_62, %lt3A_64 : i1
    %and3A_66 = arith.andi %ne3A_65, %ne3A_61 : i1
    %add3A_67 = arith.addi %rem3A_59, %select_n3A_58 : i32
    %select_n3A_68 = arith.select %and3A_66, %add3A_67, %rem3A_59 : i32
    %jit3A_69 = arith.constant 2 : i32
    %eq3A_70 = arith.constant 0 : i32
    %eq3A_71 = arith.cmpi eq, %jit3A_69, %eq3A_70 : i32
    %jit3A_72 = arith.constant 1 : i32
    %select_n3A_73 = arith.select %eq3A_71, %jit3A_72, %jit3A_69 : i32
    %rem3A_74 = arith.remsi %select_n3A, %select_n3A_73 : i32
    %ne3A_75 = arith.constant 0 : i32
    %ne3A_76 = arith.cmpi ne, %rem3A_74, %ne3A_75 : i32
    %lt3A_77 = arith.constant 0 : i32
    %lt3A_78 = arith.cmpi slt, %rem3A_74, %lt3A_77 : i32
    %lt3A_79 = arith.constant 0 : i32
    %lt3A_80 = arith.cmpi slt, %select_n3A_73, %lt3A_79 : i32
    %ne3A_81 = arith.xori %lt3A_78, %lt3A_80 : i1
    %and3A_82 = arith.andi %ne3A_81, %ne3A_76 : i1
    %add3A_83 = arith.addi %rem3A_74, %select_n3A_73 : i32
    %select_n3A_84 = arith.select %and3A_82, %add3A_83, %rem3A_74 : i32
    %mul3A_85 = arith.constant 10000 : i32
    %mul3A_86 = arith.muli %select_n3A_84, %mul3A_85 : i32
    %mul3A_87 = arith.constant 160 : i32
    %mul3A_88 = arith.muli %select_n3A_68, %mul3A_87 : i32
    "tpu.region"() ({
      %run_scoped3A_102 = tpu.sem_alloc : memref<!tpu.dma_semaphore, #tpu.memory_space<semaphore_mem>>
      %dma_start3A = arith.constant 0 : i32
      %dma_start3A_103 = tpu.memref_slice %arg2[%mul3A_88, %dma_start3A] : memref<1280x128xi32, #tpu.memory_space<hbm>> -> memref<160x128xi32, #tpu.memory_space<hbm>>
      %dma_start3A_104 = arith.constant 0 : i32
      %dma_start3A_105 = tpu.memref_slice %arg2[%mul3A_88, %dma_start3A_104] : memref<1280x128xi32, #tpu.memory_space<hbm>> -> memref<160x128xi32, #tpu.memory_space<hbm>>
      tpu.enqueue_dma source(%dma_start3A_105 : memref<160x128xi32, #tpu.memory_space<hbm>>) target(%arg7 : memref<160x128xi32, #tpu.memory_space<vmem>>) target_semaphore(%run_scoped3A_102 : memref<!tpu.dma_semaphore, #tpu.memory_space<semaphore_mem>>)
      %dma_wait3A = arith.constant 0 : i32
      %dma_wait3A_106 = tpu.memref_slice %arg2[%mul3A_88, %dma_wait3A] : memref<1280x128xi32, #tpu.memory_space<hbm>> -> memref<160x128xi32, #tpu.memory_space<hbm>>
      %dma_wait3A_107 = arith.constant 0 : i32
      %dma_wait3A_108 = tpu.memref_slice %arg2[%mul3A_88, %dma_wait3A_107] : memref<1280x128xi32, #tpu.memory_space<hbm>> -> memref<160x128xi32, #tpu.memory_space<hbm>>
      tpu.wait_dma2 semaphore(%run_scoped3A_102 : memref<!tpu.dma_semaphore, #tpu.memory_space<semaphore_mem>>) src(%dma_wait3A_108 : memref<160x128xi32, #tpu.memory_space<hbm>>) dst(%arg7 : memref<160x128xi32, #tpu.memory_space<vmem>>)
      tpu.yield
    }) : () -> ()
    %mul3A_89 = arith.constant 160 : i32
    %mul3A_90 = arith.muli %select_n3A_68, %mul3A_89 : i32
    "tpu.region"() ({
      %run_scoped3A_102 = tpu.sem_alloc : memref<!tpu.dma_semaphore, #tpu.memory_space<semaphore_mem>>
      %dma_start3A = arith.constant 0 : i32
      %dma_start3A_103 = tpu.memref_slice %arg3[%mul3A_90, %dma_start3A] : memref<1280x128xi32, #tpu.memory_space<hbm>> -> memref<160x128xi32, #tpu.memory_space<hbm>>
      %dma_start3A_104 = arith.constant 0 : i32
      %dma_start3A_105 = tpu.memref_slice %arg3[%mul3A_90, %dma_start3A_104] : memref<1280x128xi32, #tpu.memory_space<hbm>> -> memref<160x128xi32, #tpu.memory_space<hbm>>
      tpu.enqueue_dma source(%dma_start3A_105 : memref<160x128xi32, #tpu.memory_space<hbm>>) target(%arg8 : memref<160x128xi32, #tpu.memory_space<vmem>>) target_semaphore(%run_scoped3A_102 : memref<!tpu.dma_semaphore, #tpu.memory_space<semaphore_mem>>)
      %dma_wait3A = arith.constant 0 : i32
      %dma_wait3A_106 = tpu.memref_slice %arg3[%mul3A_90, %dma_wait3A] : memref<1280x128xi32, #tpu.memory_space<hbm>> -> memref<160x128xi32, #tpu.memory_space<hbm>>
      %dma_wait3A_107 = arith.constant 0 : i32
      %dma_wait3A_108 = tpu.memref_slice %arg3[%mul3A_90, %dma_wait3A_107] : memref<1280x128xi32, #tpu.memory_space<hbm>> -> memref<160x128xi32, #tpu.memory_space<hbm>>
      tpu.wait_dma2 semaphore(%run_scoped3A_102 : memref<!tpu.dma_semaphore, #tpu.memory_space<semaphore_mem>>) src(%dma_wait3A_108 : memref<160x128xi32, #tpu.memory_space<hbm>>) dst(%arg8 : memref<160x128xi32, #tpu.memory_space<vmem>>)
      tpu.yield
    }) : () -> ()
    %scan3A_91 = arith.constant 0 : i32
    %scan3A_92 = arith.constant 0 : i32
    %scan3A_93 = arith.constant 160 : i32
    %scan3A_94 = arith.addi %scan3A_92, %scan3A_93 : i32
    %scan3A_95 = arith.constant 1 : i32
    %scan3A_96 = scf.for %scan3A_102 = %scan3A_92 to %scan3A_94 step %scan3A_95 iter_args(%scan3A_103 = %scan3A_91) -> (i32)  : i32 {
      %get3A = arith.index_cast %scan3A_102 : i32 to index
      %get3A_104 = arith.constant 0 : index
      %get3A_105 = tpu.vector_load %arg7[%get3A, %get3A_104] {strides = array<i32>} : memref<160x128xi32, #tpu.memory_space<vmem>>, vector<1x16xi32>,
      %get3A_106 = vector.shape_cast %get3A_105 : vector<1x16xi32> to vector<16xi32>
      %get3A_107 = arith.index_cast %scan3A_102 : i32 to index
      %get3A_108 = arith.constant 0 : index
      %get3A_109 = tpu.vector_load %arg8[%get3A_107, %get3A_108] {strides = array<i32>} : memref<160x128xi32, #tpu.memory_space<vmem>>, vector<1x16xi32>,
      %get3A_110 = vector.shape_cast %get3A_109 : vector<1x16xi32> to vector<16xi32>
      %add3A_111 = vector.broadcast %mul3A_86 : i32 to vector<16xi32>
      %add3A_112 = arith.addi %get3A_106, %add3A_111 : vector<16xi32>
      %swap3A = arith.index_cast %scan3A_102 : i32 to index
      %swap3A_113 = arith.constant 0 : index
      %swap3A_114 = tpu.vector_load %arg9[%swap3A, %swap3A_113] {strides = array<i32>} : memref<160x128xi32, #tpu.memory_space<vmem>>, vector<1x16xi32>,
      %swap3A_115 = vector.shape_cast %swap3A_114 : vector<1x16xi32> to vector<16xi32>
      %swap3A_116 = vector.shape_cast %add3A_112 : vector<16xi32> to vector<1x16xi32>
      tpu.vector_store %arg9[%swap3A, %swap3A_113], %swap3A_116 {strides = array<i32>} : memref<160x128xi32, #tpu.memory_space<vmem>>, vector<1x16xi32>,
      %eq3A_117 = arith.cmpi eq, %get3A_106, %get3A_110 : vector<16xi32>
      %broadcast_in_dim3A = arith.constant 20000 : i32
      %broadcast_in_dim3A_118 = vector.broadcast %broadcast_in_dim3A : i32 to vector<16xi32>
      %add3A_119 = vector.broadcast %mul3A_86 : i32 to vector<16xi32>
      %add3A_120 = arith.addi %get3A_110, %add3A_119 : vector<16xi32>
      %select_n3A_121 = arith.select %eq3A_117, %broadcast_in_dim3A_118, %add3A_120 : vector<16xi1>, vector<16xi32>
      %swap3A_122 = arith.index_cast %scan3A_102 : i32 to index
      %swap3A_123 = arith.constant 0 : index
      %swap3A_124 = tpu.vector_load %arg10[%swap3A_122, %swap3A_123] {strides = array<i32>} : memref<160x128xi32, #tpu.memory_space<vmem>>, vector<1x16xi32>,
      %swap3A_125 = vector.shape_cast %swap3A_124 : vector<1x16xi32> to vector<16xi32>
      %swap3A_126 = vector.shape_cast %select_n3A_121 : vector<16xi32> to vector<1x16xi32>
      tpu.vector_store %arg10[%swap3A_122, %swap3A_123], %swap3A_126 {strides = array<i32>} : memref<160x128xi32, #tpu.memory_space<vmem>>, vector<1x16xi32>,
      %get3A_127 = arith.index_cast %scan3A_102 : i32 to index
      %get3A_128 = arith.constant 16 : index
      %get3A_129 = tpu.vector_load %arg7[%get3A_127, %get3A_128] {strides = array<i32>} : memref<160x128xi32, #tpu.memory_space<vmem>>, vector<1x16xi32>,
      %get3A_130 = vector.shape_cast %get3A_129 : vector<1x16xi32> to vector<16xi32>
      %get3A_131 = arith.index_cast %scan3A_102 : i32 to index
      %get3A_132 = arith.constant 16 : index
      %get3A_133 = tpu.vector_load %arg8[%get3A_131, %get3A_132] {strides = array<i32>} : memref<160x128xi32, #tpu.memory_space<vmem>>, vector<1x16xi32>,
      %get3A_134 = vector.shape_cast %get3A_133 : vector<1x16xi32> to vector<16xi32>
      %add3A_135 = vector.broadcast %mul3A_86 : i32 to vector<16xi32>
      %add3A_136 = arith.addi %get3A_130, %add3A_135 : vector<16xi32>
      %swap3A_137 = arith.index_cast %scan3A_102 : i32 to index
      %swap3A_138 = arith.constant 16 : index
      %swap3A_139 = tpu.vector_load %arg9[%swap3A_137, %swap3A_138] {strides = array<i32>} : memref<160x128xi32, #tpu.memory_space<vmem>>, vector<1x16xi32>,
      %swap3A_140 = vector.shape_cast %swap3A_139 : vector<1x16xi32> to vector<16xi32>
      %swap3A_141 = vector.shape_cast %add3A_136 : vector<16xi32> to vector<1x16xi32>
      tpu.vector_store %arg9[%swap3A_137, %swap3A_138], %swap3A_141 {strides = array<i32>} : memref<160x128xi32, #tpu.memory_space<vmem>>, vector<1x16xi32>,
      %eq3A_142 = arith.cmpi eq, %get3A_130, %get3A_134 : vector<16xi32>
      %broadcast_in_dim3A_143 = arith.constant 20000 : i32
      %broadcast_in_dim3A_144 = vector.broadcast %broadcast_in_dim3A_143 : i32 to vector<16xi32>
      %add3A_145 = vector.broadcast %mul3A_86 : i32 to vector<16xi32>
      %add3A_146 = arith.addi %get3A_134, %add3A_145 : vector<16xi32>
      %select_n3A_147 = arith.select %eq3A_142, %broadcast_in_dim3A_144, %add3A_146 : vector<16xi1>, vector<16xi32>
      %swap3A_148 = arith.index_cast %scan3A_102 : i32 to index
      %swap3A_149 = arith.constant 16 : index
      %swap3A_150 = tpu.vector_load %arg10[%swap3A_148, %swap3A_149] {strides = array<i32>} : memref<160x128xi32, #tpu.memory_space<vmem>>, vector<1x16xi32>,
      %swap3A_151 = vector.shape_cast %swap3A_150 : vector<1x16xi32> to vector<16xi32>
      %swap3A_152 = vector.shape_cast %select_n3A_147 : vector<16xi32> to vector<1x16xi32>
      tpu.vector_store %arg10[%swap3A_148, %swap3A_149], %swap3A_152 {strides = array<i32>} : memref<160x128xi32, #tpu.memory_space<vmem>>, vector<1x16xi32>,
      %get3A_153 = arith.index_cast %scan3A_102 : i32 to index
      %get3A_154 = arith.constant 32 : index
      %get3A_155 = tpu.vector_load %arg7[%get3A_153, %get3A_154] {strides = array<i32>} : memref<160x128xi32, #tpu.memory_space<vmem>>, vector<1x16xi32>,
      %get3A_156 = vector.shape_cast %get3A_155 : vector<1x16xi32> to vector<16xi32>
      %get3A_157 = arith.index_cast %scan3A_102 : i32 to index
      %get3A_158 = arith.constant 32 : index
      %get3A_159 = tpu.vector_load %arg8[%get3A_157, %get3A_158] {strides = array<i32>} : memref<160x128xi32, #tpu.memory_space<vmem>>, vector<1x16xi32>,
      %get3A_160 = vector.shape_cast %get3A_159 : vector<1x16xi32> to vector<16xi32>
      %add3A_161 = vector.broadcast %mul3A_86 : i32 to vector<16xi32>
      %add3A_162 = arith.addi %get3A_156, %add3A_161 : vector<16xi32>
      %swap3A_163 = arith.index_cast %scan3A_102 : i32 to index
      %swap3A_164 = arith.constant 32 : index
      %swap3A_165 = tpu.vector_load %arg9[%swap3A_163, %swap3A_164] {strides = array<i32>} : memref<160x128xi32, #tpu.memory_space<vmem>>, vector<1x16xi32>,
      %swap3A_166 = vector.shape_cast %swap3A_165 : vector<1x16xi32> to vector<16xi32>
      %swap3A_167 = vector.shape_cast %add3A_162 : vector<16xi32> to vector<1x16xi32>
      tpu.vector_store %arg9[%swap3A_163, %swap3A_164], %swap3A_167 {strides = array<i32>} : memref<160x128xi32, #tpu.memory_space<vmem>>, vector<1x16xi32>,
      %eq3A_168 = arith.cmpi eq, %get3A_156, %get3A_160 : vector<16xi32>
      %broadcast_in_dim3A_169 = arith.constant 20000 : i32
      %broadcast_in_dim3A_170 = vector.broadcast %broadcast_in_dim3A_169 : i32 to vector<16xi32>
      %add3A_171 = vector.broadcast %mul3A_86 : i32 to vector<16xi32>
      %add3A_172 = arith.addi %get3A_160, %add3A_171 : vector<16xi32>
      %select_n3A_173 = arith.select %eq3A_168, %broadcast_in_dim3A_170, %add3A_172 : vector<16xi1>, vector<16xi32>
      %swap3A_174 = arith.index_cast %scan3A_102 : i32 to index
      %swap3A_175 = arith.constant 32 : index
      %swap3A_176 = tpu.vector_load %arg10[%swap3A_174, %swap3A_175] {strides = array<i32>} : memref<160x128xi32, #tpu.memory_space<vmem>>, vector<1x16xi32>,
      %swap3A_177 = vector.shape_cast %swap3A_176 : vector<1x16xi32> to vector<16xi32>
      %swap3A_178 = vector.shape_cast %select_n3A_173 : vector<16xi32> to vector<1x16xi32>
      tpu.vector_store %arg10[%swap3A_174, %swap3A_175], %swap3A_178 {strides = array<i32>} : memref<160x128xi32, #tpu.memory_space<vmem>>, vector<1x16xi32>,
      %get3A_179 = arith.index_cast %scan3A_102 : i32 to index
      %get3A_180 = arith.constant 48 : index
      %get3A_181 = tpu.vector_load %arg7[%get3A_179, %get3A_180] {strides = array<i32>} : memref<160x128xi32, #tpu.memory_space<vmem>>, vector<1x16xi32>,
      %get3A_182 = vector.shape_cast %get3A_181 : vector<1x16xi32> to vector<16xi32>
      %get3A_183 = arith.index_cast %scan3A_102 : i32 to index
      %get3A_184 = arith.constant 48 : index
      %get3A_185 = tpu.vector_load %arg8[%get3A_183, %get3A_184] {strides = array<i32>} : memref<160x128xi32, #tpu.memory_space<vmem>>, vector<1x16xi32>,
      %get3A_186 = vector.shape_cast %get3A_185 : vector<1x16xi32> to vector<16xi32>
      %add3A_187 = vector.broadcast %mul3A_86 : i32 to vector<16xi32>
      %add3A_188 = arith.addi %get3A_182, %add3A_187 : vector<16xi32>
      %swap3A_189 = arith.index_cast %scan3A_102 : i32 to index
      %swap3A_190 = arith.constant 48 : index
      %swap3A_191 = tpu.vector_load %arg9[%swap3A_189, %swap3A_190] {strides = array<i32>} : memref<160x128xi32, #tpu.memory_space<vmem>>, vector<1x16xi32>,
      %swap3A_192 = vector.shape_cast %swap3A_191 : vector<1x16xi32> to vector<16xi32>
      %swap3A_193 = vector.shape_cast %add3A_188 : vector<16xi32> to vector<1x16xi32>
      tpu.vector_store %arg9[%swap3A_189, %swap3A_190], %swap3A_193 {strides = array<i32>} : memref<160x128xi32, #tpu.memory_space<vmem>>, vector<1x16xi32>,
      %eq3A_194 = arith.cmpi eq, %get3A_182, %get3A_186 : vector<16xi32>
      %broadcast_in_dim3A_195 = arith.constant 20000 : i32
      %broadcast_in_dim3A_196 = vector.broadcast %broadcast_in_dim3A_195 : i32 to vector<16xi32>
      %add3A_197 = vector.broadcast %mul3A_86 : i32 to vector<16xi32>
      %add3A_198 = arith.addi %get3A_186, %add3A_197 : vector<16xi32>
      %select_n3A_199 = arith.select %eq3A_194, %broadcast_in_dim3A_196, %add3A_198 : vector<16xi1>, vector<16xi32>
      %swap3A_200 = arith.index_cast %scan3A_102 : i32 to index
      %swap3A_201 = arith.constant 48 : index
      %swap3A_202 = tpu.vector_load %arg10[%swap3A_200, %swap3A_201] {strides = array<i32>} : memref<160x128xi32, #tpu.memory_space<vmem>>, vector<1x16xi32>,
      %swap3A_203 = vector.shape_cast %swap3A_202 : vector<1x16xi32> to vector<16xi32>
      %swap3A_204 = vector.shape_cast %select_n3A_199 : vector<16xi32> to vector<1x16xi32>
      tpu.vector_store %arg10[%swap3A_200, %swap3A_201], %swap3A_204 {strides = array<i32>} : memref<160x128xi32, #tpu.memory_space<vmem>>, vector<1x16xi32>,
      %get3A_205 = arith.index_cast %scan3A_102 : i32 to index
      %get3A_206 = arith.constant 64 : index
      %get3A_207 = tpu.vector_load %arg7[%get3A_205, %get3A_206] {strides = array<i32>} : memref<160x128xi32, #tpu.memory_space<vmem>>, vector<1x16xi32>,
      %get3A_208 = vector.shape_cast %get3A_207 : vector<1x16xi32> to vector<16xi32>
      %get3A_209 = arith.index_cast %scan3A_102 : i32 to index
      %get3A_210 = arith.constant 64 : index
      %get3A_211 = tpu.vector_load %arg8[%get3A_209, %get3A_210] {strides = array<i32>} : memref<160x128xi32, #tpu.memory_space<vmem>>, vector<1x16xi32>,
      %get3A_212 = vector.shape_cast %get3A_211 : vector<1x16xi32> to vector<16xi32>
      %add3A_213 = vector.broadcast %mul3A_86 : i32 to vector<16xi32>
      %add3A_214 = arith.addi %get3A_208, %add3A_213 : vector<16xi32>
      %swap3A_215 = arith.index_cast %scan3A_102 : i32 to index
      %swap3A_216 = arith.constant 64 : index
      %swap3A_217 = tpu.vector_load %arg9[%swap3A_215, %swap3A_216] {strides = array<i32>} : memref<160x128xi32, #tpu.memory_space<vmem>>, vector<1x16xi32>,
      %swap3A_218 = vector.shape_cast %swap3A_217 : vector<1x16xi32> to vector<16xi32>
      %swap3A_219 = vector.shape_cast %add3A_214 : vector<16xi32> to vector<1x16xi32>
      tpu.vector_store %arg9[%swap3A_215, %swap3A_216], %swap3A_219 {strides = array<i32>} : memref<160x128xi32, #tpu.memory_space<vmem>>, vector<1x16xi32>,
      %eq3A_220 = arith.cmpi eq, %get3A_208, %get3A_212 : vector<16xi32>
      %broadcast_in_dim3A_221 = arith.constant 20000 : i32
      %broadcast_in_dim3A_222 = vector.broadcast %broadcast_in_dim3A_221 : i32 to vector<16xi32>
      %add3A_223 = vector.broadcast %mul3A_86 : i32 to vector<16xi32>
      %add3A_224 = arith.addi %get3A_212, %add3A_223 : vector<16xi32>
      %select_n3A_225 = arith.select %eq3A_220, %broadcast_in_dim3A_222, %add3A_224 : vector<16xi1>, vector<16xi32>
      %swap3A_226 = arith.index_cast %scan3A_102 : i32 to index
      %swap3A_227 = arith.constant 64 : index
      %swap3A_228 = tpu.vector_load %arg10[%swap3A_226, %swap3A_227] {strides = array<i32>} : memref<160x128xi32, #tpu.memory_space<vmem>>, vector<1x16xi32>,
      %swap3A_229 = vector.shape_cast %swap3A_228 : vector<1x16xi32> to vector<16xi32>
      %swap3A_230 = vector.shape_cast %select_n3A_225 : vector<16xi32> to vector<1x16xi32>
      tpu.vector_store %arg10[%swap3A_226, %swap3A_227], %swap3A_230 {strides = array<i32>} : memref<160x128xi32, #tpu.memory_space<vmem>>, vector<1x16xi32>,
      %get3A_231 = arith.index_cast %scan3A_102 : i32 to index
      %get3A_232 = arith.constant 80 : index
      %get3A_233 = tpu.vector_load %arg7[%get3A_231, %get3A_232] {strides = array<i32>} : memref<160x128xi32, #tpu.memory_space<vmem>>, vector<1x16xi32>,
      %get3A_234 = vector.shape_cast %get3A_233 : vector<1x16xi32> to vector<16xi32>
      %get3A_235 = arith.index_cast %scan3A_102 : i32 to index
      %get3A_236 = arith.constant 80 : index
      %get3A_237 = tpu.vector_load %arg8[%get3A_235, %get3A_236] {strides = array<i32>} : memref<160x128xi32, #tpu.memory_space<vmem>>, vector<1x16xi32>,
      %get3A_238 = vector.shape_cast %get3A_237 : vector<1x16xi32> to vector<16xi32>
      %add3A_239 = vector.broadcast %mul3A_86 : i32 to vector<16xi32>
      %add3A_240 = arith.addi %get3A_234, %add3A_239 : vector<16xi32>
      %swap3A_241 = arith.index_cast %scan3A_102 : i32 to index
      %swap3A_242 = arith.constant 80 : index
      %swap3A_243 = tpu.vector_load %arg9[%swap3A_241, %swap3A_242] {strides = array<i32>} : memref<160x128xi32, #tpu.memory_space<vmem>>, vector<1x16xi32>,
      %swap3A_244 = vector.shape_cast %swap3A_243 : vector<1x16xi32> to vector<16xi32>
      %swap3A_245 = vector.shape_cast %add3A_240 : vector<16xi32> to vector<1x16xi32>
      tpu.vector_store %arg9[%swap3A_241, %swap3A_242], %swap3A_245 {strides = array<i32>} : memref<160x128xi32, #tpu.memory_space<vmem>>, vector<1x16xi32>,
      %eq3A_246 = arith.cmpi eq, %get3A_234, %get3A_238 : vector<16xi32>
      %broadcast_in_dim3A_247 = arith.constant 20000 : i32
      %broadcast_in_dim3A_248 = vector.broadcast %broadcast_in_dim3A_247 : i32 to vector<16xi32>
      %add3A_249 = vector.broadcast %mul3A_86 : i32 to vector<16xi32>
      %add3A_250 = arith.addi %get3A_238, %add3A_249 : vector<16xi32>
      %select_n3A_251 = arith.select %eq3A_246, %broadcast_in_dim3A_248, %add3A_250 : vector<16xi1>, vector<16xi32>
      %swap3A_252 = arith.index_cast %scan3A_102 : i32 to index
      %swap3A_253 = arith.constant 80 : index
      %swap3A_254 = tpu.vector_load %arg10[%swap3A_252, %swap3A_253] {strides = array<i32>} : memref<160x128xi32, #tpu.memory_space<vmem>>, vector<1x16xi32>,
      %swap3A_255 = vector.shape_cast %swap3A_254 : vector<1x16xi32> to vector<16xi32>
      %swap3A_256 = vector.shape_cast %select_n3A_251 : vector<16xi32> to vector<1x16xi32>
      tpu.vector_store %arg10[%swap3A_252, %swap3A_253], %swap3A_256 {strides = array<i32>} : memref<160x128xi32, #tpu.memory_space<vmem>>, vector<1x16xi32>,
      %get3A_257 = arith.index_cast %scan3A_102 : i32 to index
      %get3A_258 = arith.constant 96 : index
      %get3A_259 = tpu.vector_load %arg7[%get3A_257, %get3A_258] {strides = array<i32>} : memref<160x128xi32, #tpu.memory_space<vmem>>, vector<1x16xi32>,
      %get3A_260 = vector.shape_cast %get3A_259 : vector<1x16xi32> to vector<16xi32>
      %get3A_261 = arith.index_cast %scan3A_102 : i32 to index
      %get3A_262 = arith.constant 96 : index
      %get3A_263 = tpu.vector_load %arg8[%get3A_261, %get3A_262] {strides = array<i32>} : memref<160x128xi32, #tpu.memory_space<vmem>>, vector<1x16xi32>,
      %get3A_264 = vector.shape_cast %get3A_263 : vector<1x16xi32> to vector<16xi32>
      %add3A_265 = vector.broadcast %mul3A_86 : i32 to vector<16xi32>
      %add3A_266 = arith.addi %get3A_260, %add3A_265 : vector<16xi32>
      %swap3A_267 = arith.index_cast %scan3A_102 : i32 to index
      %swap3A_268 = arith.constant 96 : index
      %swap3A_269 = tpu.vector_load %arg9[%swap3A_267, %swap3A_268] {strides = array<i32>} : memref<160x128xi32, #tpu.memory_space<vmem>>, vector<1x16xi32>,
      %swap3A_270 = vector.shape_cast %swap3A_269 : vector<1x16xi32> to vector<16xi32>
      %swap3A_271 = vector.shape_cast %add3A_266 : vector<16xi32> to vector<1x16xi32>
      tpu.vector_store %arg9[%swap3A_267, %swap3A_268], %swap3A_271 {strides = array<i32>} : memref<160x128xi32, #tpu.memory_space<vmem>>, vector<1x16xi32>,
      %eq3A_272 = arith.cmpi eq, %get3A_260, %get3A_264 : vector<16xi32>
      %broadcast_in_dim3A_273 = arith.constant 20000 : i32
      %broadcast_in_dim3A_274 = vector.broadcast %broadcast_in_dim3A_273 : i32 to vector<16xi32>
      %add3A_275 = vector.broadcast %mul3A_86 : i32 to vector<16xi32>
      %add3A_276 = arith.addi %get3A_264, %add3A_275 : vector<16xi32>
      %select_n3A_277 = arith.select %eq3A_272, %broadcast_in_dim3A_274, %add3A_276 : vector<16xi1>, vector<16xi32>
      %swap3A_278 = arith.index_cast %scan3A_102 : i32 to index
      %swap3A_279 = arith.constant 96 : index
      %swap3A_280 = tpu.vector_load %arg10[%swap3A_278, %swap3A_279] {strides = array<i32>} : memref<160x128xi32, #tpu.memory_space<vmem>>, vector<1x16xi32>,
      %swap3A_281 = vector.shape_cast %swap3A_280 : vector<1x16xi32> to vector<16xi32>
      %swap3A_282 = vector.shape_cast %select_n3A_277 : vector<16xi32> to vector<1x16xi32>
      tpu.vector_store %arg10[%swap3A_278, %swap3A_279], %swap3A_282 {strides = array<i32>} : memref<160x128xi32, #tpu.memory_space<vmem>>, vector<1x16xi32>,
      %get3A_283 = arith.index_cast %scan3A_102 : i32 to index
      %get3A_284 = arith.constant 112 : index
      %get3A_285 = tpu.vector_load %arg7[%get3A_283, %get3A_284] {strides = array<i32>} : memref<160x128xi32, #tpu.memory_space<vmem>>, vector<1x16xi32>,
      %get3A_286 = vector.shape_cast %get3A_285 : vector<1x16xi32> to vector<16xi32>
      %get3A_287 = arith.index_cast %scan3A_102 : i32 to index
      %get3A_288 = arith.constant 112 : index
      %get3A_289 = tpu.vector_load %arg8[%get3A_287, %get3A_288] {strides = array<i32>} : memref<160x128xi32, #tpu.memory_space<vmem>>, vector<1x16xi32>,
      %get3A_290 = vector.shape_cast %get3A_289 : vector<1x16xi32> to vector<16xi32>
      %add3A_291 = vector.broadcast %mul3A_86 : i32 to vector<16xi32>
      %add3A_292 = arith.addi %get3A_286, %add3A_291 : vector<16xi32>
      %swap3A_293 = arith.index_cast %scan3A_102 : i32 to index
      %swap3A_294 = arith.constant 112 : index
      %swap3A_295 = tpu.vector_load %arg9[%swap3A_293, %swap3A_294] {strides = array<i32>} : memref<160x128xi32, #tpu.memory_space<vmem>>, vector<1x16xi32>,
      %swap3A_296 = vector.shape_cast %swap3A_295 : vector<1x16xi32> to vector<16xi32>
      %swap3A_297 = vector.shape_cast %add3A_292 : vector<16xi32> to vector<1x16xi32>
      tpu.vector_store %arg9[%swap3A_293, %swap3A_294], %swap3A_297 {strides = array<i32>} : memref<160x128xi32, #tpu.memory_space<vmem>>, vector<1x16xi32>,
      %eq3A_298 = arith.cmpi eq, %get3A_286, %get3A_290 : vector<16xi32>
      %broadcast_in_dim3A_299 = arith.constant 20000 : i32
      %broadcast_in_dim3A_300 = vector.broadcast %broadcast_in_dim3A_299 : i32 to vector<16xi32>
      %add3A_301 = vector.broadcast %mul3A_86 : i32 to vector<16xi32>
      %add3A_302 = arith.addi %get3A_290, %add3A_301 : vector<16xi32>
      %select_n3A_303 = arith.select %eq3A_298, %broadcast_in_dim3A_300, %add3A_302 : vector<16xi1>, vector<16xi32>
      %swap3A_304 = arith.index_cast %scan3A_102 : i32 to index
      %swap3A_305 = arith.constant 112 : index
      %swap3A_306 = tpu.vector_load %arg10[%swap3A_304, %swap3A_305] {strides = array<i32>} : memref<160x128xi32, #tpu.memory_space<vmem>>, vector<1x16xi32>,
      %swap3A_307 = vector.shape_cast %swap3A_306 : vector<1x16xi32> to vector<16xi32>
      %swap3A_308 = vector.shape_cast %select_n3A_303 : vector<16xi32> to vector<1x16xi32>
      tpu.vector_store %arg10[%swap3A_304, %swap3A_305], %swap3A_308 {strides = array<i32>} : memref<160x128xi32, #tpu.memory_space<vmem>>, vector<1x16xi32>,
      %scan3A_309 = arith.constant 0 : i32
      scf.yield %scan3A_309 : i32
    }
    %scan3A_97 = arith.constant 160 : i32
    %mul3A_98 = arith.constant 160 : i32
    %mul3A_99 = arith.muli %select_n3A_68, %mul3A_98 : i32
    "tpu.region"() ({
      %run_scoped3A_102 = tpu.sem_alloc : memref<!tpu.dma_semaphore, #tpu.memory_space<semaphore_mem>>
      %dma_start3A = arith.constant 0 : i32
      %dma_start3A_103 = tpu.memref_slice %arg5[%select_n3A, %mul3A_99, %dma_start3A] : memref<4x1280x128xi32, #tpu.memory_space<hbm>> -> memref<1x160x128xi32, #tpu.memory_space<hbm>>
      %dma_start3A_104 = tpu.memref_squeeze %dma_start3A_103 : memref<1x160x128xi32, #tpu.memory_space<hbm>> -> memref<160x128xi32, #tpu.memory_space<hbm>>
      %dma_start3A_105 = arith.constant 0 : i32
      %dma_start3A_106 = tpu.memref_slice %arg5[%select_n3A, %mul3A_99, %dma_start3A_105] : memref<4x1280x128xi32, #tpu.memory_space<hbm>> -> memref<1x160x128xi32, #tpu.memory_space<hbm>>
      %dma_start3A_107 = tpu.memref_squeeze %dma_start3A_106 : memref<1x160x128xi32, #tpu.memory_space<hbm>> -> memref<160x128xi32, #tpu.memory_space<hbm>>
      tpu.enqueue_dma source(%arg9 : memref<160x128xi32, #tpu.memory_space<vmem>>) target(%dma_start3A_107 : memref<160x128xi32, #tpu.memory_space<hbm>>) target_semaphore(%run_scoped3A_102 : memref<!tpu.dma_semaphore, #tpu.memory_space<semaphore_mem>>)
      %dma_wait3A = arith.constant 0 : i32
      %dma_wait3A_108 = tpu.memref_slice %arg5[%select_n3A, %mul3A_99, %dma_wait3A] : memref<4x1280x128xi32, #tpu.memory_space<hbm>> -> memref<1x160x128xi32, #tpu.memory_space<hbm>>
      %dma_wait3A_109 = tpu.memref_squeeze %dma_wait3A_108 : memref<1x160x128xi32, #tpu.memory_space<hbm>> -> memref<160x128xi32, #tpu.memory_space<hbm>>
      %dma_wait3A_110 = arith.constant 0 : i32
      %dma_wait3A_111 = tpu.memref_slice %arg5[%select_n3A, %mul3A_99, %dma_wait3A_110] : memref<4x1280x128xi32, #tpu.memory_space<hbm>> -> memref<1x160x128xi32, #tpu.memory_space<hbm>>
      %dma_wait3A_112 = tpu.memref_squeeze %dma_wait3A_111 : memref<1x160x128xi32, #tpu.memory_space<hbm>> -> memref<160x128xi32, #tpu.memory_space<hbm>>
      tpu.wait_dma2 semaphore(%run_scoped3A_102 : memref<!tpu.dma_semaphore, #tpu.memory_space<semaphore_mem>>) src(%arg9 : memref<160x128xi32, #tpu.memory_space<vmem>>) dst(%dma_wait3A_112 : memref<160x128xi32, #tpu.memory_space<hbm>>)
      tpu.yield
    }) : () -> ()
    %mul3A_100 = arith.constant 160 : i32
    %mul3A_101 = arith.muli %select_n3A_68, %mul3A_100 : i32
    "tpu.region"() ({
      %run_scoped3A_102 = tpu.sem_alloc : memref<!tpu.dma_semaphore, #tpu.memory_space<semaphore_mem>>
      %dma_start3A = arith.constant 0 : i32
      %dma_start3A_103 = tpu.memref_slice %arg6[%select_n3A, %mul3A_101, %dma_start3A] : memref<4x1280x128xi32, #tpu.memory_space<hbm>> -> memref<1x160x128xi32, #tpu.memory_space<hbm>>
      %dma_start3A_104 = tpu.memref_squeeze %dma_start3A_103 : memref<1x160x128xi32, #tpu.memory_space<hbm>> -> memref<160x128xi32, #tpu.memory_space<hbm>>
      %dma_start3A_105 = arith.constant 0 : i32
      %dma_start3A_106 = tpu.memref_slice %arg6[%select_n3A, %mul3A_101, %dma_start3A_105] : memref<4x1280x128xi32, #tpu.memory_space<hbm>> -> memref<1x160x128xi32, #tpu.memory_space<hbm>>
      %dma_start3A_107 = tpu.memref_squeeze %dma_start3A_106 : memref<1x160x128xi32, #tpu.memory_space<hbm>> -> memref<160x128xi32, #tpu.memory_space<hbm>>
      tpu.enqueue_dma source(%arg10 : memref<160x128xi32, #tpu.memory_space<vmem>>) target(%dma_start3A_107 : memref<160x128xi32, #tpu.memory_space<hbm>>) target_semaphore(%run_scoped3A_102 : memref<!tpu.dma_semaphore, #tpu.memory_space<semaphore_mem>>)
      %dma_wait3A = arith.constant 0 : i32
      %dma_wait3A_108 = tpu.memref_slice %arg6[%select_n3A, %mul3A_101, %dma_wait3A] : memref<4x1280x128xi32, #tpu.memory_space<hbm>> -> memref<1x160x128xi32, #tpu.memory_space<hbm>>
      %dma_wait3A_109 = tpu.memref_squeeze %dma_wait3A_108 : memref<1x160x128xi32, #tpu.memory_space<hbm>> -> memref<160x128xi32, #tpu.memory_space<hbm>>
      %dma_wait3A_110 = arith.constant 0 : i32
      %dma_wait3A_111 = tpu.memref_slice %arg6[%select_n3A, %mul3A_101, %dma_wait3A_110] : memref<4x1280x128xi32, #tpu.memory_space<hbm>> -> memref<1x160x128xi32, #tpu.memory_space<hbm>>
      %dma_wait3A_112 = tpu.memref_squeeze %dma_wait3A_111 : memref<1x160x128xi32, #tpu.memory_space<hbm>> -> memref<160x128xi32, #tpu.memory_space<hbm>>
      tpu.wait_dma2 semaphore(%run_scoped3A_102 : memref<!tpu.dma_semaphore, #tpu.memory_space<semaphore_mem>>) src(%arg10 : memref<160x128xi32, #tpu.memory_space<vmem>>) dst(%dma_wait3A_112 : memref<160x128xi32, #tpu.memory_space<hbm>>)
      tpu.yield
    }) : () -> ()
    return
  }
}

#map = affine_map<(d0, d1) -> (0, 0)>
#map1 = affine_map<(d0, d1) -> (0, 0, 0)>
module attributes {stable_mosaic.version = 14 : i64} {
  func.func @_sc_prop(%arg0: i32, %arg1: i32, %arg2: memref<40000x16xf32, #tpu.memory_space<hbm>>, %arg3: memref<4x1280x128xi32, #tpu.memory_space<hbm>>, %arg4: memref<4x1280x128xi32, #tpu.memory_space<hbm>>, %arg5: memref<40000x16xf32, #tpu.memory_space<hbm>>, %arg6: memref<160x128xi32, #tpu.memory_space<vmem>>, %arg7: memref<160x128xi32, #tpu.memory_space<vmem>>, %arg8: memref<1024x16xf32, #tpu.memory_space<vmem>>, %arg9: memref<128x16xf32, #tpu.memory_space<vmem>>, %arg10: memref<20480x16xf32, #tpu.memory_space<vmem_shared>>, %arg11: memref<20000x16xf32, #tpu.memory_space<vmem_shared>>, %arg12: memref<!tpu.dma_semaphore, #tpu.memory_space<semaphore_mem>>, %arg13: memref<!tpu.dma_semaphore, #tpu.memory_space<semaphore_mem>>, %arg14: memref<!tpu.dma_semaphore, #tpu.memory_space<semaphore_mem>>, %arg15: memref<!tpu.dma_semaphore, #tpu.memory_space<semaphore_mem>>, %arg16: memref<!tpu.dma_semaphore, #tpu.memory_space<semaphore_mem>>, %arg17: memref<!tpu.dma_semaphore, #tpu.memory_space<semaphore_mem>>, %arg18: memref<!tpu.dma_semaphore, #tpu.memory_space<semaphore_mem>>, %arg19: memref<!tpu.dma_semaphore, #tpu.memory_space<semaphore_mem>>, %arg20: memref<!tpu.dma_semaphore, #tpu.memory_space<semaphore_mem>>, %arg21: memref<!tpu.dma_semaphore, #tpu.memory_space<semaphore_mem>>, %arg22: memref<!tpu.dma_semaphore, #tpu.memory_space<semaphore_mem>>, %arg23: memref<!tpu.dma_semaphore, #tpu.memory_space<semaphore_mem>>, %arg24: memref<!tpu.dma_semaphore, #tpu.memory_space<semaphore_mem>>, %arg25: memref<!tpu.dma_semaphore, #tpu.memory_space<semaphore_mem>>, %arg26: memref<!tpu.dma_semaphore, #tpu.memory_space<semaphore_mem>>, %arg27: memref<!tpu.dma_semaphore, #tpu.memory_space<semaphore_mem>>) attributes {dimension_semantics = [#tpu.dimension_semantics<core_parallel>, #tpu.dimension_semantics<subcore_parallel>], iteration_bounds = array<i64: 2, 16>, scalar_prefetch = 0 : i64, scratch_operands = 22 : i64, tpu.core_type = #tpu.core_type<sc_vector_subcore>, window_params = [{transform_indices = #map}, {transform_indices = #map1}, {transform_indices = #map1}, {transform_indices = #map}]} {
    %mul3A = arith.constant 16 : i32
    %mul3A_0 = arith.muli %arg0, %mul3A : i32
    %add3A = arith.addi %mul3A_0, %arg1 : i32
    %jit3A = arith.constant 8 : i32
    %div3A = arith.divsi %add3A, %jit3A : i32
    %sign3A = arith.constant 0 : i32
    %sign3A_1 = arith.cmpi sgt, %add3A, %sign3A : i32
    %sign3A_2 = arith.extui %sign3A_1 : i1 to i32
    %sign3A_3 = arith.constant 0 : i32
    %sign3A_4 = arith.cmpi slt, %add3A, %sign3A_3 : i32
    %sign3A_5 = arith.extui %sign3A_4 : i1 to i32
    %sign3A_6 = arith.subi %sign3A_2, %sign3A_5 : i32
    %sign3A_7 = arith.constant 0 : i32
    %sign3A_8 = arith.cmpi sgt, %jit3A, %sign3A_7 : i32
    %sign3A_9 = arith.extui %sign3A_8 : i1 to i32
    %sign3A_10 = arith.constant 0 : i32
    %sign3A_11 = arith.cmpi slt, %jit3A, %sign3A_10 : i32
    %sign3A_12 = arith.extui %sign3A_11 : i1 to i32
    %sign3A_13 = arith.subi %sign3A_9, %sign3A_12 : i32
    %ne3A = arith.cmpi ne, %sign3A_6, %sign3A_13 : i32
    %rem3A = arith.remsi %add3A, %jit3A : i32
    %ne3A_14 = arith.constant 0 : i32
    %ne3A_15 = arith.cmpi ne, %rem3A, %ne3A_14 : i32
    %and3A = arith.andi %ne3A, %ne3A_15 : i1
    %sub3A = arith.constant 1 : i32
    %sub3A_16 = arith.subi %div3A, %sub3A : i32
    %select_n3A = arith.select %and3A, %sub3A_16, %div3A : i32
    %jit3A_17 = arith.constant 8 : i32
    %eq3A = arith.constant 0 : i32
    %eq3A_18 = arith.cmpi eq, %jit3A_17, %eq3A : i32
    %jit3A_19 = arith.constant 1 : i32
    %select_n3A_20 = arith.select %eq3A_18, %jit3A_19, %jit3A_17 : i32
    %rem3A_21 = arith.remsi %add3A, %select_n3A_20 : i32
    %ne3A_22 = arith.constant 0 : i32
    %ne3A_23 = arith.cmpi ne, %rem3A_21, %ne3A_22 : i32
    %lt3A = arith.constant 0 : i32
    %lt3A_24 = arith.cmpi slt, %rem3A_21, %lt3A : i32
    %lt3A_25 = arith.constant 0 : i32
    %lt3A_26 = arith.cmpi slt, %select_n3A_20, %lt3A_25 : i32
    %ne3A_27 = arith.xori %lt3A_24, %lt3A_26 : i1
    %and3A_28 = arith.andi %ne3A_27, %ne3A_23 : i1
    %add3A_29 = arith.addi %rem3A_21, %select_n3A_20 : i32
    %select_n3A_30 = arith.select %and3A_28, %add3A_29, %rem3A_21 : i32
    %mul3A_31 = arith.constant 160 : i32
    %mul3A_32 = arith.muli %select_n3A_30, %mul3A_31 : i32
    %dma_start3A = arith.constant 0 : i32
    %dma_start3A_33 = tpu.memref_slice %arg3[%select_n3A, %mul3A_32, %dma_start3A] : memref<4x1280x128xi32, #tpu.memory_space<hbm>> -> memref<1x160x128xi32, #tpu.memory_space<hbm>>
    %dma_start3A_34 = tpu.memref_squeeze %dma_start3A_33 : memref<1x160x128xi32, #tpu.memory_space<hbm>> -> memref<160x128xi32, #tpu.memory_space<hbm>>
    %dma_start3A_35 = arith.constant 0 : i32
    %dma_start3A_36 = tpu.memref_slice %arg3[%select_n3A, %mul3A_32, %dma_start3A_35] : memref<4x1280x128xi32, #tpu.memory_space<hbm>> -> memref<1x160x128xi32, #tpu.memory_space<hbm>>
    %dma_start3A_37 = tpu.memref_squeeze %dma_start3A_36 : memref<1x160x128xi32, #tpu.memory_space<hbm>> -> memref<160x128xi32, #tpu.memory_space<hbm>>
    tpu.enqueue_dma source(%dma_start3A_37 : memref<160x128xi32, #tpu.memory_space<hbm>>) target(%arg6 : memref<160x128xi32, #tpu.memory_space<vmem>>) target_semaphore(%arg12 : memref<!tpu.dma_semaphore, #tpu.memory_space<semaphore_mem>>)
    %mul3A_38 = arith.constant 160 : i32
    %mul3A_39 = arith.muli %select_n3A_30, %mul3A_38 : i32
    %dma_start3A_40 = arith.constant 0 : i32
    %dma_start3A_41 = tpu.memref_slice %arg4[%select_n3A, %mul3A_39, %dma_start3A_40] : memref<4x1280x128xi32, #tpu.memory_space<hbm>> -> memref<1x160x128xi32, #tpu.memory_space<hbm>>
    %dma_start3A_42 = tpu.memref_squeeze %dma_start3A_41 : memref<1x160x128xi32, #tpu.memory_space<hbm>> -> memref<160x128xi32, #tpu.memory_space<hbm>>
    %dma_start3A_43 = arith.constant 0 : i32
    %dma_start3A_44 = tpu.memref_slice %arg4[%select_n3A, %mul3A_39, %dma_start3A_43] : memref<4x1280x128xi32, #tpu.memory_space<hbm>> -> memref<1x160x128xi32, #tpu.memory_space<hbm>>
    %dma_start3A_45 = tpu.memref_squeeze %dma_start3A_44 : memref<1x160x128xi32, #tpu.memory_space<hbm>> -> memref<160x128xi32, #tpu.memory_space<hbm>>
    tpu.enqueue_dma source(%dma_start3A_45 : memref<160x128xi32, #tpu.memory_space<hbm>>) target(%arg7 : memref<160x128xi32, #tpu.memory_space<vmem>>) target_semaphore(%arg13 : memref<!tpu.dma_semaphore, #tpu.memory_space<semaphore_mem>>)
    %mul3A_46 = arith.constant 2 : i32
    %mul3A_47 = arith.muli %arg0, %mul3A_46 : i32
    %mul3A_48 = arith.constant 10000 : i32
    %mul3A_49 = arith.muli %mul3A_47, %mul3A_48 : i32
    %mul3A_50 = arith.constant 1250 : i32
    %mul3A_51 = arith.muli %arg1, %mul3A_50 : i32
    %add3A_52 = arith.addi %mul3A_49, %mul3A_51 : i32
    %mul3A_53 = arith.constant 1250 : i32
    %mul3A_54 = arith.muli %arg1, %mul3A_53 : i32
    %dma_start3A_55 = arith.constant 0 : i32
    %dma_start3A_56 = tpu.memref_slice %arg11[%mul3A_54, %dma_start3A_55] : memref<20000x16xf32, #tpu.memory_space<vmem_shared>> -> memref<1250x16xf32, #tpu.memory_space<vmem_shared>>
    %dma_start3A_57 = arith.constant 0 : i32
    %dma_start3A_58 = tpu.memref_slice %arg2[%add3A_52, %dma_start3A_57] : memref<40000x16xf32, #tpu.memory_space<hbm>> -> memref<1250x16xf32, #tpu.memory_space<hbm>>
    tpu.enqueue_dma source(%dma_start3A_58 : memref<1250x16xf32, #tpu.memory_space<hbm>>) target(%dma_start3A_56 : memref<1250x16xf32, #tpu.memory_space<vmem_shared>>) target_semaphore(%arg14 : memref<!tpu.dma_semaphore, #tpu.memory_space<semaphore_mem>>)
    %scan3A = arith.constant 0 : i32
    %scan3A_59 = arith.constant 0 : i32
    %scan3A_60 = arith.constant 128 : i32
    %scan3A_61 = arith.addi %scan3A_59, %scan3A_60 : i32
    %scan3A_62 = arith.constant 1 : i32
    %scan3A_63 = scf.for %scan3A_191 = %scan3A_59 to %scan3A_61 step %scan3A_62 iter_args(%scan3A_192 = %scan3A) -> (i32)  : i32 {
      %broadcast_in_dim3A = arith.constant 0.000000e+00 : f32
      %broadcast_in_dim3A_193 = vector.broadcast %broadcast_in_dim3A : f32 to vector<16xf32>
      %swap3A = arith.index_cast %scan3A_191 : i32 to index
      %swap3A_194 = arith.constant 0 : index
      %swap3A_195 = tpu.vector_load %arg9[%swap3A, %swap3A_194] {strides = array<i32>} : memref<128x16xf32, #tpu.memory_space<vmem>>, vector<1x16xf32>,
      %swap3A_196 = vector.shape_cast %swap3A_195 : vector<1x16xf32> to vector<16xf32>
      %swap3A_197 = vector.shape_cast %broadcast_in_dim3A_193 : vector<16xf32> to vector<1x16xf32>
      tpu.vector_store %arg9[%swap3A, %swap3A_194], %swap3A_197 {strides = array<i32>} : memref<128x16xf32, #tpu.memory_space<vmem>>, vector<1x16xf32>,
      %scan3A_198 = arith.constant 0 : i32
      scf.yield %scan3A_198 : i32
    }
    %scan3A_64 = arith.constant 128 : i32
    %scan3A_65 = arith.constant 0 : i32
    %scan3A_66 = arith.constant 0 : i32
    %scan3A_67 = arith.constant 10 : i32
    %scan3A_68 = arith.addi %scan3A_66, %scan3A_67 : i32
    %scan3A_69 = arith.constant 1 : i32
    %scan3A_70 = scf.for %scan3A_191 = %scan3A_66 to %scan3A_68 step %scan3A_69 iter_args(%scan3A_192 = %scan3A_65) -> (i32)  : i32 {
      %mul3A_193 = arith.constant 1280 : i32
      %mul3A_194 = arith.muli %arg1, %mul3A_193 : i32
      %mul3A_195 = arith.constant 128 : i32
      %mul3A_196 = arith.muli %scan3A_191, %mul3A_195 : i32
      %add3A_197 = arith.addi %mul3A_194, %mul3A_196 : i32
      %dma_start3A_198 = arith.constant 0 : i32
      %dma_start3A_199 = tpu.memref_slice %arg10[%add3A_197, %dma_start3A_198] : memref<20480x16xf32, #tpu.memory_space<vmem_shared>> -> memref<128x16xf32, #tpu.memory_space<vmem_shared>>
      %dma_start3A_200 = arith.constant 0 : i32
      %dma_start3A_201 = tpu.memref_slice %arg10[%add3A_197, %dma_start3A_200] : memref<20480x16xf32, #tpu.memory_space<vmem_shared>> -> memref<128x16xf32, #tpu.memory_space<vmem_shared>>
      tpu.enqueue_dma source(%arg9 : memref<128x16xf32, #tpu.memory_space<vmem>>) target(%dma_start3A_201 : memref<128x16xf32, #tpu.memory_space<vmem_shared>>) target_semaphore(%arg20 : memref<!tpu.dma_semaphore, #tpu.memory_space<semaphore_mem>>)
      %scan3A_202 = arith.constant 0 : i32
      scf.yield %scan3A_202 : i32
    }
    %scan3A_71 = arith.constant 10 : i32
    %scan3A_72 = arith.constant 0 : i32
    %scan3A_73 = arith.constant 0 : i32
    %scan3A_74 = arith.constant 10 : i32
    %scan3A_75 = arith.addi %scan3A_73, %scan3A_74 : i32
    %scan3A_76 = arith.constant 1 : i32
    %scan3A_77 = scf.for %scan3A_191 = %scan3A_73 to %scan3A_75 step %scan3A_76 iter_args(%scan3A_192 = %scan3A_72) -> (i32)  : i32 {
      %mul3A_193 = arith.constant 1280 : i32
      %mul3A_194 = arith.muli %arg1, %mul3A_193 : i32
      %mul3A_195 = arith.constant 128 : i32
      %mul3A_196 = arith.muli %scan3A_191, %mul3A_195 : i32
      %add3A_197 = arith.addi %mul3A_194, %mul3A_196 : i32
      %dma_wait3A_198 = arith.constant 0 : i32
      %dma_wait3A_199 = tpu.memref_slice %arg10[%add3A_197, %dma_wait3A_198] : memref<20480x16xf32, #tpu.memory_space<vmem_shared>> -> memref<128x16xf32, #tpu.memory_space<vmem_shared>>
      %dma_wait3A_200 = arith.constant 0 : i32
      %dma_wait3A_201 = tpu.memref_slice %arg10[%add3A_197, %dma_wait3A_200] : memref<20480x16xf32, #tpu.memory_space<vmem_shared>> -> memref<128x16xf32, #tpu.memory_space<vmem_shared>>
      tpu.wait_dma2 semaphore(%arg20 : memref<!tpu.dma_semaphore, #tpu.memory_space<semaphore_mem>>) src(%arg9 : memref<128x16xf32, #tpu.memory_space<vmem>>) dst(%dma_wait3A_201 : memref<128x16xf32, #tpu.memory_space<vmem_shared>>)
      %scan3A_202 = arith.constant 0 : i32
      scf.yield %scan3A_202 : i32
    }
    %scan3A_78 = arith.constant 10 : i32
    %dma_wait3A = arith.constant 0 : i32
    %dma_wait3A_79 = tpu.memref_slice %arg3[%select_n3A, %mul3A_32, %dma_wait3A] : memref<4x1280x128xi32, #tpu.memory_space<hbm>> -> memref<1x160x128xi32, #tpu.memory_space<hbm>>
    %dma_wait3A_80 = tpu.memref_squeeze %dma_wait3A_79 : memref<1x160x128xi32, #tpu.memory_space<hbm>> -> memref<160x128xi32, #tpu.memory_space<hbm>>
    %dma_wait3A_81 = arith.constant 0 : i32
    %dma_wait3A_82 = tpu.memref_slice %arg3[%select_n3A, %mul3A_32, %dma_wait3A_81] : memref<4x1280x128xi32, #tpu.memory_space<hbm>> -> memref<1x160x128xi32, #tpu.memory_space<hbm>>
    %dma_wait3A_83 = tpu.memref_squeeze %dma_wait3A_82 : memref<1x160x128xi32, #tpu.memory_space<hbm>> -> memref<160x128xi32, #tpu.memory_space<hbm>>
    tpu.wait_dma2 semaphore(%arg12 : memref<!tpu.dma_semaphore, #tpu.memory_space<semaphore_mem>>) src(%dma_wait3A_83 : memref<160x128xi32, #tpu.memory_space<hbm>>) dst(%arg6 : memref<160x128xi32, #tpu.memory_space<vmem>>)
    %dma_wait3A_84 = arith.constant 0 : i32
    %dma_wait3A_85 = tpu.memref_slice %arg4[%select_n3A, %mul3A_39, %dma_wait3A_84] : memref<4x1280x128xi32, #tpu.memory_space<hbm>> -> memref<1x160x128xi32, #tpu.memory_space<hbm>>
    %dma_wait3A_86 = tpu.memref_squeeze %dma_wait3A_85 : memref<1x160x128xi32, #tpu.memory_space<hbm>> -> memref<160x128xi32, #tpu.memory_space<hbm>>
    %dma_wait3A_87 = arith.constant 0 : i32
    %dma_wait3A_88 = tpu.memref_slice %arg4[%select_n3A, %mul3A_39, %dma_wait3A_87] : memref<4x1280x128xi32, #tpu.memory_space<hbm>> -> memref<1x160x128xi32, #tpu.memory_space<hbm>>
    %dma_wait3A_89 = tpu.memref_squeeze %dma_wait3A_88 : memref<1x160x128xi32, #tpu.memory_space<hbm>> -> memref<160x128xi32, #tpu.memory_space<hbm>>
    tpu.wait_dma2 semaphore(%arg13 : memref<!tpu.dma_semaphore, #tpu.memory_space<semaphore_mem>>) src(%dma_wait3A_89 : memref<160x128xi32, #tpu.memory_space<hbm>>) dst(%arg7 : memref<160x128xi32, #tpu.memory_space<vmem>>)
    %dma_wait3A_90 = arith.constant 0 : i32
    %dma_wait3A_91 = tpu.memref_slice %arg11[%mul3A_54, %dma_wait3A_90] : memref<20000x16xf32, #tpu.memory_space<vmem_shared>> -> memref<1250x16xf32, #tpu.memory_space<vmem_shared>>
    %dma_wait3A_92 = arith.constant 0 : i32
    %dma_wait3A_93 = tpu.memref_slice %arg2[%add3A_52, %dma_wait3A_92] : memref<40000x16xf32, #tpu.memory_space<hbm>> -> memref<1250x16xf32, #tpu.memory_space<hbm>>
    tpu.wait_dma2 semaphore(%arg14 : memref<!tpu.dma_semaphore, #tpu.memory_space<semaphore_mem>>) src(%dma_wait3A_93 : memref<1250x16xf32, #tpu.memory_space<hbm>>) dst(%dma_wait3A_91 : memref<1250x16xf32, #tpu.memory_space<vmem_shared>>)
    %barrier3A = arith.constant 0 : index
    tpu.barrier barrier_id(%barrier3A)
    %dma_start3A_94 = arith.constant 0 : i32
    %dma_start3A_95 = arith.constant 0 : i32
    %dma_start3A_96 = arith.constant 0 : i32
    %dma_start3A_97 = tpu.memref_slice %arg8[%dma_start3A_95, %dma_start3A_96] : memref<1024x16xf32, #tpu.memory_space<vmem>> -> memref<128x16xf32, #tpu.memory_space<vmem>>
    %dma_start3A_98 = arith.constant 0 : i32
    %dma_start3A_99 = tpu.memref_slice %arg6[%dma_start3A_94, %dma_start3A_98] : memref<160x128xi32, #tpu.memory_space<vmem>> -> memref<1x128xi32, #tpu.memory_space<vmem>>
    %dma_start3A_100 = tpu.memref_squeeze %dma_start3A_99 : memref<1x128xi32, #tpu.memory_space<vmem>> -> memref<128xi32, #tpu.memory_space<vmem>>
    %dma_start3A_101 = arith.constant 0 : i32
    %dma_start3A_102 = arith.constant 0 : i32
    %dma_start3A_103 = tpu.memref_slice %arg11[%dma_start3A_101, %dma_start3A_102] : memref<20000x16xf32, #tpu.memory_space<vmem_shared>> -> memref<20000x16xf32, #tpu.memory_space<vmem_shared>>
    tpu.enqueue_indirect_dma source(%dma_start3A_103 : memref<20000x16xf32, #tpu.memory_space<vmem_shared>>) target(%dma_start3A_97 : memref<128x16xf32, #tpu.memory_space<vmem>>) offsets(%dma_start3A_100 : memref<128xi32, #tpu.memory_space<vmem>>) semaphore(%arg12 : memref<!tpu.dma_semaphore, #tpu.memory_space<semaphore_mem>>)
    %dma_start3A_104 = arith.constant 1 : i32
    %dma_start3A_105 = arith.constant 128 : i32
    %dma_start3A_106 = arith.constant 0 : i32
    %dma_start3A_107 = tpu.memref_slice %arg8[%dma_start3A_105, %dma_start3A_106] : memref<1024x16xf32, #tpu.memory_space<vmem>> -> memref<128x16xf32, #tpu.memory_space<vmem>>
    %dma_start3A_108 = arith.constant 0 : i32
    %dma_start3A_109 = tpu.memref_slice %arg6[%dma_start3A_104, %dma_start3A_108] : memref<160x128xi32, #tpu.memory_space<vmem>> -> memref<1x128xi32, #tpu.memory_space<vmem>>
    %dma_start3A_110 = tpu.memref_squeeze %dma_start3A_109 : memref<1x128xi32, #tpu.memory_space<vmem>> -> memref<128xi32, #tpu.memory_space<vmem>>
    %dma_start3A_111 = arith.constant 0 : i32
    %dma_start3A_112 = arith.constant 0 : i32
    %dma_start3A_113 = tpu.memref_slice %arg11[%dma_start3A_111, %dma_start3A_112] : memref<20000x16xf32, #tpu.memory_space<vmem_shared>> -> memref<20000x16xf32, #tpu.memory_space<vmem_shared>>
    tpu.enqueue_indirect_dma source(%dma_start3A_113 : memref<20000x16xf32, #tpu.memory_space<vmem_shared>>) target(%dma_start3A_107 : memref<128x16xf32, #tpu.memory_space<vmem>>) offsets(%dma_start3A_110 : memref<128xi32, #tpu.memory_space<vmem>>) semaphore(%arg13 : memref<!tpu.dma_semaphore, #tpu.memory_space<semaphore_mem>>)
    %dma_start3A_114 = arith.constant 2 : i32
    %dma_start3A_115 = arith.constant 256 : i32
    %dma_start3A_116 = arith.constant 0 : i32
    %dma_start3A_117 = tpu.memref_slice %arg8[%dma_start3A_115, %dma_start3A_116] : memref<1024x16xf32, #tpu.memory_space<vmem>> -> memref<128x16xf32, #tpu.memory_space<vmem>>
    %dma_start3A_118 = arith.constant 0 : i32
    %dma_start3A_119 = tpu.memref_slice %arg6[%dma_start3A_114, %dma_start3A_118] : memref<160x128xi32, #tpu.memory_space<vmem>> -> memref<1x128xi32, #tpu.memory_space<vmem>>
    %dma_start3A_120 = tpu.memref_squeeze %dma_start3A_119 : memref<1x128xi32, #tpu.memory_space<vmem>> -> memref<128xi32, #tpu.memory_space<vmem>>
    %dma_start3A_121 = arith.constant 0 : i32
    %dma_start3A_122 = arith.constant 0 : i32
    %dma_start3A_123 = tpu.memref_slice %arg11[%dma_start3A_121, %dma_start3A_122] : memref<20000x16xf32, #tpu.memory_space<vmem_shared>> -> memref<20000x16xf32, #tpu.memory_space<vmem_shared>>
    tpu.enqueue_indirect_dma source(%dma_start3A_123 : memref<20000x16xf32, #tpu.memory_space<vmem_shared>>) target(%dma_start3A_117 : memref<128x16xf32, #tpu.memory_space<vmem>>) offsets(%dma_start3A_120 : memref<128xi32, #tpu.memory_space<vmem>>) semaphore(%arg14 : memref<!tpu.dma_semaphore, #tpu.memory_space<semaphore_mem>>)
    %dma_start3A_124 = arith.constant 3 : i32
    %dma_start3A_125 = arith.constant 384 : i32
    %dma_start3A_126 = arith.constant 0 : i32
    %dma_start3A_127 = tpu.memref_slice %arg8[%dma_start3A_125, %dma_start3A_126] : memref<1024x16xf32, #tpu.memory_space<vmem>> -> memref<128x16xf32, #tpu.memory_space<vmem>>
    %dma_start3A_128 = arith.constant 0 : i32
    %dma_start3A_129 = tpu.memref_slice %arg6[%dma_start3A_124, %dma_start3A_128] : memref<160x128xi32, #tpu.memory_space<vmem>> -> memref<1x128xi32, #tpu.memory_space<vmem>>
    %dma_start3A_130 = tpu.memref_squeeze %dma_start3A_129 : memref<1x128xi32, #tpu.memory_space<vmem>> -> memref<128xi32, #tpu.memory_space<vmem>>
    %dma_start3A_131 = arith.constant 0 : i32
    %dma_start3A_132 = arith.constant 0 : i32
    %dma_start3A_133 = tpu.memref_slice %arg11[%dma_start3A_131, %dma_start3A_132] : memref<20000x16xf32, #tpu.memory_space<vmem_shared>> -> memref<20000x16xf32, #tpu.memory_space<vmem_shared>>
    tpu.enqueue_indirect_dma source(%dma_start3A_133 : memref<20000x16xf32, #tpu.memory_space<vmem_shared>>) target(%dma_start3A_127 : memref<128x16xf32, #tpu.memory_space<vmem>>) offsets(%dma_start3A_130 : memref<128xi32, #tpu.memory_space<vmem>>) semaphore(%arg15 : memref<!tpu.dma_semaphore, #tpu.memory_space<semaphore_mem>>)
    %dma_start3A_134 = arith.constant 4 : i32
    %dma_start3A_135 = arith.constant 512 : i32
    %dma_start3A_136 = arith.constant 0 : i32
    %dma_start3A_137 = tpu.memref_slice %arg8[%dma_start3A_135, %dma_start3A_136] : memref<1024x16xf32, #tpu.memory_space<vmem>> -> memref<128x16xf32, #tpu.memory_space<vmem>>
    %dma_start3A_138 = arith.constant 0 : i32
    %dma_start3A_139 = tpu.memref_slice %arg6[%dma_start3A_134, %dma_start3A_138] : memref<160x128xi32, #tpu.memory_space<vmem>> -> memref<1x128xi32, #tpu.memory_space<vmem>>
    %dma_start3A_140 = tpu.memref_squeeze %dma_start3A_139 : memref<1x128xi32, #tpu.memory_space<vmem>> -> memref<128xi32, #tpu.memory_space<vmem>>
    %dma_start3A_141 = arith.constant 0 : i32
    %dma_start3A_142 = arith.constant 0 : i32
    %dma_start3A_143 = tpu.memref_slice %arg11[%dma_start3A_141, %dma_start3A_142] : memref<20000x16xf32, #tpu.memory_space<vmem_shared>> -> memref<20000x16xf32, #tpu.memory_space<vmem_shared>>
    tpu.enqueue_indirect_dma source(%dma_start3A_143 : memref<20000x16xf32, #tpu.memory_space<vmem_shared>>) target(%dma_start3A_137 : memref<128x16xf32, #tpu.memory_space<vmem>>) offsets(%dma_start3A_140 : memref<128xi32, #tpu.memory_space<vmem>>) semaphore(%arg16 : memref<!tpu.dma_semaphore, #tpu.memory_space<semaphore_mem>>)
    %dma_start3A_144 = arith.constant 5 : i32
    %dma_start3A_145 = arith.constant 640 : i32
    %dma_start3A_146 = arith.constant 0 : i32
    %dma_start3A_147 = tpu.memref_slice %arg8[%dma_start3A_145, %dma_start3A_146] : memref<1024x16xf32, #tpu.memory_space<vmem>> -> memref<128x16xf32, #tpu.memory_space<vmem>>
    %dma_start3A_148 = arith.constant 0 : i32
    %dma_start3A_149 = tpu.memref_slice %arg6[%dma_start3A_144, %dma_start3A_148] : memref<160x128xi32, #tpu.memory_space<vmem>> -> memref<1x128xi32, #tpu.memory_space<vmem>>
    %dma_start3A_150 = tpu.memref_squeeze %dma_start3A_149 : memref<1x128xi32, #tpu.memory_space<vmem>> -> memref<128xi32, #tpu.memory_space<vmem>>
    %dma_start3A_151 = arith.constant 0 : i32
    %dma_start3A_152 = arith.constant 0 : i32
    %dma_start3A_153 = tpu.memref_slice %arg11[%dma_start3A_151, %dma_start3A_152] : memref<20000x16xf32, #tpu.memory_space<vmem_shared>> -> memref<20000x16xf32, #tpu.memory_space<vmem_shared>>
    tpu.enqueue_indirect_dma source(%dma_start3A_153 : memref<20000x16xf32, #tpu.memory_space<vmem_shared>>) target(%dma_start3A_147 : memref<128x16xf32, #tpu.memory_space<vmem>>) offsets(%dma_start3A_150 : memref<128xi32, #tpu.memory_space<vmem>>) semaphore(%arg17 : memref<!tpu.dma_semaphore, #tpu.memory_space<semaphore_mem>>)
    %dma_start3A_154 = arith.constant 6 : i32
    %dma_start3A_155 = arith.constant 768 : i32
    %dma_start3A_156 = arith.constant 0 : i32
    %dma_start3A_157 = tpu.memref_slice %arg8[%dma_start3A_155, %dma_start3A_156] : memref<1024x16xf32, #tpu.memory_space<vmem>> -> memref<128x16xf32, #tpu.memory_space<vmem>>
    %dma_start3A_158 = arith.constant 0 : i32
    %dma_start3A_159 = tpu.memref_slice %arg6[%dma_start3A_154, %dma_start3A_158] : memref<160x128xi32, #tpu.memory_space<vmem>> -> memref<1x128xi32, #tpu.memory_space<vmem>>
    %dma_start3A_160 = tpu.memref_squeeze %dma_start3A_159 : memref<1x128xi32, #tpu.memory_space<vmem>> -> memref<128xi32, #tpu.memory_space<vmem>>
    %dma_start3A_161 = arith.constant 0 : i32
    %dma_start3A_162 = arith.constant 0 : i32
    %dma_start3A_163 = tpu.memref_slice %arg11[%dma_start3A_161, %dma_start3A_162] : memref<20000x16xf32, #tpu.memory_space<vmem_shared>> -> memref<20000x16xf32, #tpu.memory_space<vmem_shared>>
    tpu.enqueue_indirect_dma source(%dma_start3A_163 : memref<20000x16xf32, #tpu.memory_space<vmem_shared>>) target(%dma_start3A_157 : memref<128x16xf32, #tpu.memory_space<vmem>>) offsets(%dma_start3A_160 : memref<128xi32, #tpu.memory_space<vmem>>) semaphore(%arg18 : memref<!tpu.dma_semaphore, #tpu.memory_space<semaphore_mem>>)
    %dma_start3A_164 = arith.constant 7 : i32
    %dma_start3A_165 = arith.constant 896 : i32
    %dma_start3A_166 = arith.constant 0 : i32
    %dma_start3A_167 = tpu.memref_slice %arg8[%dma_start3A_165, %dma_start3A_166] : memref<1024x16xf32, #tpu.memory_space<vmem>> -> memref<128x16xf32, #tpu.memory_space<vmem>>
    %dma_start3A_168 = arith.constant 0 : i32
    %dma_start3A_169 = tpu.memref_slice %arg6[%dma_start3A_164, %dma_start3A_168] : memref<160x128xi32, #tpu.memory_space<vmem>> -> memref<1x128xi32, #tpu.memory_space<vmem>>
    %dma_start3A_170 = tpu.memref_squeeze %dma_start3A_169 : memref<1x128xi32, #tpu.memory_space<vmem>> -> memref<128xi32, #tpu.memory_space<vmem>>
    %dma_start3A_171 = arith.constant 0 : i32
    %dma_start3A_172 = arith.constant 0 : i32
    %dma_start3A_173 = tpu.memref_slice %arg11[%dma_start3A_171, %dma_start3A_172] : memref<20000x16xf32, #tpu.memory_space<vmem_shared>> -> memref<20000x16xf32, #tpu.memory_space<vmem_shared>>
    tpu.enqueue_indirect_dma source(%dma_start3A_173 : memref<20000x16xf32, #tpu.memory_space<vmem_shared>>) target(%dma_start3A_167 : memref<128x16xf32, #tpu.memory_space<vmem>>) offsets(%dma_start3A_170 : memref<128xi32, #tpu.memory_space<vmem>>) semaphore(%arg19 : memref<!tpu.dma_semaphore, #tpu.memory_space<semaphore_mem>>)
    %scan3A_174 = arith.constant 0 : i32
    %scan3A_175 = arith.constant 0 : i32
    %scan3A_176 = arith.constant 20 : i32
    %scan3A_177 = arith.addi %scan3A_175, %scan3A_176 : i32
    %scan3A_178 = arith.constant 1 : i32
    %scan3A_179 = scf.for %scan3A_191 = %scan3A_175 to %scan3A_177 step %scan3A_178 iter_args(%scan3A_192 = %scan3A_174) -> (i32)  : i32 {
      %mul3A_193 = arith.constant 8 : i32
      %mul3A_194 = arith.muli %scan3A_191, %mul3A_193 : i32
      %add3A_195 = arith.constant 0 : i32
      %add3A_196 = arith.addi %mul3A_194, %add3A_195 : i32
      %mul3A_197 = arith.constant 8 : i32
      %mul3A_198 = arith.muli %scan3A_191, %mul3A_197 : i32
      %add3A_199 = arith.constant 1 : i32
      %add3A_200 = arith.addi %mul3A_198, %add3A_199 : i32
      %mul3A_201 = arith.constant 8 : i32
      %mul3A_202 = arith.muli %scan3A_191, %mul3A_201 : i32
      %add3A_203 = arith.constant 2 : i32
      %add3A_204 = arith.addi %mul3A_202, %add3A_203 : i32
      %mul3A_205 = arith.constant 8 : i32
      %mul3A_206 = arith.muli %scan3A_191, %mul3A_205 : i32
      %add3A_207 = arith.constant 3 : i32
      %add3A_208 = arith.addi %mul3A_206, %add3A_207 : i32
      %mul3A_209 = arith.constant 8 : i32
      %mul3A_210 = arith.muli %scan3A_191, %mul3A_209 : i32
      %add3A_211 = arith.constant 4 : i32
      %add3A_212 = arith.addi %mul3A_210, %add3A_211 : i32
      %mul3A_213 = arith.constant 8 : i32
      %mul3A_214 = arith.muli %scan3A_191, %mul3A_213 : i32
      %add3A_215 = arith.constant 5 : i32
      %add3A_216 = arith.addi %mul3A_214, %add3A_215 : i32
      %mul3A_217 = arith.constant 8 : i32
      %mul3A_218 = arith.muli %scan3A_191, %mul3A_217 : i32
      %add3A_219 = arith.constant 6 : i32
      %add3A_220 = arith.addi %mul3A_218, %add3A_219 : i32
      %mul3A_221 = arith.constant 8 : i32
      %mul3A_222 = arith.muli %scan3A_191, %mul3A_221 : i32
      %add3A_223 = arith.constant 7 : i32
      %add3A_224 = arith.addi %mul3A_222, %add3A_223 : i32
      %dma_wait3A_225 = arith.constant 0 : i32
      %dma_wait3A_226 = arith.constant 0 : i32
      %dma_wait3A_227 = tpu.memref_slice %arg8[%dma_wait3A_225, %dma_wait3A_226] : memref<1024x16xf32, #tpu.memory_space<vmem>> -> memref<128x16xf32, #tpu.memory_space<vmem>>
      %dma_wait3A_228 = arith.constant 0 : i32
      %dma_wait3A_229 = tpu.memref_slice %arg6[%add3A_196, %dma_wait3A_228] : memref<160x128xi32, #tpu.memory_space<vmem>> -> memref<1x128xi32, #tpu.memory_space<vmem>>
      %dma_wait3A_230 = tpu.memref_squeeze %dma_wait3A_229 : memref<1x128xi32, #tpu.memory_space<vmem>> -> memref<128xi32, #tpu.memory_space<vmem>>
      %dma_wait3A_231 = arith.constant 0 : i32
      %dma_wait3A_232 = arith.constant 0 : i32
      %dma_wait3A_233 = tpu.memref_slice %arg11[%dma_wait3A_231, %dma_wait3A_232] : memref<20000x16xf32, #tpu.memory_space<vmem_shared>> -> memref<20000x16xf32, #tpu.memory_space<vmem_shared>>
      tpu.wait_indirect_dma semaphore(%arg12 : memref<!tpu.dma_semaphore, #tpu.memory_space<semaphore_mem>>) src(%dma_wait3A_233 : memref<20000x16xf32, #tpu.memory_space<vmem_shared>>) dst(%dma_wait3A_227 : memref<128x16xf32, #tpu.memory_space<vmem>>)
      %dma_start3A_234 = arith.constant 0 : i32
      %dma_start3A_235 = arith.constant 0 : i32
      %dma_start3A_236 = tpu.memref_slice %arg8[%dma_start3A_234, %dma_start3A_235] : memref<1024x16xf32, #tpu.memory_space<vmem>> -> memref<128x16xf32, #tpu.memory_space<vmem>>
      %dma_start3A_237 = arith.constant 0 : i32
      %dma_start3A_238 = tpu.memref_slice %arg7[%add3A_196, %dma_start3A_237] : memref<160x128xi32, #tpu.memory_space<vmem>> -> memref<1x128xi32, #tpu.memory_space<vmem>>
      %dma_start3A_239 = tpu.memref_squeeze %dma_start3A_238 : memref<1x128xi32, #tpu.memory_space<vmem>> -> memref<128xi32, #tpu.memory_space<vmem>>
      %dma_start3A_240 = arith.constant 0 : i32
      %dma_start3A_241 = arith.constant 0 : i32
      %dma_start3A_242 = tpu.memref_slice %arg10[%dma_start3A_240, %dma_start3A_241] : memref<20480x16xf32, #tpu.memory_space<vmem_shared>> -> memref<20480x16xf32, #tpu.memory_space<vmem_shared>>
      tpu.enqueue_indirect_dma source(%dma_start3A_236 : memref<128x16xf32, #tpu.memory_space<vmem>>) target(%dma_start3A_242 : memref<20480x16xf32, #tpu.memory_space<vmem_shared>>) offsets(%dma_start3A_239 : memref<128xi32, #tpu.memory_space<vmem>>) semaphore(%arg20 : memref<!tpu.dma_semaphore, #tpu.memory_space<semaphore_mem>>) {add = true}
      %dma_wait3A_243 = arith.constant 128 : i32
      %dma_wait3A_244 = arith.constant 0 : i32
      %dma_wait3A_245 = tpu.memref_slice %arg8[%dma_wait3A_243, %dma_wait3A_244] : memref<1024x16xf32, #tpu.memory_space<vmem>> -> memref<128x16xf32, #tpu.memory_space<vmem>>
      %dma_wait3A_246 = arith.constant 0 : i32
      %dma_wait3A_247 = tpu.memref_slice %arg6[%add3A_200, %dma_wait3A_246] : memref<160x128xi32, #tpu.memory_space<vmem>> -> memref<1x128xi32, #tpu.memory_space<vmem>>
      %dma_wait3A_248 = tpu.memref_squeeze %dma_wait3A_247 : memref<1x128xi32, #tpu.memory_space<vmem>> -> memref<128xi32, #tpu.memory_space<vmem>>
      %dma_wait3A_249 = arith.constant 0 : i32
      %dma_wait3A_250 = arith.constant 0 : i32
      %dma_wait3A_251 = tpu.memref_slice %arg11[%dma_wait3A_249, %dma_wait3A_250] : memref<20000x16xf32, #tpu.memory_space<vmem_shared>> -> memref<20000x16xf32, #tpu.memory_space<vmem_shared>>
      tpu.wait_indirect_dma semaphore(%arg13 : memref<!tpu.dma_semaphore, #tpu.memory_space<semaphore_mem>>) src(%dma_wait3A_251 : memref<20000x16xf32, #tpu.memory_space<vmem_shared>>) dst(%dma_wait3A_245 : memref<128x16xf32, #tpu.memory_space<vmem>>)
      %dma_start3A_252 = arith.constant 128 : i32
      %dma_start3A_253 = arith.constant 0 : i32
      %dma_start3A_254 = tpu.memref_slice %arg8[%dma_start3A_252, %dma_start3A_253] : memref<1024x16xf32, #tpu.memory_space<vmem>> -> memref<128x16xf32, #tpu.memory_space<vmem>>
      %dma_start3A_255 = arith.constant 0 : i32
      %dma_start3A_256 = tpu.memref_slice %arg7[%add3A_200, %dma_start3A_255] : memref<160x128xi32, #tpu.memory_space<vmem>> -> memref<1x128xi32, #tpu.memory_space<vmem>>
      %dma_start3A_257 = tpu.memref_squeeze %dma_start3A_256 : memref<1x128xi32, #tpu.memory_space<vmem>> -> memref<128xi32, #tpu.memory_space<vmem>>
      %dma_start3A_258 = arith.constant 0 : i32
      %dma_start3A_259 = arith.constant 0 : i32
      %dma_start3A_260 = tpu.memref_slice %arg10[%dma_start3A_258, %dma_start3A_259] : memref<20480x16xf32, #tpu.memory_space<vmem_shared>> -> memref<20480x16xf32, #tpu.memory_space<vmem_shared>>
      tpu.enqueue_indirect_dma source(%dma_start3A_254 : memref<128x16xf32, #tpu.memory_space<vmem>>) target(%dma_start3A_260 : memref<20480x16xf32, #tpu.memory_space<vmem_shared>>) offsets(%dma_start3A_257 : memref<128xi32, #tpu.memory_space<vmem>>) semaphore(%arg21 : memref<!tpu.dma_semaphore, #tpu.memory_space<semaphore_mem>>) {add = true}
      %dma_wait3A_261 = arith.constant 256 : i32
      %dma_wait3A_262 = arith.constant 0 : i32
      %dma_wait3A_263 = tpu.memref_slice %arg8[%dma_wait3A_261, %dma_wait3A_262] : memref<1024x16xf32, #tpu.memory_space<vmem>> -> memref<128x16xf32, #tpu.memory_space<vmem>>
      %dma_wait3A_264 = arith.constant 0 : i32
      %dma_wait3A_265 = tpu.memref_slice %arg6[%add3A_204, %dma_wait3A_264] : memref<160x128xi32, #tpu.memory_space<vmem>> -> memref<1x128xi32, #tpu.memory_space<vmem>>
      %dma_wait3A_266 = tpu.memref_squeeze %dma_wait3A_265 : memref<1x128xi32, #tpu.memory_space<vmem>> -> memref<128xi32, #tpu.memory_space<vmem>>
      %dma_wait3A_267 = arith.constant 0 : i32
      %dma_wait3A_268 = arith.constant 0 : i32
      %dma_wait3A_269 = tpu.memref_slice %arg11[%dma_wait3A_267, %dma_wait3A_268] : memref<20000x16xf32, #tpu.memory_space<vmem_shared>> -> memref<20000x16xf32, #tpu.memory_space<vmem_shared>>
      tpu.wait_indirect_dma semaphore(%arg14 : memref<!tpu.dma_semaphore, #tpu.memory_space<semaphore_mem>>) src(%dma_wait3A_269 : memref<20000x16xf32, #tpu.memory_space<vmem_shared>>) dst(%dma_wait3A_263 : memref<128x16xf32, #tpu.memory_space<vmem>>)
      %dma_start3A_270 = arith.constant 256 : i32
      %dma_start3A_271 = arith.constant 0 : i32
      %dma_start3A_272 = tpu.memref_slice %arg8[%dma_start3A_270, %dma_start3A_271] : memref<1024x16xf32, #tpu.memory_space<vmem>> -> memref<128x16xf32, #tpu.memory_space<vmem>>
      %dma_start3A_273 = arith.constant 0 : i32
      %dma_start3A_274 = tpu.memref_slice %arg7[%add3A_204, %dma_start3A_273] : memref<160x128xi32, #tpu.memory_space<vmem>> -> memref<1x128xi32, #tpu.memory_space<vmem>>
      %dma_start3A_275 = tpu.memref_squeeze %dma_start3A_274 : memref<1x128xi32, #tpu.memory_space<vmem>> -> memref<128xi32, #tpu.memory_space<vmem>>
      %dma_start3A_276 = arith.constant 0 : i32
      %dma_start3A_277 = arith.constant 0 : i32
      %dma_start3A_278 = tpu.memref_slice %arg10[%dma_start3A_276, %dma_start3A_277] : memref<20480x16xf32, #tpu.memory_space<vmem_shared>> -> memref<20480x16xf32, #tpu.memory_space<vmem_shared>>
      tpu.enqueue_indirect_dma source(%dma_start3A_272 : memref<128x16xf32, #tpu.memory_space<vmem>>) target(%dma_start3A_278 : memref<20480x16xf32, #tpu.memory_space<vmem_shared>>) offsets(%dma_start3A_275 : memref<128xi32, #tpu.memory_space<vmem>>) semaphore(%arg22 : memref<!tpu.dma_semaphore, #tpu.memory_space<semaphore_mem>>) {add = true}
      %dma_wait3A_279 = arith.constant 384 : i32
      %dma_wait3A_280 = arith.constant 0 : i32
      %dma_wait3A_281 = tpu.memref_slice %arg8[%dma_wait3A_279, %dma_wait3A_280] : memref<1024x16xf32, #tpu.memory_space<vmem>> -> memref<128x16xf32, #tpu.memory_space<vmem>>
      %dma_wait3A_282 = arith.constant 0 : i32
      %dma_wait3A_283 = tpu.memref_slice %arg6[%add3A_208, %dma_wait3A_282] : memref<160x128xi32, #tpu.memory_space<vmem>> -> memref<1x128xi32, #tpu.memory_space<vmem>>
      %dma_wait3A_284 = tpu.memref_squeeze %dma_wait3A_283 : memref<1x128xi32, #tpu.memory_space<vmem>> -> memref<128xi32, #tpu.memory_space<vmem>>
      %dma_wait3A_285 = arith.constant 0 : i32
      %dma_wait3A_286 = arith.constant 0 : i32
      %dma_wait3A_287 = tpu.memref_slice %arg11[%dma_wait3A_285, %dma_wait3A_286] : memref<20000x16xf32, #tpu.memory_space<vmem_shared>> -> memref<20000x16xf32, #tpu.memory_space<vmem_shared>>
      tpu.wait_indirect_dma semaphore(%arg15 : memref<!tpu.dma_semaphore, #tpu.memory_space<semaphore_mem>>) src(%dma_wait3A_287 : memref<20000x16xf32, #tpu.memory_space<vmem_shared>>) dst(%dma_wait3A_281 : memref<128x16xf32, #tpu.memory_space<vmem>>)
      %dma_start3A_288 = arith.constant 384 : i32
      %dma_start3A_289 = arith.constant 0 : i32
      %dma_start3A_290 = tpu.memref_slice %arg8[%dma_start3A_288, %dma_start3A_289] : memref<1024x16xf32, #tpu.memory_space<vmem>> -> memref<128x16xf32, #tpu.memory_space<vmem>>
      %dma_start3A_291 = arith.constant 0 : i32
      %dma_start3A_292 = tpu.memref_slice %arg7[%add3A_208, %dma_start3A_291] : memref<160x128xi32, #tpu.memory_space<vmem>> -> memref<1x128xi32, #tpu.memory_space<vmem>>
      %dma_start3A_293 = tpu.memref_squeeze %dma_start3A_292 : memref<1x128xi32, #tpu.memory_space<vmem>> -> memref<128xi32, #tpu.memory_space<vmem>>
      %dma_start3A_294 = arith.constant 0 : i32
      %dma_start3A_295 = arith.constant 0 : i32
      %dma_start3A_296 = tpu.memref_slice %arg10[%dma_start3A_294, %dma_start3A_295] : memref<20480x16xf32, #tpu.memory_space<vmem_shared>> -> memref<20480x16xf32, #tpu.memory_space<vmem_shared>>
      tpu.enqueue_indirect_dma source(%dma_start3A_290 : memref<128x16xf32, #tpu.memory_space<vmem>>) target(%dma_start3A_296 : memref<20480x16xf32, #tpu.memory_space<vmem_shared>>) offsets(%dma_start3A_293 : memref<128xi32, #tpu.memory_space<vmem>>) semaphore(%arg23 : memref<!tpu.dma_semaphore, #tpu.memory_space<semaphore_mem>>) {add = true}
      %dma_wait3A_297 = arith.constant 512 : i32
      %dma_wait3A_298 = arith.constant 0 : i32
      %dma_wait3A_299 = tpu.memref_slice %arg8[%dma_wait3A_297, %dma_wait3A_298] : memref<1024x16xf32, #tpu.memory_space<vmem>> -> memref<128x16xf32, #tpu.memory_space<vmem>>
      %dma_wait3A_300 = arith.constant 0 : i32
      %dma_wait3A_301 = tpu.memref_slice %arg6[%add3A_212, %dma_wait3A_300] : memref<160x128xi32, #tpu.memory_space<vmem>> -> memref<1x128xi32, #tpu.memory_space<vmem>>
      %dma_wait3A_302 = tpu.memref_squeeze %dma_wait3A_301 : memref<1x128xi32, #tpu.memory_space<vmem>> -> memref<128xi32, #tpu.memory_space<vmem>>
      %dma_wait3A_303 = arith.constant 0 : i32
      %dma_wait3A_304 = arith.constant 0 : i32
      %dma_wait3A_305 = tpu.memref_slice %arg11[%dma_wait3A_303, %dma_wait3A_304] : memref<20000x16xf32, #tpu.memory_space<vmem_shared>> -> memref<20000x16xf32, #tpu.memory_space<vmem_shared>>
      tpu.wait_indirect_dma semaphore(%arg16 : memref<!tpu.dma_semaphore, #tpu.memory_space<semaphore_mem>>) src(%dma_wait3A_305 : memref<20000x16xf32, #tpu.memory_space<vmem_shared>>) dst(%dma_wait3A_299 : memref<128x16xf32, #tpu.memory_space<vmem>>)
      %dma_start3A_306 = arith.constant 512 : i32
      %dma_start3A_307 = arith.constant 0 : i32
      %dma_start3A_308 = tpu.memref_slice %arg8[%dma_start3A_306, %dma_start3A_307] : memref<1024x16xf32, #tpu.memory_space<vmem>> -> memref<128x16xf32, #tpu.memory_space<vmem>>
      %dma_start3A_309 = arith.constant 0 : i32
      %dma_start3A_310 = tpu.memref_slice %arg7[%add3A_212, %dma_start3A_309] : memref<160x128xi32, #tpu.memory_space<vmem>> -> memref<1x128xi32, #tpu.memory_space<vmem>>
      %dma_start3A_311 = tpu.memref_squeeze %dma_start3A_310 : memref<1x128xi32, #tpu.memory_space<vmem>> -> memref<128xi32, #tpu.memory_space<vmem>>
      %dma_start3A_312 = arith.constant 0 : i32
      %dma_start3A_313 = arith.constant 0 : i32
      %dma_start3A_314 = tpu.memref_slice %arg10[%dma_start3A_312, %dma_start3A_313] : memref<20480x16xf32, #tpu.memory_space<vmem_shared>> -> memref<20480x16xf32, #tpu.memory_space<vmem_shared>>
      tpu.enqueue_indirect_dma source(%dma_start3A_308 : memref<128x16xf32, #tpu.memory_space<vmem>>) target(%dma_start3A_314 : memref<20480x16xf32, #tpu.memory_space<vmem_shared>>) offsets(%dma_start3A_311 : memref<128xi32, #tpu.memory_space<vmem>>) semaphore(%arg24 : memref<!tpu.dma_semaphore, #tpu.memory_space<semaphore_mem>>) {add = true}
      %dma_wait3A_315 = arith.constant 640 : i32
      %dma_wait3A_316 = arith.constant 0 : i32
      %dma_wait3A_317 = tpu.memref_slice %arg8[%dma_wait3A_315, %dma_wait3A_316] : memref<1024x16xf32, #tpu.memory_space<vmem>> -> memref<128x16xf32, #tpu.memory_space<vmem>>
      %dma_wait3A_318 = arith.constant 0 : i32
      %dma_wait3A_319 = tpu.memref_slice %arg6[%add3A_216, %dma_wait3A_318] : memref<160x128xi32, #tpu.memory_space<vmem>> -> memref<1x128xi32, #tpu.memory_space<vmem>>
      %dma_wait3A_320 = tpu.memref_squeeze %dma_wait3A_319 : memref<1x128xi32, #tpu.memory_space<vmem>> -> memref<128xi32, #tpu.memory_space<vmem>>
      %dma_wait3A_321 = arith.constant 0 : i32
      %dma_wait3A_322 = arith.constant 0 : i32
      %dma_wait3A_323 = tpu.memref_slice %arg11[%dma_wait3A_321, %dma_wait3A_322] : memref<20000x16xf32, #tpu.memory_space<vmem_shared>> -> memref<20000x16xf32, #tpu.memory_space<vmem_shared>>
      tpu.wait_indirect_dma semaphore(%arg17 : memref<!tpu.dma_semaphore, #tpu.memory_space<semaphore_mem>>) src(%dma_wait3A_323 : memref<20000x16xf32, #tpu.memory_space<vmem_shared>>) dst(%dma_wait3A_317 : memref<128x16xf32, #tpu.memory_space<vmem>>)
      %dma_start3A_324 = arith.constant 640 : i32
      %dma_start3A_325 = arith.constant 0 : i32
      %dma_start3A_326 = tpu.memref_slice %arg8[%dma_start3A_324, %dma_start3A_325] : memref<1024x16xf32, #tpu.memory_space<vmem>> -> memref<128x16xf32, #tpu.memory_space<vmem>>
      %dma_start3A_327 = arith.constant 0 : i32
      %dma_start3A_328 = tpu.memref_slice %arg7[%add3A_216, %dma_start3A_327] : memref<160x128xi32, #tpu.memory_space<vmem>> -> memref<1x128xi32, #tpu.memory_space<vmem>>
      %dma_start3A_329 = tpu.memref_squeeze %dma_start3A_328 : memref<1x128xi32, #tpu.memory_space<vmem>> -> memref<128xi32, #tpu.memory_space<vmem>>
      %dma_start3A_330 = arith.constant 0 : i32
      %dma_start3A_331 = arith.constant 0 : i32
      %dma_start3A_332 = tpu.memref_slice %arg10[%dma_start3A_330, %dma_start3A_331] : memref<20480x16xf32, #tpu.memory_space<vmem_shared>> -> memref<20480x16xf32, #tpu.memory_space<vmem_shared>>
      tpu.enqueue_indirect_dma source(%dma_start3A_326 : memref<128x16xf32, #tpu.memory_space<vmem>>) target(%dma_start3A_332 : memref<20480x16xf32, #tpu.memory_space<vmem_shared>>) offsets(%dma_start3A_329 : memref<128xi32, #tpu.memory_space<vmem>>) semaphore(%arg25 : memref<!tpu.dma_semaphore, #tpu.memory_space<semaphore_mem>>) {add = true}
      %dma_wait3A_333 = arith.constant 768 : i32
      %dma_wait3A_334 = arith.constant 0 : i32
      %dma_wait3A_335 = tpu.memref_slice %arg8[%dma_wait3A_333, %dma_wait3A_334] : memref<1024x16xf32, #tpu.memory_space<vmem>> -> memref<128x16xf32, #tpu.memory_space<vmem>>
      %dma_wait3A_336 = arith.constant 0 : i32
      %dma_wait3A_337 = tpu.memref_slice %arg6[%add3A_220, %dma_wait3A_336] : memref<160x128xi32, #tpu.memory_space<vmem>> -> memref<1x128xi32, #tpu.memory_space<vmem>>
      %dma_wait3A_338 = tpu.memref_squeeze %dma_wait3A_337 : memref<1x128xi32, #tpu.memory_space<vmem>> -> memref<128xi32, #tpu.memory_space<vmem>>
      %dma_wait3A_339 = arith.constant 0 : i32
      %dma_wait3A_340 = arith.constant 0 : i32
      %dma_wait3A_341 = tpu.memref_slice %arg11[%dma_wait3A_339, %dma_wait3A_340] : memref<20000x16xf32, #tpu.memory_space<vmem_shared>> -> memref<20000x16xf32, #tpu.memory_space<vmem_shared>>
      tpu.wait_indirect_dma semaphore(%arg18 : memref<!tpu.dma_semaphore, #tpu.memory_space<semaphore_mem>>) src(%dma_wait3A_341 : memref<20000x16xf32, #tpu.memory_space<vmem_shared>>) dst(%dma_wait3A_335 : memref<128x16xf32, #tpu.memory_space<vmem>>)
      %dma_start3A_342 = arith.constant 768 : i32
      %dma_start3A_343 = arith.constant 0 : i32
      %dma_start3A_344 = tpu.memref_slice %arg8[%dma_start3A_342, %dma_start3A_343] : memref<1024x16xf32, #tpu.memory_space<vmem>> -> memref<128x16xf32, #tpu.memory_space<vmem>>
      %dma_start3A_345 = arith.constant 0 : i32
      %dma_start3A_346 = tpu.memref_slice %arg7[%add3A_220, %dma_start3A_345] : memref<160x128xi32, #tpu.memory_space<vmem>> -> memref<1x128xi32, #tpu.memory_space<vmem>>
      %dma_start3A_347 = tpu.memref_squeeze %dma_start3A_346 : memref<1x128xi32, #tpu.memory_space<vmem>> -> memref<128xi32, #tpu.memory_space<vmem>>
      %dma_start3A_348 = arith.constant 0 : i32
      %dma_start3A_349 = arith.constant 0 : i32
      %dma_start3A_350 = tpu.memref_slice %arg10[%dma_start3A_348, %dma_start3A_349] : memref<20480x16xf32, #tpu.memory_space<vmem_shared>> -> memref<20480x16xf32, #tpu.memory_space<vmem_shared>>
      tpu.enqueue_indirect_dma source(%dma_start3A_344 : memref<128x16xf32, #tpu.memory_space<vmem>>) target(%dma_start3A_350 : memref<20480x16xf32, #tpu.memory_space<vmem_shared>>) offsets(%dma_start3A_347 : memref<128xi32, #tpu.memory_space<vmem>>) semaphore(%arg26 : memref<!tpu.dma_semaphore, #tpu.memory_space<semaphore_mem>>) {add = true}
      %dma_wait3A_351 = arith.constant 896 : i32
      %dma_wait3A_352 = arith.constant 0 : i32
      %dma_wait3A_353 = tpu.memref_slice %arg8[%dma_wait3A_351, %dma_wait3A_352] : memref<1024x16xf32, #tpu.memory_space<vmem>> -> memref<128x16xf32, #tpu.memory_space<vmem>>
      %dma_wait3A_354 = arith.constant 0 : i32
      %dma_wait3A_355 = tpu.memref_slice %arg6[%add3A_224, %dma_wait3A_354] : memref<160x128xi32, #tpu.memory_space<vmem>> -> memref<1x128xi32, #tpu.memory_space<vmem>>
      %dma_wait3A_356 = tpu.memref_squeeze %dma_wait3A_355 : memref<1x128xi32, #tpu.memory_space<vmem>> -> memref<128xi32, #tpu.memory_space<vmem>>
      %dma_wait3A_357 = arith.constant 0 : i32
      %dma_wait3A_358 = arith.constant 0 : i32
      %dma_wait3A_359 = tpu.memref_slice %arg11[%dma_wait3A_357, %dma_wait3A_358] : memref<20000x16xf32, #tpu.memory_space<vmem_shared>> -> memref<20000x16xf32, #tpu.memory_space<vmem_shared>>
      tpu.wait_indirect_dma semaphore(%arg19 : memref<!tpu.dma_semaphore, #tpu.memory_space<semaphore_mem>>) src(%dma_wait3A_359 : memref<20000x16xf32, #tpu.memory_space<vmem_shared>>) dst(%dma_wait3A_353 : memref<128x16xf32, #tpu.memory_space<vmem>>)
      %dma_start3A_360 = arith.constant 896 : i32
      %dma_start3A_361 = arith.constant 0 : i32
      %dma_start3A_362 = tpu.memref_slice %arg8[%dma_start3A_360, %dma_start3A_361] : memref<1024x16xf32, #tpu.memory_space<vmem>> -> memref<128x16xf32, #tpu.memory_space<vmem>>
      %dma_start3A_363 = arith.constant 0 : i32
      %dma_start3A_364 = tpu.memref_slice %arg7[%add3A_224, %dma_start3A_363] : memref<160x128xi32, #tpu.memory_space<vmem>> -> memref<1x128xi32, #tpu.memory_space<vmem>>
      %dma_start3A_365 = tpu.memref_squeeze %dma_start3A_364 : memref<1x128xi32, #tpu.memory_space<vmem>> -> memref<128xi32, #tpu.memory_space<vmem>>
      %dma_start3A_366 = arith.constant 0 : i32
      %dma_start3A_367 = arith.constant 0 : i32
      %dma_start3A_368 = tpu.memref_slice %arg10[%dma_start3A_366, %dma_start3A_367] : memref<20480x16xf32, #tpu.memory_space<vmem_shared>> -> memref<20480x16xf32, #tpu.memory_space<vmem_shared>>
      tpu.enqueue_indirect_dma source(%dma_start3A_362 : memref<128x16xf32, #tpu.memory_space<vmem>>) target(%dma_start3A_368 : memref<20480x16xf32, #tpu.memory_space<vmem_shared>>) offsets(%dma_start3A_365 : memref<128xi32, #tpu.memory_space<vmem>>) semaphore(%arg27 : memref<!tpu.dma_semaphore, #tpu.memory_space<semaphore_mem>>) {add = true}
      %dma_wait3A_369 = arith.constant 0 : i32
      %dma_wait3A_370 = arith.constant 0 : i32
      %dma_wait3A_371 = tpu.memref_slice %arg8[%dma_wait3A_369, %dma_wait3A_370] : memref<1024x16xf32, #tpu.memory_space<vmem>> -> memref<128x16xf32, #tpu.memory_space<vmem>>
      %dma_wait3A_372 = arith.constant 0 : i32
      %dma_wait3A_373 = tpu.memref_slice %arg7[%add3A_196, %dma_wait3A_372] : memref<160x128xi32, #tpu.memory_space<vmem>> -> memref<1x128xi32, #tpu.memory_space<vmem>>
      %dma_wait3A_374 = tpu.memref_squeeze %dma_wait3A_373 : memref<1x128xi32, #tpu.memory_space<vmem>> -> memref<128xi32, #tpu.memory_space<vmem>>
      %dma_wait3A_375 = arith.constant 0 : i32
      %dma_wait3A_376 = arith.constant 0 : i32
      %dma_wait3A_377 = tpu.memref_slice %arg10[%dma_wait3A_375, %dma_wait3A_376] : memref<20480x16xf32, #tpu.memory_space<vmem_shared>> -> memref<20480x16xf32, #tpu.memory_space<vmem_shared>>
      tpu.wait_indirect_dma semaphore(%arg20 : memref<!tpu.dma_semaphore, #tpu.memory_space<semaphore_mem>>) src(%dma_wait3A_371 : memref<128x16xf32, #tpu.memory_space<vmem>>) dst(%dma_wait3A_377 : memref<20480x16xf32, #tpu.memory_space<vmem_shared>>)
      %lt3A_378 = arith.constant 19 : i32
      %lt3A_379 = arith.cmpi slt, %scan3A_191, %lt3A_378 : i32
      %convert_element_type3A = arith.extui %lt3A_379 : i1 to i32
      %cond3A = arith.constant 0 : i32
      %cond3A_380 = arith.cmpi ne, %convert_element_type3A, %cond3A : i32
      scf.if %cond3A_380 {
        %add3A_480 = arith.constant 8 : i32
        %add3A_481 = arith.addi %add3A_196, %add3A_480 : i32
        %dma_start3A_482 = arith.constant 0 : i32
        %dma_start3A_483 = arith.constant 0 : i32
        %dma_start3A_484 = tpu.memref_slice %arg8[%dma_start3A_482, %dma_start3A_483] : memref<1024x16xf32, #tpu.memory_space<vmem>> -> memref<128x16xf32, #tpu.memory_space<vmem>>
        %dma_start3A_485 = arith.constant 0 : i32
        %dma_start3A_486 = tpu.memref_slice %arg6[%add3A_481, %dma_start3A_485] : memref<160x128xi32, #tpu.memory_space<vmem>> -> memref<1x128xi32, #tpu.memory_space<vmem>>
        %dma_start3A_487 = tpu.memref_squeeze %dma_start3A_486 : memref<1x128xi32, #tpu.memory_space<vmem>> -> memref<128xi32, #tpu.memory_space<vmem>>
        %dma_start3A_488 = arith.constant 0 : i32
        %dma_start3A_489 = arith.constant 0 : i32
        %dma_start3A_490 = tpu.memref_slice %arg11[%dma_start3A_488, %dma_start3A_489] : memref<20000x16xf32, #tpu.memory_space<vmem_shared>> -> memref<20000x16xf32, #tpu.memory_space<vmem_shared>>
        tpu.enqueue_indirect_dma source(%dma_start3A_490 : memref<20000x16xf32, #tpu.memory_space<vmem_shared>>) target(%dma_start3A_484 : memref<128x16xf32, #tpu.memory_space<vmem>>) offsets(%dma_start3A_487 : memref<128xi32, #tpu.memory_space<vmem>>) semaphore(%arg12 : memref<!tpu.dma_semaphore, #tpu.memory_space<semaphore_mem>>)
      } else {
      }
      %dma_wait3A_381 = arith.constant 128 : i32
      %dma_wait3A_382 = arith.constant 0 : i32
      %dma_wait3A_383 = tpu.memref_slice %arg8[%dma_wait3A_381, %dma_wait3A_382] : memref<1024x16xf32, #tpu.memory_space<vmem>> -> memref<128x16xf32, #tpu.memory_space<vmem>>
      %dma_wait3A_384 = arith.constant 0 : i32
      %dma_wait3A_385 = tpu.memref_slice %arg7[%add3A_200, %dma_wait3A_384] : memref<160x128xi32, #tpu.memory_space<vmem>> -> memref<1x128xi32, #tpu.memory_space<vmem>>
      %dma_wait3A_386 = tpu.memref_squeeze %dma_wait3A_385 : memref<1x128xi32, #tpu.memory_space<vmem>> -> memref<128xi32, #tpu.memory_space<vmem>>
      %dma_wait3A_387 = arith.constant 0 : i32
      %dma_wait3A_388 = arith.constant 0 : i32
      %dma_wait3A_389 = tpu.memref_slice %arg10[%dma_wait3A_387, %dma_wait3A_388] : memref<20480x16xf32, #tpu.memory_space<vmem_shared>> -> memref<20480x16xf32, #tpu.memory_space<vmem_shared>>
      tpu.wait_indirect_dma semaphore(%arg21 : memref<!tpu.dma_semaphore, #tpu.memory_space<semaphore_mem>>) src(%dma_wait3A_383 : memref<128x16xf32, #tpu.memory_space<vmem>>) dst(%dma_wait3A_389 : memref<20480x16xf32, #tpu.memory_space<vmem_shared>>)
      %lt3A_390 = arith.constant 19 : i32
      %lt3A_391 = arith.cmpi slt, %scan3A_191, %lt3A_390 : i32
      %convert_element_type3A_392 = arith.extui %lt3A_391 : i1 to i32
      %cond3A_393 = arith.constant 0 : i32
      %cond3A_394 = arith.cmpi ne, %convert_element_type3A_392, %cond3A_393 : i32
      scf.if %cond3A_394 {
        %add3A_480 = arith.constant 8 : i32
        %add3A_481 = arith.addi %add3A_200, %add3A_480 : i32
        %dma_start3A_482 = arith.constant 128 : i32
        %dma_start3A_483 = arith.constant 0 : i32
        %dma_start3A_484 = tpu.memref_slice %arg8[%dma_start3A_482, %dma_start3A_483] : memref<1024x16xf32, #tpu.memory_space<vmem>> -> memref<128x16xf32, #tpu.memory_space<vmem>>
        %dma_start3A_485 = arith.constant 0 : i32
        %dma_start3A_486 = tpu.memref_slice %arg6[%add3A_481, %dma_start3A_485] : memref<160x128xi32, #tpu.memory_space<vmem>> -> memref<1x128xi32, #tpu.memory_space<vmem>>
        %dma_start3A_487 = tpu.memref_squeeze %dma_start3A_486 : memref<1x128xi32, #tpu.memory_space<vmem>> -> memref<128xi32, #tpu.memory_space<vmem>>
        %dma_start3A_488 = arith.constant 0 : i32
        %dma_start3A_489 = arith.constant 0 : i32
        %dma_start3A_490 = tpu.memref_slice %arg11[%dma_start3A_488, %dma_start3A_489] : memref<20000x16xf32, #tpu.memory_space<vmem_shared>> -> memref<20000x16xf32, #tpu.memory_space<vmem_shared>>
        tpu.enqueue_indirect_dma source(%dma_start3A_490 : memref<20000x16xf32, #tpu.memory_space<vmem_shared>>) target(%dma_start3A_484 : memref<128x16xf32, #tpu.memory_space<vmem>>) offsets(%dma_start3A_487 : memref<128xi32, #tpu.memory_space<vmem>>) semaphore(%arg13 : memref<!tpu.dma_semaphore, #tpu.memory_space<semaphore_mem>>)
      } else {
      }
      %dma_wait3A_395 = arith.constant 256 : i32
      %dma_wait3A_396 = arith.constant 0 : i32
      %dma_wait3A_397 = tpu.memref_slice %arg8[%dma_wait3A_395, %dma_wait3A_396] : memref<1024x16xf32, #tpu.memory_space<vmem>> -> memref<128x16xf32, #tpu.memory_space<vmem>>
      %dma_wait3A_398 = arith.constant 0 : i32
      %dma_wait3A_399 = tpu.memref_slice %arg7[%add3A_204, %dma_wait3A_398] : memref<160x128xi32, #tpu.memory_space<vmem>> -> memref<1x128xi32, #tpu.memory_space<vmem>>
      %dma_wait3A_400 = tpu.memref_squeeze %dma_wait3A_399 : memref<1x128xi32, #tpu.memory_space<vmem>> -> memref<128xi32, #tpu.memory_space<vmem>>
      %dma_wait3A_401 = arith.constant 0 : i32
      %dma_wait3A_402 = arith.constant 0 : i32
      %dma_wait3A_403 = tpu.memref_slice %arg10[%dma_wait3A_401, %dma_wait3A_402] : memref<20480x16xf32, #tpu.memory_space<vmem_shared>> -> memref<20480x16xf32, #tpu.memory_space<vmem_shared>>
      tpu.wait_indirect_dma semaphore(%arg22 : memref<!tpu.dma_semaphore, #tpu.memory_space<semaphore_mem>>) src(%dma_wait3A_397 : memref<128x16xf32, #tpu.memory_space<vmem>>) dst(%dma_wait3A_403 : memref<20480x16xf32, #tpu.memory_space<vmem_shared>>)
      %lt3A_404 = arith.constant 19 : i32
      %lt3A_405 = arith.cmpi slt, %scan3A_191, %lt3A_404 : i32
      %convert_element_type3A_406 = arith.extui %lt3A_405 : i1 to i32
      %cond3A_407 = arith.constant 0 : i32
      %cond3A_408 = arith.cmpi ne, %convert_element_type3A_406, %cond3A_407 : i32
      scf.if %cond3A_408 {
        %add3A_480 = arith.constant 8 : i32
        %add3A_481 = arith.addi %add3A_204, %add3A_480 : i32
        %dma_start3A_482 = arith.constant 256 : i32
        %dma_start3A_483 = arith.constant 0 : i32
        %dma_start3A_484 = tpu.memref_slice %arg8[%dma_start3A_482, %dma_start3A_483] : memref<1024x16xf32, #tpu.memory_space<vmem>> -> memref<128x16xf32, #tpu.memory_space<vmem>>
        %dma_start3A_485 = arith.constant 0 : i32
        %dma_start3A_486 = tpu.memref_slice %arg6[%add3A_481, %dma_start3A_485] : memref<160x128xi32, #tpu.memory_space<vmem>> -> memref<1x128xi32, #tpu.memory_space<vmem>>
        %dma_start3A_487 = tpu.memref_squeeze %dma_start3A_486 : memref<1x128xi32, #tpu.memory_space<vmem>> -> memref<128xi32, #tpu.memory_space<vmem>>
        %dma_start3A_488 = arith.constant 0 : i32
        %dma_start3A_489 = arith.constant 0 : i32
        %dma_start3A_490 = tpu.memref_slice %arg11[%dma_start3A_488, %dma_start3A_489] : memref<20000x16xf32, #tpu.memory_space<vmem_shared>> -> memref<20000x16xf32, #tpu.memory_space<vmem_shared>>
        tpu.enqueue_indirect_dma source(%dma_start3A_490 : memref<20000x16xf32, #tpu.memory_space<vmem_shared>>) target(%dma_start3A_484 : memref<128x16xf32, #tpu.memory_space<vmem>>) offsets(%dma_start3A_487 : memref<128xi32, #tpu.memory_space<vmem>>) semaphore(%arg14 : memref<!tpu.dma_semaphore, #tpu.memory_space<semaphore_mem>>)
      } else {
      }
      %dma_wait3A_409 = arith.constant 384 : i32
      %dma_wait3A_410 = arith.constant 0 : i32
      %dma_wait3A_411 = tpu.memref_slice %arg8[%dma_wait3A_409, %dma_wait3A_410] : memref<1024x16xf32, #tpu.memory_space<vmem>> -> memref<128x16xf32, #tpu.memory_space<vmem>>
      %dma_wait3A_412 = arith.constant 0 : i32
      %dma_wait3A_413 = tpu.memref_slice %arg7[%add3A_208, %dma_wait3A_412] : memref<160x128xi32, #tpu.memory_space<vmem>> -> memref<1x128xi32, #tpu.memory_space<vmem>>
      %dma_wait3A_414 = tpu.memref_squeeze %dma_wait3A_413 : memref<1x128xi32, #tpu.memory_space<vmem>> -> memref<128xi32, #tpu.memory_space<vmem>>
      %dma_wait3A_415 = arith.constant 0 : i32
      %dma_wait3A_416 = arith.constant 0 : i32
      %dma_wait3A_417 = tpu.memref_slice %arg10[%dma_wait3A_415, %dma_wait3A_416] : memref<20480x16xf32, #tpu.memory_space<vmem_shared>> -> memref<20480x16xf32, #tpu.memory_space<vmem_shared>>
      tpu.wait_indirect_dma semaphore(%arg23 : memref<!tpu.dma_semaphore, #tpu.memory_space<semaphore_mem>>) src(%dma_wait3A_411 : memref<128x16xf32, #tpu.memory_space<vmem>>) dst(%dma_wait3A_417 : memref<20480x16xf32, #tpu.memory_space<vmem_shared>>)
      %lt3A_418 = arith.constant 19 : i32
      %lt3A_419 = arith.cmpi slt, %scan3A_191, %lt3A_418 : i32
      %convert_element_type3A_420 = arith.extui %lt3A_419 : i1 to i32
      %cond3A_421 = arith.constant 0 : i32
      %cond3A_422 = arith.cmpi ne, %convert_element_type3A_420, %cond3A_421 : i32
      scf.if %cond3A_422 {
        %add3A_480 = arith.constant 8 : i32
        %add3A_481 = arith.addi %add3A_208, %add3A_480 : i32
        %dma_start3A_482 = arith.constant 384 : i32
        %dma_start3A_483 = arith.constant 0 : i32
        %dma_start3A_484 = tpu.memref_slice %arg8[%dma_start3A_482, %dma_start3A_483] : memref<1024x16xf32, #tpu.memory_space<vmem>> -> memref<128x16xf32, #tpu.memory_space<vmem>>
        %dma_start3A_485 = arith.constant 0 : i32
        %dma_start3A_486 = tpu.memref_slice %arg6[%add3A_481, %dma_start3A_485] : memref<160x128xi32, #tpu.memory_space<vmem>> -> memref<1x128xi32, #tpu.memory_space<vmem>>
        %dma_start3A_487 = tpu.memref_squeeze %dma_start3A_486 : memref<1x128xi32, #tpu.memory_space<vmem>> -> memref<128xi32, #tpu.memory_space<vmem>>
        %dma_start3A_488 = arith.constant 0 : i32
        %dma_start3A_489 = arith.constant 0 : i32
        %dma_start3A_490 = tpu.memref_slice %arg11[%dma_start3A_488, %dma_start3A_489] : memref<20000x16xf32, #tpu.memory_space<vmem_shared>> -> memref<20000x16xf32, #tpu.memory_space<vmem_shared>>
        tpu.enqueue_indirect_dma source(%dma_start3A_490 : memref<20000x16xf32, #tpu.memory_space<vmem_shared>>) target(%dma_start3A_484 : memref<128x16xf32, #tpu.memory_space<vmem>>) offsets(%dma_start3A_487 : memref<128xi32, #tpu.memory_space<vmem>>) semaphore(%arg15 : memref<!tpu.dma_semaphore, #tpu.memory_space<semaphore_mem>>)
      } else {
      }
      %dma_wait3A_423 = arith.constant 512 : i32
      %dma_wait3A_424 = arith.constant 0 : i32
      %dma_wait3A_425 = tpu.memref_slice %arg8[%dma_wait3A_423, %dma_wait3A_424] : memref<1024x16xf32, #tpu.memory_space<vmem>> -> memref<128x16xf32, #tpu.memory_space<vmem>>
      %dma_wait3A_426 = arith.constant 0 : i32
      %dma_wait3A_427 = tpu.memref_slice %arg7[%add3A_212, %dma_wait3A_426] : memref<160x128xi32, #tpu.memory_space<vmem>> -> memref<1x128xi32, #tpu.memory_space<vmem>>
      %dma_wait3A_428 = tpu.memref_squeeze %dma_wait3A_427 : memref<1x128xi32, #tpu.memory_space<vmem>> -> memref<128xi32, #tpu.memory_space<vmem>>
      %dma_wait3A_429 = arith.constant 0 : i32
      %dma_wait3A_430 = arith.constant 0 : i32
      %dma_wait3A_431 = tpu.memref_slice %arg10[%dma_wait3A_429, %dma_wait3A_430] : memref<20480x16xf32, #tpu.memory_space<vmem_shared>> -> memref<20480x16xf32, #tpu.memory_space<vmem_shared>>
      tpu.wait_indirect_dma semaphore(%arg24 : memref<!tpu.dma_semaphore, #tpu.memory_space<semaphore_mem>>) src(%dma_wait3A_425 : memref<128x16xf32, #tpu.memory_space<vmem>>) dst(%dma_wait3A_431 : memref<20480x16xf32, #tpu.memory_space<vmem_shared>>)
      %lt3A_432 = arith.constant 19 : i32
      %lt3A_433 = arith.cmpi slt, %scan3A_191, %lt3A_432 : i32
      %convert_element_type3A_434 = arith.extui %lt3A_433 : i1 to i32
      %cond3A_435 = arith.constant 0 : i32
      %cond3A_436 = arith.cmpi ne, %convert_element_type3A_434, %cond3A_435 : i32
      scf.if %cond3A_436 {
        %add3A_480 = arith.constant 8 : i32
        %add3A_481 = arith.addi %add3A_212, %add3A_480 : i32
        %dma_start3A_482 = arith.constant 512 : i32
        %dma_start3A_483 = arith.constant 0 : i32
        %dma_start3A_484 = tpu.memref_slice %arg8[%dma_start3A_482, %dma_start3A_483] : memref<1024x16xf32, #tpu.memory_space<vmem>> -> memref<128x16xf32, #tpu.memory_space<vmem>>
        %dma_start3A_485 = arith.constant 0 : i32
        %dma_start3A_486 = tpu.memref_slice %arg6[%add3A_481, %dma_start3A_485] : memref<160x128xi32, #tpu.memory_space<vmem>> -> memref<1x128xi32, #tpu.memory_space<vmem>>
        %dma_start3A_487 = tpu.memref_squeeze %dma_start3A_486 : memref<1x128xi32, #tpu.memory_space<vmem>> -> memref<128xi32, #tpu.memory_space<vmem>>
        %dma_start3A_488 = arith.constant 0 : i32
        %dma_start3A_489 = arith.constant 0 : i32
        %dma_start3A_490 = tpu.memref_slice %arg11[%dma_start3A_488, %dma_start3A_489] : memref<20000x16xf32, #tpu.memory_space<vmem_shared>> -> memref<20000x16xf32, #tpu.memory_space<vmem_shared>>
        tpu.enqueue_indirect_dma source(%dma_start3A_490 : memref<20000x16xf32, #tpu.memory_space<vmem_shared>>) target(%dma_start3A_484 : memref<128x16xf32, #tpu.memory_space<vmem>>) offsets(%dma_start3A_487 : memref<128xi32, #tpu.memory_space<vmem>>) semaphore(%arg16 : memref<!tpu.dma_semaphore, #tpu.memory_space<semaphore_mem>>)
      } else {
      }
      %dma_wait3A_437 = arith.constant 640 : i32
      %dma_wait3A_438 = arith.constant 0 : i32
      %dma_wait3A_439 = tpu.memref_slice %arg8[%dma_wait3A_437, %dma_wait3A_438] : memref<1024x16xf32, #tpu.memory_space<vmem>> -> memref<128x16xf32, #tpu.memory_space<vmem>>
      %dma_wait3A_440 = arith.constant 0 : i32
      %dma_wait3A_441 = tpu.memref_slice %arg7[%add3A_216, %dma_wait3A_440] : memref<160x128xi32, #tpu.memory_space<vmem>> -> memref<1x128xi32, #tpu.memory_space<vmem>>
      %dma_wait3A_442 = tpu.memref_squeeze %dma_wait3A_441 : memref<1x128xi32, #tpu.memory_space<vmem>> -> memref<128xi32, #tpu.memory_space<vmem>>
      %dma_wait3A_443 = arith.constant 0 : i32
      %dma_wait3A_444 = arith.constant 0 : i32
      %dma_wait3A_445 = tpu.memref_slice %arg10[%dma_wait3A_443, %dma_wait3A_444] : memref<20480x16xf32, #tpu.memory_space<vmem_shared>> -> memref<20480x16xf32, #tpu.memory_space<vmem_shared>>
      tpu.wait_indirect_dma semaphore(%arg25 : memref<!tpu.dma_semaphore, #tpu.memory_space<semaphore_mem>>) src(%dma_wait3A_439 : memref<128x16xf32, #tpu.memory_space<vmem>>) dst(%dma_wait3A_445 : memref<20480x16xf32, #tpu.memory_space<vmem_shared>>)
      %lt3A_446 = arith.constant 19 : i32
      %lt3A_447 = arith.cmpi slt, %scan3A_191, %lt3A_446 : i32
      %convert_element_type3A_448 = arith.extui %lt3A_447 : i1 to i32
      %cond3A_449 = arith.constant 0 : i32
      %cond3A_450 = arith.cmpi ne, %convert_element_type3A_448, %cond3A_449 : i32
      scf.if %cond3A_450 {
        %add3A_480 = arith.constant 8 : i32
        %add3A_481 = arith.addi %add3A_216, %add3A_480 : i32
        %dma_start3A_482 = arith.constant 640 : i32
        %dma_start3A_483 = arith.constant 0 : i32
        %dma_start3A_484 = tpu.memref_slice %arg8[%dma_start3A_482, %dma_start3A_483] : memref<1024x16xf32, #tpu.memory_space<vmem>> -> memref<128x16xf32, #tpu.memory_space<vmem>>
        %dma_start3A_485 = arith.constant 0 : i32
        %dma_start3A_486 = tpu.memref_slice %arg6[%add3A_481, %dma_start3A_485] : memref<160x128xi32, #tpu.memory_space<vmem>> -> memref<1x128xi32, #tpu.memory_space<vmem>>
        %dma_start3A_487 = tpu.memref_squeeze %dma_start3A_486 : memref<1x128xi32, #tpu.memory_space<vmem>> -> memref<128xi32, #tpu.memory_space<vmem>>
        %dma_start3A_488 = arith.constant 0 : i32
        %dma_start3A_489 = arith.constant 0 : i32
        %dma_start3A_490 = tpu.memref_slice %arg11[%dma_start3A_488, %dma_start3A_489] : memref<20000x16xf32, #tpu.memory_space<vmem_shared>> -> memref<20000x16xf32, #tpu.memory_space<vmem_shared>>
        tpu.enqueue_indirect_dma source(%dma_start3A_490 : memref<20000x16xf32, #tpu.memory_space<vmem_shared>>) target(%dma_start3A_484 : memref<128x16xf32, #tpu.memory_space<vmem>>) offsets(%dma_start3A_487 : memref<128xi32, #tpu.memory_space<vmem>>) semaphore(%arg17 : memref<!tpu.dma_semaphore, #tpu.memory_space<semaphore_mem>>)
      } else {
      }
      %dma_wait3A_451 = arith.constant 768 : i32
      %dma_wait3A_452 = arith.constant 0 : i32
      %dma_wait3A_453 = tpu.memref_slice %arg8[%dma_wait3A_451, %dma_wait3A_452] : memref<1024x16xf32, #tpu.memory_space<vmem>> -> memref<128x16xf32, #tpu.memory_space<vmem>>
      %dma_wait3A_454 = arith.constant 0 : i32
      %dma_wait3A_455 = tpu.memref_slice %arg7[%add3A_220, %dma_wait3A_454] : memref<160x128xi32, #tpu.memory_space<vmem>> -> memref<1x128xi32, #tpu.memory_space<vmem>>
      %dma_wait3A_456 = tpu.memref_squeeze %dma_wait3A_455 : memref<1x128xi32, #tpu.memory_space<vmem>> -> memref<128xi32, #tpu.memory_space<vmem>>
      %dma_wait3A_457 = arith.constant 0 : i32
      %dma_wait3A_458 = arith.constant 0 : i32
      %dma_wait3A_459 = tpu.memref_slice %arg10[%dma_wait3A_457, %dma_wait3A_458] : memref<20480x16xf32, #tpu.memory_space<vmem_shared>> -> memref<20480x16xf32, #tpu.memory_space<vmem_shared>>
      tpu.wait_indirect_dma semaphore(%arg26 : memref<!tpu.dma_semaphore, #tpu.memory_space<semaphore_mem>>) src(%dma_wait3A_453 : memref<128x16xf32, #tpu.memory_space<vmem>>) dst(%dma_wait3A_459 : memref<20480x16xf32, #tpu.memory_space<vmem_shared>>)
      %lt3A_460 = arith.constant 19 : i32
      %lt3A_461 = arith.cmpi slt, %scan3A_191, %lt3A_460 : i32
      %convert_element_type3A_462 = arith.extui %lt3A_461 : i1 to i32
      %cond3A_463 = arith.constant 0 : i32
      %cond3A_464 = arith.cmpi ne, %convert_element_type3A_462, %cond3A_463 : i32
      scf.if %cond3A_464 {
        %add3A_480 = arith.constant 8 : i32
        %add3A_481 = arith.addi %add3A_220, %add3A_480 : i32
        %dma_start3A_482 = arith.constant 768 : i32
        %dma_start3A_483 = arith.constant 0 : i32
        %dma_start3A_484 = tpu.memref_slice %arg8[%dma_start3A_482, %dma_start3A_483] : memref<1024x16xf32, #tpu.memory_space<vmem>> -> memref<128x16xf32, #tpu.memory_space<vmem>>
        %dma_start3A_485 = arith.constant 0 : i32
        %dma_start3A_486 = tpu.memref_slice %arg6[%add3A_481, %dma_start3A_485] : memref<160x128xi32, #tpu.memory_space<vmem>> -> memref<1x128xi32, #tpu.memory_space<vmem>>
        %dma_start3A_487 = tpu.memref_squeeze %dma_start3A_486 : memref<1x128xi32, #tpu.memory_space<vmem>> -> memref<128xi32, #tpu.memory_space<vmem>>
        %dma_start3A_488 = arith.constant 0 : i32
        %dma_start3A_489 = arith.constant 0 : i32
        %dma_start3A_490 = tpu.memref_slice %arg11[%dma_start3A_488, %dma_start3A_489] : memref<20000x16xf32, #tpu.memory_space<vmem_shared>> -> memref<20000x16xf32, #tpu.memory_space<vmem_shared>>
        tpu.enqueue_indirect_dma source(%dma_start3A_490 : memref<20000x16xf32, #tpu.memory_space<vmem_shared>>) target(%dma_start3A_484 : memref<128x16xf32, #tpu.memory_space<vmem>>) offsets(%dma_start3A_487 : memref<128xi32, #tpu.memory_space<vmem>>) semaphore(%arg18 : memref<!tpu.dma_semaphore, #tpu.memory_space<semaphore_mem>>)
      } else {
      }
      %dma_wait3A_465 = arith.constant 896 : i32
      %dma_wait3A_466 = arith.constant 0 : i32
      %dma_wait3A_467 = tpu.memref_slice %arg8[%dma_wait3A_465, %dma_wait3A_466] : memref<1024x16xf32, #tpu.memory_space<vmem>> -> memref<128x16xf32, #tpu.memory_space<vmem>>
      %dma_wait3A_468 = arith.constant 0 : i32
      %dma_wait3A_469 = tpu.memref_slice %arg7[%add3A_224, %dma_wait3A_468] : memref<160x128xi32, #tpu.memory_space<vmem>> -> memref<1x128xi32, #tpu.memory_space<vmem>>
      %dma_wait3A_470 = tpu.memref_squeeze %dma_wait3A_469 : memref<1x128xi32, #tpu.memory_space<vmem>> -> memref<128xi32, #tpu.memory_space<vmem>>
      %dma_wait3A_471 = arith.constant 0 : i32
      %dma_wait3A_472 = arith.constant 0 : i32
      %dma_wait3A_473 = tpu.memref_slice %arg10[%dma_wait3A_471, %dma_wait3A_472] : memref<20480x16xf32, #tpu.memory_space<vmem_shared>> -> memref<20480x16xf32, #tpu.memory_space<vmem_shared>>
      tpu.wait_indirect_dma semaphore(%arg27 : memref<!tpu.dma_semaphore, #tpu.memory_space<semaphore_mem>>) src(%dma_wait3A_467 : memref<128x16xf32, #tpu.memory_space<vmem>>) dst(%dma_wait3A_473 : memref<20480x16xf32, #tpu.memory_space<vmem_shared>>)
      %lt3A_474 = arith.constant 19 : i32
      %lt3A_475 = arith.cmpi slt, %scan3A_191, %lt3A_474 : i32
      %convert_element_type3A_476 = arith.extui %lt3A_475 : i1 to i32
      %cond3A_477 = arith.constant 0 : i32
      %cond3A_478 = arith.cmpi ne, %convert_element_type3A_476, %cond3A_477 : i32
      scf.if %cond3A_478 {
        %add3A_480 = arith.constant 8 : i32
        %add3A_481 = arith.addi %add3A_224, %add3A_480 : i32
        %dma_start3A_482 = arith.constant 896 : i32
        %dma_start3A_483 = arith.constant 0 : i32
        %dma_start3A_484 = tpu.memref_slice %arg8[%dma_start3A_482, %dma_start3A_483] : memref<1024x16xf32, #tpu.memory_space<vmem>> -> memref<128x16xf32, #tpu.memory_space<vmem>>
        %dma_start3A_485 = arith.constant 0 : i32
        %dma_start3A_486 = tpu.memref_slice %arg6[%add3A_481, %dma_start3A_485] : memref<160x128xi32, #tpu.memory_space<vmem>> -> memref<1x128xi32, #tpu.memory_space<vmem>>
        %dma_start3A_487 = tpu.memref_squeeze %dma_start3A_486 : memref<1x128xi32, #tpu.memory_space<vmem>> -> memref<128xi32, #tpu.memory_space<vmem>>
        %dma_start3A_488 = arith.constant 0 : i32
        %dma_start3A_489 = arith.constant 0 : i32
        %dma_start3A_490 = tpu.memref_slice %arg11[%dma_start3A_488, %dma_start3A_489] : memref<20000x16xf32, #tpu.memory_space<vmem_shared>> -> memref<20000x16xf32, #tpu.memory_space<vmem_shared>>
        tpu.enqueue_indirect_dma source(%dma_start3A_490 : memref<20000x16xf32, #tpu.memory_space<vmem_shared>>) target(%dma_start3A_484 : memref<128x16xf32, #tpu.memory_space<vmem>>) offsets(%dma_start3A_487 : memref<128xi32, #tpu.memory_space<vmem>>) semaphore(%arg19 : memref<!tpu.dma_semaphore, #tpu.memory_space<semaphore_mem>>)
      } else {
      }
      %scan3A_479 = arith.constant 0 : i32
      scf.yield %scan3A_479 : i32
    }
    %scan3A_180 = arith.constant 20 : i32
    %barrier3A_181 = arith.constant 0 : index
    tpu.barrier barrier_id(%barrier3A_181)
    %mul3A_182 = arith.constant 1250 : i32
    %mul3A_183 = arith.muli %arg1, %mul3A_182 : i32
    %mul3A_184 = arith.constant 2 : i32
    %mul3A_185 = arith.muli %arg0, %mul3A_184 : i32
    %mul3A_186 = arith.constant 10000 : i32
    %mul3A_187 = arith.muli %mul3A_185, %mul3A_186 : i32
    %mul3A_188 = arith.constant 1250 : i32
    %mul3A_189 = arith.muli %arg1, %mul3A_188 : i32
    %add3A_190 = arith.addi %mul3A_187, %mul3A_189 : i32
    "tpu.region"() ({
      %run_scoped3A = tpu.sem_alloc : memref<!tpu.dma_semaphore, #tpu.memory_space<semaphore_mem>>
      %dma_start3A_191 = arith.constant 0 : i32
      %dma_start3A_192 = tpu.memref_slice %arg5[%add3A_190, %dma_start3A_191] : memref<40000x16xf32, #tpu.memory_space<hbm>> -> memref<1250x16xf32, #tpu.memory_space<hbm>>
      %dma_start3A_193 = arith.constant 0 : i32
      %dma_start3A_194 = tpu.memref_slice %arg10[%mul3A_183, %dma_start3A_193] : memref<20480x16xf32, #tpu.memory_space<vmem_shared>> -> memref<1250x16xf32, #tpu.memory_space<vmem_shared>>
      tpu.enqueue_dma source(%dma_start3A_194 : memref<1250x16xf32, #tpu.memory_space<vmem_shared>>) target(%dma_start3A_192 : memref<1250x16xf32, #tpu.memory_space<hbm>>) target_semaphore(%run_scoped3A : memref<!tpu.dma_semaphore, #tpu.memory_space<semaphore_mem>>)
      %dma_wait3A_195 = arith.constant 0 : i32
      %dma_wait3A_196 = tpu.memref_slice %arg5[%add3A_190, %dma_wait3A_195] : memref<40000x16xf32, #tpu.memory_space<hbm>> -> memref<1250x16xf32, #tpu.memory_space<hbm>>
      %dma_wait3A_197 = arith.constant 0 : i32
      %dma_wait3A_198 = tpu.memref_slice %arg10[%mul3A_183, %dma_wait3A_197] : memref<20480x16xf32, #tpu.memory_space<vmem_shared>> -> memref<1250x16xf32, #tpu.memory_space<vmem_shared>>
      tpu.wait_dma2 semaphore(%run_scoped3A : memref<!tpu.dma_semaphore, #tpu.memory_space<semaphore_mem>>) src(%dma_wait3A_198 : memref<1250x16xf32, #tpu.memory_space<vmem_shared>>) dst(%dma_wait3A_196 : memref<1250x16xf32, #tpu.memory_space<hbm>>)
      tpu.yield
    }) : () -> ()
    return
  }
}

#map = affine_map<(d0, d1) -> (0, 0)>
#map1 = affine_map<(d0, d1) -> (0, 0, 0)>
module attributes {stable_mosaic.version = 14 : i64} {
  func.func @_sc_prop(%arg0: i32, %arg1: i32, %arg2: memref<40000x16xf32, #tpu.memory_space<hbm>>, %arg3: memref<4x1280x128xi32, #tpu.memory_space<hbm>>, %arg4: memref<4x1280x128xi32, #tpu.memory_space<hbm>>, %arg5: memref<40000x16xf32, #tpu.memory_space<hbm>>, %arg6: memref<160x128xi32, #tpu.memory_space<vmem>>, %arg7: memref<160x128xi32, #tpu.memory_space<vmem>>, %arg8: memref<1024x16xf32, #tpu.memory_space<vmem>>, %arg9: memref<128x16xf32, #tpu.memory_space<vmem>>, %arg10: memref<20480x16xf32, #tpu.memory_space<vmem_shared>>, %arg11: memref<20000x16xf32, #tpu.memory_space<vmem_shared>>, %arg12: memref<!tpu.dma_semaphore, #tpu.memory_space<semaphore_mem>>, %arg13: memref<!tpu.dma_semaphore, #tpu.memory_space<semaphore_mem>>, %arg14: memref<!tpu.dma_semaphore, #tpu.memory_space<semaphore_mem>>, %arg15: memref<!tpu.dma_semaphore, #tpu.memory_space<semaphore_mem>>, %arg16: memref<!tpu.dma_semaphore, #tpu.memory_space<semaphore_mem>>, %arg17: memref<!tpu.dma_semaphore, #tpu.memory_space<semaphore_mem>>, %arg18: memref<!tpu.dma_semaphore, #tpu.memory_space<semaphore_mem>>, %arg19: memref<!tpu.dma_semaphore, #tpu.memory_space<semaphore_mem>>, %arg20: memref<!tpu.dma_semaphore, #tpu.memory_space<semaphore_mem>>, %arg21: memref<!tpu.dma_semaphore, #tpu.memory_space<semaphore_mem>>, %arg22: memref<!tpu.dma_semaphore, #tpu.memory_space<semaphore_mem>>, %arg23: memref<!tpu.dma_semaphore, #tpu.memory_space<semaphore_mem>>, %arg24: memref<!tpu.dma_semaphore, #tpu.memory_space<semaphore_mem>>, %arg25: memref<!tpu.dma_semaphore, #tpu.memory_space<semaphore_mem>>, %arg26: memref<!tpu.dma_semaphore, #tpu.memory_space<semaphore_mem>>, %arg27: memref<!tpu.dma_semaphore, #tpu.memory_space<semaphore_mem>>) attributes {dimension_semantics = [#tpu.dimension_semantics<core_parallel>, #tpu.dimension_semantics<subcore_parallel>], iteration_bounds = array<i64: 2, 16>, scalar_prefetch = 0 : i64, scratch_operands = 22 : i64, tpu.core_type = #tpu.core_type<sc_vector_subcore>, window_params = [{transform_indices = #map}, {transform_indices = #map1}, {transform_indices = #map1}, {transform_indices = #map}]} {
    %mul3A = arith.constant 16 : i32
    %mul3A_0 = arith.muli %arg0, %mul3A : i32
    %add3A = arith.addi %mul3A_0, %arg1 : i32
    %jit3A = arith.constant 8 : i32
    %div3A = arith.divsi %add3A, %jit3A : i32
    %sign3A = arith.constant 0 : i32
    %sign3A_1 = arith.cmpi sgt, %add3A, %sign3A : i32
    %sign3A_2 = arith.extui %sign3A_1 : i1 to i32
    %sign3A_3 = arith.constant 0 : i32
    %sign3A_4 = arith.cmpi slt, %add3A, %sign3A_3 : i32
    %sign3A_5 = arith.extui %sign3A_4 : i1 to i32
    %sign3A_6 = arith.subi %sign3A_2, %sign3A_5 : i32
    %sign3A_7 = arith.constant 0 : i32
    %sign3A_8 = arith.cmpi sgt, %jit3A, %sign3A_7 : i32
    %sign3A_9 = arith.extui %sign3A_8 : i1 to i32
    %sign3A_10 = arith.constant 0 : i32
    %sign3A_11 = arith.cmpi slt, %jit3A, %sign3A_10 : i32
    %sign3A_12 = arith.extui %sign3A_11 : i1 to i32
    %sign3A_13 = arith.subi %sign3A_9, %sign3A_12 : i32
    %ne3A = arith.cmpi ne, %sign3A_6, %sign3A_13 : i32
    %rem3A = arith.remsi %add3A, %jit3A : i32
    %ne3A_14 = arith.constant 0 : i32
    %ne3A_15 = arith.cmpi ne, %rem3A, %ne3A_14 : i32
    %and3A = arith.andi %ne3A, %ne3A_15 : i1
    %sub3A = arith.constant 1 : i32
    %sub3A_16 = arith.subi %div3A, %sub3A : i32
    %select_n3A = arith.select %and3A, %sub3A_16, %div3A : i32
    %jit3A_17 = arith.constant 8 : i32
    %eq3A = arith.constant 0 : i32
    %eq3A_18 = arith.cmpi eq, %jit3A_17, %eq3A : i32
    %jit3A_19 = arith.constant 1 : i32
    %select_n3A_20 = arith.select %eq3A_18, %jit3A_19, %jit3A_17 : i32
    %rem3A_21 = arith.remsi %add3A, %select_n3A_20 : i32
    %ne3A_22 = arith.constant 0 : i32
    %ne3A_23 = arith.cmpi ne, %rem3A_21, %ne3A_22 : i32
    %lt3A = arith.constant 0 : i32
    %lt3A_24 = arith.cmpi slt, %rem3A_21, %lt3A : i32
    %lt3A_25 = arith.constant 0 : i32
    %lt3A_26 = arith.cmpi slt, %select_n3A_20, %lt3A_25 : i32
    %ne3A_27 = arith.xori %lt3A_24, %lt3A_26 : i1
    %and3A_28 = arith.andi %ne3A_27, %ne3A_23 : i1
    %add3A_29 = arith.addi %rem3A_21, %select_n3A_20 : i32
    %select_n3A_30 = arith.select %and3A_28, %add3A_29, %rem3A_21 : i32
    %mul3A_31 = arith.constant 160 : i32
    %mul3A_32 = arith.muli %select_n3A_30, %mul3A_31 : i32
    %dma_start3A = arith.constant 0 : i32
    %dma_start3A_33 = tpu.memref_slice %arg3[%select_n3A, %mul3A_32, %dma_start3A] : memref<4x1280x128xi32, #tpu.memory_space<hbm>> -> memref<1x160x128xi32, #tpu.memory_space<hbm>>
    %dma_start3A_34 = tpu.memref_squeeze %dma_start3A_33 : memref<1x160x128xi32, #tpu.memory_space<hbm>> -> memref<160x128xi32, #tpu.memory_space<hbm>>
    %dma_start3A_35 = arith.constant 0 : i32
    %dma_start3A_36 = tpu.memref_slice %arg3[%select_n3A, %mul3A_32, %dma_start3A_35] : memref<4x1280x128xi32, #tpu.memory_space<hbm>> -> memref<1x160x128xi32, #tpu.memory_space<hbm>>
    %dma_start3A_37 = tpu.memref_squeeze %dma_start3A_36 : memref<1x160x128xi32, #tpu.memory_space<hbm>> -> memref<160x128xi32, #tpu.memory_space<hbm>>
    tpu.enqueue_dma source(%dma_start3A_37 : memref<160x128xi32, #tpu.memory_space<hbm>>) target(%arg6 : memref<160x128xi32, #tpu.memory_space<vmem>>) target_semaphore(%arg12 : memref<!tpu.dma_semaphore, #tpu.memory_space<semaphore_mem>>)
    %mul3A_38 = arith.constant 160 : i32
    %mul3A_39 = arith.muli %select_n3A_30, %mul3A_38 : i32
    %dma_start3A_40 = arith.constant 0 : i32
    %dma_start3A_41 = tpu.memref_slice %arg4[%select_n3A, %mul3A_39, %dma_start3A_40] : memref<4x1280x128xi32, #tpu.memory_space<hbm>> -> memref<1x160x128xi32, #tpu.memory_space<hbm>>
    %dma_start3A_42 = tpu.memref_squeeze %dma_start3A_41 : memref<1x160x128xi32, #tpu.memory_space<hbm>> -> memref<160x128xi32, #tpu.memory_space<hbm>>
    %dma_start3A_43 = arith.constant 0 : i32
    %dma_start3A_44 = tpu.memref_slice %arg4[%select_n3A, %mul3A_39, %dma_start3A_43] : memref<4x1280x128xi32, #tpu.memory_space<hbm>> -> memref<1x160x128xi32, #tpu.memory_space<hbm>>
    %dma_start3A_45 = tpu.memref_squeeze %dma_start3A_44 : memref<1x160x128xi32, #tpu.memory_space<hbm>> -> memref<160x128xi32, #tpu.memory_space<hbm>>
    tpu.enqueue_dma source(%dma_start3A_45 : memref<160x128xi32, #tpu.memory_space<hbm>>) target(%arg7 : memref<160x128xi32, #tpu.memory_space<vmem>>) target_semaphore(%arg13 : memref<!tpu.dma_semaphore, #tpu.memory_space<semaphore_mem>>)
    %mul3A_46 = arith.constant 2 : i32
    %mul3A_47 = arith.muli %arg0, %mul3A_46 : i32
    %mul3A_48 = arith.constant 10000 : i32
    %mul3A_49 = arith.muli %mul3A_47, %mul3A_48 : i32
    %mul3A_50 = arith.constant 1250 : i32
    %mul3A_51 = arith.muli %arg1, %mul3A_50 : i32
    %add3A_52 = arith.addi %mul3A_49, %mul3A_51 : i32
    %mul3A_53 = arith.constant 1250 : i32
    %mul3A_54 = arith.muli %arg1, %mul3A_53 : i32
    %dma_start3A_55 = arith.constant 0 : i32
    %dma_start3A_56 = tpu.memref_slice %arg11[%mul3A_54, %dma_start3A_55] : memref<20000x16xf32, #tpu.memory_space<vmem_shared>> -> memref<1250x16xf32, #tpu.memory_space<vmem_shared>>
    %dma_start3A_57 = arith.constant 0 : i32
    %dma_start3A_58 = tpu.memref_slice %arg2[%add3A_52, %dma_start3A_57] : memref<40000x16xf32, #tpu.memory_space<hbm>> -> memref<1250x16xf32, #tpu.memory_space<hbm>>
    tpu.enqueue_dma source(%dma_start3A_58 : memref<1250x16xf32, #tpu.memory_space<hbm>>) target(%dma_start3A_56 : memref<1250x16xf32, #tpu.memory_space<vmem_shared>>) target_semaphore(%arg14 : memref<!tpu.dma_semaphore, #tpu.memory_space<semaphore_mem>>)
    %scan3A = arith.constant 0 : i32
    %scan3A_59 = arith.constant 0 : i32
    %scan3A_60 = arith.constant 128 : i32
    %scan3A_61 = arith.addi %scan3A_59, %scan3A_60 : i32
    %scan3A_62 = arith.constant 1 : i32
    %scan3A_63 = scf.for %scan3A_191 = %scan3A_59 to %scan3A_61 step %scan3A_62 iter_args(%scan3A_192 = %scan3A) -> (i32)  : i32 {
      %broadcast_in_dim3A = arith.constant 0.000000e+00 : f32
      %broadcast_in_dim3A_193 = vector.broadcast %broadcast_in_dim3A : f32 to vector<16xf32>
      %swap3A = arith.index_cast %scan3A_191 : i32 to index
      %swap3A_194 = arith.constant 0 : index
      %swap3A_195 = tpu.vector_load %arg9[%swap3A, %swap3A_194] {strides = array<i32>} : memref<128x16xf32, #tpu.memory_space<vmem>>, vector<1x16xf32>,
      %swap3A_196 = vector.shape_cast %swap3A_195 : vector<1x16xf32> to vector<16xf32>
      %swap3A_197 = vector.shape_cast %broadcast_in_dim3A_193 : vector<16xf32> to vector<1x16xf32>
      tpu.vector_store %arg9[%swap3A, %swap3A_194], %swap3A_197 {strides = array<i32>} : memref<128x16xf32, #tpu.memory_space<vmem>>, vector<1x16xf32>,
      %scan3A_198 = arith.constant 0 : i32
      scf.yield %scan3A_198 : i32
    }
    %scan3A_64 = arith.constant 128 : i32
    %scan3A_65 = arith.constant 0 : i32
    %scan3A_66 = arith.constant 0 : i32
    %scan3A_67 = arith.constant 10 : i32
    %scan3A_68 = arith.addi %scan3A_66, %scan3A_67 : i32
    %scan3A_69 = arith.constant 1 : i32
    %scan3A_70 = scf.for %scan3A_191 = %scan3A_66 to %scan3A_68 step %scan3A_69 iter_args(%scan3A_192 = %scan3A_65) -> (i32)  : i32 {
      %mul3A_193 = arith.constant 1280 : i32
      %mul3A_194 = arith.muli %arg1, %mul3A_193 : i32
      %mul3A_195 = arith.constant 128 : i32
      %mul3A_196 = arith.muli %scan3A_191, %mul3A_195 : i32
      %add3A_197 = arith.addi %mul3A_194, %mul3A_196 : i32
      %dma_start3A_198 = arith.constant 0 : i32
      %dma_start3A_199 = tpu.memref_slice %arg10[%add3A_197, %dma_start3A_198] : memref<20480x16xf32, #tpu.memory_space<vmem_shared>> -> memref<128x16xf32, #tpu.memory_space<vmem_shared>>
      %dma_start3A_200 = arith.constant 0 : i32
      %dma_start3A_201 = tpu.memref_slice %arg10[%add3A_197, %dma_start3A_200] : memref<20480x16xf32, #tpu.memory_space<vmem_shared>> -> memref<128x16xf32, #tpu.memory_space<vmem_shared>>
      tpu.enqueue_dma source(%arg9 : memref<128x16xf32, #tpu.memory_space<vmem>>) target(%dma_start3A_201 : memref<128x16xf32, #tpu.memory_space<vmem_shared>>) target_semaphore(%arg20 : memref<!tpu.dma_semaphore, #tpu.memory_space<semaphore_mem>>)
      %scan3A_202 = arith.constant 0 : i32
      scf.yield %scan3A_202 : i32
    }
    %scan3A_71 = arith.constant 10 : i32
    %scan3A_72 = arith.constant 0 : i32
    %scan3A_73 = arith.constant 0 : i32
    %scan3A_74 = arith.constant 10 : i32
    %scan3A_75 = arith.addi %scan3A_73, %scan3A_74 : i32
    %scan3A_76 = arith.constant 1 : i32
    %scan3A_77 = scf.for %scan3A_191 = %scan3A_73 to %scan3A_75 step %scan3A_76 iter_args(%scan3A_192 = %scan3A_72) -> (i32)  : i32 {
      %mul3A_193 = arith.constant 1280 : i32
      %mul3A_194 = arith.muli %arg1, %mul3A_193 : i32
      %mul3A_195 = arith.constant 128 : i32
      %mul3A_196 = arith.muli %scan3A_191, %mul3A_195 : i32
      %add3A_197 = arith.addi %mul3A_194, %mul3A_196 : i32
      %dma_wait3A_198 = arith.constant 0 : i32
      %dma_wait3A_199 = tpu.memref_slice %arg10[%add3A_197, %dma_wait3A_198] : memref<20480x16xf32, #tpu.memory_space<vmem_shared>> -> memref<128x16xf32, #tpu.memory_space<vmem_shared>>
      %dma_wait3A_200 = arith.constant 0 : i32
      %dma_wait3A_201 = tpu.memref_slice %arg10[%add3A_197, %dma_wait3A_200] : memref<20480x16xf32, #tpu.memory_space<vmem_shared>> -> memref<128x16xf32, #tpu.memory_space<vmem_shared>>
      tpu.wait_dma2 semaphore(%arg20 : memref<!tpu.dma_semaphore, #tpu.memory_space<semaphore_mem>>) src(%arg9 : memref<128x16xf32, #tpu.memory_space<vmem>>) dst(%dma_wait3A_201 : memref<128x16xf32, #tpu.memory_space<vmem_shared>>)
      %scan3A_202 = arith.constant 0 : i32
      scf.yield %scan3A_202 : i32
    }
    %scan3A_78 = arith.constant 10 : i32
    %dma_wait3A = arith.constant 0 : i32
    %dma_wait3A_79 = tpu.memref_slice %arg3[%select_n3A, %mul3A_32, %dma_wait3A] : memref<4x1280x128xi32, #tpu.memory_space<hbm>> -> memref<1x160x128xi32, #tpu.memory_space<hbm>>
    %dma_wait3A_80 = tpu.memref_squeeze %dma_wait3A_79 : memref<1x160x128xi32, #tpu.memory_space<hbm>> -> memref<160x128xi32, #tpu.memory_space<hbm>>
    %dma_wait3A_81 = arith.constant 0 : i32
    %dma_wait3A_82 = tpu.memref_slice %arg3[%select_n3A, %mul3A_32, %dma_wait3A_81] : memref<4x1280x128xi32, #tpu.memory_space<hbm>> -> memref<1x160x128xi32, #tpu.memory_space<hbm>>
    %dma_wait3A_83 = tpu.memref_squeeze %dma_wait3A_82 : memref<1x160x128xi32, #tpu.memory_space<hbm>> -> memref<160x128xi32, #tpu.memory_space<hbm>>
    tpu.wait_dma2 semaphore(%arg12 : memref<!tpu.dma_semaphore, #tpu.memory_space<semaphore_mem>>) src(%dma_wait3A_83 : memref<160x128xi32, #tpu.memory_space<hbm>>) dst(%arg6 : memref<160x128xi32, #tpu.memory_space<vmem>>)
    %dma_wait3A_84 = arith.constant 0 : i32
    %dma_wait3A_85 = tpu.memref_slice %arg4[%select_n3A, %mul3A_39, %dma_wait3A_84] : memref<4x1280x128xi32, #tpu.memory_space<hbm>> -> memref<1x160x128xi32, #tpu.memory_space<hbm>>
    %dma_wait3A_86 = tpu.memref_squeeze %dma_wait3A_85 : memref<1x160x128xi32, #tpu.memory_space<hbm>> -> memref<160x128xi32, #tpu.memory_space<hbm>>
    %dma_wait3A_87 = arith.constant 0 : i32
    %dma_wait3A_88 = tpu.memref_slice %arg4[%select_n3A, %mul3A_39, %dma_wait3A_87] : memref<4x1280x128xi32, #tpu.memory_space<hbm>> -> memref<1x160x128xi32, #tpu.memory_space<hbm>>
    %dma_wait3A_89 = tpu.memref_squeeze %dma_wait3A_88 : memref<1x160x128xi32, #tpu.memory_space<hbm>> -> memref<160x128xi32, #tpu.memory_space<hbm>>
    tpu.wait_dma2 semaphore(%arg13 : memref<!tpu.dma_semaphore, #tpu.memory_space<semaphore_mem>>) src(%dma_wait3A_89 : memref<160x128xi32, #tpu.memory_space<hbm>>) dst(%arg7 : memref<160x128xi32, #tpu.memory_space<vmem>>)
    %dma_wait3A_90 = arith.constant 0 : i32
    %dma_wait3A_91 = tpu.memref_slice %arg11[%mul3A_54, %dma_wait3A_90] : memref<20000x16xf32, #tpu.memory_space<vmem_shared>> -> memref<1250x16xf32, #tpu.memory_space<vmem_shared>>
    %dma_wait3A_92 = arith.constant 0 : i32
    %dma_wait3A_93 = tpu.memref_slice %arg2[%add3A_52, %dma_wait3A_92] : memref<40000x16xf32, #tpu.memory_space<hbm>> -> memref<1250x16xf32, #tpu.memory_space<hbm>>
    tpu.wait_dma2 semaphore(%arg14 : memref<!tpu.dma_semaphore, #tpu.memory_space<semaphore_mem>>) src(%dma_wait3A_93 : memref<1250x16xf32, #tpu.memory_space<hbm>>) dst(%dma_wait3A_91 : memref<1250x16xf32, #tpu.memory_space<vmem_shared>>)
    %barrier3A = arith.constant 0 : index
    tpu.barrier barrier_id(%barrier3A)
    %dma_start3A_94 = arith.constant 0 : i32
    %dma_start3A_95 = arith.constant 0 : i32
    %dma_start3A_96 = arith.constant 0 : i32
    %dma_start3A_97 = tpu.memref_slice %arg8[%dma_start3A_95, %dma_start3A_96] : memref<1024x16xf32, #tpu.memory_space<vmem>> -> memref<128x16xf32, #tpu.memory_space<vmem>>
    %dma_start3A_98 = arith.constant 0 : i32
    %dma_start3A_99 = tpu.memref_slice %arg6[%dma_start3A_94, %dma_start3A_98] : memref<160x128xi32, #tpu.memory_space<vmem>> -> memref<1x128xi32, #tpu.memory_space<vmem>>
    %dma_start3A_100 = tpu.memref_squeeze %dma_start3A_99 : memref<1x128xi32, #tpu.memory_space<vmem>> -> memref<128xi32, #tpu.memory_space<vmem>>
    %dma_start3A_101 = arith.constant 0 : i32
    %dma_start3A_102 = arith.constant 0 : i32
    %dma_start3A_103 = tpu.memref_slice %arg11[%dma_start3A_101, %dma_start3A_102] : memref<20000x16xf32, #tpu.memory_space<vmem_shared>> -> memref<20000x16xf32, #tpu.memory_space<vmem_shared>>
    tpu.enqueue_indirect_dma source(%dma_start3A_103 : memref<20000x16xf32, #tpu.memory_space<vmem_shared>>) target(%dma_start3A_97 : memref<128x16xf32, #tpu.memory_space<vmem>>) offsets(%dma_start3A_100 : memref<128xi32, #tpu.memory_space<vmem>>) semaphore(%arg12 : memref<!tpu.dma_semaphore, #tpu.memory_space<semaphore_mem>>)
    %dma_start3A_104 = arith.constant 1 : i32
    %dma_start3A_105 = arith.constant 128 : i32
    %dma_start3A_106 = arith.constant 0 : i32
    %dma_start3A_107 = tpu.memref_slice %arg8[%dma_start3A_105, %dma_start3A_106] : memref<1024x16xf32, #tpu.memory_space<vmem>> -> memref<128x16xf32, #tpu.memory_space<vmem>>
    %dma_start3A_108 = arith.constant 0 : i32
    %dma_start3A_109 = tpu.memref_slice %arg6[%dma_start3A_104, %dma_start3A_108] : memref<160x128xi32, #tpu.memory_space<vmem>> -> memref<1x128xi32, #tpu.memory_space<vmem>>
    %dma_start3A_110 = tpu.memref_squeeze %dma_start3A_109 : memref<1x128xi32, #tpu.memory_space<vmem>> -> memref<128xi32, #tpu.memory_space<vmem>>
    %dma_start3A_111 = arith.constant 0 : i32
    %dma_start3A_112 = arith.constant 0 : i32
    %dma_start3A_113 = tpu.memref_slice %arg11[%dma_start3A_111, %dma_start3A_112] : memref<20000x16xf32, #tpu.memory_space<vmem_shared>> -> memref<20000x16xf32, #tpu.memory_space<vmem_shared>>
    tpu.enqueue_indirect_dma source(%dma_start3A_113 : memref<20000x16xf32, #tpu.memory_space<vmem_shared>>) target(%dma_start3A_107 : memref<128x16xf32, #tpu.memory_space<vmem>>) offsets(%dma_start3A_110 : memref<128xi32, #tpu.memory_space<vmem>>) semaphore(%arg13 : memref<!tpu.dma_semaphore, #tpu.memory_space<semaphore_mem>>)
    %dma_start3A_114 = arith.constant 2 : i32
    %dma_start3A_115 = arith.constant 256 : i32
    %dma_start3A_116 = arith.constant 0 : i32
    %dma_start3A_117 = tpu.memref_slice %arg8[%dma_start3A_115, %dma_start3A_116] : memref<1024x16xf32, #tpu.memory_space<vmem>> -> memref<128x16xf32, #tpu.memory_space<vmem>>
    %dma_start3A_118 = arith.constant 0 : i32
    %dma_start3A_119 = tpu.memref_slice %arg6[%dma_start3A_114, %dma_start3A_118] : memref<160x128xi32, #tpu.memory_space<vmem>> -> memref<1x128xi32, #tpu.memory_space<vmem>>
    %dma_start3A_120 = tpu.memref_squeeze %dma_start3A_119 : memref<1x128xi32, #tpu.memory_space<vmem>> -> memref<128xi32, #tpu.memory_space<vmem>>
    %dma_start3A_121 = arith.constant 0 : i32
    %dma_start3A_122 = arith.constant 0 : i32
    %dma_start3A_123 = tpu.memref_slice %arg11[%dma_start3A_121, %dma_start3A_122] : memref<20000x16xf32, #tpu.memory_space<vmem_shared>> -> memref<20000x16xf32, #tpu.memory_space<vmem_shared>>
    tpu.enqueue_indirect_dma source(%dma_start3A_123 : memref<20000x16xf32, #tpu.memory_space<vmem_shared>>) target(%dma_start3A_117 : memref<128x16xf32, #tpu.memory_space<vmem>>) offsets(%dma_start3A_120 : memref<128xi32, #tpu.memory_space<vmem>>) semaphore(%arg14 : memref<!tpu.dma_semaphore, #tpu.memory_space<semaphore_mem>>)
    %dma_start3A_124 = arith.constant 3 : i32
    %dma_start3A_125 = arith.constant 384 : i32
    %dma_start3A_126 = arith.constant 0 : i32
    %dma_start3A_127 = tpu.memref_slice %arg8[%dma_start3A_125, %dma_start3A_126] : memref<1024x16xf32, #tpu.memory_space<vmem>> -> memref<128x16xf32, #tpu.memory_space<vmem>>
    %dma_start3A_128 = arith.constant 0 : i32
    %dma_start3A_129 = tpu.memref_slice %arg6[%dma_start3A_124, %dma_start3A_128] : memref<160x128xi32, #tpu.memory_space<vmem>> -> memref<1x128xi32, #tpu.memory_space<vmem>>
    %dma_start3A_130 = tpu.memref_squeeze %dma_start3A_129 : memref<1x128xi32, #tpu.memory_space<vmem>> -> memref<128xi32, #tpu.memory_space<vmem>>
    %dma_start3A_131 = arith.constant 0 : i32
    %dma_start3A_132 = arith.constant 0 : i32
    %dma_start3A_133 = tpu.memref_slice %arg11[%dma_start3A_131, %dma_start3A_132] : memref<20000x16xf32, #tpu.memory_space<vmem_shared>> -> memref<20000x16xf32, #tpu.memory_space<vmem_shared>>
    tpu.enqueue_indirect_dma source(%dma_start3A_133 : memref<20000x16xf32, #tpu.memory_space<vmem_shared>>) target(%dma_start3A_127 : memref<128x16xf32, #tpu.memory_space<vmem>>) offsets(%dma_start3A_130 : memref<128xi32, #tpu.memory_space<vmem>>) semaphore(%arg15 : memref<!tpu.dma_semaphore, #tpu.memory_space<semaphore_mem>>)
    %dma_start3A_134 = arith.constant 4 : i32
    %dma_start3A_135 = arith.constant 512 : i32
    %dma_start3A_136 = arith.constant 0 : i32
    %dma_start3A_137 = tpu.memref_slice %arg8[%dma_start3A_135, %dma_start3A_136] : memref<1024x16xf32, #tpu.memory_space<vmem>> -> memref<128x16xf32, #tpu.memory_space<vmem>>
    %dma_start3A_138 = arith.constant 0 : i32
    %dma_start3A_139 = tpu.memref_slice %arg6[%dma_start3A_134, %dma_start3A_138] : memref<160x128xi32, #tpu.memory_space<vmem>> -> memref<1x128xi32, #tpu.memory_space<vmem>>
    %dma_start3A_140 = tpu.memref_squeeze %dma_start3A_139 : memref<1x128xi32, #tpu.memory_space<vmem>> -> memref<128xi32, #tpu.memory_space<vmem>>
    %dma_start3A_141 = arith.constant 0 : i32
    %dma_start3A_142 = arith.constant 0 : i32
    %dma_start3A_143 = tpu.memref_slice %arg11[%dma_start3A_141, %dma_start3A_142] : memref<20000x16xf32, #tpu.memory_space<vmem_shared>> -> memref<20000x16xf32, #tpu.memory_space<vmem_shared>>
    tpu.enqueue_indirect_dma source(%dma_start3A_143 : memref<20000x16xf32, #tpu.memory_space<vmem_shared>>) target(%dma_start3A_137 : memref<128x16xf32, #tpu.memory_space<vmem>>) offsets(%dma_start3A_140 : memref<128xi32, #tpu.memory_space<vmem>>) semaphore(%arg16 : memref<!tpu.dma_semaphore, #tpu.memory_space<semaphore_mem>>)
    %dma_start3A_144 = arith.constant 5 : i32
    %dma_start3A_145 = arith.constant 640 : i32
    %dma_start3A_146 = arith.constant 0 : i32
    %dma_start3A_147 = tpu.memref_slice %arg8[%dma_start3A_145, %dma_start3A_146] : memref<1024x16xf32, #tpu.memory_space<vmem>> -> memref<128x16xf32, #tpu.memory_space<vmem>>
    %dma_start3A_148 = arith.constant 0 : i32
    %dma_start3A_149 = tpu.memref_slice %arg6[%dma_start3A_144, %dma_start3A_148] : memref<160x128xi32, #tpu.memory_space<vmem>> -> memref<1x128xi32, #tpu.memory_space<vmem>>
    %dma_start3A_150 = tpu.memref_squeeze %dma_start3A_149 : memref<1x128xi32, #tpu.memory_space<vmem>> -> memref<128xi32, #tpu.memory_space<vmem>>
    %dma_start3A_151 = arith.constant 0 : i32
    %dma_start3A_152 = arith.constant 0 : i32
    %dma_start3A_153 = tpu.memref_slice %arg11[%dma_start3A_151, %dma_start3A_152] : memref<20000x16xf32, #tpu.memory_space<vmem_shared>> -> memref<20000x16xf32, #tpu.memory_space<vmem_shared>>
    tpu.enqueue_indirect_dma source(%dma_start3A_153 : memref<20000x16xf32, #tpu.memory_space<vmem_shared>>) target(%dma_start3A_147 : memref<128x16xf32, #tpu.memory_space<vmem>>) offsets(%dma_start3A_150 : memref<128xi32, #tpu.memory_space<vmem>>) semaphore(%arg17 : memref<!tpu.dma_semaphore, #tpu.memory_space<semaphore_mem>>)
    %dma_start3A_154 = arith.constant 6 : i32
    %dma_start3A_155 = arith.constant 768 : i32
    %dma_start3A_156 = arith.constant 0 : i32
    %dma_start3A_157 = tpu.memref_slice %arg8[%dma_start3A_155, %dma_start3A_156] : memref<1024x16xf32, #tpu.memory_space<vmem>> -> memref<128x16xf32, #tpu.memory_space<vmem>>
    %dma_start3A_158 = arith.constant 0 : i32
    %dma_start3A_159 = tpu.memref_slice %arg6[%dma_start3A_154, %dma_start3A_158] : memref<160x128xi32, #tpu.memory_space<vmem>> -> memref<1x128xi32, #tpu.memory_space<vmem>>
    %dma_start3A_160 = tpu.memref_squeeze %dma_start3A_159 : memref<1x128xi32, #tpu.memory_space<vmem>> -> memref<128xi32, #tpu.memory_space<vmem>>
    %dma_start3A_161 = arith.constant 0 : i32
    %dma_start3A_162 = arith.constant 0 : i32
    %dma_start3A_163 = tpu.memref_slice %arg11[%dma_start3A_161, %dma_start3A_162] : memref<20000x16xf32, #tpu.memory_space<vmem_shared>> -> memref<20000x16xf32, #tpu.memory_space<vmem_shared>>
    tpu.enqueue_indirect_dma source(%dma_start3A_163 : memref<20000x16xf32, #tpu.memory_space<vmem_shared>>) target(%dma_start3A_157 : memref<128x16xf32, #tpu.memory_space<vmem>>) offsets(%dma_start3A_160 : memref<128xi32, #tpu.memory_space<vmem>>) semaphore(%arg18 : memref<!tpu.dma_semaphore, #tpu.memory_space<semaphore_mem>>)
    %dma_start3A_164 = arith.constant 7 : i32
    %dma_start3A_165 = arith.constant 896 : i32
    %dma_start3A_166 = arith.constant 0 : i32
    %dma_start3A_167 = tpu.memref_slice %arg8[%dma_start3A_165, %dma_start3A_166] : memref<1024x16xf32, #tpu.memory_space<vmem>> -> memref<128x16xf32, #tpu.memory_space<vmem>>
    %dma_start3A_168 = arith.constant 0 : i32
    %dma_start3A_169 = tpu.memref_slice %arg6[%dma_start3A_164, %dma_start3A_168] : memref<160x128xi32, #tpu.memory_space<vmem>> -> memref<1x128xi32, #tpu.memory_space<vmem>>
    %dma_start3A_170 = tpu.memref_squeeze %dma_start3A_169 : memref<1x128xi32, #tpu.memory_space<vmem>> -> memref<128xi32, #tpu.memory_space<vmem>>
    %dma_start3A_171 = arith.constant 0 : i32
    %dma_start3A_172 = arith.constant 0 : i32
    %dma_start3A_173 = tpu.memref_slice %arg11[%dma_start3A_171, %dma_start3A_172] : memref<20000x16xf32, #tpu.memory_space<vmem_shared>> -> memref<20000x16xf32, #tpu.memory_space<vmem_shared>>
    tpu.enqueue_indirect_dma source(%dma_start3A_173 : memref<20000x16xf32, #tpu.memory_space<vmem_shared>>) target(%dma_start3A_167 : memref<128x16xf32, #tpu.memory_space<vmem>>) offsets(%dma_start3A_170 : memref<128xi32, #tpu.memory_space<vmem>>) semaphore(%arg19 : memref<!tpu.dma_semaphore, #tpu.memory_space<semaphore_mem>>)
    %scan3A_174 = arith.constant 0 : i32
    %scan3A_175 = arith.constant 0 : i32
    %scan3A_176 = arith.constant 20 : i32
    %scan3A_177 = arith.addi %scan3A_175, %scan3A_176 : i32
    %scan3A_178 = arith.constant 1 : i32
    %scan3A_179 = scf.for %scan3A_191 = %scan3A_175 to %scan3A_177 step %scan3A_178 iter_args(%scan3A_192 = %scan3A_174) -> (i32)  : i32 {
      %mul3A_193 = arith.constant 8 : i32
      %mul3A_194 = arith.muli %scan3A_191, %mul3A_193 : i32
      %add3A_195 = arith.constant 0 : i32
      %add3A_196 = arith.addi %mul3A_194, %add3A_195 : i32
      %mul3A_197 = arith.constant 8 : i32
      %mul3A_198 = arith.muli %scan3A_191, %mul3A_197 : i32
      %add3A_199 = arith.constant 1 : i32
      %add3A_200 = arith.addi %mul3A_198, %add3A_199 : i32
      %mul3A_201 = arith.constant 8 : i32
      %mul3A_202 = arith.muli %scan3A_191, %mul3A_201 : i32
      %add3A_203 = arith.constant 2 : i32
      %add3A_204 = arith.addi %mul3A_202, %add3A_203 : i32
      %mul3A_205 = arith.constant 8 : i32
      %mul3A_206 = arith.muli %scan3A_191, %mul3A_205 : i32
      %add3A_207 = arith.constant 3 : i32
      %add3A_208 = arith.addi %mul3A_206, %add3A_207 : i32
      %mul3A_209 = arith.constant 8 : i32
      %mul3A_210 = arith.muli %scan3A_191, %mul3A_209 : i32
      %add3A_211 = arith.constant 4 : i32
      %add3A_212 = arith.addi %mul3A_210, %add3A_211 : i32
      %mul3A_213 = arith.constant 8 : i32
      %mul3A_214 = arith.muli %scan3A_191, %mul3A_213 : i32
      %add3A_215 = arith.constant 5 : i32
      %add3A_216 = arith.addi %mul3A_214, %add3A_215 : i32
      %mul3A_217 = arith.constant 8 : i32
      %mul3A_218 = arith.muli %scan3A_191, %mul3A_217 : i32
      %add3A_219 = arith.constant 6 : i32
      %add3A_220 = arith.addi %mul3A_218, %add3A_219 : i32
      %mul3A_221 = arith.constant 8 : i32
      %mul3A_222 = arith.muli %scan3A_191, %mul3A_221 : i32
      %add3A_223 = arith.constant 7 : i32
      %add3A_224 = arith.addi %mul3A_222, %add3A_223 : i32
      %dma_wait3A_225 = arith.constant 0 : i32
      %dma_wait3A_226 = arith.constant 0 : i32
      %dma_wait3A_227 = tpu.memref_slice %arg8[%dma_wait3A_225, %dma_wait3A_226] : memref<1024x16xf32, #tpu.memory_space<vmem>> -> memref<128x16xf32, #tpu.memory_space<vmem>>
      %dma_wait3A_228 = arith.constant 0 : i32
      %dma_wait3A_229 = tpu.memref_slice %arg6[%add3A_196, %dma_wait3A_228] : memref<160x128xi32, #tpu.memory_space<vmem>> -> memref<1x128xi32, #tpu.memory_space<vmem>>
      %dma_wait3A_230 = tpu.memref_squeeze %dma_wait3A_229 : memref<1x128xi32, #tpu.memory_space<vmem>> -> memref<128xi32, #tpu.memory_space<vmem>>
      %dma_wait3A_231 = arith.constant 0 : i32
      %dma_wait3A_232 = arith.constant 0 : i32
      %dma_wait3A_233 = tpu.memref_slice %arg11[%dma_wait3A_231, %dma_wait3A_232] : memref<20000x16xf32, #tpu.memory_space<vmem_shared>> -> memref<20000x16xf32, #tpu.memory_space<vmem_shared>>
      tpu.wait_indirect_dma semaphore(%arg12 : memref<!tpu.dma_semaphore, #tpu.memory_space<semaphore_mem>>) src(%dma_wait3A_233 : memref<20000x16xf32, #tpu.memory_space<vmem_shared>>) dst(%dma_wait3A_227 : memref<128x16xf32, #tpu.memory_space<vmem>>)
      %dma_start3A_234 = arith.constant 0 : i32
      %dma_start3A_235 = arith.constant 0 : i32
      %dma_start3A_236 = tpu.memref_slice %arg8[%dma_start3A_234, %dma_start3A_235] : memref<1024x16xf32, #tpu.memory_space<vmem>> -> memref<128x16xf32, #tpu.memory_space<vmem>>
      %dma_start3A_237 = arith.constant 0 : i32
      %dma_start3A_238 = tpu.memref_slice %arg7[%add3A_196, %dma_start3A_237] : memref<160x128xi32, #tpu.memory_space<vmem>> -> memref<1x128xi32, #tpu.memory_space<vmem>>
      %dma_start3A_239 = tpu.memref_squeeze %dma_start3A_238 : memref<1x128xi32, #tpu.memory_space<vmem>> -> memref<128xi32, #tpu.memory_space<vmem>>
      %dma_start3A_240 = arith.constant 0 : i32
      %dma_start3A_241 = arith.constant 0 : i32
      %dma_start3A_242 = tpu.memref_slice %arg10[%dma_start3A_240, %dma_start3A_241] : memref<20480x16xf32, #tpu.memory_space<vmem_shared>> -> memref<20480x16xf32, #tpu.memory_space<vmem_shared>>
      tpu.enqueue_indirect_dma source(%dma_start3A_236 : memref<128x16xf32, #tpu.memory_space<vmem>>) target(%dma_start3A_242 : memref<20480x16xf32, #tpu.memory_space<vmem_shared>>) offsets(%dma_start3A_239 : memref<128xi32, #tpu.memory_space<vmem>>) semaphore(%arg20 : memref<!tpu.dma_semaphore, #tpu.memory_space<semaphore_mem>>) {add = true}
      %dma_wait3A_243 = arith.constant 128 : i32
      %dma_wait3A_244 = arith.constant 0 : i32
      %dma_wait3A_245 = tpu.memref_slice %arg8[%dma_wait3A_243, %dma_wait3A_244] : memref<1024x16xf32, #tpu.memory_space<vmem>> -> memref<128x16xf32, #tpu.memory_space<vmem>>
      %dma_wait3A_246 = arith.constant 0 : i32
      %dma_wait3A_247 = tpu.memref_slice %arg6[%add3A_200, %dma_wait3A_246] : memref<160x128xi32, #tpu.memory_space<vmem>> -> memref<1x128xi32, #tpu.memory_space<vmem>>
      %dma_wait3A_248 = tpu.memref_squeeze %dma_wait3A_247 : memref<1x128xi32, #tpu.memory_space<vmem>> -> memref<128xi32, #tpu.memory_space<vmem>>
      %dma_wait3A_249 = arith.constant 0 : i32
      %dma_wait3A_250 = arith.constant 0 : i32
      %dma_wait3A_251 = tpu.memref_slice %arg11[%dma_wait3A_249, %dma_wait3A_250] : memref<20000x16xf32, #tpu.memory_space<vmem_shared>> -> memref<20000x16xf32, #tpu.memory_space<vmem_shared>>
      tpu.wait_indirect_dma semaphore(%arg13 : memref<!tpu.dma_semaphore, #tpu.memory_space<semaphore_mem>>) src(%dma_wait3A_251 : memref<20000x16xf32, #tpu.memory_space<vmem_shared>>) dst(%dma_wait3A_245 : memref<128x16xf32, #tpu.memory_space<vmem>>)
      %dma_start3A_252 = arith.constant 128 : i32
      %dma_start3A_253 = arith.constant 0 : i32
      %dma_start3A_254 = tpu.memref_slice %arg8[%dma_start3A_252, %dma_start3A_253] : memref<1024x16xf32, #tpu.memory_space<vmem>> -> memref<128x16xf32, #tpu.memory_space<vmem>>
      %dma_start3A_255 = arith.constant 0 : i32
      %dma_start3A_256 = tpu.memref_slice %arg7[%add3A_200, %dma_start3A_255] : memref<160x128xi32, #tpu.memory_space<vmem>> -> memref<1x128xi32, #tpu.memory_space<vmem>>
      %dma_start3A_257 = tpu.memref_squeeze %dma_start3A_256 : memref<1x128xi32, #tpu.memory_space<vmem>> -> memref<128xi32, #tpu.memory_space<vmem>>
      %dma_start3A_258 = arith.constant 0 : i32
      %dma_start3A_259 = arith.constant 0 : i32
      %dma_start3A_260 = tpu.memref_slice %arg10[%dma_start3A_258, %dma_start3A_259] : memref<20480x16xf32, #tpu.memory_space<vmem_shared>> -> memref<20480x16xf32, #tpu.memory_space<vmem_shared>>
      tpu.enqueue_indirect_dma source(%dma_start3A_254 : memref<128x16xf32, #tpu.memory_space<vmem>>) target(%dma_start3A_260 : memref<20480x16xf32, #tpu.memory_space<vmem_shared>>) offsets(%dma_start3A_257 : memref<128xi32, #tpu.memory_space<vmem>>) semaphore(%arg21 : memref<!tpu.dma_semaphore, #tpu.memory_space<semaphore_mem>>) {add = true}
      %dma_wait3A_261 = arith.constant 256 : i32
      %dma_wait3A_262 = arith.constant 0 : i32
      %dma_wait3A_263 = tpu.memref_slice %arg8[%dma_wait3A_261, %dma_wait3A_262] : memref<1024x16xf32, #tpu.memory_space<vmem>> -> memref<128x16xf32, #tpu.memory_space<vmem>>
      %dma_wait3A_264 = arith.constant 0 : i32
      %dma_wait3A_265 = tpu.memref_slice %arg6[%add3A_204, %dma_wait3A_264] : memref<160x128xi32, #tpu.memory_space<vmem>> -> memref<1x128xi32, #tpu.memory_space<vmem>>
      %dma_wait3A_266 = tpu.memref_squeeze %dma_wait3A_265 : memref<1x128xi32, #tpu.memory_space<vmem>> -> memref<128xi32, #tpu.memory_space<vmem>>
      %dma_wait3A_267 = arith.constant 0 : i32
      %dma_wait3A_268 = arith.constant 0 : i32
      %dma_wait3A_269 = tpu.memref_slice %arg11[%dma_wait3A_267, %dma_wait3A_268] : memref<20000x16xf32, #tpu.memory_space<vmem_shared>> -> memref<20000x16xf32, #tpu.memory_space<vmem_shared>>
      tpu.wait_indirect_dma semaphore(%arg14 : memref<!tpu.dma_semaphore, #tpu.memory_space<semaphore_mem>>) src(%dma_wait3A_269 : memref<20000x16xf32, #tpu.memory_space<vmem_shared>>) dst(%dma_wait3A_263 : memref<128x16xf32, #tpu.memory_space<vmem>>)
      %dma_start3A_270 = arith.constant 256 : i32
      %dma_start3A_271 = arith.constant 0 : i32
      %dma_start3A_272 = tpu.memref_slice %arg8[%dma_start3A_270, %dma_start3A_271] : memref<1024x16xf32, #tpu.memory_space<vmem>> -> memref<128x16xf32, #tpu.memory_space<vmem>>
      %dma_start3A_273 = arith.constant 0 : i32
      %dma_start3A_274 = tpu.memref_slice %arg7[%add3A_204, %dma_start3A_273] : memref<160x128xi32, #tpu.memory_space<vmem>> -> memref<1x128xi32, #tpu.memory_space<vmem>>
      %dma_start3A_275 = tpu.memref_squeeze %dma_start3A_274 : memref<1x128xi32, #tpu.memory_space<vmem>> -> memref<128xi32, #tpu.memory_space<vmem>>
      %dma_start3A_276 = arith.constant 0 : i32
      %dma_start3A_277 = arith.constant 0 : i32
      %dma_start3A_278 = tpu.memref_slice %arg10[%dma_start3A_276, %dma_start3A_277] : memref<20480x16xf32, #tpu.memory_space<vmem_shared>> -> memref<20480x16xf32, #tpu.memory_space<vmem_shared>>
      tpu.enqueue_indirect_dma source(%dma_start3A_272 : memref<128x16xf32, #tpu.memory_space<vmem>>) target(%dma_start3A_278 : memref<20480x16xf32, #tpu.memory_space<vmem_shared>>) offsets(%dma_start3A_275 : memref<128xi32, #tpu.memory_space<vmem>>) semaphore(%arg22 : memref<!tpu.dma_semaphore, #tpu.memory_space<semaphore_mem>>) {add = true}
      %dma_wait3A_279 = arith.constant 384 : i32
      %dma_wait3A_280 = arith.constant 0 : i32
      %dma_wait3A_281 = tpu.memref_slice %arg8[%dma_wait3A_279, %dma_wait3A_280] : memref<1024x16xf32, #tpu.memory_space<vmem>> -> memref<128x16xf32, #tpu.memory_space<vmem>>
      %dma_wait3A_282 = arith.constant 0 : i32
      %dma_wait3A_283 = tpu.memref_slice %arg6[%add3A_208, %dma_wait3A_282] : memref<160x128xi32, #tpu.memory_space<vmem>> -> memref<1x128xi32, #tpu.memory_space<vmem>>
      %dma_wait3A_284 = tpu.memref_squeeze %dma_wait3A_283 : memref<1x128xi32, #tpu.memory_space<vmem>> -> memref<128xi32, #tpu.memory_space<vmem>>
      %dma_wait3A_285 = arith.constant 0 : i32
      %dma_wait3A_286 = arith.constant 0 : i32
      %dma_wait3A_287 = tpu.memref_slice %arg11[%dma_wait3A_285, %dma_wait3A_286] : memref<20000x16xf32, #tpu.memory_space<vmem_shared>> -> memref<20000x16xf32, #tpu.memory_space<vmem_shared>>
      tpu.wait_indirect_dma semaphore(%arg15 : memref<!tpu.dma_semaphore, #tpu.memory_space<semaphore_mem>>) src(%dma_wait3A_287 : memref<20000x16xf32, #tpu.memory_space<vmem_shared>>) dst(%dma_wait3A_281 : memref<128x16xf32, #tpu.memory_space<vmem>>)
      %dma_start3A_288 = arith.constant 384 : i32
      %dma_start3A_289 = arith.constant 0 : i32
      %dma_start3A_290 = tpu.memref_slice %arg8[%dma_start3A_288, %dma_start3A_289] : memref<1024x16xf32, #tpu.memory_space<vmem>> -> memref<128x16xf32, #tpu.memory_space<vmem>>
      %dma_start3A_291 = arith.constant 0 : i32
      %dma_start3A_292 = tpu.memref_slice %arg7[%add3A_208, %dma_start3A_291] : memref<160x128xi32, #tpu.memory_space<vmem>> -> memref<1x128xi32, #tpu.memory_space<vmem>>
      %dma_start3A_293 = tpu.memref_squeeze %dma_start3A_292 : memref<1x128xi32, #tpu.memory_space<vmem>> -> memref<128xi32, #tpu.memory_space<vmem>>
      %dma_start3A_294 = arith.constant 0 : i32
      %dma_start3A_295 = arith.constant 0 : i32
      %dma_start3A_296 = tpu.memref_slice %arg10[%dma_start3A_294, %dma_start3A_295] : memref<20480x16xf32, #tpu.memory_space<vmem_shared>> -> memref<20480x16xf32, #tpu.memory_space<vmem_shared>>
      tpu.enqueue_indirect_dma source(%dma_start3A_290 : memref<128x16xf32, #tpu.memory_space<vmem>>) target(%dma_start3A_296 : memref<20480x16xf32, #tpu.memory_space<vmem_shared>>) offsets(%dma_start3A_293 : memref<128xi32, #tpu.memory_space<vmem>>) semaphore(%arg23 : memref<!tpu.dma_semaphore, #tpu.memory_space<semaphore_mem>>) {add = true}
      %dma_wait3A_297 = arith.constant 512 : i32
      %dma_wait3A_298 = arith.constant 0 : i32
      %dma_wait3A_299 = tpu.memref_slice %arg8[%dma_wait3A_297, %dma_wait3A_298] : memref<1024x16xf32, #tpu.memory_space<vmem>> -> memref<128x16xf32, #tpu.memory_space<vmem>>
      %dma_wait3A_300 = arith.constant 0 : i32
      %dma_wait3A_301 = tpu.memref_slice %arg6[%add3A_212, %dma_wait3A_300] : memref<160x128xi32, #tpu.memory_space<vmem>> -> memref<1x128xi32, #tpu.memory_space<vmem>>
      %dma_wait3A_302 = tpu.memref_squeeze %dma_wait3A_301 : memref<1x128xi32, #tpu.memory_space<vmem>> -> memref<128xi32, #tpu.memory_space<vmem>>
      %dma_wait3A_303 = arith.constant 0 : i32
      %dma_wait3A_304 = arith.constant 0 : i32
      %dma_wait3A_305 = tpu.memref_slice %arg11[%dma_wait3A_303, %dma_wait3A_304] : memref<20000x16xf32, #tpu.memory_space<vmem_shared>> -> memref<20000x16xf32, #tpu.memory_space<vmem_shared>>
      tpu.wait_indirect_dma semaphore(%arg16 : memref<!tpu.dma_semaphore, #tpu.memory_space<semaphore_mem>>) src(%dma_wait3A_305 : memref<20000x16xf32, #tpu.memory_space<vmem_shared>>) dst(%dma_wait3A_299 : memref<128x16xf32, #tpu.memory_space<vmem>>)
      %dma_start3A_306 = arith.constant 512 : i32
      %dma_start3A_307 = arith.constant 0 : i32
      %dma_start3A_308 = tpu.memref_slice %arg8[%dma_start3A_306, %dma_start3A_307] : memref<1024x16xf32, #tpu.memory_space<vmem>> -> memref<128x16xf32, #tpu.memory_space<vmem>>
      %dma_start3A_309 = arith.constant 0 : i32
      %dma_start3A_310 = tpu.memref_slice %arg7[%add3A_212, %dma_start3A_309] : memref<160x128xi32, #tpu.memory_space<vmem>> -> memref<1x128xi32, #tpu.memory_space<vmem>>
      %dma_start3A_311 = tpu.memref_squeeze %dma_start3A_310 : memref<1x128xi32, #tpu.memory_space<vmem>> -> memref<128xi32, #tpu.memory_space<vmem>>
      %dma_start3A_312 = arith.constant 0 : i32
      %dma_start3A_313 = arith.constant 0 : i32
      %dma_start3A_314 = tpu.memref_slice %arg10[%dma_start3A_312, %dma_start3A_313] : memref<20480x16xf32, #tpu.memory_space<vmem_shared>> -> memref<20480x16xf32, #tpu.memory_space<vmem_shared>>
      tpu.enqueue_indirect_dma source(%dma_start3A_308 : memref<128x16xf32, #tpu.memory_space<vmem>>) target(%dma_start3A_314 : memref<20480x16xf32, #tpu.memory_space<vmem_shared>>) offsets(%dma_start3A_311 : memref<128xi32, #tpu.memory_space<vmem>>) semaphore(%arg24 : memref<!tpu.dma_semaphore, #tpu.memory_space<semaphore_mem>>) {add = true}
      %dma_wait3A_315 = arith.constant 640 : i32
      %dma_wait3A_316 = arith.constant 0 : i32
      %dma_wait3A_317 = tpu.memref_slice %arg8[%dma_wait3A_315, %dma_wait3A_316] : memref<1024x16xf32, #tpu.memory_space<vmem>> -> memref<128x16xf32, #tpu.memory_space<vmem>>
      %dma_wait3A_318 = arith.constant 0 : i32
      %dma_wait3A_319 = tpu.memref_slice %arg6[%add3A_216, %dma_wait3A_318] : memref<160x128xi32, #tpu.memory_space<vmem>> -> memref<1x128xi32, #tpu.memory_space<vmem>>
      %dma_wait3A_320 = tpu.memref_squeeze %dma_wait3A_319 : memref<1x128xi32, #tpu.memory_space<vmem>> -> memref<128xi32, #tpu.memory_space<vmem>>
      %dma_wait3A_321 = arith.constant 0 : i32
      %dma_wait3A_322 = arith.constant 0 : i32
      %dma_wait3A_323 = tpu.memref_slice %arg11[%dma_wait3A_321, %dma_wait3A_322] : memref<20000x16xf32, #tpu.memory_space<vmem_shared>> -> memref<20000x16xf32, #tpu.memory_space<vmem_shared>>
      tpu.wait_indirect_dma semaphore(%arg17 : memref<!tpu.dma_semaphore, #tpu.memory_space<semaphore_mem>>) src(%dma_wait3A_323 : memref<20000x16xf32, #tpu.memory_space<vmem_shared>>) dst(%dma_wait3A_317 : memref<128x16xf32, #tpu.memory_space<vmem>>)
      %dma_start3A_324 = arith.constant 640 : i32
      %dma_start3A_325 = arith.constant 0 : i32
      %dma_start3A_326 = tpu.memref_slice %arg8[%dma_start3A_324, %dma_start3A_325] : memref<1024x16xf32, #tpu.memory_space<vmem>> -> memref<128x16xf32, #tpu.memory_space<vmem>>
      %dma_start3A_327 = arith.constant 0 : i32
      %dma_start3A_328 = tpu.memref_slice %arg7[%add3A_216, %dma_start3A_327] : memref<160x128xi32, #tpu.memory_space<vmem>> -> memref<1x128xi32, #tpu.memory_space<vmem>>
      %dma_start3A_329 = tpu.memref_squeeze %dma_start3A_328 : memref<1x128xi32, #tpu.memory_space<vmem>> -> memref<128xi32, #tpu.memory_space<vmem>>
      %dma_start3A_330 = arith.constant 0 : i32
      %dma_start3A_331 = arith.constant 0 : i32
      %dma_start3A_332 = tpu.memref_slice %arg10[%dma_start3A_330, %dma_start3A_331] : memref<20480x16xf32, #tpu.memory_space<vmem_shared>> -> memref<20480x16xf32, #tpu.memory_space<vmem_shared>>
      tpu.enqueue_indirect_dma source(%dma_start3A_326 : memref<128x16xf32, #tpu.memory_space<vmem>>) target(%dma_start3A_332 : memref<20480x16xf32, #tpu.memory_space<vmem_shared>>) offsets(%dma_start3A_329 : memref<128xi32, #tpu.memory_space<vmem>>) semaphore(%arg25 : memref<!tpu.dma_semaphore, #tpu.memory_space<semaphore_mem>>) {add = true}
      %dma_wait3A_333 = arith.constant 768 : i32
      %dma_wait3A_334 = arith.constant 0 : i32
      %dma_wait3A_335 = tpu.memref_slice %arg8[%dma_wait3A_333, %dma_wait3A_334] : memref<1024x16xf32, #tpu.memory_space<vmem>> -> memref<128x16xf32, #tpu.memory_space<vmem>>
      %dma_wait3A_336 = arith.constant 0 : i32
      %dma_wait3A_337 = tpu.memref_slice %arg6[%add3A_220, %dma_wait3A_336] : memref<160x128xi32, #tpu.memory_space<vmem>> -> memref<1x128xi32, #tpu.memory_space<vmem>>
      %dma_wait3A_338 = tpu.memref_squeeze %dma_wait3A_337 : memref<1x128xi32, #tpu.memory_space<vmem>> -> memref<128xi32, #tpu.memory_space<vmem>>
      %dma_wait3A_339 = arith.constant 0 : i32
      %dma_wait3A_340 = arith.constant 0 : i32
      %dma_wait3A_341 = tpu.memref_slice %arg11[%dma_wait3A_339, %dma_wait3A_340] : memref<20000x16xf32, #tpu.memory_space<vmem_shared>> -> memref<20000x16xf32, #tpu.memory_space<vmem_shared>>
      tpu.wait_indirect_dma semaphore(%arg18 : memref<!tpu.dma_semaphore, #tpu.memory_space<semaphore_mem>>) src(%dma_wait3A_341 : memref<20000x16xf32, #tpu.memory_space<vmem_shared>>) dst(%dma_wait3A_335 : memref<128x16xf32, #tpu.memory_space<vmem>>)
      %dma_start3A_342 = arith.constant 768 : i32
      %dma_start3A_343 = arith.constant 0 : i32
      %dma_start3A_344 = tpu.memref_slice %arg8[%dma_start3A_342, %dma_start3A_343] : memref<1024x16xf32, #tpu.memory_space<vmem>> -> memref<128x16xf32, #tpu.memory_space<vmem>>
      %dma_start3A_345 = arith.constant 0 : i32
      %dma_start3A_346 = tpu.memref_slice %arg7[%add3A_220, %dma_start3A_345] : memref<160x128xi32, #tpu.memory_space<vmem>> -> memref<1x128xi32, #tpu.memory_space<vmem>>
      %dma_start3A_347 = tpu.memref_squeeze %dma_start3A_346 : memref<1x128xi32, #tpu.memory_space<vmem>> -> memref<128xi32, #tpu.memory_space<vmem>>
      %dma_start3A_348 = arith.constant 0 : i32
      %dma_start3A_349 = arith.constant 0 : i32
      %dma_start3A_350 = tpu.memref_slice %arg10[%dma_start3A_348, %dma_start3A_349] : memref<20480x16xf32, #tpu.memory_space<vmem_shared>> -> memref<20480x16xf32, #tpu.memory_space<vmem_shared>>
      tpu.enqueue_indirect_dma source(%dma_start3A_344 : memref<128x16xf32, #tpu.memory_space<vmem>>) target(%dma_start3A_350 : memref<20480x16xf32, #tpu.memory_space<vmem_shared>>) offsets(%dma_start3A_347 : memref<128xi32, #tpu.memory_space<vmem>>) semaphore(%arg26 : memref<!tpu.dma_semaphore, #tpu.memory_space<semaphore_mem>>) {add = true}
      %dma_wait3A_351 = arith.constant 896 : i32
      %dma_wait3A_352 = arith.constant 0 : i32
      %dma_wait3A_353 = tpu.memref_slice %arg8[%dma_wait3A_351, %dma_wait3A_352] : memref<1024x16xf32, #tpu.memory_space<vmem>> -> memref<128x16xf32, #tpu.memory_space<vmem>>
      %dma_wait3A_354 = arith.constant 0 : i32
      %dma_wait3A_355 = tpu.memref_slice %arg6[%add3A_224, %dma_wait3A_354] : memref<160x128xi32, #tpu.memory_space<vmem>> -> memref<1x128xi32, #tpu.memory_space<vmem>>
      %dma_wait3A_356 = tpu.memref_squeeze %dma_wait3A_355 : memref<1x128xi32, #tpu.memory_space<vmem>> -> memref<128xi32, #tpu.memory_space<vmem>>
      %dma_wait3A_357 = arith.constant 0 : i32
      %dma_wait3A_358 = arith.constant 0 : i32
      %dma_wait3A_359 = tpu.memref_slice %arg11[%dma_wait3A_357, %dma_wait3A_358] : memref<20000x16xf32, #tpu.memory_space<vmem_shared>> -> memref<20000x16xf32, #tpu.memory_space<vmem_shared>>
      tpu.wait_indirect_dma semaphore(%arg19 : memref<!tpu.dma_semaphore, #tpu.memory_space<semaphore_mem>>) src(%dma_wait3A_359 : memref<20000x16xf32, #tpu.memory_space<vmem_shared>>) dst(%dma_wait3A_353 : memref<128x16xf32, #tpu.memory_space<vmem>>)
      %dma_start3A_360 = arith.constant 896 : i32
      %dma_start3A_361 = arith.constant 0 : i32
      %dma_start3A_362 = tpu.memref_slice %arg8[%dma_start3A_360, %dma_start3A_361] : memref<1024x16xf32, #tpu.memory_space<vmem>> -> memref<128x16xf32, #tpu.memory_space<vmem>>
      %dma_start3A_363 = arith.constant 0 : i32
      %dma_start3A_364 = tpu.memref_slice %arg7[%add3A_224, %dma_start3A_363] : memref<160x128xi32, #tpu.memory_space<vmem>> -> memref<1x128xi32, #tpu.memory_space<vmem>>
      %dma_start3A_365 = tpu.memref_squeeze %dma_start3A_364 : memref<1x128xi32, #tpu.memory_space<vmem>> -> memref<128xi32, #tpu.memory_space<vmem>>
      %dma_start3A_366 = arith.constant 0 : i32
      %dma_start3A_367 = arith.constant 0 : i32
      %dma_start3A_368 = tpu.memref_slice %arg10[%dma_start3A_366, %dma_start3A_367] : memref<20480x16xf32, #tpu.memory_space<vmem_shared>> -> memref<20480x16xf32, #tpu.memory_space<vmem_shared>>
      tpu.enqueue_indirect_dma source(%dma_start3A_362 : memref<128x16xf32, #tpu.memory_space<vmem>>) target(%dma_start3A_368 : memref<20480x16xf32, #tpu.memory_space<vmem_shared>>) offsets(%dma_start3A_365 : memref<128xi32, #tpu.memory_space<vmem>>) semaphore(%arg27 : memref<!tpu.dma_semaphore, #tpu.memory_space<semaphore_mem>>) {add = true}
      %dma_wait3A_369 = arith.constant 0 : i32
      %dma_wait3A_370 = arith.constant 0 : i32
      %dma_wait3A_371 = tpu.memref_slice %arg8[%dma_wait3A_369, %dma_wait3A_370] : memref<1024x16xf32, #tpu.memory_space<vmem>> -> memref<128x16xf32, #tpu.memory_space<vmem>>
      %dma_wait3A_372 = arith.constant 0 : i32
      %dma_wait3A_373 = tpu.memref_slice %arg7[%add3A_196, %dma_wait3A_372] : memref<160x128xi32, #tpu.memory_space<vmem>> -> memref<1x128xi32, #tpu.memory_space<vmem>>
      %dma_wait3A_374 = tpu.memref_squeeze %dma_wait3A_373 : memref<1x128xi32, #tpu.memory_space<vmem>> -> memref<128xi32, #tpu.memory_space<vmem>>
      %dma_wait3A_375 = arith.constant 0 : i32
      %dma_wait3A_376 = arith.constant 0 : i32
      %dma_wait3A_377 = tpu.memref_slice %arg10[%dma_wait3A_375, %dma_wait3A_376] : memref<20480x16xf32, #tpu.memory_space<vmem_shared>> -> memref<20480x16xf32, #tpu.memory_space<vmem_shared>>
      tpu.wait_indirect_dma semaphore(%arg20 : memref<!tpu.dma_semaphore, #tpu.memory_space<semaphore_mem>>) src(%dma_wait3A_371 : memref<128x16xf32, #tpu.memory_space<vmem>>) dst(%dma_wait3A_377 : memref<20480x16xf32, #tpu.memory_space<vmem_shared>>)
      %lt3A_378 = arith.constant 19 : i32
      %lt3A_379 = arith.cmpi slt, %scan3A_191, %lt3A_378 : i32
      %convert_element_type3A = arith.extui %lt3A_379 : i1 to i32
      %cond3A = arith.constant 0 : i32
      %cond3A_380 = arith.cmpi ne, %convert_element_type3A, %cond3A : i32
      scf.if %cond3A_380 {
        %add3A_480 = arith.constant 8 : i32
        %add3A_481 = arith.addi %add3A_196, %add3A_480 : i32
        %dma_start3A_482 = arith.constant 0 : i32
        %dma_start3A_483 = arith.constant 0 : i32
        %dma_start3A_484 = tpu.memref_slice %arg8[%dma_start3A_482, %dma_start3A_483] : memref<1024x16xf32, #tpu.memory_space<vmem>> -> memref<128x16xf32, #tpu.memory_space<vmem>>
        %dma_start3A_485 = arith.constant 0 : i32
        %dma_start3A_486 = tpu.memref_slice %arg6[%add3A_481, %dma_start3A_485] : memref<160x128xi32, #tpu.memory_space<vmem>> -> memref<1x128xi32, #tpu.memory_space<vmem>>
        %dma_start3A_487 = tpu.memref_squeeze %dma_start3A_486 : memref<1x128xi32, #tpu.memory_space<vmem>> -> memref<128xi32, #tpu.memory_space<vmem>>
        %dma_start3A_488 = arith.constant 0 : i32
        %dma_start3A_489 = arith.constant 0 : i32
        %dma_start3A_490 = tpu.memref_slice %arg11[%dma_start3A_488, %dma_start3A_489] : memref<20000x16xf32, #tpu.memory_space<vmem_shared>> -> memref<20000x16xf32, #tpu.memory_space<vmem_shared>>
        tpu.enqueue_indirect_dma source(%dma_start3A_490 : memref<20000x16xf32, #tpu.memory_space<vmem_shared>>) target(%dma_start3A_484 : memref<128x16xf32, #tpu.memory_space<vmem>>) offsets(%dma_start3A_487 : memref<128xi32, #tpu.memory_space<vmem>>) semaphore(%arg12 : memref<!tpu.dma_semaphore, #tpu.memory_space<semaphore_mem>>)
      } else {
      }
      %dma_wait3A_381 = arith.constant 128 : i32
      %dma_wait3A_382 = arith.constant 0 : i32
      %dma_wait3A_383 = tpu.memref_slice %arg8[%dma_wait3A_381, %dma_wait3A_382] : memref<1024x16xf32, #tpu.memory_space<vmem>> -> memref<128x16xf32, #tpu.memory_space<vmem>>
      %dma_wait3A_384 = arith.constant 0 : i32
      %dma_wait3A_385 = tpu.memref_slice %arg7[%add3A_200, %dma_wait3A_384] : memref<160x128xi32, #tpu.memory_space<vmem>> -> memref<1x128xi32, #tpu.memory_space<vmem>>
      %dma_wait3A_386 = tpu.memref_squeeze %dma_wait3A_385 : memref<1x128xi32, #tpu.memory_space<vmem>> -> memref<128xi32, #tpu.memory_space<vmem>>
      %dma_wait3A_387 = arith.constant 0 : i32
      %dma_wait3A_388 = arith.constant 0 : i32
      %dma_wait3A_389 = tpu.memref_slice %arg10[%dma_wait3A_387, %dma_wait3A_388] : memref<20480x16xf32, #tpu.memory_space<vmem_shared>> -> memref<20480x16xf32, #tpu.memory_space<vmem_shared>>
      tpu.wait_indirect_dma semaphore(%arg21 : memref<!tpu.dma_semaphore, #tpu.memory_space<semaphore_mem>>) src(%dma_wait3A_383 : memref<128x16xf32, #tpu.memory_space<vmem>>) dst(%dma_wait3A_389 : memref<20480x16xf32, #tpu.memory_space<vmem_shared>>)
      %lt3A_390 = arith.constant 19 : i32
      %lt3A_391 = arith.cmpi slt, %scan3A_191, %lt3A_390 : i32
      %convert_element_type3A_392 = arith.extui %lt3A_391 : i1 to i32
      %cond3A_393 = arith.constant 0 : i32
      %cond3A_394 = arith.cmpi ne, %convert_element_type3A_392, %cond3A_393 : i32
      scf.if %cond3A_394 {
        %add3A_480 = arith.constant 8 : i32
        %add3A_481 = arith.addi %add3A_200, %add3A_480 : i32
        %dma_start3A_482 = arith.constant 128 : i32
        %dma_start3A_483 = arith.constant 0 : i32
        %dma_start3A_484 = tpu.memref_slice %arg8[%dma_start3A_482, %dma_start3A_483] : memref<1024x16xf32, #tpu.memory_space<vmem>> -> memref<128x16xf32, #tpu.memory_space<vmem>>
        %dma_start3A_485 = arith.constant 0 : i32
        %dma_start3A_486 = tpu.memref_slice %arg6[%add3A_481, %dma_start3A_485] : memref<160x128xi32, #tpu.memory_space<vmem>> -> memref<1x128xi32, #tpu.memory_space<vmem>>
        %dma_start3A_487 = tpu.memref_squeeze %dma_start3A_486 : memref<1x128xi32, #tpu.memory_space<vmem>> -> memref<128xi32, #tpu.memory_space<vmem>>
        %dma_start3A_488 = arith.constant 0 : i32
        %dma_start3A_489 = arith.constant 0 : i32
        %dma_start3A_490 = tpu.memref_slice %arg11[%dma_start3A_488, %dma_start3A_489] : memref<20000x16xf32, #tpu.memory_space<vmem_shared>> -> memref<20000x16xf32, #tpu.memory_space<vmem_shared>>
        tpu.enqueue_indirect_dma source(%dma_start3A_490 : memref<20000x16xf32, #tpu.memory_space<vmem_shared>>) target(%dma_start3A_484 : memref<128x16xf32, #tpu.memory_space<vmem>>) offsets(%dma_start3A_487 : memref<128xi32, #tpu.memory_space<vmem>>) semaphore(%arg13 : memref<!tpu.dma_semaphore, #tpu.memory_space<semaphore_mem>>)
      } else {
      }
      %dma_wait3A_395 = arith.constant 256 : i32
      %dma_wait3A_396 = arith.constant 0 : i32
      %dma_wait3A_397 = tpu.memref_slice %arg8[%dma_wait3A_395, %dma_wait3A_396] : memref<1024x16xf32, #tpu.memory_space<vmem>> -> memref<128x16xf32, #tpu.memory_space<vmem>>
      %dma_wait3A_398 = arith.constant 0 : i32
      %dma_wait3A_399 = tpu.memref_slice %arg7[%add3A_204, %dma_wait3A_398] : memref<160x128xi32, #tpu.memory_space<vmem>> -> memref<1x128xi32, #tpu.memory_space<vmem>>
      %dma_wait3A_400 = tpu.memref_squeeze %dma_wait3A_399 : memref<1x128xi32, #tpu.memory_space<vmem>> -> memref<128xi32, #tpu.memory_space<vmem>>
      %dma_wait3A_401 = arith.constant 0 : i32
      %dma_wait3A_402 = arith.constant 0 : i32
      %dma_wait3A_403 = tpu.memref_slice %arg10[%dma_wait3A_401, %dma_wait3A_402] : memref<20480x16xf32, #tpu.memory_space<vmem_shared>> -> memref<20480x16xf32, #tpu.memory_space<vmem_shared>>
      tpu.wait_indirect_dma semaphore(%arg22 : memref<!tpu.dma_semaphore, #tpu.memory_space<semaphore_mem>>) src(%dma_wait3A_397 : memref<128x16xf32, #tpu.memory_space<vmem>>) dst(%dma_wait3A_403 : memref<20480x16xf32, #tpu.memory_space<vmem_shared>>)
      %lt3A_404 = arith.constant 19 : i32
      %lt3A_405 = arith.cmpi slt, %scan3A_191, %lt3A_404 : i32
      %convert_element_type3A_406 = arith.extui %lt3A_405 : i1 to i32
      %cond3A_407 = arith.constant 0 : i32
      %cond3A_408 = arith.cmpi ne, %convert_element_type3A_406, %cond3A_407 : i32
      scf.if %cond3A_408 {
        %add3A_480 = arith.constant 8 : i32
        %add3A_481 = arith.addi %add3A_204, %add3A_480 : i32
        %dma_start3A_482 = arith.constant 256 : i32
        %dma_start3A_483 = arith.constant 0 : i32
        %dma_start3A_484 = tpu.memref_slice %arg8[%dma_start3A_482, %dma_start3A_483] : memref<1024x16xf32, #tpu.memory_space<vmem>> -> memref<128x16xf32, #tpu.memory_space<vmem>>
        %dma_start3A_485 = arith.constant 0 : i32
        %dma_start3A_486 = tpu.memref_slice %arg6[%add3A_481, %dma_start3A_485] : memref<160x128xi32, #tpu.memory_space<vmem>> -> memref<1x128xi32, #tpu.memory_space<vmem>>
        %dma_start3A_487 = tpu.memref_squeeze %dma_start3A_486 : memref<1x128xi32, #tpu.memory_space<vmem>> -> memref<128xi32, #tpu.memory_space<vmem>>
        %dma_start3A_488 = arith.constant 0 : i32
        %dma_start3A_489 = arith.constant 0 : i32
        %dma_start3A_490 = tpu.memref_slice %arg11[%dma_start3A_488, %dma_start3A_489] : memref<20000x16xf32, #tpu.memory_space<vmem_shared>> -> memref<20000x16xf32, #tpu.memory_space<vmem_shared>>
        tpu.enqueue_indirect_dma source(%dma_start3A_490 : memref<20000x16xf32, #tpu.memory_space<vmem_shared>>) target(%dma_start3A_484 : memref<128x16xf32, #tpu.memory_space<vmem>>) offsets(%dma_start3A_487 : memref<128xi32, #tpu.memory_space<vmem>>) semaphore(%arg14 : memref<!tpu.dma_semaphore, #tpu.memory_space<semaphore_mem>>)
      } else {
      }
      %dma_wait3A_409 = arith.constant 384 : i32
      %dma_wait3A_410 = arith.constant 0 : i32
      %dma_wait3A_411 = tpu.memref_slice %arg8[%dma_wait3A_409, %dma_wait3A_410] : memref<1024x16xf32, #tpu.memory_space<vmem>> -> memref<128x16xf32, #tpu.memory_space<vmem>>
      %dma_wait3A_412 = arith.constant 0 : i32
      %dma_wait3A_413 = tpu.memref_slice %arg7[%add3A_208, %dma_wait3A_412] : memref<160x128xi32, #tpu.memory_space<vmem>> -> memref<1x128xi32, #tpu.memory_space<vmem>>
      %dma_wait3A_414 = tpu.memref_squeeze %dma_wait3A_413 : memref<1x128xi32, #tpu.memory_space<vmem>> -> memref<128xi32, #tpu.memory_space<vmem>>
      %dma_wait3A_415 = arith.constant 0 : i32
      %dma_wait3A_416 = arith.constant 0 : i32
      %dma_wait3A_417 = tpu.memref_slice %arg10[%dma_wait3A_415, %dma_wait3A_416] : memref<20480x16xf32, #tpu.memory_space<vmem_shared>> -> memref<20480x16xf32, #tpu.memory_space<vmem_shared>>
      tpu.wait_indirect_dma semaphore(%arg23 : memref<!tpu.dma_semaphore, #tpu.memory_space<semaphore_mem>>) src(%dma_wait3A_411 : memref<128x16xf32, #tpu.memory_space<vmem>>) dst(%dma_wait3A_417 : memref<20480x16xf32, #tpu.memory_space<vmem_shared>>)
      %lt3A_418 = arith.constant 19 : i32
      %lt3A_419 = arith.cmpi slt, %scan3A_191, %lt3A_418 : i32
      %convert_element_type3A_420 = arith.extui %lt3A_419 : i1 to i32
      %cond3A_421 = arith.constant 0 : i32
      %cond3A_422 = arith.cmpi ne, %convert_element_type3A_420, %cond3A_421 : i32
      scf.if %cond3A_422 {
        %add3A_480 = arith.constant 8 : i32
        %add3A_481 = arith.addi %add3A_208, %add3A_480 : i32
        %dma_start3A_482 = arith.constant 384 : i32
        %dma_start3A_483 = arith.constant 0 : i32
        %dma_start3A_484 = tpu.memref_slice %arg8[%dma_start3A_482, %dma_start3A_483] : memref<1024x16xf32, #tpu.memory_space<vmem>> -> memref<128x16xf32, #tpu.memory_space<vmem>>
        %dma_start3A_485 = arith.constant 0 : i32
        %dma_start3A_486 = tpu.memref_slice %arg6[%add3A_481, %dma_start3A_485] : memref<160x128xi32, #tpu.memory_space<vmem>> -> memref<1x128xi32, #tpu.memory_space<vmem>>
        %dma_start3A_487 = tpu.memref_squeeze %dma_start3A_486 : memref<1x128xi32, #tpu.memory_space<vmem>> -> memref<128xi32, #tpu.memory_space<vmem>>
        %dma_start3A_488 = arith.constant 0 : i32
        %dma_start3A_489 = arith.constant 0 : i32
        %dma_start3A_490 = tpu.memref_slice %arg11[%dma_start3A_488, %dma_start3A_489] : memref<20000x16xf32, #tpu.memory_space<vmem_shared>> -> memref<20000x16xf32, #tpu.memory_space<vmem_shared>>
        tpu.enqueue_indirect_dma source(%dma_start3A_490 : memref<20000x16xf32, #tpu.memory_space<vmem_shared>>) target(%dma_start3A_484 : memref<128x16xf32, #tpu.memory_space<vmem>>) offsets(%dma_start3A_487 : memref<128xi32, #tpu.memory_space<vmem>>) semaphore(%arg15 : memref<!tpu.dma_semaphore, #tpu.memory_space<semaphore_mem>>)
      } else {
      }
      %dma_wait3A_423 = arith.constant 512 : i32
      %dma_wait3A_424 = arith.constant 0 : i32
      %dma_wait3A_425 = tpu.memref_slice %arg8[%dma_wait3A_423, %dma_wait3A_424] : memref<1024x16xf32, #tpu.memory_space<vmem>> -> memref<128x16xf32, #tpu.memory_space<vmem>>
      %dma_wait3A_426 = arith.constant 0 : i32
      %dma_wait3A_427 = tpu.memref_slice %arg7[%add3A_212, %dma_wait3A_426] : memref<160x128xi32, #tpu.memory_space<vmem>> -> memref<1x128xi32, #tpu.memory_space<vmem>>
      %dma_wait3A_428 = tpu.memref_squeeze %dma_wait3A_427 : memref<1x128xi32, #tpu.memory_space<vmem>> -> memref<128xi32, #tpu.memory_space<vmem>>
      %dma_wait3A_429 = arith.constant 0 : i32
      %dma_wait3A_430 = arith.constant 0 : i32
      %dma_wait3A_431 = tpu.memref_slice %arg10[%dma_wait3A_429, %dma_wait3A_430] : memref<20480x16xf32, #tpu.memory_space<vmem_shared>> -> memref<20480x16xf32, #tpu.memory_space<vmem_shared>>
      tpu.wait_indirect_dma semaphore(%arg24 : memref<!tpu.dma_semaphore, #tpu.memory_space<semaphore_mem>>) src(%dma_wait3A_425 : memref<128x16xf32, #tpu.memory_space<vmem>>) dst(%dma_wait3A_431 : memref<20480x16xf32, #tpu.memory_space<vmem_shared>>)
      %lt3A_432 = arith.constant 19 : i32
      %lt3A_433 = arith.cmpi slt, %scan3A_191, %lt3A_432 : i32
      %convert_element_type3A_434 = arith.extui %lt3A_433 : i1 to i32
      %cond3A_435 = arith.constant 0 : i32
      %cond3A_436 = arith.cmpi ne, %convert_element_type3A_434, %cond3A_435 : i32
      scf.if %cond3A_436 {
        %add3A_480 = arith.constant 8 : i32
        %add3A_481 = arith.addi %add3A_212, %add3A_480 : i32
        %dma_start3A_482 = arith.constant 512 : i32
        %dma_start3A_483 = arith.constant 0 : i32
        %dma_start3A_484 = tpu.memref_slice %arg8[%dma_start3A_482, %dma_start3A_483] : memref<1024x16xf32, #tpu.memory_space<vmem>> -> memref<128x16xf32, #tpu.memory_space<vmem>>
        %dma_start3A_485 = arith.constant 0 : i32
        %dma_start3A_486 = tpu.memref_slice %arg6[%add3A_481, %dma_start3A_485] : memref<160x128xi32, #tpu.memory_space<vmem>> -> memref<1x128xi32, #tpu.memory_space<vmem>>
        %dma_start3A_487 = tpu.memref_squeeze %dma_start3A_486 : memref<1x128xi32, #tpu.memory_space<vmem>> -> memref<128xi32, #tpu.memory_space<vmem>>
        %dma_start3A_488 = arith.constant 0 : i32
        %dma_start3A_489 = arith.constant 0 : i32
        %dma_start3A_490 = tpu.memref_slice %arg11[%dma_start3A_488, %dma_start3A_489] : memref<20000x16xf32, #tpu.memory_space<vmem_shared>> -> memref<20000x16xf32, #tpu.memory_space<vmem_shared>>
        tpu.enqueue_indirect_dma source(%dma_start3A_490 : memref<20000x16xf32, #tpu.memory_space<vmem_shared>>) target(%dma_start3A_484 : memref<128x16xf32, #tpu.memory_space<vmem>>) offsets(%dma_start3A_487 : memref<128xi32, #tpu.memory_space<vmem>>) semaphore(%arg16 : memref<!tpu.dma_semaphore, #tpu.memory_space<semaphore_mem>>)
      } else {
      }
      %dma_wait3A_437 = arith.constant 640 : i32
      %dma_wait3A_438 = arith.constant 0 : i32
      %dma_wait3A_439 = tpu.memref_slice %arg8[%dma_wait3A_437, %dma_wait3A_438] : memref<1024x16xf32, #tpu.memory_space<vmem>> -> memref<128x16xf32, #tpu.memory_space<vmem>>
      %dma_wait3A_440 = arith.constant 0 : i32
      %dma_wait3A_441 = tpu.memref_slice %arg7[%add3A_216, %dma_wait3A_440] : memref<160x128xi32, #tpu.memory_space<vmem>> -> memref<1x128xi32, #tpu.memory_space<vmem>>
      %dma_wait3A_442 = tpu.memref_squeeze %dma_wait3A_441 : memref<1x128xi32, #tpu.memory_space<vmem>> -> memref<128xi32, #tpu.memory_space<vmem>>
      %dma_wait3A_443 = arith.constant 0 : i32
      %dma_wait3A_444 = arith.constant 0 : i32
      %dma_wait3A_445 = tpu.memref_slice %arg10[%dma_wait3A_443, %dma_wait3A_444] : memref<20480x16xf32, #tpu.memory_space<vmem_shared>> -> memref<20480x16xf32, #tpu.memory_space<vmem_shared>>
      tpu.wait_indirect_dma semaphore(%arg25 : memref<!tpu.dma_semaphore, #tpu.memory_space<semaphore_mem>>) src(%dma_wait3A_439 : memref<128x16xf32, #tpu.memory_space<vmem>>) dst(%dma_wait3A_445 : memref<20480x16xf32, #tpu.memory_space<vmem_shared>>)
      %lt3A_446 = arith.constant 19 : i32
      %lt3A_447 = arith.cmpi slt, %scan3A_191, %lt3A_446 : i32
      %convert_element_type3A_448 = arith.extui %lt3A_447 : i1 to i32
      %cond3A_449 = arith.constant 0 : i32
      %cond3A_450 = arith.cmpi ne, %convert_element_type3A_448, %cond3A_449 : i32
      scf.if %cond3A_450 {
        %add3A_480 = arith.constant 8 : i32
        %add3A_481 = arith.addi %add3A_216, %add3A_480 : i32
        %dma_start3A_482 = arith.constant 640 : i32
        %dma_start3A_483 = arith.constant 0 : i32
        %dma_start3A_484 = tpu.memref_slice %arg8[%dma_start3A_482, %dma_start3A_483] : memref<1024x16xf32, #tpu.memory_space<vmem>> -> memref<128x16xf32, #tpu.memory_space<vmem>>
        %dma_start3A_485 = arith.constant 0 : i32
        %dma_start3A_486 = tpu.memref_slice %arg6[%add3A_481, %dma_start3A_485] : memref<160x128xi32, #tpu.memory_space<vmem>> -> memref<1x128xi32, #tpu.memory_space<vmem>>
        %dma_start3A_487 = tpu.memref_squeeze %dma_start3A_486 : memref<1x128xi32, #tpu.memory_space<vmem>> -> memref<128xi32, #tpu.memory_space<vmem>>
        %dma_start3A_488 = arith.constant 0 : i32
        %dma_start3A_489 = arith.constant 0 : i32
        %dma_start3A_490 = tpu.memref_slice %arg11[%dma_start3A_488, %dma_start3A_489] : memref<20000x16xf32, #tpu.memory_space<vmem_shared>> -> memref<20000x16xf32, #tpu.memory_space<vmem_shared>>
        tpu.enqueue_indirect_dma source(%dma_start3A_490 : memref<20000x16xf32, #tpu.memory_space<vmem_shared>>) target(%dma_start3A_484 : memref<128x16xf32, #tpu.memory_space<vmem>>) offsets(%dma_start3A_487 : memref<128xi32, #tpu.memory_space<vmem>>) semaphore(%arg17 : memref<!tpu.dma_semaphore, #tpu.memory_space<semaphore_mem>>)
      } else {
      }
      %dma_wait3A_451 = arith.constant 768 : i32
      %dma_wait3A_452 = arith.constant 0 : i32
      %dma_wait3A_453 = tpu.memref_slice %arg8[%dma_wait3A_451, %dma_wait3A_452] : memref<1024x16xf32, #tpu.memory_space<vmem>> -> memref<128x16xf32, #tpu.memory_space<vmem>>
      %dma_wait3A_454 = arith.constant 0 : i32
      %dma_wait3A_455 = tpu.memref_slice %arg7[%add3A_220, %dma_wait3A_454] : memref<160x128xi32, #tpu.memory_space<vmem>> -> memref<1x128xi32, #tpu.memory_space<vmem>>
      %dma_wait3A_456 = tpu.memref_squeeze %dma_wait3A_455 : memref<1x128xi32, #tpu.memory_space<vmem>> -> memref<128xi32, #tpu.memory_space<vmem>>
      %dma_wait3A_457 = arith.constant 0 : i32
      %dma_wait3A_458 = arith.constant 0 : i32
      %dma_wait3A_459 = tpu.memref_slice %arg10[%dma_wait3A_457, %dma_wait3A_458] : memref<20480x16xf32, #tpu.memory_space<vmem_shared>> -> memref<20480x16xf32, #tpu.memory_space<vmem_shared>>
      tpu.wait_indirect_dma semaphore(%arg26 : memref<!tpu.dma_semaphore, #tpu.memory_space<semaphore_mem>>) src(%dma_wait3A_453 : memref<128x16xf32, #tpu.memory_space<vmem>>) dst(%dma_wait3A_459 : memref<20480x16xf32, #tpu.memory_space<vmem_shared>>)
      %lt3A_460 = arith.constant 19 : i32
      %lt3A_461 = arith.cmpi slt, %scan3A_191, %lt3A_460 : i32
      %convert_element_type3A_462 = arith.extui %lt3A_461 : i1 to i32
      %cond3A_463 = arith.constant 0 : i32
      %cond3A_464 = arith.cmpi ne, %convert_element_type3A_462, %cond3A_463 : i32
      scf.if %cond3A_464 {
        %add3A_480 = arith.constant 8 : i32
        %add3A_481 = arith.addi %add3A_220, %add3A_480 : i32
        %dma_start3A_482 = arith.constant 768 : i32
        %dma_start3A_483 = arith.constant 0 : i32
        %dma_start3A_484 = tpu.memref_slice %arg8[%dma_start3A_482, %dma_start3A_483] : memref<1024x16xf32, #tpu.memory_space<vmem>> -> memref<128x16xf32, #tpu.memory_space<vmem>>
        %dma_start3A_485 = arith.constant 0 : i32
        %dma_start3A_486 = tpu.memref_slice %arg6[%add3A_481, %dma_start3A_485] : memref<160x128xi32, #tpu.memory_space<vmem>> -> memref<1x128xi32, #tpu.memory_space<vmem>>
        %dma_start3A_487 = tpu.memref_squeeze %dma_start3A_486 : memref<1x128xi32, #tpu.memory_space<vmem>> -> memref<128xi32, #tpu.memory_space<vmem>>
        %dma_start3A_488 = arith.constant 0 : i32
        %dma_start3A_489 = arith.constant 0 : i32
        %dma_start3A_490 = tpu.memref_slice %arg11[%dma_start3A_488, %dma_start3A_489] : memref<20000x16xf32, #tpu.memory_space<vmem_shared>> -> memref<20000x16xf32, #tpu.memory_space<vmem_shared>>
        tpu.enqueue_indirect_dma source(%dma_start3A_490 : memref<20000x16xf32, #tpu.memory_space<vmem_shared>>) target(%dma_start3A_484 : memref<128x16xf32, #tpu.memory_space<vmem>>) offsets(%dma_start3A_487 : memref<128xi32, #tpu.memory_space<vmem>>) semaphore(%arg18 : memref<!tpu.dma_semaphore, #tpu.memory_space<semaphore_mem>>)
      } else {
      }
      %dma_wait3A_465 = arith.constant 896 : i32
      %dma_wait3A_466 = arith.constant 0 : i32
      %dma_wait3A_467 = tpu.memref_slice %arg8[%dma_wait3A_465, %dma_wait3A_466] : memref<1024x16xf32, #tpu.memory_space<vmem>> -> memref<128x16xf32, #tpu.memory_space<vmem>>
      %dma_wait3A_468 = arith.constant 0 : i32
      %dma_wait3A_469 = tpu.memref_slice %arg7[%add3A_224, %dma_wait3A_468] : memref<160x128xi32, #tpu.memory_space<vmem>> -> memref<1x128xi32, #tpu.memory_space<vmem>>
      %dma_wait3A_470 = tpu.memref_squeeze %dma_wait3A_469 : memref<1x128xi32, #tpu.memory_space<vmem>> -> memref<128xi32, #tpu.memory_space<vmem>>
      %dma_wait3A_471 = arith.constant 0 : i32
      %dma_wait3A_472 = arith.constant 0 : i32
      %dma_wait3A_473 = tpu.memref_slice %arg10[%dma_wait3A_471, %dma_wait3A_472] : memref<20480x16xf32, #tpu.memory_space<vmem_shared>> -> memref<20480x16xf32, #tpu.memory_space<vmem_shared>>
      tpu.wait_indirect_dma semaphore(%arg27 : memref<!tpu.dma_semaphore, #tpu.memory_space<semaphore_mem>>) src(%dma_wait3A_467 : memref<128x16xf32, #tpu.memory_space<vmem>>) dst(%dma_wait3A_473 : memref<20480x16xf32, #tpu.memory_space<vmem_shared>>)
      %lt3A_474 = arith.constant 19 : i32
      %lt3A_475 = arith.cmpi slt, %scan3A_191, %lt3A_474 : i32
      %convert_element_type3A_476 = arith.extui %lt3A_475 : i1 to i32
      %cond3A_477 = arith.constant 0 : i32
      %cond3A_478 = arith.cmpi ne, %convert_element_type3A_476, %cond3A_477 : i32
      scf.if %cond3A_478 {
        %add3A_480 = arith.constant 8 : i32
        %add3A_481 = arith.addi %add3A_224, %add3A_480 : i32
        %dma_start3A_482 = arith.constant 896 : i32
        %dma_start3A_483 = arith.constant 0 : i32
        %dma_start3A_484 = tpu.memref_slice %arg8[%dma_start3A_482, %dma_start3A_483] : memref<1024x16xf32, #tpu.memory_space<vmem>> -> memref<128x16xf32, #tpu.memory_space<vmem>>
        %dma_start3A_485 = arith.constant 0 : i32
        %dma_start3A_486 = tpu.memref_slice %arg6[%add3A_481, %dma_start3A_485] : memref<160x128xi32, #tpu.memory_space<vmem>> -> memref<1x128xi32, #tpu.memory_space<vmem>>
        %dma_start3A_487 = tpu.memref_squeeze %dma_start3A_486 : memref<1x128xi32, #tpu.memory_space<vmem>> -> memref<128xi32, #tpu.memory_space<vmem>>
        %dma_start3A_488 = arith.constant 0 : i32
        %dma_start3A_489 = arith.constant 0 : i32
        %dma_start3A_490 = tpu.memref_slice %arg11[%dma_start3A_488, %dma_start3A_489] : memref<20000x16xf32, #tpu.memory_space<vmem_shared>> -> memref<20000x16xf32, #tpu.memory_space<vmem_shared>>
        tpu.enqueue_indirect_dma source(%dma_start3A_490 : memref<20000x16xf32, #tpu.memory_space<vmem_shared>>) target(%dma_start3A_484 : memref<128x16xf32, #tpu.memory_space<vmem>>) offsets(%dma_start3A_487 : memref<128xi32, #tpu.memory_space<vmem>>) semaphore(%arg19 : memref<!tpu.dma_semaphore, #tpu.memory_space<semaphore_mem>>)
      } else {
      }
      %scan3A_479 = arith.constant 0 : i32
      scf.yield %scan3A_479 : i32
    }
    %scan3A_180 = arith.constant 20 : i32
    %barrier3A_181 = arith.constant 0 : index
    tpu.barrier barrier_id(%barrier3A_181)
    %mul3A_182 = arith.constant 1250 : i32
    %mul3A_183 = arith.muli %arg1, %mul3A_182 : i32
    %mul3A_184 = arith.constant 2 : i32
    %mul3A_185 = arith.muli %arg0, %mul3A_184 : i32
    %mul3A_186 = arith.constant 10000 : i32
    %mul3A_187 = arith.muli %mul3A_185, %mul3A_186 : i32
    %mul3A_188 = arith.constant 1250 : i32
    %mul3A_189 = arith.muli %arg1, %mul3A_188 : i32
    %add3A_190 = arith.addi %mul3A_187, %mul3A_189 : i32
    "tpu.region"() ({
      %run_scoped3A = tpu.sem_alloc : memref<!tpu.dma_semaphore, #tpu.memory_space<semaphore_mem>>
      %dma_start3A_191 = arith.constant 0 : i32
      %dma_start3A_192 = tpu.memref_slice %arg5[%add3A_190, %dma_start3A_191] : memref<40000x16xf32, #tpu.memory_space<hbm>> -> memref<1250x16xf32, #tpu.memory_space<hbm>>
      %dma_start3A_193 = arith.constant 0 : i32
      %dma_start3A_194 = tpu.memref_slice %arg10[%mul3A_183, %dma_start3A_193] : memref<20480x16xf32, #tpu.memory_space<vmem_shared>> -> memref<1250x16xf32, #tpu.memory_space<vmem_shared>>
      tpu.enqueue_dma source(%dma_start3A_194 : memref<1250x16xf32, #tpu.memory_space<vmem_shared>>) target(%dma_start3A_192 : memref<1250x16xf32, #tpu.memory_space<hbm>>) target_semaphore(%run_scoped3A : memref<!tpu.dma_semaphore, #tpu.memory_space<semaphore_mem>>)
      %dma_wait3A_195 = arith.constant 0 : i32
      %dma_wait3A_196 = tpu.memref_slice %arg5[%add3A_190, %dma_wait3A_195] : memref<40000x16xf32, #tpu.memory_space<hbm>> -> memref<1250x16xf32, #tpu.memory_space<hbm>>
      %dma_wait3A_197 = arith.constant 0 : i32
      %dma_wait3A_198 = tpu.memref_slice %arg10[%mul3A_183, %dma_wait3A_197] : memref<20480x16xf32, #tpu.memory_space<vmem_shared>> -> memref<1250x16xf32, #tpu.memory_space<vmem_shared>>
      tpu.wait_dma2 semaphore(%run_scoped3A : memref<!tpu.dma_semaphore, #tpu.memory_space<semaphore_mem>>) src(%dma_wait3A_198 : memref<1250x16xf32, #tpu.memory_space<vmem_shared>>) dst(%dma_wait3A_196 : memref<1250x16xf32, #tpu.memory_space<hbm>>)
      tpu.yield
    }) : () -> ()
    return
  }
}

module attributes {stable_mosaic.version = 14 : i64} {
  func.func @_tc1_body(%arg0: i32, %arg1: memref<1x1250x1024xf32, #tpu.memory_space<vmem>>, %arg2: memref<1024x128xf32, #tpu.memory_space<vmem>>, %arg3: memref<1024x128xf32, #tpu.memory_space<vmem>>, %arg4: memref<2x1280x8xf32, #tpu.memory_space<vmem>>, %arg5: memref<8x128xf32, #tpu.memory_space<vmem>>, %arg6: memref<1x1250x128xf32, #tpu.memory_space<vmem>>, %arg7: memref<1x1250x128xf32, #tpu.memory_space<vmem>>) attributes {dimension_semantics = [#tpu.dimension_semantics<arbitrary>], iteration_bounds = array<i64: 4>, scalar_prefetch = 0 : i64, scratch_operands = 0 : i64, tpu.core_type = #tpu.core_type<tc>, window_params = [{transform_indices = @transform_0, window_bounds = array<i64: 1, 1250, 1024>}, {pipeline_mode = #tpu.pipeline_mode<synchronous>, transform_indices = @transform_1, window_bounds = array<i64: 1024, 128>}, {pipeline_mode = #tpu.pipeline_mode<synchronous>, transform_indices = @transform_2, window_bounds = array<i64: 1024, 128>}, {pipeline_mode = #tpu.pipeline_mode<synchronous>, transform_indices = @transform_3, window_bounds = array<i64: 2, 1280, 8>}, {pipeline_mode = #tpu.pipeline_mode<synchronous>, transform_indices = @transform_4, window_bounds = array<i64: 8, 128>}, {transform_indices = @transform_5, window_bounds = array<i64: 1, 1250, 128>}, {transform_indices = @transform_6, window_bounds = array<i64: 1, 1250, 128>}]} {
    %get3A = arith.constant 0 : index
    %get3A_0 = arith.constant 0 : index
    %get3A_1 = arith.constant 0 : index
    %get3A_2 = vector.load %arg1[%get3A, %get3A_0, %get3A_1] : memref<1x1250x1024xf32, #tpu.memory_space<vmem>>, vector<1x1250x1024xf32>
    %get3A_3 = vector.shape_cast %get3A_2 : vector<1x1250x1024xf32> to vector<1250x1024xf32>
    %get3A_4 = arith.constant 0 : index
    %get3A_5 = arith.constant 0 : index
    %get3A_6 = arith.constant 0 : index
    %get3A_7 = vector.load %arg4[%get3A_4, %get3A_5, %get3A_6] : memref<2x1280x8xf32, #tpu.memory_space<vmem>>, vector<1x1280x8xf32>
    %get3A_8 = vector.shape_cast %get3A_7 : vector<1x1280x8xf32> to vector<1280x8xf32>
    %get3A_9 = arith.constant 1 : index
    %get3A_10 = arith.constant 0 : index
    %get3A_11 = arith.constant 0 : index
    %get3A_12 = vector.load %arg4[%get3A_9, %get3A_10, %get3A_11] : memref<2x1280x8xf32, #tpu.memory_space<vmem>>, vector<1x1280x8xf32>
    %get3A_13 = vector.shape_cast %get3A_12 : vector<1x1280x8xf32> to vector<1280x8xf32>
    %add3A = arith.addf %get3A_8, %get3A_13 : vector<1280x8xf32>
    %gt3A = arith.constant 0.000000e+00 : f32
    %gt3A_14 = vector.broadcast %gt3A : f32 to vector<1280x8xf32>
    %gt3A_15 = arith.cmpf ogt, %add3A, %gt3A_14 : vector<1280x8xf32>
    %gt3A_16 = arith.constant 0.000000e+00 : f32
    %gt3A_17 = vector.broadcast %gt3A_16 : f32 to vector<1280x8xf32>
    %gt3A_18 = arith.cmpf ogt, %add3A, %gt3A_17 : vector<1280x8xf32>
    %jit3A = arith.constant 1.000000e+00 : f32
    %broadcast_in_dim3A = vector.broadcast %jit3A : f32 to vector<1280x8xf32>
    %select_n3A = arith.select %gt3A_18, %add3A, %broadcast_in_dim3A : vector<1280x8xi1>, vector<1280x8xf32>
    %rsqrt3A = math.rsqrt %select_n3A : vector<1280x8xf32>
    %jit3A_19 = arith.constant 0.000000e+00 : f32
    %broadcast_in_dim3A_20 = vector.broadcast %jit3A_19 : f32 to vector<1280x8xf32>
    %select_n3A_21 = arith.select %gt3A_15, %rsqrt3A, %broadcast_in_dim3A_20 : vector<1280x8xi1>, vector<1280x8xf32>
    %slice3A = vector.extract_strided_slice %select_n3A_21 {offsets = [0, 0], sizes = [1250, 8], strides = [1, 1]} : vector<1280x8xf32> to vector<1250x8xf32>
    %get3A_22 = arith.constant 0 : index
    %get3A_23 = arith.constant 0 : index
    %get3A_24 = vector.load %arg5[%get3A_22, %get3A_23] : memref<8x128xf32, #tpu.memory_space<vmem>>, vector<8x128xf32>
    %dot_general3A = arith.constant dense<0.000000e+00> : vector<1250x128xf32>
    %dot_general3A_25 = tpu.matmul %slice3A, %get3A_24, %dot_general3A {dimension_numbers = #tpu.dot_dimension_numbers<[1], [0], [0], [1], [0, 0, 1, 1], [], []>, transpose_lhs_hint = false} : vector<1250x8xf32>, vector<8x128xf32>, vector<1250x128xf32> -> vector<1250x128xf32>
    %get3A_26 = arith.constant 0 : index
    %get3A_27 = arith.constant 0 : index
    %get3A_28 = vector.load %arg2[%get3A_26, %get3A_27] : memref<1024x128xf32, #tpu.memory_space<vmem>>, vector<1024x128xf32>
    %dot_general3A_29 = arith.constant dense<0.000000e+00> : vector<1250x128xf32>
    %dot_general3A_30 = tpu.matmul %get3A_3, %get3A_28, %dot_general3A_29 {dimension_numbers = #tpu.dot_dimension_numbers<[1], [0], [0], [1], [0, 0, 1, 1], [], []>, transpose_lhs_hint = false} : vector<1250x1024xf32>, vector<1024x128xf32>, vector<1250x128xf32> -> vector<1250x128xf32>
    %swap3A = arith.constant 0 : index
    %swap3A_31 = arith.constant 0 : index
    %swap3A_32 = arith.constant 0 : index
    %swap3A_33 = vector.load %arg6[%swap3A, %swap3A_31, %swap3A_32] : memref<1x1250x128xf32, #tpu.memory_space<vmem>>, vector<1x1250x128xf32>
    %swap3A_34 = vector.shape_cast %swap3A_33 : vector<1x1250x128xf32> to vector<1250x128xf32>
    %swap3A_35 = vector.shape_cast %dot_general3A_30 : vector<1250x128xf32> to vector<1x1250x128xf32>
    tpu.vector_store %arg6[%swap3A, %swap3A_31, %swap3A_32], %swap3A_35 {strides = array<i32>} : memref<1x1250x128xf32, #tpu.memory_space<vmem>>, vector<1x1250x128xf32>,
    %get3A_36 = arith.constant 0 : index
    %get3A_37 = arith.constant 0 : index
    %get3A_38 = vector.load %arg3[%get3A_36, %get3A_37] : memref<1024x128xf32, #tpu.memory_space<vmem>>, vector<1024x128xf32>
    %dot_general3A_39 = arith.constant dense<0.000000e+00> : vector<1250x128xf32>
    %dot_general3A_40 = tpu.matmul %get3A_3, %get3A_38, %dot_general3A_39 {dimension_numbers = #tpu.dot_dimension_numbers<[1], [0], [0], [1], [0, 0, 1, 1], [], []>, transpose_lhs_hint = false} : vector<1250x1024xf32>, vector<1024x128xf32>, vector<1250x128xf32> -> vector<1250x128xf32>
    %mul3A = arith.mulf %dot_general3A_25, %dot_general3A_40 : vector<1250x128xf32>
    %swap3A_41 = arith.constant 0 : index
    %swap3A_42 = arith.constant 0 : index
    %swap3A_43 = arith.constant 0 : index
    %swap3A_44 = vector.load %arg7[%swap3A_41, %swap3A_42, %swap3A_43] : memref<1x1250x128xf32, #tpu.memory_space<vmem>>, vector<1x1250x128xf32>
    %swap3A_45 = vector.shape_cast %swap3A_44 : vector<1x1250x128xf32> to vector<1250x128xf32>
    %swap3A_46 = vector.shape_cast %mul3A : vector<1250x128xf32> to vector<1x1250x128xf32>
    tpu.vector_store %arg7[%swap3A_41, %swap3A_42, %swap3A_43], %swap3A_46 {strides = array<i32>} : memref<1x1250x128xf32, #tpu.memory_space<vmem>>, vector<1x1250x128xf32>,
    return
  }
  func.func @transform_0(%arg0: i32) -> (i32, i32, i32) {
    %c0_i32 = arith.constant 0 : i32
    %c0_i32_0 = arith.constant 0 : i32
    %c0_i32_1 = arith.constant 0 : i32
    return %arg0, %c0_i32, %c0_i32_0 : i32, i32, i32
  }
  func.func @transform_1(%arg0: i32) -> (i32, i32) {
    %c0_i32 = arith.constant 0 : i32
    %c0_i32_0 = arith.constant 0 : i32
    %c0_i32_1 = arith.constant 0 : i32
    return %c0_i32, %c0_i32_0 : i32, i32
  }
  func.func @transform_2(%arg0: i32) -> (i32, i32) {
    %c0_i32 = arith.constant 0 : i32
    %c0_i32_0 = arith.constant 0 : i32
    %c0_i32_1 = arith.constant 0 : i32
    return %c0_i32, %c0_i32_0 : i32, i32
  }
  func.func @transform_3(%arg0: i32) -> (i32, i32, i32) {
    %c0_i32 = arith.constant 0 : i32
    %c0_i32_0 = arith.constant 0 : i32
    %c0_i32_1 = arith.constant 0 : i32
    %c0_i32_2 = arith.constant 0 : i32
    return %c0_i32, %c0_i32_0, %c0_i32_1 : i32, i32, i32
  }
  func.func @transform_4(%arg0: i32) -> (i32, i32) {
    %c0_i32 = arith.constant 0 : i32
    %c0_i32_0 = arith.constant 0 : i32
    %c0_i32_1 = arith.constant 0 : i32
    return %c0_i32, %c0_i32_0 : i32, i32
  }
  func.func @transform_5(%arg0: i32) -> (i32, i32, i32) {
    %c0_i32 = arith.constant 0 : i32
    %c0_i32_0 = arith.constant 0 : i32
    %c0_i32_1 = arith.constant 0 : i32
    return %arg0, %c0_i32, %c0_i32_0 : i32, i32, i32
  }
  func.func @transform_6(%arg0: i32) -> (i32, i32, i32) {
    %c0_i32 = arith.constant 0 : i32
    %c0_i32_0 = arith.constant 0 : i32
    %c0_i32_1 = arith.constant 0 : i32
    return %arg0, %c0_i32, %c0_i32_0 : i32, i32, i32
  }
}

module attributes {stable_mosaic.version = 14 : i64} {
  func.func @_tc_mid_body(%arg0: i32, %arg1: memref<1x1250x128xf32, #tpu.memory_space<vmem>>, %arg2: memref<1x1250x128xf32, #tpu.memory_space<vmem>>, %arg3: memref<2x1280x8xf32, #tpu.memory_space<vmem>>, %arg4: memref<8x128xf32, #tpu.memory_space<vmem>>, %arg5: memref<128x128xf32, #tpu.memory_space<vmem>>, %arg6: memref<128x128xf32, #tpu.memory_space<vmem>>, %arg7: memref<1x128xf32, #tpu.memory_space<vmem>>, %arg8: memref<1x1250x128xf32, #tpu.memory_space<vmem>>, %arg9: memref<1x1250x128xf32, #tpu.memory_space<vmem>>) attributes {dimension_semantics = [#tpu.dimension_semantics<arbitrary>], iteration_bounds = array<i64: 4>, scalar_prefetch = 0 : i64, scratch_operands = 0 : i64, tpu.core_type = #tpu.core_type<tc>, window_params = [{transform_indices = @transform_0, window_bounds = array<i64: 1, 1250, 128>}, {transform_indices = @transform_1, window_bounds = array<i64: 1, 1250, 128>}, {pipeline_mode = #tpu.pipeline_mode<synchronous>, transform_indices = @transform_2, window_bounds = array<i64: 2, 1280, 8>}, {pipeline_mode = #tpu.pipeline_mode<synchronous>, transform_indices = @transform_3, window_bounds = array<i64: 8, 128>}, {pipeline_mode = #tpu.pipeline_mode<synchronous>, transform_indices = @transform_4, window_bounds = array<i64: 128, 128>}, {pipeline_mode = #tpu.pipeline_mode<synchronous>, transform_indices = @transform_5, window_bounds = array<i64: 128, 128>}, {pipeline_mode = #tpu.pipeline_mode<synchronous>, transform_indices = @transform_6, window_bounds = array<i64: 1, 128>}, {transform_indices = @transform_7, window_bounds = array<i64: 1, 1250, 128>}, {transform_indices = @transform_8, window_bounds = array<i64: 1, 1250, 128>}]} {
    %get3A = arith.constant 0 : index
    %get3A_0 = arith.constant 0 : index
    %get3A_1 = arith.constant 0 : index
    %get3A_2 = vector.load %arg3[%get3A, %get3A_0, %get3A_1] : memref<2x1280x8xf32, #tpu.memory_space<vmem>>, vector<1x1280x8xf32>
    %get3A_3 = vector.shape_cast %get3A_2 : vector<1x1280x8xf32> to vector<1280x8xf32>
    %get3A_4 = arith.constant 1 : index
    %get3A_5 = arith.constant 0 : index
    %get3A_6 = arith.constant 0 : index
    %get3A_7 = vector.load %arg3[%get3A_4, %get3A_5, %get3A_6] : memref<2x1280x8xf32, #tpu.memory_space<vmem>>, vector<1x1280x8xf32>
    %get3A_8 = vector.shape_cast %get3A_7 : vector<1x1280x8xf32> to vector<1280x8xf32>
    %add3A = arith.addf %get3A_3, %get3A_8 : vector<1280x8xf32>
    %gt3A = arith.constant 0.000000e+00 : f32
    %gt3A_9 = vector.broadcast %gt3A : f32 to vector<1280x8xf32>
    %gt3A_10 = arith.cmpf ogt, %add3A, %gt3A_9 : vector<1280x8xf32>
    %gt3A_11 = arith.constant 0.000000e+00 : f32
    %gt3A_12 = vector.broadcast %gt3A_11 : f32 to vector<1280x8xf32>
    %gt3A_13 = arith.cmpf ogt, %add3A, %gt3A_12 : vector<1280x8xf32>
    %jit3A = arith.constant 1.000000e+00 : f32
    %broadcast_in_dim3A = vector.broadcast %jit3A : f32 to vector<1280x8xf32>
    %select_n3A = arith.select %gt3A_13, %add3A, %broadcast_in_dim3A : vector<1280x8xi1>, vector<1280x8xf32>
    %rsqrt3A = math.rsqrt %select_n3A : vector<1280x8xf32>
    %jit3A_14 = arith.constant 0.000000e+00 : f32
    %broadcast_in_dim3A_15 = vector.broadcast %jit3A_14 : f32 to vector<1280x8xf32>
    %select_n3A_16 = arith.select %gt3A_10, %rsqrt3A, %broadcast_in_dim3A_15 : vector<1280x8xi1>, vector<1280x8xf32>
    %slice3A = vector.extract_strided_slice %select_n3A_16 {offsets = [0, 0], sizes = [1250, 8], strides = [1, 1]} : vector<1280x8xf32> to vector<1250x8xf32>
    %get3A_17 = arith.constant 0 : index
    %get3A_18 = arith.constant 0 : index
    %get3A_19 = vector.load %arg4[%get3A_17, %get3A_18] : memref<8x128xf32, #tpu.memory_space<vmem>>, vector<8x128xf32>
    %dot_general3A = arith.constant dense<0.000000e+00> : vector<1250x128xf32>
    %dot_general3A_20 = tpu.matmul %slice3A, %get3A_19, %dot_general3A {dimension_numbers = #tpu.dot_dimension_numbers<[1], [0], [0], [1], [0, 0, 1, 1], [], []>, transpose_lhs_hint = false} : vector<1250x8xf32>, vector<8x128xf32>, vector<1250x128xf32> -> vector<1250x128xf32>
    %get3A_21 = arith.constant 0 : index
    %get3A_22 = arith.constant 0 : index
    %get3A_23 = arith.constant 0 : index
    %get3A_24 = vector.load %arg1[%get3A_21, %get3A_22, %get3A_23] : memref<1x1250x128xf32, #tpu.memory_space<vmem>>, vector<1x1250x128xf32>
    %get3A_25 = vector.shape_cast %get3A_24 : vector<1x1250x128xf32> to vector<1250x128xf32>
    %get3A_26 = arith.constant 0 : index
    %get3A_27 = arith.constant 0 : index
    %get3A_28 = arith.constant 0 : index
    %get3A_29 = vector.load %arg2[%get3A_26, %get3A_27, %get3A_28] : memref<1x1250x128xf32, #tpu.memory_space<vmem>>, vector<1x1250x128xf32>
    %get3A_30 = vector.shape_cast %get3A_29 : vector<1x1250x128xf32> to vector<1250x128xf32>
    %mul3A = arith.mulf %dot_general3A_20, %get3A_30 : vector<1250x128xf32>
    %sub3A = arith.subf %get3A_25, %mul3A : vector<1250x128xf32>
    %get3A_31 = arith.constant 0 : index
    %get3A_32 = arith.constant 0 : index
    %get3A_33 = vector.load %arg7[%get3A_31, %get3A_32] : memref<1x128xf32, #tpu.memory_space<vmem>>, vector<1x128xf32>
    %add3A_34 = vector.broadcast %get3A_33 : vector<1x128xf32> to vector<1250x128xf32>
    %add3A_35 = arith.addf %sub3A, %add3A_34 : vector<1250x128xf32>
    %gt3A_36 = arith.constant 0.000000e+00 : f32
    %gt3A_37 = vector.broadcast %gt3A_36 : f32 to vector<1250x128xf32>
    %gt3A_38 = arith.cmpf ogt, %add3A_35, %gt3A_37 : vector<1250x128xf32>
    %min3A = arith.constant 0.000000e+00 : f32
    %min3A_39 = vector.broadcast %min3A : f32 to vector<1250x128xf32>
    %min3A_40 = arith.minimumf %add3A_35, %min3A_39 : vector<1250x128xf32>
    %exp3A = math.exp %min3A_40 : vector<1250x128xf32>
    %sub3A_41 = arith.constant 1.000000e+00 : f32
    %sub3A_42 = vector.broadcast %sub3A_41 : f32 to vector<1250x128xf32>
    %sub3A_43 = arith.subf %exp3A, %sub3A_42 : vector<1250x128xf32>
    %select_n3A_44 = arith.select %gt3A_38, %add3A_35, %sub3A_43 : vector<1250x128xi1>, vector<1250x128xf32>
    %get3A_45 = arith.constant 0 : index
    %get3A_46 = arith.constant 0 : index
    %get3A_47 = vector.load %arg5[%get3A_45, %get3A_46] : memref<128x128xf32, #tpu.memory_space<vmem>>, vector<128x128xf32>
    %dot_general3A_48 = arith.constant dense<0.000000e+00> : vector<1250x128xf32>
    %dot_general3A_49 = tpu.matmul %select_n3A_44, %get3A_47, %dot_general3A_48 {dimension_numbers = #tpu.dot_dimension_numbers<[1], [0], [0], [1], [0, 0, 1, 1], [], []>, transpose_lhs_hint = false} : vector<1250x128xf32>, vector<128x128xf32>, vector<1250x128xf32> -> vector<1250x128xf32>
    %swap3A = arith.constant 0 : index
    %swap3A_50 = arith.constant 0 : index
    %swap3A_51 = arith.constant 0 : index
    %swap3A_52 = vector.load %arg8[%swap3A, %swap3A_50, %swap3A_51] : memref<1x1250x128xf32, #tpu.memory_space<vmem>>, vector<1x1250x128xf32>
    %swap3A_53 = vector.shape_cast %swap3A_52 : vector<1x1250x128xf32> to vector<1250x128xf32>
    %swap3A_54 = vector.shape_cast %dot_general3A_49 : vector<1250x128xf32> to vector<1x1250x128xf32>
    tpu.vector_store %arg8[%swap3A, %swap3A_50, %swap3A_51], %swap3A_54 {strides = array<i32>} : memref<1x1250x128xf32, #tpu.memory_space<vmem>>, vector<1x1250x128xf32>,
    %mul3A_55 = arith.mulf %dot_general3A_20, %select_n3A_44 : vector<1250x128xf32>
    %get3A_56 = arith.constant 0 : index
    %get3A_57 = arith.constant 0 : index
    %get3A_58 = vector.load %arg6[%get3A_56, %get3A_57] : memref<128x128xf32, #tpu.memory_space<vmem>>, vector<128x128xf32>
    %dot_general3A_59 = arith.constant dense<0.000000e+00> : vector<1250x128xf32>
    %dot_general3A_60 = tpu.matmul %mul3A_55, %get3A_58, %dot_general3A_59 {dimension_numbers = #tpu.dot_dimension_numbers<[1], [0], [0], [1], [0, 0, 1, 1], [], []>, transpose_lhs_hint = false} : vector<1250x128xf32>, vector<128x128xf32>, vector<1250x128xf32> -> vector<1250x128xf32>
    %swap3A_61 = arith.constant 0 : index
    %swap3A_62 = arith.constant 0 : index
    %swap3A_63 = arith.constant 0 : index
    %swap3A_64 = vector.load %arg9[%swap3A_61, %swap3A_62, %swap3A_63] : memref<1x1250x128xf32, #tpu.memory_space<vmem>>, vector<1x1250x128xf32>
    %swap3A_65 = vector.shape_cast %swap3A_64 : vector<1x1250x128xf32> to vector<1250x128xf32>
    %swap3A_66 = vector.shape_cast %dot_general3A_60 : vector<1250x128xf32> to vector<1x1250x128xf32>
    tpu.vector_store %arg9[%swap3A_61, %swap3A_62, %swap3A_63], %swap3A_66 {strides = array<i32>} : memref<1x1250x128xf32, #tpu.memory_space<vmem>>, vector<1x1250x128xf32>,
    return
  }
  func.func @transform_0(%arg0: i32) -> (i32, i32, i32) {
    %c0_i32 = arith.constant 0 : i32
    %c0_i32_0 = arith.constant 0 : i32
    %c0_i32_1 = arith.constant 0 : i32
    return %arg0, %c0_i32, %c0_i32_0 : i32, i32, i32
  }
  func.func @transform_1(%arg0: i32) -> (i32, i32, i32) {
    %c0_i32 = arith.constant 0 : i32
    %c0_i32_0 = arith.constant 0 : i32
    %c0_i32_1 = arith.constant 0 : i32
    return %arg0, %c0_i32, %c0_i32_0 : i32, i32, i32
  }
  func.func @transform_2(%arg0: i32) -> (i32, i32, i32) {
    %c0_i32 = arith.constant 0 : i32
    %c0_i32_0 = arith.constant 0 : i32
    %c0_i32_1 = arith.constant 0 : i32
    %c0_i32_2 = arith.constant 0 : i32
    return %c0_i32, %c0_i32_0, %c0_i32_1 : i32, i32, i32
  }
  func.func @transform_3(%arg0: i32) -> (i32, i32) {
    %c0_i32 = arith.constant 0 : i32
    %c0_i32_0 = arith.constant 0 : i32
    %c0_i32_1 = arith.constant 0 : i32
    return %c0_i32, %c0_i32_0 : i32, i32
  }
  func.func @transform_4(%arg0: i32) -> (i32, i32) {
    %c0_i32 = arith.constant 0 : i32
    %c0_i32_0 = arith.constant 0 : i32
    %c0_i32_1 = arith.constant 0 : i32
    return %c0_i32, %c0_i32_0 : i32, i32
  }
  func.func @transform_5(%arg0: i32) -> (i32, i32) {
    %c0_i32 = arith.constant 0 : i32
    %c0_i32_0 = arith.constant 0 : i32
    %c0_i32_1 = arith.constant 0 : i32
    return %c0_i32, %c0_i32_0 : i32, i32
  }
  func.func @transform_6(%arg0: i32) -> (i32, i32) {
    %c0_i32 = arith.constant 0 : i32
    %c0_i32_0 = arith.constant 0 : i32
    %c0_i32_1 = arith.constant 0 : i32
    return %c0_i32, %c0_i32_0 : i32, i32
  }
  func.func @transform_7(%arg0: i32) -> (i32, i32, i32) {
    %c0_i32 = arith.constant 0 : i32
    %c0_i32_0 = arith.constant 0 : i32
    %c0_i32_1 = arith.constant 0 : i32
    return %arg0, %c0_i32, %c0_i32_0 : i32, i32, i32
  }
  func.func @transform_8(%arg0: i32) -> (i32, i32, i32) {
    %c0_i32 = arith.constant 0 : i32
    %c0_i32_0 = arith.constant 0 : i32
    %c0_i32_1 = arith.constant 0 : i32
    return %arg0, %c0_i32, %c0_i32_0 : i32, i32, i32
  }
}

module attributes {stable_mosaic.version = 14 : i64} {
  func.func @_tc4_body(%arg0: i32, %arg1: memref<1x1250x128xf32, #tpu.memory_space<vmem>>, %arg2: memref<1x1250x128xf32, #tpu.memory_space<vmem>>, %arg3: memref<2x1280x8xf32, #tpu.memory_space<vmem>>, %arg4: memref<8x128xf32, #tpu.memory_space<vmem>>, %arg5: memref<128x16xf32, #tpu.memory_space<vmem>>, %arg6: memref<1x128xf32, #tpu.memory_space<vmem>>, %arg7: memref<16x10xf32, #tpu.memory_space<vmem>>, %arg8: memref<1x10xf32, #tpu.memory_space<vmem>>, %arg9: memref<4x10xf32, #tpu.memory_space<vmem>>) attributes {dimension_semantics = [#tpu.dimension_semantics<arbitrary>], iteration_bounds = array<i64: 4>, scalar_prefetch = 0 : i64, scratch_operands = 0 : i64, tpu.core_type = #tpu.core_type<tc>, window_params = [{transform_indices = @transform_0, window_bounds = array<i64: 1, 1250, 128>}, {transform_indices = @transform_1, window_bounds = array<i64: 1, 1250, 128>}, {pipeline_mode = #tpu.pipeline_mode<synchronous>, transform_indices = @transform_2, window_bounds = array<i64: 2, 1280, 8>}, {pipeline_mode = #tpu.pipeline_mode<synchronous>, transform_indices = @transform_3, window_bounds = array<i64: 8, 128>}, {pipeline_mode = #tpu.pipeline_mode<synchronous>, transform_indices = @transform_4, window_bounds = array<i64: 128, 16>}, {pipeline_mode = #tpu.pipeline_mode<synchronous>, transform_indices = @transform_5, window_bounds = array<i64: 1, 128>}, {pipeline_mode = #tpu.pipeline_mode<synchronous>, transform_indices = @transform_6, window_bounds = array<i64: 16, 10>}, {pipeline_mode = #tpu.pipeline_mode<synchronous>, transform_indices = @transform_7, window_bounds = array<i64: 1, 10>}, {pipeline_mode = #tpu.pipeline_mode<synchronous>, transform_indices = @transform_8, window_bounds = array<i64: 4, 10>}]} {
    %get3A = arith.constant 0 : index
    %get3A_0 = arith.constant 0 : index
    %get3A_1 = arith.constant 0 : index
    %get3A_2 = vector.load %arg3[%get3A, %get3A_0, %get3A_1] : memref<2x1280x8xf32, #tpu.memory_space<vmem>>, vector<1x1280x8xf32>
    %get3A_3 = vector.shape_cast %get3A_2 : vector<1x1280x8xf32> to vector<1280x8xf32>
    %get3A_4 = arith.constant 1 : index
    %get3A_5 = arith.constant 0 : index
    %get3A_6 = arith.constant 0 : index
    %get3A_7 = vector.load %arg3[%get3A_4, %get3A_5, %get3A_6] : memref<2x1280x8xf32, #tpu.memory_space<vmem>>, vector<1x1280x8xf32>
    %get3A_8 = vector.shape_cast %get3A_7 : vector<1x1280x8xf32> to vector<1280x8xf32>
    %add3A = arith.addf %get3A_3, %get3A_8 : vector<1280x8xf32>
    %gt3A = arith.constant 0.000000e+00 : f32
    %gt3A_9 = vector.broadcast %gt3A : f32 to vector<1280x8xf32>
    %gt3A_10 = arith.cmpf ogt, %add3A, %gt3A_9 : vector<1280x8xf32>
    %gt3A_11 = arith.constant 0.000000e+00 : f32
    %gt3A_12 = vector.broadcast %gt3A_11 : f32 to vector<1280x8xf32>
    %gt3A_13 = arith.cmpf ogt, %add3A, %gt3A_12 : vector<1280x8xf32>
    %jit3A = arith.constant 1.000000e+00 : f32
    %broadcast_in_dim3A = vector.broadcast %jit3A : f32 to vector<1280x8xf32>
    %select_n3A = arith.select %gt3A_13, %add3A, %broadcast_in_dim3A : vector<1280x8xi1>, vector<1280x8xf32>
    %rsqrt3A = math.rsqrt %select_n3A : vector<1280x8xf32>
    %jit3A_14 = arith.constant 0.000000e+00 : f32
    %broadcast_in_dim3A_15 = vector.broadcast %jit3A_14 : f32 to vector<1280x8xf32>
    %select_n3A_16 = arith.select %gt3A_10, %rsqrt3A, %broadcast_in_dim3A_15 : vector<1280x8xi1>, vector<1280x8xf32>
    %slice3A = vector.extract_strided_slice %select_n3A_16 {offsets = [0, 0], sizes = [1250, 8], strides = [1, 1]} : vector<1280x8xf32> to vector<1250x8xf32>
    %get3A_17 = arith.constant 0 : index
    %get3A_18 = arith.constant 0 : index
    %get3A_19 = vector.load %arg4[%get3A_17, %get3A_18] : memref<8x128xf32, #tpu.memory_space<vmem>>, vector<8x128xf32>
    %dot_general3A = arith.constant dense<0.000000e+00> : vector<1250x128xf32>
    %dot_general3A_20 = tpu.matmul %slice3A, %get3A_19, %dot_general3A {dimension_numbers = #tpu.dot_dimension_numbers<[1], [0], [0], [1], [0, 0, 1, 1], [], []>, transpose_lhs_hint = false} : vector<1250x8xf32>, vector<8x128xf32>, vector<1250x128xf32> -> vector<1250x128xf32>
    %get3A_21 = arith.constant 0 : index
    %get3A_22 = arith.constant 0 : index
    %get3A_23 = arith.constant 0 : index
    %get3A_24 = vector.load %arg1[%get3A_21, %get3A_22, %get3A_23] : memref<1x1250x128xf32, #tpu.memory_space<vmem>>, vector<1x1250x128xf32>
    %get3A_25 = vector.shape_cast %get3A_24 : vector<1x1250x128xf32> to vector<1250x128xf32>
    %get3A_26 = arith.constant 0 : index
    %get3A_27 = arith.constant 0 : index
    %get3A_28 = arith.constant 0 : index
    %get3A_29 = vector.load %arg2[%get3A_26, %get3A_27, %get3A_28] : memref<1x1250x128xf32, #tpu.memory_space<vmem>>, vector<1x1250x128xf32>
    %get3A_30 = vector.shape_cast %get3A_29 : vector<1x1250x128xf32> to vector<1250x128xf32>
    %mul3A = arith.mulf %dot_general3A_20, %get3A_30 : vector<1250x128xf32>
    %sub3A = arith.subf %get3A_25, %mul3A : vector<1250x128xf32>
    %get3A_31 = arith.constant 0 : index
    %get3A_32 = arith.constant 0 : index
    %get3A_33 = vector.load %arg6[%get3A_31, %get3A_32] : memref<1x128xf32, #tpu.memory_space<vmem>>, vector<1x128xf32>
    %add3A_34 = vector.broadcast %get3A_33 : vector<1x128xf32> to vector<1250x128xf32>
    %add3A_35 = arith.addf %sub3A, %add3A_34 : vector<1250x128xf32>
    %gt3A_36 = arith.constant 0.000000e+00 : f32
    %gt3A_37 = vector.broadcast %gt3A_36 : f32 to vector<1250x128xf32>
    %gt3A_38 = arith.cmpf ogt, %add3A_35, %gt3A_37 : vector<1250x128xf32>
    %min3A = arith.constant 0.000000e+00 : f32
    %min3A_39 = vector.broadcast %min3A : f32 to vector<1250x128xf32>
    %min3A_40 = arith.minimumf %add3A_35, %min3A_39 : vector<1250x128xf32>
    %exp3A = math.exp %min3A_40 : vector<1250x128xf32>
    %sub3A_41 = arith.constant 1.000000e+00 : f32
    %sub3A_42 = vector.broadcast %sub3A_41 : f32 to vector<1250x128xf32>
    %sub3A_43 = arith.subf %exp3A, %sub3A_42 : vector<1250x128xf32>
    %select_n3A_44 = arith.select %gt3A_38, %add3A_35, %sub3A_43 : vector<1250x128xi1>, vector<1250x128xf32>
    %reduce_sum3A = arith.constant dense<0.000000e+00> : vector<128xf32>
    %reduce_sum3A_45 = vector.multi_reduction <add>, %select_n3A_44, %reduce_sum3A [0] : vector<1250x128xf32> to vector<128xf32>
    %broadcast_in_dim3A_46 = vector.shape_cast %reduce_sum3A_45 : vector<128xf32> to vector<1x128xf32>
    %get3A_47 = arith.constant 0 : index
    %get3A_48 = arith.constant 0 : index
    %get3A_49 = vector.load %arg5[%get3A_47, %get3A_48] : memref<128x16xf32, #tpu.memory_space<vmem>>, vector<128x16xf32>
    %dot_general3A_50 = arith.constant dense<0.000000e+00> : vector<1x16xf32>
    %dot_general3A_51 = tpu.matmul %broadcast_in_dim3A_46, %get3A_49, %dot_general3A_50 {dimension_numbers = #tpu.dot_dimension_numbers<[1], [0], [0], [1], [0, 0, 1, 1], [], []>, transpose_lhs_hint = false} : vector<1x128xf32>, vector<128x16xf32>, vector<1x16xf32> -> vector<1x16xf32>
    %div3A = arith.constant 1.000000e+04 : f32
    %div3A_52 = vector.broadcast %div3A : f32 to vector<1x16xf32>
    %div3A_53 = arith.divf %dot_general3A_51, %div3A_52 : vector<1x16xf32>
    %get3A_54 = arith.constant 0 : index
    %get3A_55 = arith.constant 0 : index
    %get3A_56 = vector.load %arg7[%get3A_54, %get3A_55] : memref<16x10xf32, #tpu.memory_space<vmem>>, vector<16x10xf32>
    %dot_general3A_57 = arith.constant dense<0.000000e+00> : vector<1x10xf32>
    %dot_general3A_58 = tpu.matmul %div3A_53, %get3A_56, %dot_general3A_57 {dimension_numbers = #tpu.dot_dimension_numbers<[1], [0], [0], [1], [0, 0, 1, 1], [], []>, transpose_lhs_hint = false} : vector<1x16xf32>, vector<16x10xf32>, vector<1x10xf32> -> vector<1x10xf32>
    %get3A_59 = arith.constant 0 : index
    %get3A_60 = arith.constant 0 : index
    %get3A_61 = vector.load %arg8[%get3A_59, %get3A_60] : memref<1x10xf32, #tpu.memory_space<vmem>>, vector<1x10xf32>
    %add3A_62 = arith.addf %dot_general3A_58, %get3A_61 : vector<1x10xf32>
    %reduce_max3A = arith.constant dense<0xFF800000> : vector<1xf32>
    %reduce_max3A_63 = vector.multi_reduction <maximumf>, %add3A_62, %reduce_max3A [1] : vector<1x10xf32> to vector<1xf32>
    %broadcast_in_dim3A_64 = vector.shape_cast %reduce_max3A_63 : vector<1xf32> to vector<1x1xf32>
    %sub3A_65 = vector.broadcast %broadcast_in_dim3A_64 : vector<1x1xf32> to vector<1x10xf32>
    %sub3A_66 = arith.subf %add3A_62, %sub3A_65 : vector<1x10xf32>
    %exp3A_67 = math.exp %sub3A_66 : vector<1x10xf32>
    %reduce_sum3A_68 = arith.constant dense<0.000000e+00> : vector<1xf32>
    %reduce_sum3A_69 = vector.multi_reduction <add>, %exp3A_67, %reduce_sum3A_68 [1] : vector<1x10xf32> to vector<1xf32>
    %broadcast_in_dim3A_70 = vector.shape_cast %reduce_sum3A_69 : vector<1xf32> to vector<1x1xf32>
    %log3A = math.log %broadcast_in_dim3A_70 : vector<1x1xf32>
    %sub3A_71 = vector.broadcast %log3A : vector<1x1xf32> to vector<1x10xf32>
    %sub3A_72 = arith.subf %sub3A_66, %sub3A_71 : vector<1x10xf32>
    %swap3A = arith.index_cast %arg0 : i32 to index
    %swap3A_73 = arith.constant 0 : index
    %swap3A_74 = vector.load %arg9[%swap3A, %swap3A_73] : memref<4x10xf32, #tpu.memory_space<vmem>>, vector<1x10xf32>
    tpu.vector_store %arg9[%swap3A, %swap3A_73], %sub3A_72 {strides = array<i32>} : memref<4x10xf32, #tpu.memory_space<vmem>>, vector<1x10xf32>,
    return
  }
  func.func @transform_0(%arg0: i32) -> (i32, i32, i32) {
    %c0_i32 = arith.constant 0 : i32
    %c0_i32_0 = arith.constant 0 : i32
    %c0_i32_1 = arith.constant 0 : i32
    return %arg0, %c0_i32, %c0_i32_0 : i32, i32, i32
  }
  func.func @transform_1(%arg0: i32) -> (i32, i32, i32) {
    %c0_i32 = arith.constant 0 : i32
    %c0_i32_0 = arith.constant 0 : i32
    %c0_i32_1 = arith.constant 0 : i32
    return %arg0, %c0_i32, %c0_i32_0 : i32, i32, i32
  }
  func.func @transform_2(%arg0: i32) -> (i32, i32, i32) {
    %c0_i32 = arith.constant 0 : i32
    %c0_i32_0 = arith.constant 0 : i32
    %c0_i32_1 = arith.constant 0 : i32
    %c0_i32_2 = arith.constant 0 : i32
    return %c0_i32, %c0_i32_0, %c0_i32_1 : i32, i32, i32
  }
  func.func @transform_3(%arg0: i32) -> (i32, i32) {
    %c0_i32 = arith.constant 0 : i32
    %c0_i32_0 = arith.constant 0 : i32
    %c0_i32_1 = arith.constant 0 : i32
    return %c0_i32, %c0_i32_0 : i32, i32
  }
  func.func @transform_4(%arg0: i32) -> (i32, i32) {
    %c0_i32 = arith.constant 0 : i32
    %c0_i32_0 = arith.constant 0 : i32
    %c0_i32_1 = arith.constant 0 : i32
    return %c0_i32, %c0_i32_0 : i32, i32
  }
  func.func @transform_5(%arg0: i32) -> (i32, i32) {
    %c0_i32 = arith.constant 0 : i32
    %c0_i32_0 = arith.constant 0 : i32
    %c0_i32_1 = arith.constant 0 : i32
    return %c0_i32, %c0_i32_0 : i32, i32
  }
  func.func @transform_6(%arg0: i32) -> (i32, i32) {
    %c0_i32 = arith.constant 0 : i32
    %c0_i32_0 = arith.constant 0 : i32
    %c0_i32_1 = arith.constant 0 : i32
    return %c0_i32, %c0_i32_0 : i32, i32
  }
  func.func @transform_7(%arg0: i32) -> (i32, i32) {
    %c0_i32 = arith.constant 0 : i32
    %c0_i32_0 = arith.constant 0 : i32
    %c0_i32_1 = arith.constant 0 : i32
    return %c0_i32, %c0_i32_0 : i32, i32
  }
  func.func @transform_8(%arg0: i32) -> (i32, i32) {
    %c0_i32 = arith.constant 0 : i32
    %c0_i32_0 = arith.constant 0 : i32
    %c0_i32_1 = arith.constant 0 : i32
    return %c0_i32, %c0_i32_0 : i32, i32
  }
}

</mosaic_0001>

<sc_bundles>
// kernel: kernel.10.cloned.1.call-start
scs
__scs_entry_jumppad:
0x0: {  	(pc) =	sbr.rel $0x88, $3  }
0x1: {  	(tag) =	ssettag $0x0;
	lr =	simm.s32 $0x1  }
0x2: {  	[smem:$0x3F94] =	sst lr;
	_ =	strace $0xD0000000  }
0x3: {  	_ = 	snop  }
0x4: {  	_ = 	snop  }
0x5: {  	_ = 	snop  }
0x6: {  	_ = 	snop  }
0x7: {  	_ = 	snop  }
__scs_overlays_trampoline_lowered:
0x8: {  	[smem:$0x3FA3] =	sst s0  }
0x9: {  	[smem:$0x3FA4] =	sst s1  }
0xa: {  	[smem:$0x3FA5] =	sst s2  }
0xb: {  	[smem:$0x3FA6] =	sst s3  }
0xc: {  	[smem:$0x3FA7] =	sst s4  }
0xd: {  	[smem:$0x3FA8] =	sst s5  }
0xe: {  	[smem:$0x3FA9] =	sst s6  }
0xf: {  	[smem:$0x3FAA] =	sst s7  }
0x10: {  	[smem:$0x3FAB] =	sst s8  }
0x11: {  	[smem:$0x3FAC] =	sst s9;
	s0 =	simm.s32 @!p0 $0x0  }
0x12: {  	s1 =	sld [smem:$0x3F92];
	s0 =	simm.s32 @p0 $0x1  }
0x13: {  	[smem:$0x3FAD] =	sst s0;
	s0 =	simm.s32 @!p1 $0x0  }
0x14: {  	s2 =	sld [smem:$0x3F91];
	s0 =	simm.s32 @p1 $0x1  }
0x15: {  	[smem:$0x3FAE] =	sst s0;
	s0 =	simm.s32 @!p2 $0x0  }
0x16: {  	s3 =	sld [smem:$0x3FDB];
	s0 =	simm.s32 @p2 $0x1  }
0x17: {  	s4 =	simm.s32 $0x1BF5;
	[smem:$0x3FB0] =	sst s0  }
0x18: {  	s0 =	sld [smem:$0x3F93];
	_ =	swait.ge [sflag:s4], $0x0  }
0x19: {  	s7 =	sld [smem:$0x3F94]  }
0x1a: {  	s8 =	sadd.s32 $0xFFFFE003, lr  }
0x1b: {  	s9 =	sadd.s32 $0xFFFFFEF7, lr;
	s5 =	simm.s32 $0xFFFFFFFF;
	p2 =	slt.u32 s8, $0xFFFFF086  }
0x1c: {  	p1 =	slt.u32 s9, $0xF7A;
	s5 =	simm.s32 @!p2 $0x0  }
0x1d: {  	s5 =	simm.s32 @p1 $0x1;
	p0 =	seq.s32 s7, s2  }
0x1e: {  	s7 =	smul.u32 @!p0 $0xF7A, s2;
	p2 =	seq.s32 @!p0 s5, $0x0  }
0x1f: {  	s9 =	smul.u32 $0xF7A, s1;
	s8 =	simm.s32 @!p0 $0x1BF5;
	p2 =	por !p2, p0  }
0x20: {  	[sflag:s8] =	ssyncset.s32 @!p0 $0xFFFFF086;
	s6 =	sadd.s32 @!p0 s3, s7;
	s7 =	simm.s32 @!p0 $0x108  }
0x21: {  	s3 =	sadd.s32 s3, s9;
	s6 =	sadd.s32 @!p0 $0x88, s6;
	s7 =	simm.s32 @p2 $0x1082  }
0x22: {  	[simem:s7], [sflag:s8] =	dma.local @!p0 [hbm:s6], $0xF7A  }
0x23: {  	s9 =	sor.u32 $0xD0000000, s2;
	s6 =	simm.s32 $0x108;
	_ =	swait.ge @!p0 [sflag:s8], $0x0  }
0x24: {  	s3 =	sadd.s32 $0x88, s3;
	s6 =	simm.s32 @!p1 $0x1082;
	[sflag:s4] =	ssyncset.s32 $0xFFFFF086  }
0x25: {  	[simem:s6], [sflag:s4] =	dma.local [hbm:s3], $0xF7A  }
0x26: {  	[smem:$0x3F94] =	sst s1;
	(tag) =	ssettag s2;
	_ =	strace s9  }
0x27: {  	s1 =	sld [smem:$0x3FA4]  }
0x28: {  	s2 =	sld [smem:$0x3FA5]  }
0x29: {  	s4 =	sld [smem:$0x3FA7]  }
0x2a: {  	p0 =	seq.s32 s5, $0x0;
	s5 =	sld [smem:$0x3FA8]  }
0x2b: {  	s6 =	sld [smem:$0x3FA9]  }
0x2c: {  	s7 =	sld [smem:$0x3FAA]  }
0x2d: {  	s3 =	simm.s32 $0x108;
	s8 =	sld [smem:$0x3FAB]  }
0x2e: {  	s3 =	simm.s32 @!p0 $0x1082;
	s9 =	sld [smem:$0x3FAC]  }
0x2f: {  	lr =	sadd.s32 s0, s3;
	s0 =	sld [smem:$0x3FA3]  }
0x30: {  	s3 =	sld [smem:$0x3FA6]  }
0x31: {  	[smem:$0x3FAF] =	sst s10  }
0x32: {  	s10 =	sld [smem:$0x3FAD];
	_ =	sdelay $0x3  }
0x33: {  	p0 =	seq.s32 s10, $0x1;
	s10 =	sld [smem:$0x3FAF];
	_ =	sdelay $0x3  }
0x34: {  	[smem:$0x3FAF] =	sst s10  }
0x35: {  	s10 =	sld [smem:$0x3FAE];
	_ =	sdelay $0x3  }
0x36: {  	p1 =	seq.s32 s10, $0x1;
	s10 =	sld [smem:$0x3FAF];
	_ =	sdelay $0x3  }
0x37: {  	[smem:$0x3FAF] =	sst s10  }
0x38: {  	s10 =	sld [smem:$0x3FB0]  }
0x39: {  	_ = 	snop;
	(pc) =	sbr.ind lr, $3  }
0x3a: {  	_ = 	snop  }
0x3b: {  	_ = 	snop  }
0x3c: {  	p2 =	seq.s32 s10, $0x1;
	s10 =	sld [smem:$0x3FAF]  }
0x3d: {  	_ =	shalt  }
0x3e: {  	_ =	shalt  }
0x3f: {  	_ =	shalt  }
0x40: {  	_ =	shalt  }
0x41: {  	_ =	shalt  }
0x42: {  	_ =	shalt  }
0x43: {  	_ =	shalt  }
0x44: {  	_ =	shalt  }
0x45: {  	_ =	shalt  }
0x46: {  	_ =	shalt  }
0x47: {  	_ =	shalt  }
0x48: {  	_ =	shalt  }
0x49: {  	_ =	shalt  }
0x4a: {  	_ =	shalt  }
0x4b: {  	_ =	shalt  }
0x4c: {  	_ =	shalt  }
0x4d: {  	_ =	shalt  }
0x4e: {  	_ =	shalt  }
0x4f: {  	_ =	shalt  }
0x50: {  	_ =	shalt  }
0x51: {  	_ =	shalt  }
0x52: {  	_ =	shalt  }
0x53: {  	_ =	shalt  }
0x54: {  	_ =	shalt  }
0x55: {  	_ =	shalt  }
0x56: {  	_ =	shalt  }
0x57: {  	_ =	shalt  }
0x58: {  	_ =	shalt  }
0x59: {  	_ =	shalt  }
0x5a: {  	_ =	shalt  }
0x5b: {  	_ =	shalt  }
0x5c: {  	_ =	shalt  }
0x5d: {  	_ =	shalt  }
0x5e: {  	_ =	shalt  }
0x5f: {  	_ =	shalt  }
0x60: {  	_ =	shalt  }
0x61: {  	_ =	shalt  }
0x62: {  	_ =	shalt  }
0x63: {  	_ =	shalt  }
0x64: {  	_ =	shalt  }
0x65: {  	_ =	shalt  }
0x66: {  	_ =	shalt  }
0x67: {  	_ =	shalt  }
0x68: {  	_ =	shalt  }
0x69: {  	_ =	shalt  }
0x6a: {  	_ =	shalt  }
0x6b: {  	_ =	shalt  }
0x6c: {  	_ =	shalt  }
0x6d: {  	_ =	shalt  }
0x6e: {  	_ =	shalt  }
0x6f: {  	_ =	shalt  }
0x70: {  	_ =	shalt  }
0x71: {  	_ =	shalt  }
0x72: {  	_ =	shalt  }
0x73: {  	_ =	shalt  }
0x74: {  	_ =	shalt  }
0x75: {  	_ =	shalt  }
0x76: {  	_ =	shalt  }
0x77: {  	_ =	shalt  }
0x78: {  	_ =	shalt  }
0x79: {  	_ =	shalt  }
0x7a: {  	_ =	shalt  }
0x7b: {  	_ =	shalt  }
0x7c: {  	_ =	shalt  }
0x7d: {  	_ =	shalt  }
0x7e: {  	_ =	shalt  }
0x7f: {  	_ =	shalt  }
0x80: {  	_ =	shalt  }
0x81: {  	_ =	shalt  }
0x82: {  	_ =	shalt  }
0x83: {  	_ =	shalt  }
0x84: {  	_ =	shalt  }
0x85: {  	_ =	shalt  }
0x86: {  	_ =	shalt  }
0x87: {  	_ =	shalt  }
.Lfunc_end0:
.L_simem_size_0:
called_computation_lowered:
.L_overlay_start_0:
0x88: {  	s2 =	sld [smem:$0x3FD9]  }
0x89: {  	s3 =	sld [smem:$0x3FFE];
	_ =	sdelay $0x1  }
0x8a: {  	s1 =	srdreg.scid  }
0x8b: {  	s0 =	sand.u32 $0x1, s1  }
0x8c: {  	s16 =	sshll.u32 s0, $0xA;
	s2 =	sadd.s32 s3, s2  }
0x8d: {  	s2 =	sadd.s32 s2, s16  }
0x8e: {  	[smem:$0x3FBB] =	sst s2  }
0x8f: {  	_ = 	snop  }
0x90: {  	(tm) =	ssettm $0x1  }
0x91: {  	s17 =	sld [smem:$0x3FFB];
	_ =	sdelay $0x3  }
0x92: {  	_ =	strace s17  }
0x93: {  	s2 =	sld [smem:$0x3FFC];
	_ =	sdelay $0x3  }
0x94: {  	_ =	strace s2  }
0x95: {  	s2 =	sld [smem:$0x3FFD];
	_ =	sdelay $0x3  }
0x96: {  	_ =	strace s2  }
0x97: {  	_ =	strace $0x8FFFFFFF  }
0x98: {  	s18 =	sld [smem:$0x3FDB];
	_ =	sdelay $0x1  }
0x99: {  	s19 =	simm.s32 $_scs_section_size  }
0x9a: {  	s4 =	simm.s32 $_size__tile_overlayer_lowered;
	s5 =	simm.s32 $_tile_overlayer_lowered  }
0x9b: {  	s22 =	simm.s32 $0x1BFF;
	s21 =	sshll.u32 s5, $0x1;
	s2 =	sadd.s32 s19, s18  }
0x9c: {  	s6 =	simm.s32 $0x0;
	s20 =	sshll.u32 s4, $0x1;
	s4 =	sadd.s32 s21, s2  }
0x9d: {  	[timem:s6], [sflag:s22] =	dma.local [hbm:s4], s20  }
0x9e: {  	_ =	swait.ge [sflag:s22], s20  }
0x9f: {  	s3 =	ssub.s32 $0x0, s20;
	[sflag:s22] =	ssyncset.done $0x0  }
0xa0: {  	[sflag:s22] =	ssyncadd.s32 s3;
	_ =	sdelay $0x1  }
0xa1: {  	s23 =	simm.s32 $0x1B8B  }
0xa2: {  	_ =	swait.ge [sflag:s23], $0x1  }
0xa3: {  	[sflag:s23] =	ssyncset.done $0x0  }
0xa4: {  	s25 =	simm.s32 $0x1B8E;
	s24 =	sld [smem:$0x3FFE];
	[sflag:s23] =	ssyncadd.s32 $0xFFFFFFFF  }
0xa5: {  	s26 =	simm.s32 $execute0_lowered;
	[smem:$0x3FD2] =	sst s25  }
0xa6: {  	s4 =	sshll.u32 s26, $0x1;
	_ =	strace $0x80000046;
	[dreg:$0x1] =	wrdreg $0xFFFFFFFF  }
0xa7: {  	s28 =	simm.s32 $_size_execute0_lowered;
	s2 =	sadd.s32 s2, s4;
	[dreg:$0x0] =	wrdreg $0x0  }
0xa8: {  	s4 =	sshll.u32 s28, $0x1;
	[dreg:$0x2] =	wrdreg s2  }
0xa9: {  	[dreg:$0x3] =	wrdreg s4  }
0xaa: {  	[dreg:$0x4] =	wrdreg $0xC0  }
0xab: {  	_ =	task [dreg:s6], $0x5FFFF  }
0xac: {  	[dreg:$0x1] =	wrdreg $0xFFFFFFFF  }
0xad: {  	[dreg:$0x0] =	wrdreg $0x60  }
0xae: {  	[dreg:$0x2] =	wrdreg s24  }
0xaf: {  	[dreg:$0x3] =	wrdreg $0x157000  }
0xb0: {  	[dreg:$0x4] =	wrdreg $0x9  }
0xb1: {  	_ =	task.clear_ibuf [dreg:s6], $0x5FFFF;
	_ =	strace $0x90000046  }
0xb2: {  	s29 =	simm.s32 $0x9;
	_ =	strace $0x80000048  }
0xb3: {  	_ =	swait.ge [sflag:s29], $0x1  }
0xb4: {  	[sflag:s29] =	ssyncadd.s32 $0xFFFFFFFF  }
0xb5: {  	_ =	strace $0x90000048  }
0xb6: {  	_ =	sfence  }
0xb7: {  	s30 =	sld [smem:$0x0];
	_ =	sdelay $0x2  }
0xb8: {  	s31 =	sshll.u32 s1, $0xD;
	s1 =	sshrl.u32 s1, $0x2  }
0xb9: {  	s3 =	sand.u32 $0x4000, s31;
	s1 =	sadd.s32 s1, s30  }
0xba: {  	s0 =	sor.u32 s3, s0;
	s1 =	sshll.u32 s1, $0x11  }
0xbb: {  	s0 =	sor.u32 s1, s0  }
0xbc: {  	s0 =	sadd.s32 $0x8F2B, s0  }
0xbd: {  	[sflag:s0] =	ssyncadd.remote.s32 $0x1  }
0xbe: {  	_ =	sfence.sel $0xFFFF  }
0xbf: {  	[dreg:$0x0] =	wrdreg $0xFFFFFFFF;
	(pc) =	sbr.abs _section_cstart, $3  }
0xc0: {  	[dreg:$0x1] =	wrdreg $0xFFFFFFFF  }
0xc1: {  	_ =	task.clear_ibuf [dreg:s6], $0x2FFFF;
	_ =	strace $0x9FFFFFFF  }
0xc2: {  	(tm) =	ssettm $0x7FFFFFFF  }
0xc3: {  	_ =	shalt  }
tec
execute0_lowered:
.L_overlay_start_1:
0x0: {  	(tag) =	ssettag $0x1  }
0x1: {  	s0 =	srdreg.scid;
	s6 =	rddreg [dreg:$0x0]  }
0x2: {  	s2 =	rddreg [dreg:$0x1];
	s3 =	simm.s32 $0x0;
	s10 =	simm.s32 $0x1  }
0x3: {  	s19 =	simm.s32 $0x2710;
	s17 =	simm.s32 $0x80;
	s18 =	simm.s32 $0x15400  }
0x4: {  	s20 =	simm.s32 $0xF000;
	s21 =	simm.s32 $0x0;
	s5 =	sand.u32 $0x1, s0  }
0x5: {  	s0 =	stileid.u32;
	[smem:$0x7FF] =	sst s3;
	s12 =	sadd.s32 $0x2600, s6  }
0x6: {  	s13 =	sadd.s32 $0x7600, s6;
	s1 =	sshll.u32 s5, $0x4;
	s8 =	smul.u32 $0x280, s0  }
0x7: {  	s4 =	sand.u32 $0x7, s0;
	s9 =	smul.u32 $0x2800, s5;
	s5 =	ssub.s32 $0x2, s5  }
0x8: {  	s7 =	sor.u32 s0, s1;
	s1 =	rddreg [dreg:$0x2];
	p1 =	sne.s32 s4, $0x0  }
0x9: {  	s26 =	smul.u32 $0x5000, s4;
	_ =	strace $0x80000047;
	p0 =	seq.s32 s7, $0x0  }
0xa: {  	s4 =	simm.s32 $0x1;
	s15 =	sshrl.u32 s5, $0x1;
	p0 =	por !p1, !p0  }
0xb: {  	s11 =	sshrl.u32 s7, $0x3;
	s9 =	sadd.s32 s8, s9;
	p0 =	por !p0, !p0  }
0xc: {  	s7 =	smul.u32 $0x280, s7;
	s15 =	ssub.s32 s5, s15;
	s10 =	simm.s32 @!p0 $0x0  }
0xd: {  	s5 =	sadd.s32 s8, s2;
	s28 =	sshrl.u32 s9, $0x3;
	s10 =	ssub.s32 s11, s10  }
0xe: {  	s14 =	sadd.s32 s28, s6;
	s29 =	smul.u32 $0x28000, s10;
	s30 =	sand.u32 $0x1, s10  }
0xf: {  	s31 =	sshrl.u32 s26, $0x3;
	s8 =	sadd.s32 $0xC600, s14;
	p0 =	seq.s32 s30, $0x1  }
0x10: {  	s14 =	simm.s32 $0x15480;
	s9 =	sadd.s32 s26, s29;
	s19 =	simm.s32 @!p0 $0x0  }
0x11: {  	s10 =	sadd.s32 s13, s31;
	s9 =	sshrl.u32 s9, $0x3;
	v0 =	vmov s19;
	s19 =	simm.s32 $0xA000  }
0x12: {  	s16 =	sadd.s32 s9, s6;
	s6 =	sadd.s32 s12, s7;
	s7 =	sadd.s32 s13, s7  }
0x13: {  	s9 =	sadd.s32 s12, s31;
	s13 =	smax.u32 s15, $0x1;
	s15 =	simm.s32 $0x2  }
0x14: {  	v1 =	vimm.f32 $1.000000000e+00;
	v2 =	vimm.f32 $0.0e+00;
	s11 =	sadd.s32 $0xD000, s16;
	s12 =	sadd.s32 $0x21000, s16;
	s16 =	simm.s32 $0x5000  }
.LBB2_1:
0x15: {  	[tilespmem:$0x15400] =	vst v1  }
0x16: {  	[tilespmem:$0x15410] =	vst v1  }
0x17: {  	[tilespmem:$0x15420] =	vst v1  }
0x18: {  	[tilespmem:$0x15430] =	vst v1  }
0x19: {  	[tilespmem:$0x15440] =	vst v1  }
0x1a: {  	[tilespmem:$0x15450] =	vst v1  }
0x1b: {  	[tilespmem:$0x15460] =	vst v1  }
0x1c: {  	[tilespmem:$0x15470] =	vst v1  }
0x1d: {  	[tilespmem:$0x15480] =	vst v2  }
0x1e: {  	[tilespmem:$0x15490] =	vst v2  }
0x1f: {  	[tilespmem:$0x154A0] =	vst v2  }
0x20: {  	[tilespmem:$0x154B0] =	vst v2  }
0x21: {  	[tilespmem:$0x154C0] =	vst v2  }
0x22: {  	[tilespmem:$0x154D0] =	vst v2  }
0x23: {  	[tilespmem:$0x154E0] =	vst v2  }
0x24: {  	[tilespmem:$0x154F0] =	vst v2  }
0x25: {  	[tilespmem:$0x15500] =	vst v2  }
0x26: {  	[tilespmem:$0x15510] =	vst v2  }
0x27: {  	[tilespmem:$0x15520] =	vst v2  }
0x28: {  	[tilespmem:$0x15530] =	vst v2  }
0x29: {  	[tilespmem:$0x15540] =	vst v2  }
0x2a: {  	[tilespmem:$0x15550] =	vst v2  }
0x2b: {  	[tilespmem:$0x15560] =	vst v2  }
0x2c: {  	[tilespmem:$0x15570] =	vst v2  }
0x2d: {  	[tilespmem:$0x15580] =	vst v2  }
0x2e: {  	[tilespmem:$0x15590] =	vst v2  }
0x2f: {  	[tilespmem:$0x155A0] =	vst v2  }
0x30: {  	[tilespmem:$0x155B0] =	vst v2  }
0x31: {  	[tilespmem:$0x155C0] =	vst v2  }
0x32: {  	[tilespmem:$0x155D0] =	vst v2  }
0x33: {  	[tilespmem:$0x155E0] =	vst v2  }
0x34: {  	[tilespmem:$0x155F0] =	vst v2  }
0x35: {  	[tilespmem:$0x15600] =	vst v2  }
0x36: {  	[tilespmem:$0x15610] =	vst v2  }
0x37: {  	[tilespmem:$0x15620] =	vst v2  }
0x38: {  	[tilespmem:$0x15630] =	vst v2  }
0x39: {  	[tilespmem:$0x15640] =	vst v2  }
0x3a: {  	[tilespmem:$0x15650] =	vst v2  }
0x3b: {  	[tilespmem:$0x15660] =	vst v2  }
0x3c: {  	[tilespmem:$0x15670] =	vst v2  }
0x3d: {  	[tilespmem:$0x15680] =	vst v2  }
0x3e: {  	[tilespmem:$0x15690] =	vst v2  }
0x3f: {  	[tilespmem:$0x156A0] =	vst v2  }
0x40: {  	[tilespmem:$0x156B0] =	vst v2  }
0x41: {  	[tilespmem:$0x156C0] =	vst v2  }
0x42: {  	[tilespmem:$0x156D0] =	vst v2  }
0x43: {  	[tilespmem:$0x156E0] =	vst v2  }
0x44: {  	[tilespmem:$0x156F0] =	vst v2  }
0x45: {  	[spmem:s5] =	stream.linear.scatter [tilespmem:s14], [sflag:$0x2], $0x280, $0x38;
	[tilespmem:$0x15980] =	vst v63  }
0x46: {  	_ =	swait.ge [sflag:s15], $0x280  }
0x47: {  	[sflag:s15] =	ssyncset.done $0x0  }
0x48: {  	[sflag:s15] =	ssyncadd.s32 $0xFFFFFD80  }
0x49: {  	[bflag:$0x0] =	sbarrier.arrive $0xFFFF  }
0x4a: {  	[tilespmem:s3], [sflag:$0x2] =	stream.linear.gather [hbm4b:s6+s3], $0x1400, $0x38;
	[tilespmem:$0x15980] =	vst v63  }
0x4b: {  	_ =	swait.ge [sflag:s15], $0x1400  }
0x4c: {  	[sflag:s15] =	ssyncset.done $0x0  }
0x4d: {  	[sflag:s15] =	ssyncadd.s32 $0xFFFFEC00  }
0x4e: {  	[tilespmem:s16], [sflag:$0x2] =	stream.linear.gather [hbm4b:s7+s3], $0x1400, $0x38;
	[tilespmem:$0x15980] =	vst v63  }
0x4f: {  	_ =	swait.ge [sflag:s15], $0x1400  }
0x50: {  	[sflag:s15] =	ssyncset.done $0x0  }
0x51: {  	s22 =	simm.s32 $0x0;
	[sflag:s15] =	ssyncadd.s32 $0xFFFFEC00  }
0x52: {  	v7 =	vld [tilespmem:s22+$0x5000]  }
0x53: {  	v15 =	vld [tilespmem:s22+$0x0]  }
0x54: {  	v9 =	vld [tilespmem:s22+$0x10]  }
0x55: {  	v16 =	vld [tilespmem:s22+$0x5010]  }
0x56: {  	v8 =	vld [tilespmem:s22+$0x20]  }
0x57: {  	v14 =	vld [tilespmem:s22+$0x5020]  }
0x58: {  	v6 =	vld [tilespmem:s22+$0x30]  }
0x59: {  	v13 =	vld [tilespmem:s22+$0x5030]  }
0x5a: {  	v5 =	vld [tilespmem:s22+$0x40]  }
0x5b: {  	v11 =	vld [tilespmem:s22+$0x5040]  }
0x5c: {  	v4 =	vld [tilespmem:s22+$0x50]  }
0x5d: {  	v10 =	vld [tilespmem:s22+$0x5050]  }
0x5e: {  	v3 =	vld [tilespmem:s22+$0x60]  }
0x5f: {  	v12 =	vld [tilespmem:s22+$0x5060];
	vm0 =	veq.s32 v15, v7  }
0x60: {  	s23 =	simm.s32 $0x200;
	v7 =	vld [tilespmem:s22+$0x70];
	v15 =	vsel vm0, $0x2710, v15;
	vm0 =	veq.s32 v9, v16  }
.LBB2_2:
0x61: {  	p0 =	sne.s32 s23, $0x4E00;
	[tilespmem:s22+$0x14000] =	vst v15;
	v9 =	vsel vm0, $0x2710, v9;
	vm0 =	veq.s32 v8, v14;
	v14 =	vld [tilespmem:s22+$0x5070]  }
0x62: {  	[tilespmem:s22+$0x14010] =	vst v9;
	v8 =	vsel vm0, $0x2710, v8;
	vm0 =	veq.s32 v6, v13  }
0x63: {  	[tilespmem:s22+$0x14020] =	vst v8;
	v6 =	vsel vm0, $0x2710, v6;
	vm0 =	veq.s32 v5, v11  }
0x64: {  	[tilespmem:s22+$0x14030] =	vst v6;
	v5 =	vsel vm0, $0x2710, v5;
	vm0 =	veq.s32 v4, v10  }
0x65: {  	[tilespmem:s22+$0x14040] =	vst v5;
	v4 =	vsel vm0, $0x2710, v4;
	vm0 =	veq.s32 v3, v12  }
0x66: {  	[tilespmem:s22+$0x14050] =	vst v4;
	v3 =	vsel vm0, $0x2710, v3;
	vm0 =	veq.s32 v7, v14  }
0x67: {  	s24 =	sshra.s32 s23, $0x2;
	s25 =	sadd.s32 $0x14000, s22;
	[tilespmem:s22+$0x14060] =	vst v3;
	v3 =	vsel vm0, $0x2710, v7  }
0x68: {  	[tilespmem:s22+$0x14070] =	vst v3;
	[spmem:s2] =	stream.indirect.scatter.add.f32 [tilespmem:s18], [sflag:$0x1], $0x1, s25, s17, $0xb8  }
0x69: {  	s22 =	smov.u32 s24;
	v7 =	vld [tilespmem:s24+$0x5000]  }
0x6a: {  	v15 =	vld [tilespmem:s22+$0x0]  }
0x6b: {  	v9 =	vld [tilespmem:s22+$0x10]  }
0x6c: {  	v16 =	vld [tilespmem:s22+$0x5010]  }
0x6d: {  	v8 =	vld [tilespmem:s22+$0x20]  }
0x6e: {  	v14 =	vld [tilespmem:s22+$0x5020]  }
0x6f: {  	v6 =	vld [tilespmem:s22+$0x30]  }
0x70: {  	v13 =	vld [tilespmem:s22+$0x5030]  }
0x71: {  	v5 =	vld [tilespmem:s22+$0x40]  }
0x72: {  	v11 =	vld [tilespmem:s22+$0x5040]  }
.Ltmp0:
0x73: {  	v4 =	vld [tilespmem:s22+$0x50];
	(pc) =	sbr.rel @p0 .LBB2_2-.Ltmp0, $4  }
0x74: {  	v10 =	vld [tilespmem:s22+$0x5050]  }
0x75: {  	v3 =	vld [tilespmem:s22+$0x60]  }
0x76: {  	vm0 =	veq.s32 v15, v7;
	v12 =	vld [tilespmem:s22+$0x5060]  }
0x77: {  	s23 =	sadd.s32 $0x200, s23;
	v15 =	vsel vm0, $0x2710, v15;
	vm0 =	veq.s32 v9, v16;
	v7 =	vld [tilespmem:s22+$0x70]  }
0x78: {  	[tilespmem:s22+$0x14000] =	vst v15;
	v9 =	vsel vm0, $0x2710, v9;
	vm10 =	veq.s32 v8, v14;
	v63 =	vld [tilespmem:s22+$0x5070]  }
0x79: {  	vm11 =	veq.s32 v6, v13;
	[tilespmem:s22+$0x14010] =	vst v9;
	v8 =	vsel vm10, $0x2710, v8  }
0x7a: {  	vm12 =	veq.s32 v5, v11;
	v6 =	vsel vm11, $0x2710, v6;
	[tilespmem:s22+$0x14020] =	vst v8  }
0x7b: {  	v5 =	vsel vm12, $0x2710, v5;
	vm13 =	veq.s32 v4, v10;
	[tilespmem:s22+$0x14030] =	vst v6  }
0x7c: {  	[tilespmem:s22+$0x14040] =	vst v5;
	v4 =	vsel vm13, $0x2710, v4;
	vm14 =	veq.s32 v3, v12  }
0x7d: {  	[tilespmem:s22+$0x14050] =	vst v4;
	v3 =	vsel vm14, $0x2710, v3;
	vm15 =	veq.s32 v7, v63  }
0x7e: {  	[tilespmem:s22+$0x14060] =	vst v3;
	v3 =	vsel vm15, $0x2710, v7  }
0x7f: {  	s23 =	sadd.s32 $0x14000, s22;
	[tilespmem:s22+$0x14070] =	vst v3  }
0x80: {  	[spmem:s2] =	stream.indirect.scatter.add.f32 [tilespmem:s18], [sflag:$0x1], $0x1, s23, s17, $0xb8;
	[tilespmem:$0x15980] =	vst v63  }
0x81: {  	_ =	swait.ge [sflag:s4], $0x80  }
0x82: {  	s22 =	simm.s32 $0x27;
	[sflag:s4] =	ssyncset.done $0x0  }
.LBB2_4:
0x83: {  	p0 =	sne.s32 s22, $0x1;
	s22 =	sadd.s32 $0xFFFFFFFF, s22;
	[sflag:s4] =	ssyncadd.s32 $0xFFFFFF80  }
.Ltmp1:
0x84: {  	(pc) =	sbr.rel @p0 .LBB2_4-.Ltmp1, $3  }
0x85: {  	_ =	sdelay $0x1  }
0x86: {  	_ =	swait.ge [sflag:s4], $0x80  }
0x87: {  	[sflag:s4] =	ssyncset.done $0x0  }
0x88: {  	[sflag:s4] =	ssyncadd.s32 $0xFFFFFF80;
	s22 =	sshll.u32 s0, $0x6  }
0x89: {  	s23 =	sshrl.u32 s5, $0x3;
	[bflag:$0x0] =	sbarrier.arrive $0xFFFF;
	s22 =	sor.u32 $0x1C02, s22  }
0x8a: {  	[hbm:s8], [sflag:s22] =	dma.local [spmem:s23], $0x50  }
0x8b: {  	_ =	swait.ge [sflag:s15], $0x50  }
0x8c: {  	[sflag:s15] =	ssyncset.done $0x0  }
0x8d: {  	s31 =	simm.s32 $0x0;
	[sflag:s15] =	ssyncadd.s32 $0xFFFFFFB0  }
0x8e: {  	[tilespmem:s31], [sflag:$0x2] =	stream.linear.gather [hbm4b:s9+s31], $0x5000, $0x38;
	[tilespmem:$0x15980] =	vst v63  }
0x8f: {  	_ =	swait.ge [sflag:s15], $0x5000  }
0x90: {  	[sflag:s15] =	ssyncset.done $0x0  }
0x91: {  	[sflag:s15] =	ssyncadd.s32 $0xFFFFB000  }
0x92: {  	[tilespmem:s16], [sflag:$0x2] =	stream.linear.gather [hbm4b:s10+s31], $0x5000, $0x38;
	[tilespmem:$0x15980] =	vst v63  }
0x93: {  	_ =	swait.ge [sflag:s15], $0x5000  }
0x94: {  	[sflag:s15] =	ssyncset.done $0x0  }
0x95: {  	s22 =	simm.s32 $0x0;
	[sflag:s15] =	ssyncadd.s32 $0xFFFFB000  }
0x96: {  	v3 =	vld [tilespmem:s22+$0x70]  }
0x97: {  	v4 =	vld [tilespmem:s22+$0x5070]  }
0x98: {  	v5 =	vld [tilespmem:s22+$0x0]  }
0x99: {  	v6 =	vld [tilespmem:s22+$0x5000]  }
0x9a: {  	v7 =	vld [tilespmem:s22+$0x10]  }
0x9b: {  	v8 =	vld [tilespmem:s22+$0x5010]  }
0x9c: {  	v9 =	vld [tilespmem:s22+$0x20];
	v10 =	vadd.s32 v0, v3;
	vm0 =	veq.s32 v3, v4;
	v3 =	vadd.s32 v0, v4  }
0x9d: {  	v11 =	vld [tilespmem:s22+$0x5020];
	[tilespmem:s22+$0xA070] =	vst v10;
	v3 =	vsel vm0, $0x4E20, v3  }
0x9e: {  	v4 =	vadd.s32 v0, v5;
	vm0 =	veq.s32 v5, v6;
	[tilespmem:s22+$0xF070] =	vst v3;
	v3 =	vadd.s32 v0, v6  }
0x9f: {  	v10 =	vld [tilespmem:s22+$0x30];
	[tilespmem:s22+$0xA000] =	vst v4;
	v3 =	vsel vm0, $0x4E20, v3  }
0xa0: {  	v12 =	vld [tilespmem:s22+$0x5030];
	v4 =	vadd.s32 v0, v8;
	vm0 =	veq.s32 v7, v8;
	[tilespmem:s22+$0xF000] =	vst v3;
	v3 =	vadd.s32 v0, v7  }
0xa1: {  	v13 =	vld [tilespmem:s22+$0x40];
	[tilespmem:s22+$0xA010] =	vst v3;
	v3 =	vsel vm0, $0x4E20, v4  }
0xa2: {  	v14 =	vld [tilespmem:s22+$0x5040];
	v5 =	vadd.s32 v0, v11;
	vm0 =	veq.s32 v9, v11;
	[tilespmem:s22+$0xF010] =	vst v3;
	v3 =	vadd.s32 v0, v9  }
0xa3: {  	v4 =	vld [tilespmem:s22+$0x50];
	[tilespmem:s22+$0xA020] =	vst v3;
	v3 =	vsel vm0, $0x4E20, v5  }
0xa4: {  	v6 =	vld [tilespmem:s22+$0x5050];
	[tilespmem:s22+$0xF020] =	vst v3;
	v3 =	vadd.s32 v0, v10  }
0xa5: {  	v5 =	vld [tilespmem:s22+$0x60];
	vm0 =	veq.s32 v10, v12;
	[tilespmem:s22+$0xA030] =	vst v3;
	v3 =	vadd.s32 v0, v12  }
0xa6: {  	s23 =	simm.s32 $0x80;
	v7 =	vld [tilespmem:s22+$0x5060];
	v9 =	vsel vm0, $0x4E20, v3  }
0xa7: {  	s24 =	simm.s32 $0x400;
	v8 =	vadd.s32 v0, v13;
	v3 =	vld [tilespmem:s23+$0x70];
	vm0 =	veq.s32 v13, v14;
	[tilespmem:s22+$0xF030] =	vst v9;
	v9 =	vadd.s32 v0, v14  }
.LBB2_6:
0xa8: {  	p0 =	sne.s32 s24, $0x13E00;
	v10 =	vld [tilespmem:s23+$0x5070];
	[tilespmem:s22+$0xA040] =	vst v8;
	v8 =	vsel vm0, $0x4E20, v9;
	v9 =	vadd.s32 v0, v4  }
0xa9: {  	v11 =	vld [tilespmem:s23+$0x0];
	[tilespmem:s22+$0xF040] =	vst v8;
	vm0 =	veq.s32 v4, v6;
	v4 =	vadd.s32 v0, v6  }
0xaa: {  	v6 =	vld [tilespmem:s23+$0x5000];
	[tilespmem:s22+$0xA050] =	vst v9;
	v4 =	vsel vm0, $0x4E20, v4;
	v8 =	vadd.s32 v0, v5  }
0xab: {  	v9 =	vld [tilespmem:s23+$0x10];
	[tilespmem:s22+$0xF050] =	vst v4;
	vm0 =	veq.s32 v5, v7;
	v4 =	vadd.s32 v0, v7  }
0xac: {  	v5 =	vld [tilespmem:s23+$0x5010];
	v7 =	vadd.s32 v0, v3;
	[tilespmem:s22+$0xA060] =	vst v8;
	v4 =	vsel vm0, $0x4E20, v4  }
0xad: {  	v8 =	vld [tilespmem:s23+$0x20];
	vm0 =	veq.s32 v3, v10;
	v3 =	vadd.s32 v0, v10;
	[tilespmem:s22+$0xF060] =	vst v4;
	s22 =	smov.u32 s23  }
0xae: {  	v4 =	vadd.s32 v0, v11;
	v10 =	vld [tilespmem:s22+$0x5020];
	[tilespmem:s22+$0xA070] =	vst v7;
	v3 =	vsel vm0, $0x4E20, v3  }
0xaf: {  	vm0 =	veq.s32 v11, v6;
	v6 =	vadd.s32 v0, v6;
	v7 =	vld [tilespmem:s22+$0x30];
	[tilespmem:s22+$0xF070] =	vst v3  }
0xb0: {  	[tilespmem:s22+$0xA000] =	vst v4;
	v3 =	vsel vm0, $0x4E20, v6;
	v4 =	vadd.s32 v0, v9;
	v11 =	vld [tilespmem:s22+$0x5030]  }
0xb1: {  	[tilespmem:s22+$0xF000] =	vst v3;
	vm0 =	veq.s32 v9, v5;
	v3 =	vadd.s32 v0, v5;
	v9 =	vld [tilespmem:s22+$0x40]  }
0xb2: {  	[tilespmem:s22+$0xA010] =	vst v4;
	v3 =	vsel vm0, $0x4E20, v3;
	v5 =	vadd.s32 v0, v8;
	v12 =	vld [tilespmem:s22+$0x5040]  }
.Ltmp2:
0xb3: {  	[tilespmem:s22+$0xF010] =	vst v3;
	vm0 =	veq.s32 v8, v10;
	v3 =	vadd.s32 v0, v10;
	v4 =	vld [tilespmem:s22+$0x50];
	(pc) =	sbr.rel @p0 .LBB2_6-.Ltmp2, $4  }
0xb4: {  	[tilespmem:s22+$0xA020] =	vst v5;
	v3 =	vsel vm0, $0x4E20, v3;
	v8 =	vadd.s32 v0, v7;
	v6 =	vld [tilespmem:s22+$0x5050]  }
0xb5: {  	[tilespmem:s22+$0xF020] =	vst v3;
	vm0 =	veq.s32 v7, v11;
	v3 =	vadd.s32 v0, v11;
	v5 =	vld [tilespmem:s22+$0x60]  }
0xb6: {  	s23 =	sshra.s32 s24, $0x2;
	[tilespmem:s22+$0xA030] =	vst v8;
	v10 =	vsel vm0, $0x4E20, v3;
	v8 =	vadd.s32 v0, v9;
	v7 =	vld [tilespmem:s22+$0x5060]  }
0xb7: {  	s24 =	sadd.s32 $0x200, s24;
	v3 =	vld [tilespmem:s23+$0x70];
	[tilespmem:s22+$0xF030] =	vst v10;
	vm0 =	veq.s32 v9, v12;
	v9 =	vadd.s32 v0, v12  }
0xb8: {  	v10 =	vld [tilespmem:s23+$0x5070];
	[tilespmem:s22+$0xA040] =	vst v8;
	v38 =	vsel vm0, $0x4E20, v9  }
0xb9: {  	v40 =	vadd.s32 v0, v4;
	v39 =	vld [tilespmem:s23+$0x0];
	[tilespmem:s22+$0xF040] =	vst v38;
	vm6 =	veq.s32 v4, v6;
	v41 =	vadd.s32 v0, v6  }
0xba: {  	v11 =	vld [tilespmem:s23+$0x5000];
	[tilespmem:s22+$0xA050] =	vst v40;
	v4 =	vsel vm6, $0x4E20, v41  }
0xbb: {  	v43 =	vadd.s32 v0, v5;
	v42 =	vld [tilespmem:s23+$0x10];
	[tilespmem:s22+$0xF050] =	vst v4;
	vm7 =	veq.s32 v5, v7;
	v44 =	vadd.s32 v0, v7  }
0xbc: {  	v8 =	vld [tilespmem:s23+$0x5010];
	[tilespmem:s22+$0xA060] =	vst v43;
	v45 =	vsel vm7, $0x4E20, v44  }
0xbd: {  	v47 =	vadd.s32 v0, v3;
	v46 =	vld [tilespmem:s23+$0x20];
	[tilespmem:s22+$0xF060] =	vst v45;
	vm8 =	veq.s32 v3, v10;
	v3 =	vadd.s32 v0, v10  }
0xbe: {  	v48 =	vld [tilespmem:s23+$0x5020];
	[tilespmem:s23+$0xA070] =	vst v47;
	v3 =	vsel vm8, $0x4E20, v3  }
0xbf: {  	v49 =	vld [tilespmem:s23+$0x30];
	v50 =	vadd.s32 v0, v39;
	[tilespmem:s23+$0xF070] =	vst v3;
	vm9 =	veq.s32 v39, v11;
	v3 =	vadd.s32 v0, v11  }
0xc0: {  	v51 =	vld [tilespmem:s23+$0x5030];
	[tilespmem:s23+$0xA000] =	vst v50;
	v3 =	vsel vm9, $0x4E20, v3  }
0xc1: {  	v52 =	vld [tilespmem:s23+$0x40];
	[tilespmem:s23+$0xF000] =	vst v3;
	v3 =	vadd.s32 v0, v42;
	vm10 =	veq.s32 v42, v8;
	v53 =	vadd.s32 v0, v8  }
0xc2: {  	v54 =	vld [tilespmem:s23+$0x5040];
	[tilespmem:s23+$0xA010] =	vst v3;
	v3 =	vsel vm10, $0x4E20, v53  }
0xc3: {  	v55 =	vld [tilespmem:s23+$0x50];
	[tilespmem:s23+$0xF010] =	vst v3;
	v3 =	vadd.s32 v0, v46;
	vm11 =	veq.s32 v46, v48;
	v56 =	vadd.s32 v0, v48  }
0xc4: {  	v57 =	vld [tilespmem:s23+$0x5050];
	[tilespmem:s23+$0xA020] =	vst v3;
	v3 =	vsel vm11, $0x4E20, v56  }
0xc5: {  	v58 =	vld [tilespmem:s23+$0x60];
	vm12 =	veq.s32 v49, v51;
	v59 =	vadd.s32 v0, v51;
	[tilespmem:s23+$0xF020] =	vst v3;
	v3 =	vadd.s32 v0, v49  }
0xc6: {  	v60 =	vld [tilespmem:s23+$0x5060];
	[tilespmem:s23+$0xA030] =	vst v3;
	v3 =	vsel vm12, $0x4E20, v59  }
0xc7: {  	v61 =	vadd.s32 v0, v52;
	vm13 =	veq.s32 v52, v54;
	[tilespmem:s23+$0xF030] =	vst v3;
	v3 =	vadd.s32 v0, v54  }
0xc8: {  	[tilespmem:s23+$0xA040] =	vst v61;
	v3 =	vsel vm13, $0x4E20, v3  }
0xc9: {  	v62 =	vadd.s32 v0, v55;
	vm14 =	veq.s32 v55, v57;
	[tilespmem:s23+$0xF040] =	vst v3;
	v3 =	vadd.s32 v0, v57  }
0xca: {  	[tilespmem:s23+$0xA050] =	vst v62;
	v3 =	vsel vm14, $0x4E20, v3  }
0xcb: {  	v63 =	vadd.s32 v0, v58;
	vm15 =	veq.s32 v58, v60;
	[tilespmem:s23+$0xF050] =	vst v3;
	v3 =	vadd.s32 v0, v60  }
0xcc: {  	[tilespmem:s23+$0xA060] =	vst v63;
	v3 =	vsel vm15, $0x4E20, v3  }
0xcd: {  	[tilespmem:s23+$0xF060] =	vst v3  }
0xce: {  	[hbm4b:s11+s3] =	stream.linear.scatter [tilespmem:s19], [sflag:$0x2], $0x5000, $0x38;
	[tilespmem:$0x15980] =	vst v63  }
0xcf: {  	s21 =	sadd.s32 $0x1, s21;
	_ =	swait.ge [sflag:s15], $0x5000  }
0xd0: {  	p0 =	sne.s32 s21, s13;
	[sflag:s15] =	ssyncset.done $0x0  }
.Ltmp3:
0xd1: {  	[sflag:s15] =	ssyncadd.s32 $0xFFFFB000;
	(pc) =	sbr.rel @p0 .LBB2_1-.Ltmp3, $4  }
0xd2: {  	[hbm4b:s12+s3] =	stream.linear.scatter [tilespmem:s20], [sflag:$0x2], $0x5000, $0x38;
	[tilespmem:$0x15980] =	vst v63  }
0xd3: {  	_ =	swait.ge [sflag:s15], $0x5000  }
0xd4: {  	[sflag:s15] =	ssyncset.done $0x0  }
0xd5: {  	[sflag:s15] =	ssyncadd.s32 $0xFFFFB000  }
0xd6: {  	_ =	sfence.sel $0x180000  }
0xd7: {  	[bflag:$0x0] =	sbarrier.arrive $0xFFFF  }
0xd8: {  	p0 =	sne.s32 s0, $0x0;
	_ =	strace $0x90000047  }
0xd9: {  	s0 =	sadd.s32 @!p0 $0x100000, s1;
	[bflag:$0x2] =	sbarrier.arrive $0xFFFF  }
0xda: {  	[sflag:s0] =	ssyncadd.tile.s32 @!p0 $0x1;
	_ =	shalt  }
.Lfunc_end2:
_tile_overlayer_lowered:
.L_overlay_start_2:
0xdb: {  	(tag) =	ssettag $0x2  }
0xdc: {  	s0 =	rddreg [dreg:$0x0];
	s2 =	stileid.u32  }
0xdd: {  	s1 =	rddreg [dreg:$0x1];
	p0 =	sne.s32 s2, $0x0  }
0xde: {  	s3 =	rddreg [dreg:$0x2];
	[bflag:$0x3] =	sbarrier.arrive $0xFFFF;
	s2 =	simm.s32 @!p0 $0x1C02  }
0xdf: {  	[timem:s3], [sflag:s2] =	dma.local @!p0 [hbm:s0], s1  }
0xe0: {  	s0 =	simm.s32 @!p0 $0x2  }
0xe1: {  	_ =	swait.ge @!p0 [sflag:s0], s1  }
0xe2: {  	s1 =	ssub.s32 @!p0 $0x0, s1;
	[sflag:s0] =	ssyncset.done @!p0 $0x0  }
0xe3: {  	[sflag:s0] =	ssyncadd.s32 @!p0 s1  }
0xe4: {  	[bflag:$0x3] =	sbarrier.arrive $0xFFFF  }
0xe5: {  	_ =	shalt  }

// kernel: kernel.13.cloned.1.call-start
scs
__scs_entry_jumppad:
0x0: {  	(pc) =	sbr.rel $0x88, $3  }
0x1: {  	(tag) =	ssettag $0x0;
	lr =	simm.s32 $0x1  }
0x2: {  	[smem:$0x3F94] =	sst lr;
	_ =	strace $0xD0000000  }
0x3: {  	_ = 	snop  }
0x4: {  	_ = 	snop  }
0x5: {  	_ = 	snop  }
0x6: {  	_ = 	snop  }
0x7: {  	_ = 	snop  }
__scs_overlays_trampoline_lowered:
0x8: {  	[smem:$0x3FA3] =	sst s0  }
0x9: {  	[smem:$0x3FA4] =	sst s1  }
0xa: {  	[smem:$0x3FA5] =	sst s2  }
0xb: {  	[smem:$0x3FA6] =	sst s3  }
0xc: {  	[smem:$0x3FA7] =	sst s4  }
0xd: {  	[smem:$0x3FA8] =	sst s5  }
0xe: {  	[smem:$0x3FA9] =	sst s6  }
0xf: {  	[smem:$0x3FAA] =	sst s7  }
0x10: {  	[smem:$0x3FAB] =	sst s8  }
0x11: {  	[smem:$0x3FAC] =	sst s9;
	s0 =	simm.s32 @!p0 $0x0  }
0x12: {  	s1 =	sld [smem:$0x3F92];
	s0 =	simm.s32 @p0 $0x1  }
0x13: {  	[smem:$0x3FAD] =	sst s0;
	s0 =	simm.s32 @!p1 $0x0  }
0x14: {  	s2 =	sld [smem:$0x3F91];
	s0 =	simm.s32 @p1 $0x1  }
0x15: {  	[smem:$0x3FAE] =	sst s0;
	s0 =	simm.s32 @!p2 $0x0  }
0x16: {  	s3 =	sld [smem:$0x3FDB];
	s0 =	simm.s32 @p2 $0x1  }
0x17: {  	s4 =	simm.s32 $0x1BF5;
	[smem:$0x3FB0] =	sst s0  }
0x18: {  	s0 =	sld [smem:$0x3F93];
	_ =	swait.ge [sflag:s4], $0x0  }
0x19: {  	s7 =	sld [smem:$0x3F94]  }
0x1a: {  	s8 =	sadd.s32 $0xFFFFE003, lr  }
0x1b: {  	s9 =	sadd.s32 $0xFFFFFEF7, lr;
	s5 =	simm.s32 $0xFFFFFFFF;
	p2 =	slt.u32 s8, $0xFFFFF086  }
0x1c: {  	p1 =	slt.u32 s9, $0xF7A;
	s5 =	simm.s32 @!p2 $0x0  }
0x1d: {  	s5 =	simm.s32 @p1 $0x1;
	p0 =	seq.s32 s7, s2  }
0x1e: {  	s7 =	smul.u32 @!p0 $0xF7A, s2;
	p2 =	seq.s32 @!p0 s5, $0x0  }
0x1f: {  	s9 =	smul.u32 $0xF7A, s1;
	s8 =	simm.s32 @!p0 $0x1BF5;
	p2 =	por !p2, p0  }
0x20: {  	[sflag:s8] =	ssyncset.s32 @!p0 $0xFFFFF086;
	s6 =	sadd.s32 @!p0 s3, s7;
	s7 =	simm.s32 @!p0 $0x108  }
0x21: {  	s3 =	sadd.s32 s3, s9;
	s6 =	sadd.s32 @!p0 $0x88, s6;
	s7 =	simm.s32 @p2 $0x1082  }
0x22: {  	[simem:s7], [sflag:s8] =	dma.local @!p0 [hbm:s6], $0xF7A  }
0x23: {  	s9 =	sor.u32 $0xD0000000, s2;
	s6 =	simm.s32 $0x108;
	_ =	swait.ge @!p0 [sflag:s8], $0x0  }
0x24: {  	s3 =	sadd.s32 $0x88, s3;
	s6 =	simm.s32 @!p1 $0x1082;
	[sflag:s4] =	ssyncset.s32 $0xFFFFF086  }
0x25: {  	[simem:s6], [sflag:s4] =	dma.local [hbm:s3], $0xF7A  }
0x26: {  	[smem:$0x3F94] =	sst s1;
	(tag) =	ssettag s2;
	_ =	strace s9  }
0x27: {  	s1 =	sld [smem:$0x3FA4]  }
0x28: {  	s2 =	sld [smem:$0x3FA5]  }
0x29: {  	s4 =	sld [smem:$0x3FA7]  }
0x2a: {  	p0 =	seq.s32 s5, $0x0;
	s5 =	sld [smem:$0x3FA8]  }
0x2b: {  	s6 =	sld [smem:$0x3FA9]  }
0x2c: {  	s7 =	sld [smem:$0x3FAA]  }
0x2d: {  	s3 =	simm.s32 $0x108;
	s8 =	sld [smem:$0x3FAB]  }
0x2e: {  	s3 =	simm.s32 @!p0 $0x1082;
	s9 =	sld [smem:$0x3FAC]  }
0x2f: {  	lr =	sadd.s32 s0, s3;
	s0 =	sld [smem:$0x3FA3]  }
0x30: {  	s3 =	sld [smem:$0x3FA6]  }
0x31: {  	[smem:$0x3FAF] =	sst s10  }
0x32: {  	s10 =	sld [smem:$0x3FAD];
	_ =	sdelay $0x3  }
0x33: {  	p0 =	seq.s32 s10, $0x1;
	s10 =	sld [smem:$0x3FAF];
	_ =	sdelay $0x3  }
0x34: {  	[smem:$0x3FAF] =	sst s10  }
0x35: {  	s10 =	sld [smem:$0x3FAE];
	_ =	sdelay $0x3  }
0x36: {  	p1 =	seq.s32 s10, $0x1;
	s10 =	sld [smem:$0x3FAF];
	_ =	sdelay $0x3  }
0x37: {  	[smem:$0x3FAF] =	sst s10  }
0x38: {  	s10 =	sld [smem:$0x3FB0]  }
0x39: {  	_ = 	snop;
	(pc) =	sbr.ind lr, $3  }
0x3a: {  	_ = 	snop  }
0x3b: {  	_ = 	snop  }
0x3c: {  	p2 =	seq.s32 s10, $0x1;
	s10 =	sld [smem:$0x3FAF]  }
0x3d: {  	_ =	shalt  }
0x3e: {  	_ =	shalt  }
0x3f: {  	_ =	shalt  }
0x40: {  	_ =	shalt  }
0x41: {  	_ =	shalt  }
0x42: {  	_ =	shalt  }
0x43: {  	_ =	shalt  }
0x44: {  	_ =	shalt  }
0x45: {  	_ =	shalt  }
0x46: {  	_ =	shalt  }
0x47: {  	_ =	shalt  }
0x48: {  	_ =	shalt  }
0x49: {  	_ =	shalt  }
0x4a: {  	_ =	shalt  }
0x4b: {  	_ =	shalt  }
0x4c: {  	_ =	shalt  }
0x4d: {  	_ =	shalt  }
0x4e: {  	_ =	shalt  }
0x4f: {  	_ =	shalt  }
0x50: {  	_ =	shalt  }
0x51: {  	_ =	shalt  }
0x52: {  	_ =	shalt  }
0x53: {  	_ =	shalt  }
0x54: {  	_ =	shalt  }
0x55: {  	_ =	shalt  }
0x56: {  	_ =	shalt  }
0x57: {  	_ =	shalt  }
0x58: {  	_ =	shalt  }
0x59: {  	_ =	shalt  }
0x5a: {  	_ =	shalt  }
0x5b: {  	_ =	shalt  }
0x5c: {  	_ =	shalt  }
0x5d: {  	_ =	shalt  }
0x5e: {  	_ =	shalt  }
0x5f: {  	_ =	shalt  }
0x60: {  	_ =	shalt  }
0x61: {  	_ =	shalt  }
0x62: {  	_ =	shalt  }
0x63: {  	_ =	shalt  }
0x64: {  	_ =	shalt  }
0x65: {  	_ =	shalt  }
0x66: {  	_ =	shalt  }
0x67: {  	_ =	shalt  }
0x68: {  	_ =	shalt  }
0x69: {  	_ =	shalt  }
0x6a: {  	_ =	shalt  }
0x6b: {  	_ =	shalt  }
0x6c: {  	_ =	shalt  }
0x6d: {  	_ =	shalt  }
0x6e: {  	_ =	shalt  }
0x6f: {  	_ =	shalt  }
0x70: {  	_ =	shalt  }
0x71: {  	_ =	shalt  }
0x72: {  	_ =	shalt  }
0x73: {  	_ =	shalt  }
0x74: {  	_ =	shalt  }
0x75: {  	_ =	shalt  }
0x76: {  	_ =	shalt  }
0x77: {  	_ =	shalt  }
0x78: {  	_ =	shalt  }
0x79: {  	_ =	shalt  }
0x7a: {  	_ =	shalt  }
0x7b: {  	_ =	shalt  }
0x7c: {  	_ =	shalt  }
0x7d: {  	_ =	shalt  }
0x7e: {  	_ =	shalt  }
0x7f: {  	_ =	shalt  }
0x80: {  	_ =	shalt  }
0x81: {  	_ =	shalt  }
0x82: {  	_ =	shalt  }
0x83: {  	_ =	shalt  }
0x84: {  	_ =	shalt  }
0x85: {  	_ =	shalt  }
0x86: {  	_ =	shalt  }
0x87: {  	_ =	shalt  }
.Lfunc_end0:
.L_simem_size_0:
called_computation.1_lowered:
.L_overlay_start_0:
0x88: {  	s2 =	sld [smem:$0x3FD9]  }
0x89: {  	s3 =	sld [smem:$0x3FFE];
	_ =	sdelay $0x1  }
0x8a: {  	s1 =	srdreg.scid  }
0x8b: {  	s0 =	sand.u32 $0x1, s1  }
0x8c: {  	s16 =	sshll.u32 s0, $0xA;
	s2 =	sadd.s32 s3, s2  }
0x8d: {  	s2 =	sadd.s32 s2, s16  }
0x8e: {  	[smem:$0x3FBB] =	sst s2  }
0x8f: {  	_ = 	snop  }
0x90: {  	(tm) =	ssettm $0x1  }
0x91: {  	s17 =	sld [smem:$0x3FFB];
	_ =	sdelay $0x3  }
0x92: {  	_ =	strace s17  }
0x93: {  	s2 =	sld [smem:$0x3FFC];
	_ =	sdelay $0x3  }
0x94: {  	_ =	strace s2  }
0x95: {  	s2 =	sld [smem:$0x3FFD];
	_ =	sdelay $0x3  }
0x96: {  	_ =	strace s2  }
0x97: {  	_ =	strace $0x8FFFFFFF  }
0x98: {  	s18 =	sld [smem:$0x3FDB];
	_ =	sdelay $0x1  }
0x99: {  	s19 =	simm.s32 $_scs_section_size  }
0x9a: {  	s4 =	simm.s32 $_size__tile_overlayer_lowered;
	s5 =	simm.s32 $_tile_overlayer_lowered  }
0x9b: {  	s22 =	simm.s32 $0x1BFF;
	s21 =	sshll.u32 s5, $0x1;
	s2 =	sadd.s32 s19, s18  }
0x9c: {  	s6 =	simm.s32 $0x0;
	s20 =	sshll.u32 s4, $0x1;
	s4 =	sadd.s32 s21, s2  }
0x9d: {  	[timem:s6], [sflag:s22] =	dma.local [hbm:s4], s20  }
0x9e: {  	_ =	swait.ge [sflag:s22], s20  }
0x9f: {  	s3 =	ssub.s32 $0x0, s20;
	[sflag:s22] =	ssyncset.done $0x0  }
0xa0: {  	[sflag:s22] =	ssyncadd.s32 s3;
	_ =	sdelay $0x1  }
0xa1: {  	s23 =	simm.s32 $0x1B8B  }
0xa2: {  	_ =	swait.ge [sflag:s23], $0x1  }
0xa3: {  	[sflag:s23] =	ssyncset.done $0x0  }
0xa4: {  	s25 =	simm.s32 $0x1B8E;
	s24 =	sld [smem:$0x3FFE];
	[sflag:s23] =	ssyncadd.s32 $0xFFFFFFFF  }
0xa5: {  	s26 =	simm.s32 $execute0_lowered;
	[smem:$0x3FD2] =	sst s25  }
0xa6: {  	s4 =	sshll.u32 s26, $0x1;
	_ =	strace $0x80000049;
	[dreg:$0x1] =	wrdreg $0xFFFFFFFF  }
0xa7: {  	s28 =	simm.s32 $_size_execute0_lowered;
	s2 =	sadd.s32 s2, s4;
	[dreg:$0x0] =	wrdreg $0x0  }
0xa8: {  	s4 =	sshll.u32 s28, $0x1;
	[dreg:$0x2] =	wrdreg s2  }
0xa9: {  	[dreg:$0x3] =	wrdreg s4  }
0xaa: {  	[dreg:$0x4] =	wrdreg $0xC0  }
0xab: {  	_ =	task [dreg:s6], $0x5FFFF  }
0xac: {  	[dreg:$0x1] =	wrdreg $0xFFFFFFFF  }
0xad: {  	[dreg:$0x0] =	wrdreg $0x60  }
0xae: {  	[dreg:$0x2] =	wrdreg s24  }
0xaf: {  	[dreg:$0x3] =	wrdreg $0x138000  }
0xb0: {  	[dreg:$0x4] =	wrdreg $0xE8000  }
0xb1: {  	[dreg:$0x5] =	wrdreg $0x9  }
0xb2: {  	_ =	task.clear_ibuf [dreg:s6], $0x6FFFF;
	_ =	strace $0x90000049  }
0xb3: {  	s29 =	simm.s32 $0x9;
	_ =	strace $0x8000004B  }
0xb4: {  	_ =	swait.ge [sflag:s29], $0x1  }
0xb5: {  	[sflag:s29] =	ssyncadd.s32 $0xFFFFFFFF  }
0xb6: {  	_ =	strace $0x9000004B  }
0xb7: {  	_ =	sfence  }
0xb8: {  	s30 =	sld [smem:$0x0];
	_ =	sdelay $0x2  }
0xb9: {  	s31 =	sshll.u32 s1, $0xD;
	s1 =	sshrl.u32 s1, $0x2  }
0xba: {  	s3 =	sand.u32 $0x4000, s31;
	s1 =	sadd.s32 s1, s30  }
0xbb: {  	s0 =	sor.u32 s3, s0;
	s1 =	sshll.u32 s1, $0x11  }
0xbc: {  	s0 =	sor.u32 s1, s0  }
0xbd: {  	s0 =	sadd.s32 $0x8F2B, s0  }
0xbe: {  	[sflag:s0] =	ssyncadd.remote.s32 $0x1  }
0xbf: {  	_ =	sfence.sel $0xFFFF  }
0xc0: {  	[dreg:$0x0] =	wrdreg $0xFFFFFFFF;
	(pc) =	sbr.abs _section_cstart, $3  }
0xc1: {  	[dreg:$0x1] =	wrdreg $0xFFFFFFFF  }
0xc2: {  	_ =	task.clear_ibuf [dreg:s6], $0x2FFFF;
	_ =	strace $0x9FFFFFFF  }
0xc3: {  	(tm) =	ssettm $0x7FFFFFFF  }
tec
execute0_lowered:
.L_overlay_start_1:
0x0: {  	(tag) =	ssettag $0x1  }
0x1: {  	s0 =	srdreg.scid  }
0x2: {  	s9 =	stileid.u32;
	s2 =	simm.s32 $0x1;
	s6 =	rddreg [dreg:$0x0]  }
0x3: {  	s3 =	rddreg [dreg:$0x2];
	s5 =	simm.s32 $0x0;
	s0 =	sand.u32 $0x1, s0  }
0x4: {  	s4 =	sand.u32 $0x7, s9;
	s24 =	smul.u32 $0x4E2, s9;
	s1 =	sshll.u32 s0, $0x4  }
0x5: {  	[smem:$0x7FF] =	sst s5;
	s25 =	smul.u32 $0x4E20, s9;
	s1 =	sor.u32 s9, s1  }
0x6: {  	s8 =	smul.u32 $0x14000, s9;
	p1 =	sne.s32 s4, $0x0;
	p0 =	seq.s32 s1, $0x0  }
0x7: {  	s7 =	smul.u32 $0x4E20, s0;
	s0 =	ssub.s32 $0x2, s0;
	p0 =	por !p1, !p0  }
0x8: {  	s4 =	smul.u32 $0x5000, s4;
	s26 =	sshrl.u32 s0, $0x1;
	p0 =	por !p0, !p0  }
0x9: {  	s9 =	sshll.u32 s9, $0x6;
	s1 =	sshrl.u32 s1, $0x3;
	s2 =	simm.s32 @!p0 $0x0  }
0xa: {  	s0 =	ssub.s32 s0, s26;
	s1 =	ssub.s32 s1, s2;
	s2 =	rddreg [dreg:$0x1]  }
0xb: {  	s14 =	sor.u32 $0x1C03, s9;
	_ =	strace $0x8000004A;
	[dreg:$0x6] =	wrdreg s9  }
0xc: {  	s15 =	sadd.s32 s25, s3;
	s0 =	smax.u32 s0, $0x1;
	[dreg:$0x8] =	wrdreg s14  }
0xd: {  	s26 =	sshrl.u32 s15, $0x3;
	[dreg:$0xb] =	wrdreg s0;
	s1 =	smul.u32 $0x28000, s1  }
0xe: {  	s12 =	sshrl.u32 s8, $0x2;
	[dreg:$0x16] =	wrdreg s26;
	s11 =	sadd.s32 s25, s2  }
0xf: {  	s25 =	sshrl.u32 s11, $0x3;
	s1 =	sadd.s32 s4, s1;
	s4 =	sadd.s32 s24, s7  }
0x10: {  	[dreg:$0x15] =	wrdreg s25;
	s1 =	sshrl.u32 s1, $0x3;
	s4 =	sshll.u32 s4, $0x1  }
0x11: {  	s1 =	sadd.s32 s1, s6;
	s4 =	sadd.s32 s4, s6;
	s6 =	sadd.s32 s12, s3  }
0x12: {  	s28 =	simm.s32 $0x9;
	s10 =	sadd.s32 $0xD000, s1;
	[dreg:$0x9] =	wrdreg s6  }
0x13: {  	s29 =	simm.s32 $0x2;
	s1 =	sadd.s32 $0x21000, s1;
	[dreg:$0x4] =	wrdreg s10  }
0x14: {  	s30 =	simm.s32 $0x3;
	s13 =	sadd.s32 $0x35000, s4;
	[dreg:$0x5] =	wrdreg s1  }
0x15: {  	s31 =	simm.s32 $0x80;
	s4 =	sadd.s32 $0x48A00, s4;
	[dreg:$0x7] =	wrdreg s13  }
0x16: {  	s5 =	simm.s32 $0x1;
	s16 =	sadd.s32 $0x800, s6;
	[dreg:$0xa] =	wrdreg s4  }
0x17: {  	s8 =	simm.s32 $0x7;
	s17 =	sadd.s32 $0x1000, s6;
	[dreg:$0xc] =	wrdreg s16  }
0x18: {  	s15 =	simm.s32 $0x8;
	s18 =	sadd.s32 $0x1800, s6;
	[dreg:$0xd] =	wrdreg s17  }
0x19: {  	s0 =	simm.s32 $0xA800;
	s19 =	sadd.s32 $0x2000, s6;
	[dreg:$0xe] =	wrdreg s18  }
0x1a: {  	s9 =	simm.s32 $0xD000;
	s20 =	sadd.s32 $0x2800, s6;
	[dreg:$0xf] =	wrdreg s19  }
0x1b: {  	s14 =	simm.s32 $0x6;
	s21 =	sadd.s32 $0x3000, s6;
	[dreg:$0x10] =	wrdreg s20  }
0x1c: {  	s7 =	simm.s32 $0xC800;
	s22 =	sadd.s32 $0x3800, s6;
	[dreg:$0x11] =	wrdreg s21  }
0x1d: {  	s25 =	simm.s32 $0x0;
	s23 =	sadd.s32 $0x4000, s6;
	[dreg:$0x12] =	wrdreg s22  }
0x1e: {  	s12 =	simm.s32 $0x4;
	s24 =	sadd.s32 $0x4800, s6;
	[dreg:$0x13] =	wrdreg s23  }
.Ltmp0:
0x1f: {  	s6 =	simm.s32 $0xC000;
	[dreg:$0x14] =	wrdreg s24;
	(pc) =	sbr.rel .LBB2_1-.Ltmp0, $4  }
0x20: {  	s1 =	simm.s32 $0xA000;
	s23 =	simm.s32 $0xB000;
	s4 =	simm.s32 $0xB800  }
0x21: {  	s10 =	simm.s32 $0xD800;
	s13 =	simm.s32 $0x5;
	s16 =	simm.s32 $0xA  }
0x22: {  	s17 =	simm.s32 $0xB;
	s18 =	simm.s32 $0xC;
	s19 =	simm.s32 $0xD  }
0x23: {  	v0 =	vimm.f32 $0.0e+00;
	s20 =	simm.s32 $0xE;
	s21 =	simm.s32 $0xF;
	s22 =	simm.s32 $0x10  }
.LBB2_6:
0x24: {  	_ =	swait.ge [sflag:s16], $0x800  }
0x25: {  	[sflag:s16] =	ssyncset.done $0x0  }
0x26: {  	[sflag:s16] =	ssyncadd.s32 $0xFFFFF800  }
0x27: {  	_ =	swait.ge [sflag:s17], $0x800  }
0x28: {  	[sflag:s17] =	ssyncset.done $0x0  }
0x29: {  	[sflag:s17] =	ssyncadd.s32 $0xFFFFF800  }
0x2a: {  	_ =	swait.ge [sflag:s18], $0x800  }
0x2b: {  	[sflag:s18] =	ssyncset.done $0x0  }
0x2c: {  	[sflag:s18] =	ssyncadd.s32 $0xFFFFF800  }
0x2d: {  	_ =	swait.ge [sflag:s19], $0x800  }
0x2e: {  	[sflag:s19] =	ssyncset.done $0x0  }
0x2f: {  	[sflag:s19] =	ssyncadd.s32 $0xFFFFF800  }
0x30: {  	_ =	swait.ge [sflag:s20], $0x800  }
0x31: {  	[sflag:s20] =	ssyncset.done $0x0  }
0x32: {  	[sflag:s20] =	ssyncadd.s32 $0xFFFFF800  }
0x33: {  	_ =	swait.ge [sflag:s21], $0x800  }
0x34: {  	[sflag:s21] =	ssyncset.done $0x0  }
0x35: {  	[sflag:s21] =	ssyncadd.s32 $0xFFFFF800  }
0x36: {  	_ =	swait.ge [sflag:s22], $0x800  }
0x37: {  	[sflag:s22] =	ssyncset.done $0x0  }
0x38: {  	[sflag:s22] =	ssyncadd.s32 $0xFFFFF800  }
0x39: {  	[bflag:$0x0] =	sbarrier.arrive $0xFFFF  }
0x3a: {  	s11 =	rddreg [dreg:$0x6]  }
0x3b: {  	s24 =	rddreg [dreg:$0xa]  }
0x3c: {  	s26 =	rddreg [dreg:$0x16];
	s11 =	sor.u32 $0x1C11, s11  }
0x3d: {  	[hbm:s24], [sflag:s11] =	dma.local [spmem:s26], $0x9C4  }
0x3e: {  	s24 =	simm.s32 $0x11  }
0x3f: {  	_ =	swait.ge [sflag:s24], $0x9C4  }
0x40: {  	s25 =	sadd.s32 $0x1, s25;
	s26 =	rddreg [dreg:$0xb]  }
0x41: {  	p0 =	sne.s32 s25, s26  }
.Ltmp1:
0x42: {  	_ = 	snop;
	(pc) =	sbr.rel @!p0 .LBB2_7-.Ltmp1, $3  }
0x43: {  	_ =	sdelay $0x1  }
0x44: {  	[sflag:s24] =	ssyncset.done $0x0  }
0x45: {  	[sflag:s24] =	ssyncadd.s32 $0xFFFFF63C  }
.LBB2_1:
0x46: {  	s11 =	simm.s32 $0x0;
	s24 =	rddreg [dreg:$0x4]  }
0x47: {  	[tilespmem:s11], [sflag:$0x1] =	stream.linear.gather [hbm4b:s24+s11], $0x5000, $0x38;
	[tilespmem:$0x18620] =	vst v63  }
0x48: {  	s26 =	simm.s32 $0x5000;
	s24 =	rddreg [dreg:$0x5]  }
0x49: {  	[tilespmem:s26], [sflag:$0x2] =	stream.linear.gather [hbm4b:s24+s11], $0x5000, $0x38;
	[tilespmem:$0x18620] =	vst v63  }
0x4a: {  	s11 =	rddreg [dreg:$0x7]  }
0x4b: {  	s24 =	rddreg [dreg:$0x8]  }
0x4c: {  	s26 =	rddreg [dreg:$0x15]  }
0x4d: {  	[spmem:s26], [sflag:s24] =	dma.local [hbm:s11], $0x9C4  }
0x4e: {  	s11 =	simm.s32 $0x40;
	s24 =	simm.s32 $0x0  }
.LBB2_2:
0x4f: {  	p0 =	sne.s32 s11, $0x1FC0;
	[tilespmem:s24+$0xE000] =	vst v0;
	s24 =	smov.u32 s11;
	s11 =	sadd.s32 $0x40, s11  }
.Ltmp2:
0x50: {  	(pc) =	sbr.rel @p0 .LBB2_2-.Ltmp2, $2  }
0x51: {  	_ =	sdelay $0x2  }
0x52: {  	s24 =	sshra.s32 s24, $0x2  }
0x53: {  	[tilespmem:s24+$0xE000] =	vst v0;
	s11 =	rddreg [dreg:$0x9];
	s24 =	simm.s32 $0xE000  }
0x54: {  	[spmem:s11] =	stream.linear.scatter [tilespmem:s24], [sflag:$0x9], $0x800, $0x38;
	[tilespmem:$0x18620] =	vst v63  }
0x55: {  	s26 =	rddreg [dreg:$0xc]  }
0x56: {  	[spmem:s26] =	stream.linear.scatter [tilespmem:s24], [sflag:$0x9], $0x800, $0x38;
	[tilespmem:$0x18620] =	vst v63  }
0x57: {  	s26 =	rddreg [dreg:$0xd]  }
0x58: {  	[spmem:s26] =	stream.linear.scatter [tilespmem:s24], [sflag:$0x9], $0x800, $0x38;
	[tilespmem:$0x18620] =	vst v63  }
0x59: {  	s26 =	rddreg [dreg:$0xe]  }
0x5a: {  	[spmem:s26] =	stream.linear.scatter [tilespmem:s24], [sflag:$0x9], $0x800, $0x38;
	[tilespmem:$0x18620] =	vst v63  }
0x5b: {  	s26 =	rddreg [dreg:$0xf]  }
0x5c: {  	[spmem:s26] =	stream.linear.scatter [tilespmem:s24], [sflag:$0x9], $0x800, $0x38;
	[tilespmem:$0x18620] =	vst v63  }
0x5d: {  	s26 =	rddreg [dreg:$0x10]  }
0x5e: {  	[spmem:s26] =	stream.linear.scatter [tilespmem:s24], [sflag:$0x9], $0x800, $0x38;
	[tilespmem:$0x18620] =	vst v63  }
0x5f: {  	s26 =	rddreg [dreg:$0x11]  }
0x60: {  	[spmem:s26] =	stream.linear.scatter [tilespmem:s24], [sflag:$0x9], $0x800, $0x38;
	[tilespmem:$0x18620] =	vst v63  }
0x61: {  	s26 =	rddreg [dreg:$0x12]  }
0x62: {  	[spmem:s26] =	stream.linear.scatter [tilespmem:s24], [sflag:$0x9], $0x800, $0x38;
	[tilespmem:$0x18620] =	vst v63  }
0x63: {  	s26 =	rddreg [dreg:$0x13]  }
0x64: {  	[spmem:s26] =	stream.linear.scatter [tilespmem:s24], [sflag:$0x9], $0x800, $0x38;
	[tilespmem:$0x18620] =	vst v63  }
0x65: {  	s26 =	rddreg [dreg:$0x14]  }
0x66: {  	[spmem:s26] =	stream.linear.scatter [tilespmem:s24], [sflag:$0x9], $0x800, $0x38;
	[tilespmem:$0x18620] =	vst v63  }
0x67: {  	_ =	swait.ge [sflag:s28], $0x800  }
0x68: {  	[sflag:s28] =	ssyncset.done $0x0  }
0x69: {  	[sflag:s28] =	ssyncadd.s32 $0xFFFFF800  }
0x6a: {  	_ =	swait.ge [sflag:s28], $0x800  }
0x6b: {  	[sflag:s28] =	ssyncset.done $0x0  }
0x6c: {  	[sflag:s28] =	ssyncadd.s32 $0xFFFFF800  }
0x6d: {  	_ =	swait.ge [sflag:s28], $0x800  }
0x6e: {  	[sflag:s28] =	ssyncset.done $0x0  }
0x6f: {  	[sflag:s28] =	ssyncadd.s32 $0xFFFFF800  }
0x70: {  	_ =	swait.ge [sflag:s28], $0x800  }
0x71: {  	[sflag:s28] =	ssyncset.done $0x0  }
0x72: {  	[sflag:s28] =	ssyncadd.s32 $0xFFFFF800  }
0x73: {  	_ =	swait.ge [sflag:s28], $0x800  }
0x74: {  	[sflag:s28] =	ssyncset.done $0x0  }
0x75: {  	[sflag:s28] =	ssyncadd.s32 $0xFFFFF800  }
0x76: {  	_ =	swait.ge [sflag:s28], $0x800  }
0x77: {  	[sflag:s28] =	ssyncset.done $0x0  }
0x78: {  	[sflag:s28] =	ssyncadd.s32 $0xFFFFF800  }
0x79: {  	_ =	swait.ge [sflag:s28], $0x800  }
0x7a: {  	[sflag:s28] =	ssyncset.done $0x0  }
0x7b: {  	[sflag:s28] =	ssyncadd.s32 $0xFFFFF800  }
0x7c: {  	_ =	swait.ge [sflag:s28], $0x800  }
0x7d: {  	[sflag:s28] =	ssyncset.done $0x0  }
0x7e: {  	[sflag:s28] =	ssyncadd.s32 $0xFFFFF800  }
0x7f: {  	_ =	swait.ge [sflag:s28], $0x800  }
0x80: {  	[sflag:s28] =	ssyncset.done $0x0  }
0x81: {  	[sflag:s28] =	ssyncadd.s32 $0xFFFFF800  }
0x82: {  	_ =	swait.ge [sflag:s28], $0x800  }
0x83: {  	[sflag:s28] =	ssyncset.done $0x0  }
0x84: {  	[sflag:s28] =	ssyncadd.s32 $0xFFFFF800  }
0x85: {  	_ =	swait.ge [sflag:s5], $0x5000  }
0x86: {  	[sflag:s5] =	ssyncset.done $0x0  }
0x87: {  	[sflag:s5] =	ssyncadd.s32 $0xFFFFB000  }
0x88: {  	_ =	swait.ge [sflag:s29], $0x5000  }
0x89: {  	[sflag:s29] =	ssyncset.done $0x0  }
0x8a: {  	[sflag:s29] =	ssyncadd.s32 $0xFFFFB000  }
0x8b: {  	_ =	swait.ge [sflag:s30], $0x9C4  }
0x8c: {  	[sflag:s30] =	ssyncset.done $0x0  }
0x8d: {  	[sflag:s30] =	ssyncadd.s32 $0xFFFFF63C  }
0x8e: {  	s11 =	simm.s32 $0x0;
	[bflag:$0x0] =	sbarrier.arrive $0xFFFF  }
0x8f: {  	[tilespmem:s1], [sflag:$0x1] =	stream.indirect.gather [spmem:s2], $0x10, s11, s31, $0xb8;
	[tilespmem:$0x18620] =	vst v63  }
0x90: {  	_ = 	snop  }
0x91: {  	[tilespmem:s0], [sflag:$0x2] =	stream.indirect.gather [spmem:s2], $0x10, s31, s31, $0xb8;
	[tilespmem:$0x18620] =	vst v63  }
0x92: {  	s26 =	simm.s32 $0x100  }
0x93: {  	[tilespmem:s23], [sflag:$0x3] =	stream.indirect.gather [spmem:s2], $0x10, s26, s31, $0xb8;
	[tilespmem:$0x18620] =	vst v63  }
0x94: {  	s26 =	simm.s32 $0x180  }
0x95: {  	[tilespmem:s4], [sflag:$0x4] =	stream.indirect.gather [spmem:s2], $0x10, s26, s31, $0xb8;
	[tilespmem:$0x18620] =	vst v63  }
0x96: {  	s26 =	simm.s32 $0x200  }
0x97: {  	[tilespmem:s6], [sflag:$0x5] =	stream.indirect.gather [spmem:s2], $0x10, s26, s31, $0xb8;
	[tilespmem:$0x18620] =	vst v63  }
0x98: {  	s26 =	simm.s32 $0x280  }
0x99: {  	[tilespmem:s7], [sflag:$0x6] =	stream.indirect.gather [spmem:s2], $0x10, s26, s31, $0xb8;
	[tilespmem:$0x18620] =	vst v63  }
0x9a: {  	s26 =	simm.s32 $0x300  }
0x9b: {  	[tilespmem:s9], [sflag:$0x7] =	stream.indirect.gather [spmem:s2], $0x10, s26, s31, $0xb8;
	[tilespmem:$0x18620] =	vst v63  }
0x9c: {  	s26 =	simm.s32 $0x380  }
0x9d: {  	[tilespmem:s10], [sflag:$0x8] =	stream.indirect.gather [spmem:s2], $0x10, s26, s31, $0xb8;
	[tilespmem:$0x18620] =	vst v63  }
.LBB2_4:
0x9e: {  	_ =	swait.ge [sflag:s5], $0x800  }
0x9f: {  	s24 =	sshra.s32 s11, $0x2;
	[sflag:s5] =	ssyncset.done $0x0  }
0xa0: {  	s26 =	sadd.s32 $0x5000, s24;
	[sflag:s5] =	ssyncadd.s32 $0xFFFFF800  }
0xa1: {  	[spmem:s3] =	stream.indirect.scatter.add.f32 [tilespmem:s1], [sflag:$0x9], $0x10, s26, s31, $0xb8;
	[tilespmem:$0x18620] =	vst v63  }
0xa2: {  	_ =	swait.ge [sflag:s29], $0x800  }
0xa3: {  	[sflag:s29] =	ssyncset.done $0x0  }
0xa4: {  	s26 =	sadd.s32 $0x5080, s24;
	[sflag:s29] =	ssyncadd.s32 $0xFFFFF800  }
0xa5: {  	[spmem:s3] =	stream.indirect.scatter.add.f32 [tilespmem:s0], [sflag:$0xA], $0x10, s26, s31, $0xb8;
	[tilespmem:$0x18620] =	vst v63  }
0xa6: {  	_ =	swait.ge [sflag:s30], $0x800  }
0xa7: {  	[sflag:s30] =	ssyncset.done $0x0  }
0xa8: {  	s26 =	sadd.s32 $0x5100, s24;
	[sflag:s30] =	ssyncadd.s32 $0xFFFFF800  }
0xa9: {  	[spmem:s3] =	stream.indirect.scatter.add.f32 [tilespmem:s23], [sflag:$0xB], $0x10, s26, s31, $0xb8;
	[tilespmem:$0x18620] =	vst v63  }
0xaa: {  	_ =	swait.ge [sflag:s12], $0x800  }
0xab: {  	[sflag:s12] =	ssyncset.done $0x0  }
0xac: {  	s26 =	sadd.s32 $0x5180, s24;
	[sflag:s12] =	ssyncadd.s32 $0xFFFFF800  }
0xad: {  	[spmem:s3] =	stream.indirect.scatter.add.f32 [tilespmem:s4], [sflag:$0xC], $0x10, s26, s31, $0xb8;
	[tilespmem:$0x18620] =	vst v63  }
0xae: {  	_ =	swait.ge [sflag:s13], $0x800  }
0xaf: {  	[sflag:s13] =	ssyncset.done $0x0  }
0xb0: {  	s26 =	sadd.s32 $0x5200, s24;
	[sflag:s13] =	ssyncadd.s32 $0xFFFFF800  }
0xb1: {  	[spmem:s3] =	stream.indirect.scatter.add.f32 [tilespmem:s6], [sflag:$0xD], $0x10, s26, s31, $0xb8;
	[tilespmem:$0x18620] =	vst v63  }
0xb2: {  	_ =	swait.ge [sflag:s14], $0x800  }
0xb3: {  	[sflag:s14] =	ssyncset.done $0x0  }
0xb4: {  	s26 =	sadd.s32 $0x5280, s24;
	[sflag:s14] =	ssyncadd.s32 $0xFFFFF800  }
0xb5: {  	[spmem:s3] =	stream.indirect.scatter.add.f32 [tilespmem:s7], [sflag:$0xE], $0x10, s26, s31, $0xb8;
	[tilespmem:$0x18620] =	vst v63  }
0xb6: {  	_ =	swait.ge [sflag:s8], $0x800  }
0xb7: {  	[sflag:s8] =	ssyncset.done $0x0  }
0xb8: {  	s26 =	sadd.s32 $0x5300, s24;
	[sflag:s8] =	ssyncadd.s32 $0xFFFFF800  }
0xb9: {  	[spmem:s3] =	stream.indirect.scatter.add.f32 [tilespmem:s9], [sflag:$0xF], $0x10, s26, s31, $0xb8;
	[tilespmem:$0x18620] =	vst v63  }
0xba: {  	_ =	swait.ge [sflag:s15], $0x800  }
0xbb: {  	p0 =	seq.s32 s11, $0x13000;
	[sflag:s15] =	ssyncset.done $0x0  }
.Ltmp3:
0xbc: {  	s26 =	sadd.s32 $0x5380, s24;
	[sflag:s15] =	ssyncadd.s32 $0xFFFFF800;
	(pc) =	sbr.rel @p0 .LBB2_6-.Ltmp3, $4  }
0xbd: {  	[spmem:s3] =	stream.indirect.scatter.add.f32 [tilespmem:s10], [sflag:$0x10], $0x10, s26, s31, $0xb8;
	[tilespmem:$0x18620] =	vst v63  }
0xbe: {  	_ =	swait.ge [sflag:s28], $0x800  }
0xbf: {  	[sflag:s28] =	ssyncset.done $0x0  }
0xc0: {  	[sflag:s28] =	ssyncadd.s32 $0xFFFFF800  }
0xc1: {  	s26 =	sadd.s32 $0x400, s24  }
0xc2: {  	[tilespmem:s1], [sflag:$0x1] =	stream.indirect.gather [spmem:s2], $0x10, s26, s31, $0xb8;
	[tilespmem:$0x18620] =	vst v63  }
0xc3: {  	_ =	swait.ge [sflag:s16], $0x800  }
0xc4: {  	[sflag:s16] =	ssyncset.done $0x0  }
0xc5: {  	s26 =	sadd.s32 $0x480, s24;
	[sflag:s16] =	ssyncadd.s32 $0xFFFFF800  }
0xc6: {  	[tilespmem:s0], [sflag:$0x2] =	stream.indirect.gather [spmem:s2], $0x10, s26, s31, $0xb8;
	[tilespmem:$0x18620] =	vst v63  }
0xc7: {  	_ =	swait.ge [sflag:s17], $0x800  }
0xc8: {  	[sflag:s17] =	ssyncset.done $0x0  }
0xc9: {  	s26 =	sadd.s32 $0x500, s24;
	[sflag:s17] =	ssyncadd.s32 $0xFFFFF800  }
0xca: {  	[tilespmem:s23], [sflag:$0x3] =	stream.indirect.gather [spmem:s2], $0x10, s26, s31, $0xb8;
	[tilespmem:$0x18620] =	vst v63  }
0xcb: {  	_ =	swait.ge [sflag:s18], $0x800  }
0xcc: {  	[sflag:s18] =	ssyncset.done $0x0  }
0xcd: {  	s26 =	sadd.s32 $0x580, s24;
	[sflag:s18] =	ssyncadd.s32 $0xFFFFF800  }
0xce: {  	[tilespmem:s4], [sflag:$0x4] =	stream.indirect.gather [spmem:s2], $0x10, s26, s31, $0xb8;
	[tilespmem:$0x18620] =	vst v63  }
0xcf: {  	_ =	swait.ge [sflag:s19], $0x800  }
0xd0: {  	[sflag:s19] =	ssyncset.done $0x0  }
0xd1: {  	s26 =	sadd.s32 $0x600, s24;
	[sflag:s19] =	ssyncadd.s32 $0xFFFFF800  }
0xd2: {  	[tilespmem:s6], [sflag:$0x5] =	stream.indirect.gather [spmem:s2], $0x10, s26, s31, $0xb8;
	[tilespmem:$0x18620] =	vst v63  }
0xd3: {  	_ =	swait.ge [sflag:s20], $0x800  }
0xd4: {  	[sflag:s20] =	ssyncset.done $0x0  }
0xd5: {  	s26 =	sadd.s32 $0x680, s24;
	[sflag:s20] =	ssyncadd.s32 $0xFFFFF800  }
0xd6: {  	[tilespmem:s7], [sflag:$0x6] =	stream.indirect.gather [spmem:s2], $0x10, s26, s31, $0xb8;
	[tilespmem:$0x18620] =	vst v63  }
0xd7: {  	_ =	swait.ge [sflag:s21], $0x800  }
0xd8: {  	[sflag:s21] =	ssyncset.done $0x0  }
0xd9: {  	s26 =	sadd.s32 $0x700, s24;
	[sflag:s21] =	ssyncadd.s32 $0xFFFFF800  }
0xda: {  	[tilespmem:s9], [sflag:$0x7] =	stream.indirect.gather [spmem:s2], $0x10, s26, s31, $0xb8;
	[tilespmem:$0x18620] =	vst v63  }
.Ltmp4:
0xdb: {  	_ = 	snop;
	(pc) =	sbr.rel .LBB2_4-.Ltmp4, $4  }
0xdc: {  	_ =	swait.ge [sflag:s22], $0x800  }
0xdd: {  	[sflag:s22] =	ssyncset.done $0x0  }
0xde: {  	s11 =	sadd.s32 $0x1000, s11;
	s26 =	sadd.s32 $0x780, s24;
	[sflag:s22] =	ssyncadd.s32 $0xFFFFF800  }
0xdf: {  	[tilespmem:s10], [sflag:$0x8] =	stream.indirect.gather [spmem:s2], $0x10, s26, s31, $0xb8;
	[tilespmem:$0x18620] =	vst v63  }
.LBB2_7:
0xe0: {  	_ =	sfence.sel $0x180000  }
0xe1: {  	[bflag:$0x0] =	sbarrier.arrive $0xFFFF  }
0xe2: {  	_ =	strace $0x9000004A  }
0xe3: {  	s0 =	stileid.u32;
	[bflag:$0x2] =	sbarrier.arrive $0xFFFF  }
0xe4: {  	p0 =	sne.s32 s0, $0x0;
	s0 =	rddreg [dreg:$0x3]  }
0xe5: {  	s0 =	sadd.s32 @!p0 $0x100000, s0  }
0xe6: {  	[sflag:s0] =	ssyncadd.tile.s32 @!p0 $0x1;
	_ =	shalt  }
.Lfunc_end2:
_tile_overlayer_lowered:
.L_overlay_start_2:
0xe7: {  	(tag) =	ssettag $0x2  }
0xe8: {  	s0 =	rddreg [dreg:$0x0];
	s2 =	stileid.u32  }
0xe9: {  	s1 =	rddreg [dreg:$0x1];
	p0 =	sne.s32 s2, $0x0  }
0xea: {  	s3 =	rddreg [dreg:$0x2];
	[bflag:$0x3] =	sbarrier.arrive $0xFFFF;
	s2 =	simm.s32 @!p0 $0x1C11  }
0xeb: {  	[timem:s3], [sflag:s2] =	dma.local @!p0 [hbm:s0], s1  }
0xec: {  	s0 =	simm.s32 @!p0 $0x11  }
0xed: {  	_ =	swait.ge @!p0 [sflag:s0], s1  }
0xee: {  	s1 =	ssub.s32 @!p0 $0x0, s1;
	[sflag:s0] =	ssyncset.done @!p0 $0x0  }
0xef: {  	[sflag:s0] =	ssyncadd.s32 @!p0 s1  }
0xf0: {  	[bflag:$0x3] =	sbarrier.arrive $0xFFFF  }
0xf1: {  	_ =	shalt  }

// kernel: kernel.16.cloned.1.call-start
scs
__scs_entry_jumppad:
0x0: {  	(pc) =	sbr.rel $0x88, $3  }
0x1: {  	(tag) =	ssettag $0x0;
	lr =	simm.s32 $0x1  }
0x2: {  	[smem:$0x3F94] =	sst lr;
	_ =	strace $0xD0000000  }
0x3: {  	_ = 	snop  }
0x4: {  	_ = 	snop  }
0x5: {  	_ = 	snop  }
0x6: {  	_ = 	snop  }
0x7: {  	_ = 	snop  }
__scs_overlays_trampoline_lowered:
0x8: {  	[smem:$0x3FA3] =	sst s0  }
0x9: {  	[smem:$0x3FA4] =	sst s1  }
0xa: {  	[smem:$0x3FA5] =	sst s2  }
0xb: {  	[smem:$0x3FA6] =	sst s3  }
0xc: {  	[smem:$0x3FA7] =	sst s4  }
0xd: {  	[smem:$0x3FA8] =	sst s5  }
0xe: {  	[smem:$0x3FA9] =	sst s6  }
0xf: {  	[smem:$0x3FAA] =	sst s7  }
0x10: {  	[smem:$0x3FAB] =	sst s8  }
0x11: {  	[smem:$0x3FAC] =	sst s9;
	s0 =	simm.s32 @!p0 $0x0  }
0x12: {  	s1 =	sld [smem:$0x3F92];
	s0 =	simm.s32 @p0 $0x1  }
0x13: {  	[smem:$0x3FAD] =	sst s0;
	s0 =	simm.s32 @!p1 $0x0  }
0x14: {  	s2 =	sld [smem:$0x3F91];
	s0 =	simm.s32 @p1 $0x1  }
0x15: {  	[smem:$0x3FAE] =	sst s0;
	s0 =	simm.s32 @!p2 $0x0  }
0x16: {  	s3 =	sld [smem:$0x3FDB];
	s0 =	simm.s32 @p2 $0x1  }
0x17: {  	s4 =	simm.s32 $0x1BF5;
	[smem:$0x3FB0] =	sst s0  }
0x18: {  	s0 =	sld [smem:$0x3F93];
	_ =	swait.ge [sflag:s4], $0x0  }
0x19: {  	s7 =	sld [smem:$0x3F94]  }
0x1a: {  	s8 =	sadd.s32 $0xFFFFE003, lr  }
0x1b: {  	s9 =	sadd.s32 $0xFFFFFEF7, lr;
	s5 =	simm.s32 $0xFFFFFFFF;
	p2 =	slt.u32 s8, $0xFFFFF086  }
0x1c: {  	p1 =	slt.u32 s9, $0xF7A;
	s5 =	simm.s32 @!p2 $0x0  }
0x1d: {  	s5 =	simm.s32 @p1 $0x1;
	p0 =	seq.s32 s7, s2  }
0x1e: {  	s7 =	smul.u32 @!p0 $0xF7A, s2;
	p2 =	seq.s32 @!p0 s5, $0x0  }
0x1f: {  	s9 =	smul.u32 $0xF7A, s1;
	s8 =	simm.s32 @!p0 $0x1BF5;
	p2 =	por !p2, p0  }
0x20: {  	[sflag:s8] =	ssyncset.s32 @!p0 $0xFFFFF086;
	s6 =	sadd.s32 @!p0 s3, s7;
	s7 =	simm.s32 @!p0 $0x108  }
0x21: {  	s3 =	sadd.s32 s3, s9;
	s6 =	sadd.s32 @!p0 $0x88, s6;
	s7 =	simm.s32 @p2 $0x1082  }
0x22: {  	[simem:s7], [sflag:s8] =	dma.local @!p0 [hbm:s6], $0xF7A  }
0x23: {  	s9 =	sor.u32 $0xD0000000, s2;
	s6 =	simm.s32 $0x108;
	_ =	swait.ge @!p0 [sflag:s8], $0x0  }
0x24: {  	s3 =	sadd.s32 $0x88, s3;
	s6 =	simm.s32 @!p1 $0x1082;
	[sflag:s4] =	ssyncset.s32 $0xFFFFF086  }
0x25: {  	[simem:s6], [sflag:s4] =	dma.local [hbm:s3], $0xF7A  }
0x26: {  	[smem:$0x3F94] =	sst s1;
	(tag) =	ssettag s2;
	_ =	strace s9  }
0x27: {  	s1 =	sld [smem:$0x3FA4]  }
0x28: {  	s2 =	sld [smem:$0x3FA5]  }
0x29: {  	s4 =	sld [smem:$0x3FA7]  }
0x2a: {  	p0 =	seq.s32 s5, $0x0;
	s5 =	sld [smem:$0x3FA8]  }
0x2b: {  	s6 =	sld [smem:$0x3FA9]  }
0x2c: {  	s7 =	sld [smem:$0x3FAA]  }
0x2d: {  	s3 =	simm.s32 $0x108;
	s8 =	sld [smem:$0x3FAB]  }
0x2e: {  	s3 =	simm.s32 @!p0 $0x1082;
	s9 =	sld [smem:$0x3FAC]  }
0x2f: {  	lr =	sadd.s32 s0, s3;
	s0 =	sld [smem:$0x3FA3]  }
0x30: {  	s3 =	sld [smem:$0x3FA6]  }
0x31: {  	[smem:$0x3FAF] =	sst s10  }
0x32: {  	s10 =	sld [smem:$0x3FAD];
	_ =	sdelay $0x3  }
0x33: {  	p0 =	seq.s32 s10, $0x1;
	s10 =	sld [smem:$0x3FAF];
	_ =	sdelay $0x3  }
0x34: {  	[smem:$0x3FAF] =	sst s10  }
0x35: {  	s10 =	sld [smem:$0x3FAE];
	_ =	sdelay $0x3  }
0x36: {  	p1 =	seq.s32 s10, $0x1;
	s10 =	sld [smem:$0x3FAF];
	_ =	sdelay $0x3  }
0x37: {  	[smem:$0x3FAF] =	sst s10  }
0x38: {  	s10 =	sld [smem:$0x3FB0]  }
0x39: {  	_ = 	snop;
	(pc) =	sbr.ind lr, $3  }
0x3a: {  	_ = 	snop  }
0x3b: {  	_ = 	snop  }
0x3c: {  	p2 =	seq.s32 s10, $0x1;
	s10 =	sld [smem:$0x3FAF]  }
0x3d: {  	_ =	shalt  }
0x3e: {  	_ =	shalt  }
0x3f: {  	_ =	shalt  }
0x40: {  	_ =	shalt  }
0x41: {  	_ =	shalt  }
0x42: {  	_ =	shalt  }
0x43: {  	_ =	shalt  }
0x44: {  	_ =	shalt  }
0x45: {  	_ =	shalt  }
0x46: {  	_ =	shalt  }
0x47: {  	_ =	shalt  }
0x48: {  	_ =	shalt  }
0x49: {  	_ =	shalt  }
0x4a: {  	_ =	shalt  }
0x4b: {  	_ =	shalt  }
0x4c: {  	_ =	shalt  }
0x4d: {  	_ =	shalt  }
0x4e: {  	_ =	shalt  }
0x4f: {  	_ =	shalt  }
0x50: {  	_ =	shalt  }
0x51: {  	_ =	shalt  }
0x52: {  	_ =	shalt  }
0x53: {  	_ =	shalt  }
0x54: {  	_ =	shalt  }
0x55: {  	_ =	shalt  }
0x56: {  	_ =	shalt  }
0x57: {  	_ =	shalt  }
0x58: {  	_ =	shalt  }
0x59: {  	_ =	shalt  }
0x5a: {  	_ =	shalt  }
0x5b: {  	_ =	shalt  }
0x5c: {  	_ =	shalt  }
0x5d: {  	_ =	shalt  }
0x5e: {  	_ =	shalt  }
0x5f: {  	_ =	shalt  }
0x60: {  	_ =	shalt  }
0x61: {  	_ =	shalt  }
0x62: {  	_ =	shalt  }
0x63: {  	_ =	shalt  }
0x64: {  	_ =	shalt  }
0x65: {  	_ =	shalt  }
0x66: {  	_ =	shalt  }
0x67: {  	_ =	shalt  }
0x68: {  	_ =	shalt  }
0x69: {  	_ =	shalt  }
0x6a: {  	_ =	shalt  }
0x6b: {  	_ =	shalt  }
0x6c: {  	_ =	shalt  }
0x6d: {  	_ =	shalt  }
0x6e: {  	_ =	shalt  }
0x6f: {  	_ =	shalt  }
0x70: {  	_ =	shalt  }
0x71: {  	_ =	shalt  }
0x72: {  	_ =	shalt  }
0x73: {  	_ =	shalt  }
0x74: {  	_ =	shalt  }
0x75: {  	_ =	shalt  }
0x76: {  	_ =	shalt  }
0x77: {  	_ =	shalt  }
0x78: {  	_ =	shalt  }
0x79: {  	_ =	shalt  }
0x7a: {  	_ =	shalt  }
0x7b: {  	_ =	shalt  }
0x7c: {  	_ =	shalt  }
0x7d: {  	_ =	shalt  }
0x7e: {  	_ =	shalt  }
0x7f: {  	_ =	shalt  }
0x80: {  	_ =	shalt  }
0x81: {  	_ =	shalt  }
0x82: {  	_ =	shalt  }
0x83: {  	_ =	shalt  }
0x84: {  	_ =	shalt  }
0x85: {  	_ =	shalt  }
0x86: {  	_ =	shalt  }
0x87: {  	_ =	shalt  }
.Lfunc_end0:
.L_simem_size_0:
called_computation.2_lowered:
.L_overlay_start_0:
0x88: {  	s2 =	sld [smem:$0x3FD9]  }
0x89: {  	s3 =	sld [smem:$0x3FFE];
	_ =	sdelay $0x1  }
0x8a: {  	s1 =	srdreg.scid  }
0x8b: {  	s0 =	sand.u32 $0x1, s1  }
0x8c: {  	s16 =	sshll.u32 s0, $0xA;
	s2 =	sadd.s32 s3, s2  }
0x8d: {  	s2 =	sadd.s32 s2, s16  }
0x8e: {  	[smem:$0x3FBB] =	sst s2  }
0x8f: {  	_ = 	snop  }
0x90: {  	(tm) =	ssettm $0x1  }
0x91: {  	s17 =	sld [smem:$0x3FFB];
	_ =	sdelay $0x3  }
0x92: {  	_ =	strace s17  }
0x93: {  	s2 =	sld [smem:$0x3FFC];
	_ =	sdelay $0x3  }
0x94: {  	_ =	strace s2  }
0x95: {  	s2 =	sld [smem:$0x3FFD];
	_ =	sdelay $0x3  }
0x96: {  	_ =	strace s2  }
0x97: {  	_ =	strace $0x8FFFFFFF  }
0x98: {  	s18 =	sld [smem:$0x3FDB];
	_ =	sdelay $0x1  }
0x99: {  	s19 =	simm.s32 $_scs_section_size  }
0x9a: {  	s4 =	simm.s32 $_size__tile_overlayer_lowered;
	s5 =	simm.s32 $_tile_overlayer_lowered  }
0x9b: {  	s22 =	simm.s32 $0x1BFF;
	s21 =	sshll.u32 s5, $0x1;
	s2 =	sadd.s32 s19, s18  }
0x9c: {  	s6 =	simm.s32 $0x0;
	s20 =	sshll.u32 s4, $0x1;
	s4 =	sadd.s32 s21, s2  }
0x9d: {  	[timem:s6], [sflag:s22] =	dma.local [hbm:s4], s20  }
0x9e: {  	_ =	swait.ge [sflag:s22], s20  }
0x9f: {  	s3 =	ssub.s32 $0x0, s20;
	[sflag:s22] =	ssyncset.done $0x0  }
0xa0: {  	[sflag:s22] =	ssyncadd.s32 s3;
	_ =	sdelay $0x1  }
0xa1: {  	s23 =	simm.s32 $0x1B8B  }
0xa2: {  	_ =	swait.ge [sflag:s23], $0x1  }
0xa3: {  	[sflag:s23] =	ssyncset.done $0x0  }
0xa4: {  	s25 =	simm.s32 $0x1B8E;
	s24 =	sld [smem:$0x3FFE];
	[sflag:s23] =	ssyncadd.s32 $0xFFFFFFFF  }
0xa5: {  	s26 =	simm.s32 $execute0_lowered;
	[smem:$0x3FD2] =	sst s25  }
0xa6: {  	s4 =	sshll.u32 s26, $0x1;
	_ =	strace $0x8000004C;
	[dreg:$0x1] =	wrdreg $0xFFFFFFFF  }
0xa7: {  	s28 =	simm.s32 $_size_execute0_lowered;
	s2 =	sadd.s32 s2, s4;
	[dreg:$0x0] =	wrdreg $0x0  }
0xa8: {  	s4 =	sshll.u32 s28, $0x1;
	[dreg:$0x2] =	wrdreg s2  }
0xa9: {  	[dreg:$0x3] =	wrdreg s4  }
0xaa: {  	[dreg:$0x4] =	wrdreg $0xC0  }
0xab: {  	_ =	task [dreg:s6], $0x5FFFF  }
0xac: {  	[dreg:$0x1] =	wrdreg $0xFFFFFFFF  }
0xad: {  	[dreg:$0x0] =	wrdreg $0x60  }
0xae: {  	[dreg:$0x2] =	wrdreg s24  }
0xaf: {  	[dreg:$0x3] =	wrdreg $0x138000  }
0xb0: {  	[dreg:$0x4] =	wrdreg $0xE8000  }
0xb1: {  	[dreg:$0x5] =	wrdreg $0x9  }
0xb2: {  	_ =	task.clear_ibuf [dreg:s6], $0x6FFFF;
	_ =	strace $0x9000004C  }
0xb3: {  	s29 =	simm.s32 $0x9;
	_ =	strace $0x8000004E  }
0xb4: {  	_ =	swait.ge [sflag:s29], $0x1  }
0xb5: {  	[sflag:s29] =	ssyncadd.s32 $0xFFFFFFFF  }
0xb6: {  	_ =	strace $0x9000004E  }
0xb7: {  	_ =	sfence  }
0xb8: {  	s30 =	sld [smem:$0x0];
	_ =	sdelay $0x2  }
0xb9: {  	s31 =	sshll.u32 s1, $0xD;
	s1 =	sshrl.u32 s1, $0x2  }
0xba: {  	s3 =	sand.u32 $0x4000, s31;
	s1 =	sadd.s32 s1, s30  }
0xbb: {  	s0 =	sor.u32 s3, s0;
	s1 =	sshll.u32 s1, $0x11  }
0xbc: {  	s0 =	sor.u32 s1, s0  }
0xbd: {  	s0 =	sadd.s32 $0x8F2B, s0  }
0xbe: {  	[sflag:s0] =	ssyncadd.remote.s32 $0x1  }
0xbf: {  	_ =	sfence.sel $0xFFFF  }
0xc0: {  	[dreg:$0x0] =	wrdreg $0xFFFFFFFF;
	(pc) =	sbr.abs _section_cstart, $3  }
0xc1: {  	[dreg:$0x1] =	wrdreg $0xFFFFFFFF  }
0xc2: {  	_ =	task.clear_ibuf [dreg:s6], $0x2FFFF;
	_ =	strace $0x9FFFFFFF  }
0xc3: {  	(tm) =	ssettm $0x7FFFFFFF  }
tec
execute0_lowered:
.L_overlay_start_1:
0x0: {  	(tag) =	ssettag $0x1  }
0x1: {  	s0 =	srdreg.scid  }
0x2: {  	s9 =	stileid.u32;
	s2 =	simm.s32 $0x1;
	s6 =	rddreg [dreg:$0x0]  }
0x3: {  	s3 =	rddreg [dreg:$0x2];
	s5 =	simm.s32 $0x0;
	s0 =	sand.u32 $0x1, s0  }
0x4: {  	s4 =	sand.u32 $0x7, s9;
	s24 =	smul.u32 $0x4E2, s9;
	s1 =	sshll.u32 s0, $0x4  }
0x5: {  	[smem:$0x7FF] =	sst s5;
	s25 =	smul.u32 $0x4E20, s9;
	s1 =	sor.u32 s9, s1  }
0x6: {  	s8 =	smul.u32 $0x14000, s9;
	p1 =	sne.s32 s4, $0x0;
	p0 =	seq.s32 s1, $0x0  }
0x7: {  	s7 =	smul.u32 $0x4E20, s0;
	s0 =	ssub.s32 $0x2, s0;
	p0 =	por !p1, !p0  }
0x8: {  	s4 =	smul.u32 $0x5000, s4;
	s26 =	sshrl.u32 s0, $0x1;
	p0 =	por !p0, !p0  }
0x9: {  	s9 =	sshll.u32 s9, $0x6;
	s1 =	sshrl.u32 s1, $0x3;
	s2 =	simm.s32 @!p0 $0x0  }
0xa: {  	s0 =	ssub.s32 s0, s26;
	s1 =	ssub.s32 s1, s2;
	s2 =	rddreg [dreg:$0x1]  }
0xb: {  	s14 =	sor.u32 $0x1C03, s9;
	_ =	strace $0x8000004D;
	[dreg:$0x6] =	wrdreg s9  }
0xc: {  	s15 =	sadd.s32 s25, s3;
	s0 =	smax.u32 s0, $0x1;
	[dreg:$0x8] =	wrdreg s14  }
0xd: {  	s26 =	sshrl.u32 s15, $0x3;
	[dreg:$0xb] =	wrdreg s0;
	s1 =	smul.u32 $0x28000, s1  }
0xe: {  	s12 =	sshrl.u32 s8, $0x2;
	[dreg:$0x16] =	wrdreg s26;
	s11 =	sadd.s32 s25, s2  }
0xf: {  	s25 =	sshrl.u32 s11, $0x3;
	s1 =	sadd.s32 s4, s1;
	s4 =	sadd.s32 s24, s7  }
0x10: {  	[dreg:$0x15] =	wrdreg s25;
	s1 =	sshrl.u32 s1, $0x3;
	s4 =	sshll.u32 s4, $0x1  }
0x11: {  	s1 =	sadd.s32 s1, s6;
	s4 =	sadd.s32 s4, s6;
	s6 =	sadd.s32 s12, s3  }
0x12: {  	s28 =	simm.s32 $0x9;
	s10 =	sadd.s32 $0xD000, s1;
	[dreg:$0x9] =	wrdreg s6  }
0x13: {  	s29 =	simm.s32 $0x2;
	s1 =	sadd.s32 $0x21000, s1;
	[dreg:$0x4] =	wrdreg s10  }
0x14: {  	s30 =	simm.s32 $0x3;
	s13 =	sadd.s32 $0x35000, s4;
	[dreg:$0x5] =	wrdreg s1  }
0x15: {  	s31 =	simm.s32 $0x80;
	s4 =	sadd.s32 $0x48A00, s4;
	[dreg:$0x7] =	wrdreg s13  }
0x16: {  	s5 =	simm.s32 $0x1;
	s16 =	sadd.s32 $0x800, s6;
	[dreg:$0xa] =	wrdreg s4  }
0x17: {  	s8 =	simm.s32 $0x7;
	s17 =	sadd.s32 $0x1000, s6;
	[dreg:$0xc] =	wrdreg s16  }
0x18: {  	s15 =	simm.s32 $0x8;
	s18 =	sadd.s32 $0x1800, s6;
	[dreg:$0xd] =	wrdreg s17  }
0x19: {  	s0 =	simm.s32 $0xA800;
	s19 =	sadd.s32 $0x2000, s6;
	[dreg:$0xe] =	wrdreg s18  }
0x1a: {  	s9 =	simm.s32 $0xD000;
	s20 =	sadd.s32 $0x2800, s6;
	[dreg:$0xf] =	wrdreg s19  }
0x1b: {  	s14 =	simm.s32 $0x6;
	s21 =	sadd.s32 $0x3000, s6;
	[dreg:$0x10] =	wrdreg s20  }
0x1c: {  	s7 =	simm.s32 $0xC800;
	s22 =	sadd.s32 $0x3800, s6;
	[dreg:$0x11] =	wrdreg s21  }
0x1d: {  	s25 =	simm.s32 $0x0;
	s23 =	sadd.s32 $0x4000, s6;
	[dreg:$0x12] =	wrdreg s22  }
0x1e: {  	s12 =	simm.s32 $0x4;
	s24 =	sadd.s32 $0x4800, s6;
	[dreg:$0x13] =	wrdreg s23  }
.Ltmp0:
0x1f: {  	s6 =	simm.s32 $0xC000;
	[dreg:$0x14] =	wrdreg s24;
	(pc) =	sbr.rel .LBB2_1-.Ltmp0, $4  }
0x20: {  	s1 =	simm.s32 $0xA000;
	s23 =	simm.s32 $0xB000;
	s4 =	simm.s32 $0xB800  }
0x21: {  	s10 =	simm.s32 $0xD800;
	s13 =	simm.s32 $0x5;
	s16 =	simm.s32 $0xA  }
0x22: {  	s17 =	simm.s32 $0xB;
	s18 =	simm.s32 $0xC;
	s19 =	simm.s32 $0xD  }
0x23: {  	v0 =	vimm.f32 $0.0e+00;
	s20 =	simm.s32 $0xE;
	s21 =	simm.s32 $0xF;
	s22 =	simm.s32 $0x10  }
.LBB2_6:
0x24: {  	_ =	swait.ge [sflag:s16], $0x800  }
0x25: {  	[sflag:s16] =	ssyncset.done $0x0  }
0x26: {  	[sflag:s16] =	ssyncadd.s32 $0xFFFFF800  }
0x27: {  	_ =	swait.ge [sflag:s17], $0x800  }
0x28: {  	[sflag:s17] =	ssyncset.done $0x0  }
0x29: {  	[sflag:s17] =	ssyncadd.s32 $0xFFFFF800  }
0x2a: {  	_ =	swait.ge [sflag:s18], $0x800  }
0x2b: {  	[sflag:s18] =	ssyncset.done $0x0  }
0x2c: {  	[sflag:s18] =	ssyncadd.s32 $0xFFFFF800  }
0x2d: {  	_ =	swait.ge [sflag:s19], $0x800  }
0x2e: {  	[sflag:s19] =	ssyncset.done $0x0  }
0x2f: {  	[sflag:s19] =	ssyncadd.s32 $0xFFFFF800  }
0x30: {  	_ =	swait.ge [sflag:s20], $0x800  }
0x31: {  	[sflag:s20] =	ssyncset.done $0x0  }
0x32: {  	[sflag:s20] =	ssyncadd.s32 $0xFFFFF800  }
0x33: {  	_ =	swait.ge [sflag:s21], $0x800  }
0x34: {  	[sflag:s21] =	ssyncset.done $0x0  }
0x35: {  	[sflag:s21] =	ssyncadd.s32 $0xFFFFF800  }
0x36: {  	_ =	swait.ge [sflag:s22], $0x800  }
0x37: {  	[sflag:s22] =	ssyncset.done $0x0  }
0x38: {  	[sflag:s22] =	ssyncadd.s32 $0xFFFFF800  }
0x39: {  	[bflag:$0x0] =	sbarrier.arrive $0xFFFF  }
0x3a: {  	s11 =	rddreg [dreg:$0x6]  }
0x3b: {  	s24 =	rddreg [dreg:$0xa]  }
0x3c: {  	s26 =	rddreg [dreg:$0x16];
	s11 =	sor.u32 $0x1C11, s11  }
0x3d: {  	[hbm:s24], [sflag:s11] =	dma.local [spmem:s26], $0x9C4  }
0x3e: {  	s24 =	simm.s32 $0x11  }
0x3f: {  	_ =	swait.ge [sflag:s24], $0x9C4  }
0x40: {  	s25 =	sadd.s32 $0x1, s25;
	s26 =	rddreg [dreg:$0xb]  }
0x41: {  	p0 =	sne.s32 s25, s26  }
.Ltmp1:
0x42: {  	_ = 	snop;
	(pc) =	sbr.rel @!p0 .LBB2_7-.Ltmp1, $3  }
0x43: {  	_ =	sdelay $0x1  }
0x44: {  	[sflag:s24] =	ssyncset.done $0x0  }
0x45: {  	[sflag:s24] =	ssyncadd.s32 $0xFFFFF63C  }
.LBB2_1:
0x46: {  	s11 =	simm.s32 $0x0;
	s24 =	rddreg [dreg:$0x4]  }
0x47: {  	[tilespmem:s11], [sflag:$0x1] =	stream.linear.gather [hbm4b:s24+s11], $0x5000, $0x38;
	[tilespmem:$0x18620] =	vst v63  }
0x48: {  	s26 =	simm.s32 $0x5000;
	s24 =	rddreg [dreg:$0x5]  }
0x49: {  	[tilespmem:s26], [sflag:$0x2] =	stream.linear.gather [hbm4b:s24+s11], $0x5000, $0x38;
	[tilespmem:$0x18620] =	vst v63  }
0x4a: {  	s11 =	rddreg [dreg:$0x7]  }
0x4b: {  	s24 =	rddreg [dreg:$0x8]  }
0x4c: {  	s26 =	rddreg [dreg:$0x15]  }
0x4d: {  	[spmem:s26], [sflag:s24] =	dma.local [hbm:s11], $0x9C4  }
0x4e: {  	s11 =	simm.s32 $0x40;
	s24 =	simm.s32 $0x0  }
.LBB2_2:
0x4f: {  	p0 =	sne.s32 s11, $0x1FC0;
	[tilespmem:s24+$0xE000] =	vst v0;
	s24 =	smov.u32 s11;
	s11 =	sadd.s32 $0x40, s11  }
.Ltmp2:
0x50: {  	(pc) =	sbr.rel @p0 .LBB2_2-.Ltmp2, $2  }
0x51: {  	_ =	sdelay $0x2  }
0x52: {  	s24 =	sshra.s32 s24, $0x2  }
0x53: {  	[tilespmem:s24+$0xE000] =	vst v0;
	s11 =	rddreg [dreg:$0x9];
	s24 =	simm.s32 $0xE000  }
0x54: {  	[spmem:s11] =	stream.linear.scatter [tilespmem:s24], [sflag:$0x9], $0x800, $0x38;
	[tilespmem:$0x18620] =	vst v63  }
0x55: {  	s26 =	rddreg [dreg:$0xc]  }
0x56: {  	[spmem:s26] =	stream.linear.scatter [tilespmem:s24], [sflag:$0x9], $0x800, $0x38;
	[tilespmem:$0x18620] =	vst v63  }
0x57: {  	s26 =	rddreg [dreg:$0xd]  }
0x58: {  	[spmem:s26] =	stream.linear.scatter [tilespmem:s24], [sflag:$0x9], $0x800, $0x38;
	[tilespmem:$0x18620] =	vst v63  }
0x59: {  	s26 =	rddreg [dreg:$0xe]  }
0x5a: {  	[spmem:s26] =	stream.linear.scatter [tilespmem:s24], [sflag:$0x9], $0x800, $0x38;
	[tilespmem:$0x18620] =	vst v63  }
0x5b: {  	s26 =	rddreg [dreg:$0xf]  }
0x5c: {  	[spmem:s26] =	stream.linear.scatter [tilespmem:s24], [sflag:$0x9], $0x800, $0x38;
	[tilespmem:$0x18620] =	vst v63  }
0x5d: {  	s26 =	rddreg [dreg:$0x10]  }
0x5e: {  	[spmem:s26] =	stream.linear.scatter [tilespmem:s24], [sflag:$0x9], $0x800, $0x38;
	[tilespmem:$0x18620] =	vst v63  }
0x5f: {  	s26 =	rddreg [dreg:$0x11]  }
0x60: {  	[spmem:s26] =	stream.linear.scatter [tilespmem:s24], [sflag:$0x9], $0x800, $0x38;
	[tilespmem:$0x18620] =	vst v63  }
0x61: {  	s26 =	rddreg [dreg:$0x12]  }
0x62: {  	[spmem:s26] =	stream.linear.scatter [tilespmem:s24], [sflag:$0x9], $0x800, $0x38;
	[tilespmem:$0x18620] =	vst v63  }
0x63: {  	s26 =	rddreg [dreg:$0x13]  }
0x64: {  	[spmem:s26] =	stream.linear.scatter [tilespmem:s24], [sflag:$0x9], $0x800, $0x38;
	[tilespmem:$0x18620] =	vst v63  }
0x65: {  	s26 =	rddreg [dreg:$0x14]  }
0x66: {  	[spmem:s26] =	stream.linear.scatter [tilespmem:s24], [sflag:$0x9], $0x800, $0x38;
	[tilespmem:$0x18620] =	vst v63  }
0x67: {  	_ =	swait.ge [sflag:s28], $0x800  }
0x68: {  	[sflag:s28] =	ssyncset.done $0x0  }
0x69: {  	[sflag:s28] =	ssyncadd.s32 $0xFFFFF800  }
0x6a: {  	_ =	swait.ge [sflag:s28], $0x800  }
0x6b: {  	[sflag:s28] =	ssyncset.done $0x0  }
0x6c: {  	[sflag:s28] =	ssyncadd.s32 $0xFFFFF800  }
0x6d: {  	_ =	swait.ge [sflag:s28], $0x800  }
0x6e: {  	[sflag:s28] =	ssyncset.done $0x0  }
0x6f: {  	[sflag:s28] =	ssyncadd.s32 $0xFFFFF800  }
0x70: {  	_ =	swait.ge [sflag:s28], $0x800  }
0x71: {  	[sflag:s28] =	ssyncset.done $0x0  }
0x72: {  	[sflag:s28] =	ssyncadd.s32 $0xFFFFF800  }
0x73: {  	_ =	swait.ge [sflag:s28], $0x800  }
0x74: {  	[sflag:s28] =	ssyncset.done $0x0  }
0x75: {  	[sflag:s28] =	ssyncadd.s32 $0xFFFFF800  }
0x76: {  	_ =	swait.ge [sflag:s28], $0x800  }
0x77: {  	[sflag:s28] =	ssyncset.done $0x0  }
0x78: {  	[sflag:s28] =	ssyncadd.s32 $0xFFFFF800  }
0x79: {  	_ =	swait.ge [sflag:s28], $0x800  }
0x7a: {  	[sflag:s28] =	ssyncset.done $0x0  }
0x7b: {  	[sflag:s28] =	ssyncadd.s32 $0xFFFFF800  }
0x7c: {  	_ =	swait.ge [sflag:s28], $0x800  }
0x7d: {  	[sflag:s28] =	ssyncset.done $0x0  }
0x7e: {  	[sflag:s28] =	ssyncadd.s32 $0xFFFFF800  }
0x7f: {  	_ =	swait.ge [sflag:s28], $0x800  }
0x80: {  	[sflag:s28] =	ssyncset.done $0x0  }
0x81: {  	[sflag:s28] =	ssyncadd.s32 $0xFFFFF800  }
0x82: {  	_ =	swait.ge [sflag:s28], $0x800  }
0x83: {  	[sflag:s28] =	ssyncset.done $0x0  }
0x84: {  	[sflag:s28] =	ssyncadd.s32 $0xFFFFF800  }
0x85: {  	_ =	swait.ge [sflag:s5], $0x5000  }
0x86: {  	[sflag:s5] =	ssyncset.done $0x0  }
0x87: {  	[sflag:s5] =	ssyncadd.s32 $0xFFFFB000  }
0x88: {  	_ =	swait.ge [sflag:s29], $0x5000  }
0x89: {  	[sflag:s29] =	ssyncset.done $0x0  }
0x8a: {  	[sflag:s29] =	ssyncadd.s32 $0xFFFFB000  }
0x8b: {  	_ =	swait.ge [sflag:s30], $0x9C4  }
0x8c: {  	[sflag:s30] =	ssyncset.done $0x0  }
0x8d: {  	[sflag:s30] =	ssyncadd.s32 $0xFFFFF63C  }
0x8e: {  	s11 =	simm.s32 $0x0;
	[bflag:$0x0] =	sbarrier.arrive $0xFFFF  }
0x8f: {  	[tilespmem:s1], [sflag:$0x1] =	stream.indirect.gather [spmem:s2], $0x10, s11, s31, $0xb8;
	[tilespmem:$0x18620] =	vst v63  }
0x90: {  	_ = 	snop  }
0x91: {  	[tilespmem:s0], [sflag:$0x2] =	stream.indirect.gather [spmem:s2], $0x10, s31, s31, $0xb8;
	[tilespmem:$0x18620] =	vst v63  }
0x92: {  	s26 =	simm.s32 $0x100  }
0x93: {  	[tilespmem:s23], [sflag:$0x3] =	stream.indirect.gather [spmem:s2], $0x10, s26, s31, $0xb8;
	[tilespmem:$0x18620] =	vst v63  }
0x94: {  	s26 =	simm.s32 $0x180  }
0x95: {  	[tilespmem:s4], [sflag:$0x4] =	stream.indirect.gather [spmem:s2], $0x10, s26, s31, $0xb8;
	[tilespmem:$0x18620] =	vst v63  }
0x96: {  	s26 =	simm.s32 $0x200  }
0x97: {  	[tilespmem:s6], [sflag:$0x5] =	stream.indirect.gather [spmem:s2], $0x10, s26, s31, $0xb8;
	[tilespmem:$0x18620] =	vst v63  }
0x98: {  	s26 =	simm.s32 $0x280  }
0x99: {  	[tilespmem:s7], [sflag:$0x6] =	stream.indirect.gather [spmem:s2], $0x10, s26, s31, $0xb8;
	[tilespmem:$0x18620] =	vst v63  }
0x9a: {  	s26 =	simm.s32 $0x300  }
0x9b: {  	[tilespmem:s9], [sflag:$0x7] =	stream.indirect.gather [spmem:s2], $0x10, s26, s31, $0xb8;
	[tilespmem:$0x18620] =	vst v63  }
0x9c: {  	s26 =	simm.s32 $0x380  }
0x9d: {  	[tilespmem:s10], [sflag:$0x8] =	stream.indirect.gather [spmem:s2], $0x10, s26, s31, $0xb8;
	[tilespmem:$0x18620] =	vst v63  }
.LBB2_4:
0x9e: {  	_ =	swait.ge [sflag:s5], $0x800  }
0x9f: {  	s24 =	sshra.s32 s11, $0x2;
	[sflag:s5] =	ssyncset.done $0x0  }
0xa0: {  	s26 =	sadd.s32 $0x5000, s24;
	[sflag:s5] =	ssyncadd.s32 $0xFFFFF800  }
0xa1: {  	[spmem:s3] =	stream.indirect.scatter.add.f32 [tilespmem:s1], [sflag:$0x9], $0x10, s26, s31, $0xb8;
	[tilespmem:$0x18620] =	vst v63  }
0xa2: {  	_ =	swait.ge [sflag:s29], $0x800  }
0xa3: {  	[sflag:s29] =	ssyncset.done $0x0  }
0xa4: {  	s26 =	sadd.s32 $0x5080, s24;
	[sflag:s29] =	ssyncadd.s32 $0xFFFFF800  }
0xa5: {  	[spmem:s3] =	stream.indirect.scatter.add.f32 [tilespmem:s0], [sflag:$0xA], $0x10, s26, s31, $0xb8;
	[tilespmem:$0x18620] =	vst v63  }
0xa6: {  	_ =	swait.ge [sflag:s30], $0x800  }
0xa7: {  	[sflag:s30] =	ssyncset.done $0x0  }
0xa8: {  	s26 =	sadd.s32 $0x5100, s24;
	[sflag:s30] =	ssyncadd.s32 $0xFFFFF800  }
0xa9: {  	[spmem:s3] =	stream.indirect.scatter.add.f32 [tilespmem:s23], [sflag:$0xB], $0x10, s26, s31, $0xb8;
	[tilespmem:$0x18620] =	vst v63  }
0xaa: {  	_ =	swait.ge [sflag:s12], $0x800  }
0xab: {  	[sflag:s12] =	ssyncset.done $0x0  }
0xac: {  	s26 =	sadd.s32 $0x5180, s24;
	[sflag:s12] =	ssyncadd.s32 $0xFFFFF800  }
0xad: {  	[spmem:s3] =	stream.indirect.scatter.add.f32 [tilespmem:s4], [sflag:$0xC], $0x10, s26, s31, $0xb8;
	[tilespmem:$0x18620] =	vst v63  }
0xae: {  	_ =	swait.ge [sflag:s13], $0x800  }
0xaf: {  	[sflag:s13] =	ssyncset.done $0x0  }
0xb0: {  	s26 =	sadd.s32 $0x5200, s24;
	[sflag:s13] =	ssyncadd.s32 $0xFFFFF800  }
0xb1: {  	[spmem:s3] =	stream.indirect.scatter.add.f32 [tilespmem:s6], [sflag:$0xD], $0x10, s26, s31, $0xb8;
	[tilespmem:$0x18620] =	vst v63  }
0xb2: {  	_ =	swait.ge [sflag:s14], $0x800  }
0xb3: {  	[sflag:s14] =	ssyncset.done $0x0  }
0xb4: {  	s26 =	sadd.s32 $0x5280, s24;
	[sflag:s14] =	ssyncadd.s32 $0xFFFFF800  }
0xb5: {  	[spmem:s3] =	stream.indirect.scatter.add.f32 [tilespmem:s7], [sflag:$0xE], $0x10, s26, s31, $0xb8;
	[tilespmem:$0x18620] =	vst v63  }
0xb6: {  	_ =	swait.ge [sflag:s8], $0x800  }
0xb7: {  	[sflag:s8] =	ssyncset.done $0x0  }
0xb8: {  	s26 =	sadd.s32 $0x5300, s24;
	[sflag:s8] =	ssyncadd.s32 $0xFFFFF800  }
0xb9: {  	[spmem:s3] =	stream.indirect.scatter.add.f32 [tilespmem:s9], [sflag:$0xF], $0x10, s26, s31, $0xb8;
	[tilespmem:$0x18620] =	vst v63  }
0xba: {  	_ =	swait.ge [sflag:s15], $0x800  }
0xbb: {  	p0 =	seq.s32 s11, $0x13000;
	[sflag:s15] =	ssyncset.done $0x0  }
.Ltmp3:
0xbc: {  	s26 =	sadd.s32 $0x5380, s24;
	[sflag:s15] =	ssyncadd.s32 $0xFFFFF800;
	(pc) =	sbr.rel @p0 .LBB2_6-.Ltmp3, $4  }
0xbd: {  	[spmem:s3] =	stream.indirect.scatter.add.f32 [tilespmem:s10], [sflag:$0x10], $0x10, s26, s31, $0xb8;
	[tilespmem:$0x18620] =	vst v63  }
0xbe: {  	_ =	swait.ge [sflag:s28], $0x800  }
0xbf: {  	[sflag:s28] =	ssyncset.done $0x0  }
0xc0: {  	[sflag:s28] =	ssyncadd.s32 $0xFFFFF800  }
0xc1: {  	s26 =	sadd.s32 $0x400, s24  }
0xc2: {  	[tilespmem:s1], [sflag:$0x1] =	stream.indirect.gather [spmem:s2], $0x10, s26, s31, $0xb8;
	[tilespmem:$0x18620] =	vst v63  }
0xc3: {  	_ =	swait.ge [sflag:s16], $0x800  }
0xc4: {  	[sflag:s16] =	ssyncset.done $0x0  }
0xc5: {  	s26 =	sadd.s32 $0x480, s24;
	[sflag:s16] =	ssyncadd.s32 $0xFFFFF800  }
0xc6: {  	[tilespmem:s0], [sflag:$0x2] =	stream.indirect.gather [spmem:s2], $0x10, s26, s31, $0xb8;
	[tilespmem:$0x18620] =	vst v63  }
0xc7: {  	_ =	swait.ge [sflag:s17], $0x800  }
0xc8: {  	[sflag:s17] =	ssyncset.done $0x0  }
0xc9: {  	s26 =	sadd.s32 $0x500, s24;
	[sflag:s17] =	ssyncadd.s32 $0xFFFFF800  }
0xca: {  	[tilespmem:s23], [sflag:$0x3] =	stream.indirect.gather [spmem:s2], $0x10, s26, s31, $0xb8;
	[tilespmem:$0x18620] =	vst v63  }
0xcb: {  	_ =	swait.ge [sflag:s18], $0x800  }
0xcc: {  	[sflag:s18] =	ssyncset.done $0x0  }
0xcd: {  	s26 =	sadd.s32 $0x580, s24;
	[sflag:s18] =	ssyncadd.s32 $0xFFFFF800  }
0xce: {  	[tilespmem:s4], [sflag:$0x4] =	stream.indirect.gather [spmem:s2], $0x10, s26, s31, $0xb8;
	[tilespmem:$0x18620] =	vst v63  }
0xcf: {  	_ =	swait.ge [sflag:s19], $0x800  }
0xd0: {  	[sflag:s19] =	ssyncset.done $0x0  }
0xd1: {  	s26 =	sadd.s32 $0x600, s24;
	[sflag:s19] =	ssyncadd.s32 $0xFFFFF800  }
0xd2: {  	[tilespmem:s6], [sflag:$0x5] =	stream.indirect.gather [spmem:s2], $0x10, s26, s31, $0xb8;
	[tilespmem:$0x18620] =	vst v63  }
0xd3: {  	_ =	swait.ge [sflag:s20], $0x800  }
0xd4: {  	[sflag:s20] =	ssyncset.done $0x0  }
0xd5: {  	s26 =	sadd.s32 $0x680, s24;
	[sflag:s20] =	ssyncadd.s32 $0xFFFFF800  }
0xd6: {  	[tilespmem:s7], [sflag:$0x6] =	stream.indirect.gather [spmem:s2], $0x10, s26, s31, $0xb8;
	[tilespmem:$0x18620] =	vst v63  }
0xd7: {  	_ =	swait.ge [sflag:s21], $0x800  }
0xd8: {  	[sflag:s21] =	ssyncset.done $0x0  }
0xd9: {  	s26 =	sadd.s32 $0x700, s24;
	[sflag:s21] =	ssyncadd.s32 $0xFFFFF800  }
0xda: {  	[tilespmem:s9], [sflag:$0x7] =	stream.indirect.gather [spmem:s2], $0x10, s26, s31, $0xb8;
	[tilespmem:$0x18620] =	vst v63  }
.Ltmp4:
0xdb: {  	_ = 	snop;
	(pc) =	sbr.rel .LBB2_4-.Ltmp4, $4  }
0xdc: {  	_ =	swait.ge [sflag:s22], $0x800  }
0xdd: {  	[sflag:s22] =	ssyncset.done $0x0  }
0xde: {  	s11 =	sadd.s32 $0x1000, s11;
	s26 =	sadd.s32 $0x780, s24;
	[sflag:s22] =	ssyncadd.s32 $0xFFFFF800  }
0xdf: {  	[tilespmem:s10], [sflag:$0x8] =	stream.indirect.gather [spmem:s2], $0x10, s26, s31, $0xb8;
	[tilespmem:$0x18620] =	vst v63  }
.LBB2_7:
0xe0: {  	_ =	sfence.sel $0x180000  }
0xe1: {  	[bflag:$0x0] =	sbarrier.arrive $0xFFFF  }
0xe2: {  	_ =	strace $0x9000004D  }
0xe3: {  	s0 =	stileid.u32;
	[bflag:$0x2] =	sbarrier.arrive $0xFFFF  }
0xe4: {  	p0 =	sne.s32 s0, $0x0;
	s0 =	rddreg [dreg:$0x3]  }
0xe5: {  	s0 =	sadd.s32 @!p0 $0x100000, s0  }
0xe6: {  	[sflag:s0] =	ssyncadd.tile.s32 @!p0 $0x1;
	_ =	shalt  }
.Lfunc_end2:
_tile_overlayer_lowered:
.L_overlay_start_2:
0xe7: {  	(tag) =	ssettag $0x2  }
0xe8: {  	s0 =	rddreg [dreg:$0x0];
	s2 =	stileid.u32  }
0xe9: {  	s1 =	rddreg [dreg:$0x1];
	p0 =	sne.s32 s2, $0x0  }
0xea: {  	s3 =	rddreg [dreg:$0x2];
	[bflag:$0x3] =	sbarrier.arrive $0xFFFF;
	s2 =	simm.s32 @!p0 $0x1C11  }
0xeb: {  	[timem:s3], [sflag:s2] =	dma.local @!p0 [hbm:s0], s1  }
0xec: {  	s0 =	simm.s32 @!p0 $0x11  }
0xed: {  	_ =	swait.ge @!p0 [sflag:s0], s1  }
0xee: {  	s1 =	ssub.s32 @!p0 $0x0, s1;
	[sflag:s0] =	ssyncset.done @!p0 $0x0  }
0xef: {  	[sflag:s0] =	ssyncadd.s32 @!p0 s1  }
0xf0: {  	[bflag:$0x3] =	sbarrier.arrive $0xFFFF  }
0xf1: {  	_ =	shalt  }

// kernel: kernel.19.cloned.1.call-start
scs
__scs_entry_jumppad:
0x0: {  	(pc) =	sbr.rel $0x88, $3  }
0x1: {  	(tag) =	ssettag $0x0;
	lr =	simm.s32 $0x1  }
0x2: {  	[smem:$0x3F94] =	sst lr;
	_ =	strace $0xD0000000  }
0x3: {  	_ = 	snop  }
0x4: {  	_ = 	snop  }
0x5: {  	_ = 	snop  }
0x6: {  	_ = 	snop  }
0x7: {  	_ = 	snop  }
__scs_overlays_trampoline_lowered:
0x8: {  	[smem:$0x3FA3] =	sst s0  }
0x9: {  	[smem:$0x3FA4] =	sst s1  }
0xa: {  	[smem:$0x3FA5] =	sst s2  }
0xb: {  	[smem:$0x3FA6] =	sst s3  }
0xc: {  	[smem:$0x3FA7] =	sst s4  }
0xd: {  	[smem:$0x3FA8] =	sst s5  }
0xe: {  	[smem:$0x3FA9] =	sst s6  }
0xf: {  	[smem:$0x3FAA] =	sst s7  }
0x10: {  	[smem:$0x3FAB] =	sst s8  }
0x11: {  	[smem:$0x3FAC] =	sst s9;
	s0 =	simm.s32 @!p0 $0x0  }
0x12: {  	s1 =	sld [smem:$0x3F92];
	s0 =	simm.s32 @p0 $0x1  }
0x13: {  	[smem:$0x3FAD] =	sst s0;
	s0 =	simm.s32 @!p1 $0x0  }
0x14: {  	s2 =	sld [smem:$0x3F91];
	s0 =	simm.s32 @p1 $0x1  }
0x15: {  	[smem:$0x3FAE] =	sst s0;
	s0 =	simm.s32 @!p2 $0x0  }
0x16: {  	s3 =	sld [smem:$0x3FDB];
	s0 =	simm.s32 @p2 $0x1  }
0x17: {  	s4 =	simm.s32 $0x1BF5;
	[smem:$0x3FB0] =	sst s0  }
0x18: {  	s0 =	sld [smem:$0x3F93];
	_ =	swait.ge [sflag:s4], $0x0  }
0x19: {  	s7 =	sld [smem:$0x3F94]  }
0x1a: {  	s8 =	sadd.s32 $0xFFFFE003, lr  }
0x1b: {  	s9 =	sadd.s32 $0xFFFFFEF7, lr;
	s5 =	simm.s32 $0xFFFFFFFF;
	p2 =	slt.u32 s8, $0xFFFFF086  }
0x1c: {  	p1 =	slt.u32 s9, $0xF7A;
	s5 =	simm.s32 @!p2 $0x0  }
0x1d: {  	s5 =	simm.s32 @p1 $0x1;
	p0 =	seq.s32 s7, s2  }
0x1e: {  	s7 =	smul.u32 @!p0 $0xF7A, s2;
	p2 =	seq.s32 @!p0 s5, $0x0  }
0x1f: {  	s9 =	smul.u32 $0xF7A, s1;
	s8 =	simm.s32 @!p0 $0x1BF5;
	p2 =	por !p2, p0  }
0x20: {  	[sflag:s8] =	ssyncset.s32 @!p0 $0xFFFFF086;
	s6 =	sadd.s32 @!p0 s3, s7;
	s7 =	simm.s32 @!p0 $0x108  }
0x21: {  	s3 =	sadd.s32 s3, s9;
	s6 =	sadd.s32 @!p0 $0x88, s6;
	s7 =	simm.s32 @p2 $0x1082  }
0x22: {  	[simem:s7], [sflag:s8] =	dma.local @!p0 [hbm:s6], $0xF7A  }
0x23: {  	s9 =	sor.u32 $0xD0000000, s2;
	s6 =	simm.s32 $0x108;
	_ =	swait.ge @!p0 [sflag:s8], $0x0  }
0x24: {  	s3 =	sadd.s32 $0x88, s3;
	s6 =	simm.s32 @!p1 $0x1082;
	[sflag:s4] =	ssyncset.s32 $0xFFFFF086  }
0x25: {  	[simem:s6], [sflag:s4] =	dma.local [hbm:s3], $0xF7A  }
0x26: {  	[smem:$0x3F94] =	sst s1;
	(tag) =	ssettag s2;
	_ =	strace s9  }
0x27: {  	s1 =	sld [smem:$0x3FA4]  }
0x28: {  	s2 =	sld [smem:$0x3FA5]  }
0x29: {  	s4 =	sld [smem:$0x3FA7]  }
0x2a: {  	p0 =	seq.s32 s5, $0x0;
	s5 =	sld [smem:$0x3FA8]  }
0x2b: {  	s6 =	sld [smem:$0x3FA9]  }
0x2c: {  	s7 =	sld [smem:$0x3FAA]  }
0x2d: {  	s3 =	simm.s32 $0x108;
	s8 =	sld [smem:$0x3FAB]  }
0x2e: {  	s3 =	simm.s32 @!p0 $0x1082;
	s9 =	sld [smem:$0x3FAC]  }
0x2f: {  	lr =	sadd.s32 s0, s3;
	s0 =	sld [smem:$0x3FA3]  }
0x30: {  	s3 =	sld [smem:$0x3FA6]  }
0x31: {  	[smem:$0x3FAF] =	sst s10  }
0x32: {  	s10 =	sld [smem:$0x3FAD];
	_ =	sdelay $0x3  }
0x33: {  	p0 =	seq.s32 s10, $0x1;
	s10 =	sld [smem:$0x3FAF];
	_ =	sdelay $0x3  }
0x34: {  	[smem:$0x3FAF] =	sst s10  }
0x35: {  	s10 =	sld [smem:$0x3FAE];
	_ =	sdelay $0x3  }
0x36: {  	p1 =	seq.s32 s10, $0x1;
	s10 =	sld [smem:$0x3FAF];
	_ =	sdelay $0x3  }
0x37: {  	[smem:$0x3FAF] =	sst s10  }
0x38: {  	s10 =	sld [smem:$0x3FB0]  }
0x39: {  	_ = 	snop;
	(pc) =	sbr.ind lr, $3  }
0x3a: {  	_ = 	snop  }
0x3b: {  	_ = 	snop  }
0x3c: {  	p2 =	seq.s32 s10, $0x1;
	s10 =	sld [smem:$0x3FAF]  }
0x3d: {  	_ =	shalt  }
0x3e: {  	_ =	shalt  }
0x3f: {  	_ =	shalt  }
0x40: {  	_ =	shalt  }
0x41: {  	_ =	shalt  }
0x42: {  	_ =	shalt  }
0x43: {  	_ =	shalt  }
0x44: {  	_ =	shalt  }
0x45: {  	_ =	shalt  }
0x46: {  	_ =	shalt  }
0x47: {  	_ =	shalt  }
0x48: {  	_ =	shalt  }
0x49: {  	_ =	shalt  }
0x4a: {  	_ =	shalt  }
0x4b: {  	_ =	shalt  }
0x4c: {  	_ =	shalt  }
0x4d: {  	_ =	shalt  }
0x4e: {  	_ =	shalt  }
0x4f: {  	_ =	shalt  }
0x50: {  	_ =	shalt  }
0x51: {  	_ =	shalt  }
0x52: {  	_ =	shalt  }
0x53: {  	_ =	shalt  }
0x54: {  	_ =	shalt  }
0x55: {  	_ =	shalt  }
0x56: {  	_ =	shalt  }
0x57: {  	_ =	shalt  }
0x58: {  	_ =	shalt  }
0x59: {  	_ =	shalt  }
0x5a: {  	_ =	shalt  }
0x5b: {  	_ =	shalt  }
0x5c: {  	_ =	shalt  }
0x5d: {  	_ =	shalt  }
0x5e: {  	_ =	shalt  }
0x5f: {  	_ =	shalt  }
0x60: {  	_ =	shalt  }
0x61: {  	_ =	shalt  }
0x62: {  	_ =	shalt  }
0x63: {  	_ =	shalt  }
0x64: {  	_ =	shalt  }
0x65: {  	_ =	shalt  }
0x66: {  	_ =	shalt  }
0x67: {  	_ =	shalt  }
0x68: {  	_ =	shalt  }
0x69: {  	_ =	shalt  }
0x6a: {  	_ =	shalt  }
0x6b: {  	_ =	shalt  }
0x6c: {  	_ =	shalt  }
0x6d: {  	_ =	shalt  }
0x6e: {  	_ =	shalt  }
0x6f: {  	_ =	shalt  }
0x70: {  	_ =	shalt  }
0x71: {  	_ =	shalt  }
0x72: {  	_ =	shalt  }
0x73: {  	_ =	shalt  }
0x74: {  	_ =	shalt  }
0x75: {  	_ =	shalt  }
0x76: {  	_ =	shalt  }
0x77: {  	_ =	shalt  }
0x78: {  	_ =	shalt  }
0x79: {  	_ =	shalt  }
0x7a: {  	_ =	shalt  }
0x7b: {  	_ =	shalt  }
0x7c: {  	_ =	shalt  }
0x7d: {  	_ =	shalt  }
0x7e: {  	_ =	shalt  }
0x7f: {  	_ =	shalt  }
0x80: {  	_ =	shalt  }
0x81: {  	_ =	shalt  }
0x82: {  	_ =	shalt  }
0x83: {  	_ =	shalt  }
0x84: {  	_ =	shalt  }
0x85: {  	_ =	shalt  }
0x86: {  	_ =	shalt  }
0x87: {  	_ =	shalt  }
.Lfunc_end0:
.L_simem_size_0:
called_computation.3_lowered:
.L_overlay_start_0:
0x88: {  	s2 =	sld [smem:$0x3FD9]  }
0x89: {  	s3 =	sld [smem:$0x3FFE];
	_ =	sdelay $0x1  }
0x8a: {  	s1 =	srdreg.scid  }
0x8b: {  	s0 =	sand.u32 $0x1, s1  }
0x8c: {  	s16 =	sshll.u32 s0, $0xA;
	s2 =	sadd.s32 s3, s2  }
0x8d: {  	s2 =	sadd.s32 s2, s16  }
0x8e: {  	[smem:$0x3FBB] =	sst s2  }
0x8f: {  	_ = 	snop  }
0x90: {  	(tm) =	ssettm $0x1  }
0x91: {  	s17 =	sld [smem:$0x3FFB];
	_ =	sdelay $0x3  }
0x92: {  	_ =	strace s17  }
0x93: {  	s2 =	sld [smem:$0x3FFC];
	_ =	sdelay $0x3  }
0x94: {  	_ =	strace s2  }
0x95: {  	s2 =	sld [smem:$0x3FFD];
	_ =	sdelay $0x3  }
0x96: {  	_ =	strace s2  }
0x97: {  	_ =	strace $0x8FFFFFFF  }
0x98: {  	s18 =	sld [smem:$0x3FDB];
	_ =	sdelay $0x1  }
0x99: {  	s19 =	simm.s32 $_scs_section_size  }
0x9a: {  	s4 =	simm.s32 $_size__tile_overlayer_lowered;
	s5 =	simm.s32 $_tile_overlayer_lowered  }
0x9b: {  	s22 =	simm.s32 $0x1BFF;
	s21 =	sshll.u32 s5, $0x1;
	s2 =	sadd.s32 s19, s18  }
0x9c: {  	s6 =	simm.s32 $0x0;
	s20 =	sshll.u32 s4, $0x1;
	s4 =	sadd.s32 s21, s2  }
0x9d: {  	[timem:s6], [sflag:s22] =	dma.local [hbm:s4], s20  }
0x9e: {  	_ =	swait.ge [sflag:s22], s20  }
0x9f: {  	s3 =	ssub.s32 $0x0, s20;
	[sflag:s22] =	ssyncset.done $0x0  }
0xa0: {  	[sflag:s22] =	ssyncadd.s32 s3;
	_ =	sdelay $0x1  }
0xa1: {  	s23 =	simm.s32 $0x1B8B  }
0xa2: {  	_ =	swait.ge [sflag:s23], $0x1  }
0xa3: {  	[sflag:s23] =	ssyncset.done $0x0  }
0xa4: {  	s25 =	simm.s32 $0x1B8E;
	s24 =	sld [smem:$0x3FFE];
	[sflag:s23] =	ssyncadd.s32 $0xFFFFFFFF  }
0xa5: {  	s26 =	simm.s32 $execute0_lowered;
	[smem:$0x3FD2] =	sst s25  }
0xa6: {  	s4 =	sshll.u32 s26, $0x1;
	_ =	strace $0x8000004F;
	[dreg:$0x1] =	wrdreg $0xFFFFFFFF  }
0xa7: {  	s28 =	simm.s32 $_size_execute0_lowered;
	s2 =	sadd.s32 s2, s4;
	[dreg:$0x0] =	wrdreg $0x0  }
0xa8: {  	s4 =	sshll.u32 s28, $0x1;
	[dreg:$0x2] =	wrdreg s2  }
0xa9: {  	[dreg:$0x3] =	wrdreg s4  }
0xaa: {  	[dreg:$0x4] =	wrdreg $0xC0  }
0xab: {  	_ =	task [dreg:s6], $0x5FFFF  }
0xac: {  	[dreg:$0x1] =	wrdreg $0xFFFFFFFF  }
0xad: {  	[dreg:$0x0] =	wrdreg $0x60  }
0xae: {  	[dreg:$0x2] =	wrdreg s24  }
0xaf: {  	[dreg:$0x3] =	wrdreg $0x138000  }
0xb0: {  	[dreg:$0x4] =	wrdreg $0xE8000  }
0xb1: {  	[dreg:$0x5] =	wrdreg $0x9  }
0xb2: {  	_ =	task.clear_ibuf [dreg:s6], $0x6FFFF;
	_ =	strace $0x9000004F  }
0xb3: {  	s29 =	simm.s32 $0x9;
	_ =	strace $0x80000051  }
0xb4: {  	_ =	swait.ge [sflag:s29], $0x1  }
0xb5: {  	[sflag:s29] =	ssyncadd.s32 $0xFFFFFFFF  }
0xb6: {  	_ =	strace $0x90000051  }
0xb7: {  	_ =	sfence  }
0xb8: {  	s30 =	sld [smem:$0x0];
	_ =	sdelay $0x2  }
0xb9: {  	s31 =	sshll.u32 s1, $0xD;
	s1 =	sshrl.u32 s1, $0x2  }
0xba: {  	s3 =	sand.u32 $0x4000, s31;
	s1 =	sadd.s32 s1, s30  }
0xbb: {  	s0 =	sor.u32 s3, s0;
	s1 =	sshll.u32 s1, $0x11  }
0xbc: {  	s0 =	sor.u32 s1, s0  }
0xbd: {  	s0 =	sadd.s32 $0x8F2B, s0  }
0xbe: {  	[sflag:s0] =	ssyncadd.remote.s32 $0x1  }
0xbf: {  	_ =	sfence.sel $0xFFFF  }
0xc0: {  	[dreg:$0x0] =	wrdreg $0xFFFFFFFF;
	(pc) =	sbr.abs _section_cstart, $3  }
0xc1: {  	[dreg:$0x1] =	wrdreg $0xFFFFFFFF  }
0xc2: {  	_ =	task.clear_ibuf [dreg:s6], $0x2FFFF;
	_ =	strace $0x9FFFFFFF  }
0xc3: {  	(tm) =	ssettm $0x7FFFFFFF  }
tec
execute0_lowered:
.L_overlay_start_1:
0x0: {  	(tag) =	ssettag $0x1  }
0x1: {  	s0 =	srdreg.scid  }
0x2: {  	s9 =	stileid.u32;
	s2 =	simm.s32 $0x1;
	s6 =	rddreg [dreg:$0x0]  }
0x3: {  	s3 =	rddreg [dreg:$0x2];
	s5 =	simm.s32 $0x0;
	s0 =	sand.u32 $0x1, s0  }
0x4: {  	s4 =	sand.u32 $0x7, s9;
	s24 =	smul.u32 $0x4E2, s9;
	s1 =	sshll.u32 s0, $0x4  }
0x5: {  	[smem:$0x7FF] =	sst s5;
	s25 =	smul.u32 $0x4E20, s9;
	s1 =	sor.u32 s9, s1  }
0x6: {  	s8 =	smul.u32 $0x14000, s9;
	p1 =	sne.s32 s4, $0x0;
	p0 =	seq.s32 s1, $0x0  }
0x7: {  	s7 =	smul.u32 $0x4E20, s0;
	s0 =	ssub.s32 $0x2, s0;
	p0 =	por !p1, !p0  }
0x8: {  	s4 =	smul.u32 $0x5000, s4;
	s26 =	sshrl.u32 s0, $0x1;
	p0 =	por !p0, !p0  }
0x9: {  	s9 =	sshll.u32 s9, $0x6;
	s1 =	sshrl.u32 s1, $0x3;
	s2 =	simm.s32 @!p0 $0x0  }
0xa: {  	s0 =	ssub.s32 s0, s26;
	s1 =	ssub.s32 s1, s2;
	s2 =	rddreg [dreg:$0x1]  }
0xb: {  	s14 =	sor.u32 $0x1C03, s9;
	_ =	strace $0x80000050;
	[dreg:$0x6] =	wrdreg s9  }
0xc: {  	s15 =	sadd.s32 s25, s3;
	s0 =	smax.u32 s0, $0x1;
	[dreg:$0x8] =	wrdreg s14  }
0xd: {  	s26 =	sshrl.u32 s15, $0x3;
	[dreg:$0xb] =	wrdreg s0;
	s1 =	smul.u32 $0x28000, s1  }
0xe: {  	s12 =	sshrl.u32 s8, $0x2;
	[dreg:$0x16] =	wrdreg s26;
	s11 =	sadd.s32 s25, s2  }
0xf: {  	s25 =	sshrl.u32 s11, $0x3;
	s1 =	sadd.s32 s4, s1;
	s4 =	sadd.s32 s24, s7  }
0x10: {  	[dreg:$0x15] =	wrdreg s25;
	s1 =	sshrl.u32 s1, $0x3;
	s4 =	sshll.u32 s4, $0x1  }
0x11: {  	s1 =	sadd.s32 s1, s6;
	s4 =	sadd.s32 s4, s6;
	s6 =	sadd.s32 s12, s3  }
0x12: {  	s28 =	simm.s32 $0x9;
	s10 =	sadd.s32 $0xD000, s1;
	[dreg:$0x9] =	wrdreg s6  }
0x13: {  	s29 =	simm.s32 $0x2;
	s1 =	sadd.s32 $0x21000, s1;
	[dreg:$0x4] =	wrdreg s10  }
0x14: {  	s30 =	simm.s32 $0x3;
	s13 =	sadd.s32 $0x35000, s4;
	[dreg:$0x5] =	wrdreg s1  }
0x15: {  	s31 =	simm.s32 $0x80;
	s4 =	sadd.s32 $0x48A00, s4;
	[dreg:$0x7] =	wrdreg s13  }
0x16: {  	s5 =	simm.s32 $0x1;
	s16 =	sadd.s32 $0x800, s6;
	[dreg:$0xa] =	wrdreg s4  }
0x17: {  	s8 =	simm.s32 $0x7;
	s17 =	sadd.s32 $0x1000, s6;
	[dreg:$0xc] =	wrdreg s16  }
0x18: {  	s15 =	simm.s32 $0x8;
	s18 =	sadd.s32 $0x1800, s6;
	[dreg:$0xd] =	wrdreg s17  }
0x19: {  	s0 =	simm.s32 $0xA800;
	s19 =	sadd.s32 $0x2000, s6;
	[dreg:$0xe] =	wrdreg s18  }
0x1a: {  	s9 =	simm.s32 $0xD000;
	s20 =	sadd.s32 $0x2800, s6;
	[dreg:$0xf] =	wrdreg s19  }
0x1b: {  	s14 =	simm.s32 $0x6;
	s21 =	sadd.s32 $0x3000, s6;
	[dreg:$0x10] =	wrdreg s20  }
0x1c: {  	s7 =	simm.s32 $0xC800;
	s22 =	sadd.s32 $0x3800, s6;
	[dreg:$0x11] =	wrdreg s21  }
0x1d: {  	s25 =	simm.s32 $0x0;
	s23 =	sadd.s32 $0x4000, s6;
	[dreg:$0x12] =	wrdreg s22  }
0x1e: {  	s12 =	simm.s32 $0x4;
	s24 =	sadd.s32 $0x4800, s6;
	[dreg:$0x13] =	wrdreg s23  }
.Ltmp0:
0x1f: {  	s6 =	simm.s32 $0xC000;
	[dreg:$0x14] =	wrdreg s24;
	(pc) =	sbr.rel .LBB2_1-.Ltmp0, $4  }
0x20: {  	s1 =	simm.s32 $0xA000;
	s23 =	simm.s32 $0xB000;
	s4 =	simm.s32 $0xB800  }
0x21: {  	s10 =	simm.s32 $0xD800;
	s13 =	simm.s32 $0x5;
	s16 =	simm.s32 $0xA  }
0x22: {  	s17 =	simm.s32 $0xB;
	s18 =	simm.s32 $0xC;
	s19 =	simm.s32 $0xD  }
0x23: {  	v0 =	vimm.f32 $0.0e+00;
	s20 =	simm.s32 $0xE;
	s21 =	simm.s32 $0xF;
	s22 =	simm.s32 $0x10  }
.LBB2_6:
0x24: {  	_ =	swait.ge [sflag:s16], $0x800  }
0x25: {  	[sflag:s16] =	ssyncset.done $0x0  }
0x26: {  	[sflag:s16] =	ssyncadd.s32 $0xFFFFF800  }
0x27: {  	_ =	swait.ge [sflag:s17], $0x800  }
0x28: {  	[sflag:s17] =	ssyncset.done $0x0  }
0x29: {  	[sflag:s17] =	ssyncadd.s32 $0xFFFFF800  }
0x2a: {  	_ =	swait.ge [sflag:s18], $0x800  }
0x2b: {  	[sflag:s18] =	ssyncset.done $0x0  }
0x2c: {  	[sflag:s18] =	ssyncadd.s32 $0xFFFFF800  }
0x2d: {  	_ =	swait.ge [sflag:s19], $0x800  }
0x2e: {  	[sflag:s19] =	ssyncset.done $0x0  }
0x2f: {  	[sflag:s19] =	ssyncadd.s32 $0xFFFFF800  }
0x30: {  	_ =	swait.ge [sflag:s20], $0x800  }
0x31: {  	[sflag:s20] =	ssyncset.done $0x0  }
0x32: {  	[sflag:s20] =	ssyncadd.s32 $0xFFFFF800  }
0x33: {  	_ =	swait.ge [sflag:s21], $0x800  }
0x34: {  	[sflag:s21] =	ssyncset.done $0x0  }
0x35: {  	[sflag:s21] =	ssyncadd.s32 $0xFFFFF800  }
0x36: {  	_ =	swait.ge [sflag:s22], $0x800  }
0x37: {  	[sflag:s22] =	ssyncset.done $0x0  }
0x38: {  	[sflag:s22] =	ssyncadd.s32 $0xFFFFF800  }
0x39: {  	[bflag:$0x0] =	sbarrier.arrive $0xFFFF  }
0x3a: {  	s11 =	rddreg [dreg:$0x6]  }
0x3b: {  	s24 =	rddreg [dreg:$0xa]  }
0x3c: {  	s26 =	rddreg [dreg:$0x16];
	s11 =	sor.u32 $0x1C11, s11  }
0x3d: {  	[hbm:s24], [sflag:s11] =	dma.local [spmem:s26], $0x9C4  }
0x3e: {  	s24 =	simm.s32 $0x11  }
0x3f: {  	_ =	swait.ge [sflag:s24], $0x9C4  }
0x40: {  	s25 =	sadd.s32 $0x1, s25;
	s26 =	rddreg [dreg:$0xb]  }
0x41: {  	p0 =	sne.s32 s25, s26  }
.Ltmp1:
0x42: {  	_ = 	snop;
	(pc) =	sbr.rel @!p0 .LBB2_7-.Ltmp1, $3  }
0x43: {  	_ =	sdelay $0x1  }
0x44: {  	[sflag:s24] =	ssyncset.done $0x0  }
0x45: {  	[sflag:s24] =	ssyncadd.s32 $0xFFFFF63C  }
.LBB2_1:
0x46: {  	s11 =	simm.s32 $0x0;
	s24 =	rddreg [dreg:$0x4]  }
0x47: {  	[tilespmem:s11], [sflag:$0x1] =	stream.linear.gather [hbm4b:s24+s11], $0x5000, $0x38;
	[tilespmem:$0x18620] =	vst v63  }
0x48: {  	s26 =	simm.s32 $0x5000;
	s24 =	rddreg [dreg:$0x5]  }
0x49: {  	[tilespmem:s26], [sflag:$0x2] =	stream.linear.gather [hbm4b:s24+s11], $0x5000, $0x38;
	[tilespmem:$0x18620] =	vst v63  }
0x4a: {  	s11 =	rddreg [dreg:$0x7]  }
0x4b: {  	s24 =	rddreg [dreg:$0x8]  }
0x4c: {  	s26 =	rddreg [dreg:$0x15]  }
0x4d: {  	[spmem:s26], [sflag:s24] =	dma.local [hbm:s11], $0x9C4  }
0x4e: {  	s11 =	simm.s32 $0x40;
	s24 =	simm.s32 $0x0  }
.LBB2_2:
0x4f: {  	p0 =	sne.s32 s11, $0x1FC0;
	[tilespmem:s24+$0xE000] =	vst v0;
	s24 =	smov.u32 s11;
	s11 =	sadd.s32 $0x40, s11  }
.Ltmp2:
0x50: {  	(pc) =	sbr.rel @p0 .LBB2_2-.Ltmp2, $2  }
0x51: {  	_ =	sdelay $0x2  }
0x52: {  	s24 =	sshra.s32 s24, $0x2  }
0x53: {  	[tilespmem:s24+$0xE000] =	vst v0;
	s11 =	rddreg [dreg:$0x9];
	s24 =	simm.s32 $0xE000  }
0x54: {  	[spmem:s11] =	stream.linear.scatter [tilespmem:s24], [sflag:$0x9], $0x800, $0x38;
	[tilespmem:$0x18620] =	vst v63  }
0x55: {  	s26 =	rddreg [dreg:$0xc]  }
0x56: {  	[spmem:s26] =	stream.linear.scatter [tilespmem:s24], [sflag:$0x9], $0x800, $0x38;
	[tilespmem:$0x18620] =	vst v63  }
0x57: {  	s26 =	rddreg [dreg:$0xd]  }
0x58: {  	[spmem:s26] =	stream.linear.scatter [tilespmem:s24], [sflag:$0x9], $0x800, $0x38;
	[tilespmem:$0x18620] =	vst v63  }
0x59: {  	s26 =	rddreg [dreg:$0xe]  }
0x5a: {  	[spmem:s26] =	stream.linear.scatter [tilespmem:s24], [sflag:$0x9], $0x800, $0x38;
	[tilespmem:$0x18620] =	vst v63  }
0x5b: {  	s26 =	rddreg [dreg:$0xf]  }
0x5c: {  	[spmem:s26] =	stream.linear.scatter [tilespmem:s24], [sflag:$0x9], $0x800, $0x38;
	[tilespmem:$0x18620] =	vst v63  }
0x5d: {  	s26 =	rddreg [dreg:$0x10]  }
0x5e: {  	[spmem:s26] =	stream.linear.scatter [tilespmem:s24], [sflag:$0x9], $0x800, $0x38;
	[tilespmem:$0x18620] =	vst v63  }
0x5f: {  	s26 =	rddreg [dreg:$0x11]  }
0x60: {  	[spmem:s26] =	stream.linear.scatter [tilespmem:s24], [sflag:$0x9], $0x800, $0x38;
	[tilespmem:$0x18620] =	vst v63  }
0x61: {  	s26 =	rddreg [dreg:$0x12]  }
0x62: {  	[spmem:s26] =	stream.linear.scatter [tilespmem:s24], [sflag:$0x9], $0x800, $0x38;
	[tilespmem:$0x18620] =	vst v63  }
0x63: {  	s26 =	rddreg [dreg:$0x13]  }
0x64: {  	[spmem:s26] =	stream.linear.scatter [tilespmem:s24], [sflag:$0x9], $0x800, $0x38;
	[tilespmem:$0x18620] =	vst v63  }
0x65: {  	s26 =	rddreg [dreg:$0x14]  }
0x66: {  	[spmem:s26] =	stream.linear.scatter [tilespmem:s24], [sflag:$0x9], $0x800, $0x38;
	[tilespmem:$0x18620] =	vst v63  }
0x67: {  	_ =	swait.ge [sflag:s28], $0x800  }
0x68: {  	[sflag:s28] =	ssyncset.done $0x0  }
0x69: {  	[sflag:s28] =	ssyncadd.s32 $0xFFFFF800  }
0x6a: {  	_ =	swait.ge [sflag:s28], $0x800  }
0x6b: {  	[sflag:s28] =	ssyncset.done $0x0  }
0x6c: {  	[sflag:s28] =	ssyncadd.s32 $0xFFFFF800  }
0x6d: {  	_ =	swait.ge [sflag:s28], $0x800  }
0x6e: {  	[sflag:s28] =	ssyncset.done $0x0  }
0x6f: {  	[sflag:s28] =	ssyncadd.s32 $0xFFFFF800  }
0x70: {  	_ =	swait.ge [sflag:s28], $0x800  }
0x71: {  	[sflag:s28] =	ssyncset.done $0x0  }
0x72: {  	[sflag:s28] =	ssyncadd.s32 $0xFFFFF800  }
0x73: {  	_ =	swait.ge [sflag:s28], $0x800  }
0x74: {  	[sflag:s28] =	ssyncset.done $0x0  }
0x75: {  	[sflag:s28] =	ssyncadd.s32 $0xFFFFF800  }
0x76: {  	_ =	swait.ge [sflag:s28], $0x800  }
0x77: {  	[sflag:s28] =	ssyncset.done $0x0  }
0x78: {  	[sflag:s28] =	ssyncadd.s32 $0xFFFFF800  }
0x79: {  	_ =	swait.ge [sflag:s28], $0x800  }
0x7a: {  	[sflag:s28] =	ssyncset.done $0x0  }
0x7b: {  	[sflag:s28] =	ssyncadd.s32 $0xFFFFF800  }
0x7c: {  	_ =	swait.ge [sflag:s28], $0x800  }
0x7d: {  	[sflag:s28] =	ssyncset.done $0x0  }
0x7e: {  	[sflag:s28] =	ssyncadd.s32 $0xFFFFF800  }
0x7f: {  	_ =	swait.ge [sflag:s28], $0x800  }
0x80: {  	[sflag:s28] =	ssyncset.done $0x0  }
0x81: {  	[sflag:s28] =	ssyncadd.s32 $0xFFFFF800  }
0x82: {  	_ =	swait.ge [sflag:s28], $0x800  }
0x83: {  	[sflag:s28] =	ssyncset.done $0x0  }
0x84: {  	[sflag:s28] =	ssyncadd.s32 $0xFFFFF800  }
0x85: {  	_ =	swait.ge [sflag:s5], $0x5000  }
0x86: {  	[sflag:s5] =	ssyncset.done $0x0  }
0x87: {  	[sflag:s5] =	ssyncadd.s32 $0xFFFFB000  }
0x88: {  	_ =	swait.ge [sflag:s29], $0x5000  }
0x89: {  	[sflag:s29] =	ssyncset.done $0x0  }
0x8a: {  	[sflag:s29] =	ssyncadd.s32 $0xFFFFB000  }
0x8b: {  	_ =	swait.ge [sflag:s30], $0x9C4  }
0x8c: {  	[sflag:s30] =	ssyncset.done $0x0  }
0x8d: {  	[sflag:s30] =	ssyncadd.s32 $0xFFFFF63C  }
0x8e: {  	s11 =	simm.s32 $0x0;
	[bflag:$0x0] =	sbarrier.arrive $0xFFFF  }
0x8f: {  	[tilespmem:s1], [sflag:$0x1] =	stream.indirect.gather [spmem:s2], $0x10, s11, s31, $0xb8;
	[tilespmem:$0x18620] =	vst v63  }
0x90: {  	_ = 	snop  }
0x91: {  	[tilespmem:s0], [sflag:$0x2] =	stream.indirect.gather [spmem:s2], $0x10, s31, s31, $0xb8;
	[tilespmem:$0x18620] =	vst v63  }
0x92: {  	s26 =	simm.s32 $0x100  }
0x93: {  	[tilespmem:s23], [sflag:$0x3] =	stream.indirect.gather [spmem:s2], $0x10, s26, s31, $0xb8;
	[tilespmem:$0x18620] =	vst v63  }
0x94: {  	s26 =	simm.s32 $0x180  }
0x95: {  	[tilespmem:s4], [sflag:$0x4] =	stream.indirect.gather [spmem:s2], $0x10, s26, s31, $0xb8;
	[tilespmem:$0x18620] =	vst v63  }
0x96: {  	s26 =	simm.s32 $0x200  }
0x97: {  	[tilespmem:s6], [sflag:$0x5] =	stream.indirect.gather [spmem:s2], $0x10, s26, s31, $0xb8;
	[tilespmem:$0x18620] =	vst v63  }
0x98: {  	s26 =	simm.s32 $0x280  }
0x99: {  	[tilespmem:s7], [sflag:$0x6] =	stream.indirect.gather [spmem:s2], $0x10, s26, s31, $0xb8;
	[tilespmem:$0x18620] =	vst v63  }
0x9a: {  	s26 =	simm.s32 $0x300  }
0x9b: {  	[tilespmem:s9], [sflag:$0x7] =	stream.indirect.gather [spmem:s2], $0x10, s26, s31, $0xb8;
	[tilespmem:$0x18620] =	vst v63  }
0x9c: {  	s26 =	simm.s32 $0x380  }
0x9d: {  	[tilespmem:s10], [sflag:$0x8] =	stream.indirect.gather [spmem:s2], $0x10, s26, s31, $0xb8;
	[tilespmem:$0x18620] =	vst v63  }
.LBB2_4:
0x9e: {  	_ =	swait.ge [sflag:s5], $0x800  }
0x9f: {  	s24 =	sshra.s32 s11, $0x2;
	[sflag:s5] =	ssyncset.done $0x0  }
0xa0: {  	s26 =	sadd.s32 $0x5000, s24;
	[sflag:s5] =	ssyncadd.s32 $0xFFFFF800  }
0xa1: {  	[spmem:s3] =	stream.indirect.scatter.add.f32 [tilespmem:s1], [sflag:$0x9], $0x10, s26, s31, $0xb8;
	[tilespmem:$0x18620] =	vst v63  }
0xa2: {  	_ =	swait.ge [sflag:s29], $0x800  }
0xa3: {  	[sflag:s29] =	ssyncset.done $0x0  }
0xa4: {  	s26 =	sadd.s32 $0x5080, s24;
	[sflag:s29] =	ssyncadd.s32 $0xFFFFF800  }
0xa5: {  	[spmem:s3] =	stream.indirect.scatter.add.f32 [tilespmem:s0], [sflag:$0xA], $0x10, s26, s31, $0xb8;
	[tilespmem:$0x18620] =	vst v63  }
0xa6: {  	_ =	swait.ge [sflag:s30], $0x800  }
0xa7: {  	[sflag:s30] =	ssyncset.done $0x0  }
0xa8: {  	s26 =	sadd.s32 $0x5100, s24;
	[sflag:s30] =	ssyncadd.s32 $0xFFFFF800  }
0xa9: {  	[spmem:s3] =	stream.indirect.scatter.add.f32 [tilespmem:s23], [sflag:$0xB], $0x10, s26, s31, $0xb8;
	[tilespmem:$0x18620] =	vst v63  }
0xaa: {  	_ =	swait.ge [sflag:s12], $0x800  }
0xab: {  	[sflag:s12] =	ssyncset.done $0x0  }
0xac: {  	s26 =	sadd.s32 $0x5180, s24;
	[sflag:s12] =	ssyncadd.s32 $0xFFFFF800  }
0xad: {  	[spmem:s3] =	stream.indirect.scatter.add.f32 [tilespmem:s4], [sflag:$0xC], $0x10, s26, s31, $0xb8;
	[tilespmem:$0x18620] =	vst v63  }
0xae: {  	_ =	swait.ge [sflag:s13], $0x800  }
0xaf: {  	[sflag:s13] =	ssyncset.done $0x0  }
0xb0: {  	s26 =	sadd.s32 $0x5200, s24;
	[sflag:s13] =	ssyncadd.s32 $0xFFFFF800  }
0xb1: {  	[spmem:s3] =	stream.indirect.scatter.add.f32 [tilespmem:s6], [sflag:$0xD], $0x10, s26, s31, $0xb8;
	[tilespmem:$0x18620] =	vst v63  }
0xb2: {  	_ =	swait.ge [sflag:s14], $0x800  }
0xb3: {  	[sflag:s14] =	ssyncset.done $0x0  }
0xb4: {  	s26 =	sadd.s32 $0x5280, s24;
	[sflag:s14] =	ssyncadd.s32 $0xFFFFF800  }
0xb5: {  	[spmem:s3] =	stream.indirect.scatter.add.f32 [tilespmem:s7], [sflag:$0xE], $0x10, s26, s31, $0xb8;
	[tilespmem:$0x18620] =	vst v63  }
0xb6: {  	_ =	swait.ge [sflag:s8], $0x800  }
0xb7: {  	[sflag:s8] =	ssyncset.done $0x0  }
0xb8: {  	s26 =	sadd.s32 $0x5300, s24;
	[sflag:s8] =	ssyncadd.s32 $0xFFFFF800  }
0xb9: {  	[spmem:s3] =	stream.indirect.scatter.add.f32 [tilespmem:s9], [sflag:$0xF], $0x10, s26, s31, $0xb8;
	[tilespmem:$0x18620] =	vst v63  }
0xba: {  	_ =	swait.ge [sflag:s15], $0x800  }
0xbb: {  	p0 =	seq.s32 s11, $0x13000;
	[sflag:s15] =	ssyncset.done $0x0  }
.Ltmp3:
0xbc: {  	s26 =	sadd.s32 $0x5380, s24;
	[sflag:s15] =	ssyncadd.s32 $0xFFFFF800;
	(pc) =	sbr.rel @p0 .LBB2_6-.Ltmp3, $4  }
0xbd: {  	[spmem:s3] =	stream.indirect.scatter.add.f32 [tilespmem:s10], [sflag:$0x10], $0x10, s26, s31, $0xb8;
	[tilespmem:$0x18620] =	vst v63  }
0xbe: {  	_ =	swait.ge [sflag:s28], $0x800  }
0xbf: {  	[sflag:s28] =	ssyncset.done $0x0  }
0xc0: {  	[sflag:s28] =	ssyncadd.s32 $0xFFFFF800  }
0xc1: {  	s26 =	sadd.s32 $0x400, s24  }
0xc2: {  	[tilespmem:s1], [sflag:$0x1] =	stream.indirect.gather [spmem:s2], $0x10, s26, s31, $0xb8;
	[tilespmem:$0x18620] =	vst v63  }
0xc3: {  	_ =	swait.ge [sflag:s16], $0x800  }
0xc4: {  	[sflag:s16] =	ssyncset.done $0x0  }
0xc5: {  	s26 =	sadd.s32 $0x480, s24;
	[sflag:s16] =	ssyncadd.s32 $0xFFFFF800  }
0xc6: {  	[tilespmem:s0], [sflag:$0x2] =	stream.indirect.gather [spmem:s2], $0x10, s26, s31, $0xb8;
	[tilespmem:$0x18620] =	vst v63  }
0xc7: {  	_ =	swait.ge [sflag:s17], $0x800  }
0xc8: {  	[sflag:s17] =	ssyncset.done $0x0  }
0xc9: {  	s26 =	sadd.s32 $0x500, s24;
	[sflag:s17] =	ssyncadd.s32 $0xFFFFF800  }
0xca: {  	[tilespmem:s23], [sflag:$0x3] =	stream.indirect.gather [spmem:s2], $0x10, s26, s31, $0xb8;
	[tilespmem:$0x18620] =	vst v63  }
0xcb: {  	_ =	swait.ge [sflag:s18], $0x800  }
0xcc: {  	[sflag:s18] =	ssyncset.done $0x0  }
0xcd: {  	s26 =	sadd.s32 $0x580, s24;
	[sflag:s18] =	ssyncadd.s32 $0xFFFFF800  }
0xce: {  	[tilespmem:s4], [sflag:$0x4] =	stream.indirect.gather [spmem:s2], $0x10, s26, s31, $0xb8;
	[tilespmem:$0x18620] =	vst v63  }
0xcf: {  	_ =	swait.ge [sflag:s19], $0x800  }
0xd0: {  	[sflag:s19] =	ssyncset.done $0x0  }
0xd1: {  	s26 =	sadd.s32 $0x600, s24;
	[sflag:s19] =	ssyncadd.s32 $0xFFFFF800  }
0xd2: {  	[tilespmem:s6], [sflag:$0x5] =	stream.indirect.gather [spmem:s2], $0x10, s26, s31, $0xb8;
	[tilespmem:$0x18620] =	vst v63  }
0xd3: {  	_ =	swait.ge [sflag:s20], $0x800  }
0xd4: {  	[sflag:s20] =	ssyncset.done $0x0  }
0xd5: {  	s26 =	sadd.s32 $0x680, s24;
	[sflag:s20] =	ssyncadd.s32 $0xFFFFF800  }
0xd6: {  	[tilespmem:s7], [sflag:$0x6] =	stream.indirect.gather [spmem:s2], $0x10, s26, s31, $0xb8;
	[tilespmem:$0x18620] =	vst v63  }
0xd7: {  	_ =	swait.ge [sflag:s21], $0x800  }
0xd8: {  	[sflag:s21] =	ssyncset.done $0x0  }
0xd9: {  	s26 =	sadd.s32 $0x700, s24;
	[sflag:s21] =	ssyncadd.s32 $0xFFFFF800  }
0xda: {  	[tilespmem:s9], [sflag:$0x7] =	stream.indirect.gather [spmem:s2], $0x10, s26, s31, $0xb8;
	[tilespmem:$0x18620] =	vst v63  }
.Ltmp4:
0xdb: {  	_ = 	snop;
	(pc) =	sbr.rel .LBB2_4-.Ltmp4, $4  }
0xdc: {  	_ =	swait.ge [sflag:s22], $0x800  }
0xdd: {  	[sflag:s22] =	ssyncset.done $0x0  }
0xde: {  	s11 =	sadd.s32 $0x1000, s11;
	s26 =	sadd.s32 $0x780, s24;
	[sflag:s22] =	ssyncadd.s32 $0xFFFFF800  }
0xdf: {  	[tilespmem:s10], [sflag:$0x8] =	stream.indirect.gather [spmem:s2], $0x10, s26, s31, $0xb8;
	[tilespmem:$0x18620] =	vst v63  }
.LBB2_7:
0xe0: {  	_ =	sfence.sel $0x180000  }
0xe1: {  	[bflag:$0x0] =	sbarrier.arrive $0xFFFF  }
0xe2: {  	_ =	strace $0x90000050  }
0xe3: {  	s0 =	stileid.u32;
	[bflag:$0x2] =	sbarrier.arrive $0xFFFF  }
0xe4: {  	p0 =	sne.s32 s0, $0x0;
	s0 =	rddreg [dreg:$0x3]  }
0xe5: {  	s0 =	sadd.s32 @!p0 $0x100000, s0  }
0xe6: {  	[sflag:s0] =	ssyncadd.tile.s32 @!p0 $0x1;
	_ =	shalt  }
.Lfunc_end2:
_tile_overlayer_lowered:
.L_overlay_start_2:
0xe7: {  	(tag) =	ssettag $0x2  }
0xe8: {  	s0 =	rddreg [dreg:$0x0];
	s2 =	stileid.u32  }
0xe9: {  	s1 =	rddreg [dreg:$0x1];
	p0 =	sne.s32 s2, $0x0  }
0xea: {  	s3 =	rddreg [dreg:$0x2];
	[bflag:$0x3] =	sbarrier.arrive $0xFFFF;
	s2 =	simm.s32 @!p0 $0x1C11  }
0xeb: {  	[timem:s3], [sflag:s2] =	dma.local @!p0 [hbm:s0], s1  }
0xec: {  	s0 =	simm.s32 @!p0 $0x11  }
0xed: {  	_ =	swait.ge @!p0 [sflag:s0], s1  }
0xee: {  	s1 =	ssub.s32 @!p0 $0x0, s1;
	[sflag:s0] =	ssyncset.done @!p0 $0x0  }
0xef: {  	[sflag:s0] =	ssyncadd.s32 @!p0 s1  }
0xf0: {  	[bflag:$0x3] =	sbarrier.arrive $0xFFFF  }
0xf1: {  	_ =	shalt  }

</sc_bundles>
